<compile_context>
chip_gen: v7x
topology: tpu7x:2x2x1
jax: 0.10.2.dev20260603
libtpu: 0.0.44.dev20260713+nightly
codegen_flags: <defaults>
</compile_context>

<pallas_src>
import functools

import jax
import jax.numpy as jnp
from jax import lax
from jax.experimental import pallas as pl
from jax.experimental.pallas import tpu as pltpu
from jax.experimental.pallas import tpu_sc as plsc

N = 10000
DIN = 384
DH = 128
NC = 2
NS = 16
NW = NC * NS
K = 128
N_PAD = 10240
RPT = N_PAD // NS
BM = 1024


IB = 8


@functools.lru_cache(maxsize=None)
def _sc_agg_kernel(tot_ch):
    ch = tot_ch // NW
    mesh = plsc.VectorSubcoreMesh(core_axis_name="c", subcore_axis_name="s")

    nb = ch // IB

    @functools.partial(
        pl.kernel,
        out_type=jax.ShapeDtypeStruct((NC * N_PAD, DH), jnp.float32),
        mesh=mesh,
        scratch_types=[
            pltpu.VMEM_SHARED((N_PAD, DH), jnp.float32),
            pltpu.VMEM((IB, K), jnp.int32),
            pltpu.VMEM((IB, K), jnp.int32),
            pltpu.VMEM((IB, K), jnp.int32),
            pltpu.VMEM((IB, K), jnp.int32),
            pltpu.VMEM((K, DH), jnp.float32),
            pltpu.VMEM((K, DH), jnp.float32),
            pltpu.SemaphoreType.DMA,
            pltpu.SemaphoreType.DMA,
            pltpu.SemaphoreType.DMA,
            pltpu.SemaphoreType.DMA,
        ],
    )
    def agg(h_hbm, src_hbm, dst_hbm, zrow_hbm,
            sums_hbm,
            acc, srcA, dstA, srcB, dstB, rows0, rows1,
            sem0, sem1, semA, semB):
        c = lax.axis_index("c")
        s = lax.axis_index("s")
        wid = s * NC + c
        row0 = s * RPT

        base = wid * ch
        rows = (rows0, rows1)
        sems = (sem0, sem1)

        zero = pltpu.async_copy(zrow_hbm, acc.at[pl.ds(row0, RPT)], semA)
        pltpu.sync_copy(src_hbm.at[pl.ds(base, IB)], srcA)
        pltpu.sync_copy(dst_hbm.at[pl.ds(base, IB)], dstA)
        pltpu.async_copy(h_hbm.at[srcA.at[0]], rows0, sem0)
        zero.wait()
        plsc.subcore_barrier()

        def do_block(ob, Xs, Xd, Ys, Yd, semY):
            @pl.when(ob + 1 < nb)
            def _():
                off = base + (ob + 1) * IB
                pltpu.async_copy(src_hbm.at[pl.ds(off, IB)], Ys, semY)
                pltpu.async_copy(dst_hbm.at[pl.ds(off, IB)], Yd, semY)

            for t in range(IB):
                buf, sem = rows[t % 2], sems[t % 2]
                nbuf, nsem = rows[(t + 1) % 2], sems[(t + 1) % 2]
                pltpu.make_async_copy(h_hbm.at[Xs.at[t]], buf, sem).wait()
                if t + 1 < IB:
                    pltpu.async_copy(h_hbm.at[Xs.at[t + 1]], nbuf, nsem)
                else:
                    @pl.when(ob + 1 < nb)
                    def _():
                        off = base + (ob + 1) * IB
                        pltpu.make_async_copy(
                            src_hbm.at[pl.ds(off, IB)], Ys, semY).wait()
                        pltpu.make_async_copy(
                            dst_hbm.at[pl.ds(off, IB)], Yd, semY).wait()
                        pltpu.async_copy(h_hbm.at[Ys.at[0]], nbuf, nsem)
                pltpu.sync_copy(buf, acc.at[Xd.at[t]], add=True)

        def pair(p, carry):
            do_block(2 * p, srcA, dstA, srcB, dstB, semB)
            do_block(2 * p + 1, srcB, dstB, srcA, dstA, semA)
            return carry

        lax.fori_loop(0, nb // 2, pair, 0)
        plsc.subcore_barrier()

        out0 = c * N_PAD + row0
        pltpu.sync_copy(acc.at[pl.ds(row0, RPT)], sums_hbm.at[pl.ds(out0, RPT)])

    return agg


def _hist(dst_col):
    EB = 8192
    e_pad = dst_col.shape[0]

    def body(d_ref, o_ref):
        d = d_ref[...]
        hi = d // DH
        lo = d - hi * DH
        lane = lax.broadcasted_iota(jnp.int32, (1, DH), 1)
        oh_hi = (hi == lane).astype(jnp.bfloat16)
        oh_lo = (lo == lane).astype(jnp.bfloat16)
        part = lax.dot_general(oh_hi, oh_lo, (((0,), (0,)), ((), ())),
                               preferred_element_type=jnp.float32)

        @pl.when(pl.program_id(0) == 0)
        def _():
            o_ref[...] = jnp.zeros_like(o_ref)

        o_ref[...] += part

    return pl.pallas_call(
        body,
        grid=(e_pad // EB,),
        in_specs=[pl.BlockSpec((EB, 1), lambda i: (i, 0))],
        out_specs=pl.BlockSpec((DH, DH), lambda i: (0, 0)),
        out_shape=jax.ShapeDtypeStruct((DH, DH), jnp.float32),
    )(dst_col)


def _proj(x_pad, query, W_in, b_in, W_q, b_q):
    def body(x_ref, q_ref, wi_ref, bi_ref, wq_ref, bq_ref, o_ref):
        qrow = jnp.dot(q_ref[...], wq_ref[...],
                       preferred_element_type=jnp.float32) + bq_ref[...]
        o_ref[...] = (jnp.dot(x_ref[...], wi_ref[...],
                              preferred_element_type=jnp.float32)
                      + bi_ref[...] + qrow)

    return pl.pallas_call(
        body,
        grid=(N_PAD // BM,),
        in_specs=[
            pl.BlockSpec((BM, DIN), lambda i: (i, 0)),
            pl.BlockSpec((1, DIN), lambda i: (0, 0)),
            pl.BlockSpec((DIN, DH), lambda i: (0, 0)),
            pl.BlockSpec((1, DH), lambda i: (0, 0)),
            pl.BlockSpec((DIN, DH), lambda i: (0, 0)),
            pl.BlockSpec((1, DH), lambda i: (0, 0)),
        ],
        out_specs=pl.BlockSpec((BM, DH), lambda i: (i, 0)),
        out_shape=jax.ShapeDtypeStruct((N_PAD, DH), jnp.float32),
    )(x_pad, query.reshape(1, DIN), W_in, b_in.reshape(1, DH),
      W_q, b_q.reshape(1, DH))


def _layer(h, sums, cnts, Wl, bl, Wr, g, be, relu, Watt=None, batt=None):
    att = Watt is not None
    npb = N_PAD // BM

    def body(h_ref, s0_ref, s1_ref, c_ref,
             wl_ref, bl_ref, wr_ref, g_ref, be_ref, *rest):
        if att:
            watt_ref, batt_ref, o_ref, lg_ref = rest
        else:
            (o_ref,) = rest
        cnt = jnp.maximum(c_ref[...], 1.0)
        mean = (s0_ref[...] + s1_ref[...]) / cnt
        t = (jnp.dot(mean, wl_ref[...], preferred_element_type=jnp.float32)
             + bl_ref[...]
             + jnp.dot(h_ref[...], wr_ref[...],
                       preferred_element_type=jnp.float32))
        m = jnp.mean(t, axis=-1, keepdims=True)
        v = jnp.mean((t - m) * (t - m), axis=-1, keepdims=True)
        ln = (t - m) * lax.rsqrt(v + 1e-5) * g_ref[...] + be_ref[...]
        hn = h_ref[...] + ln
        if relu:
            hn = jnp.maximum(hn, 0.0)
        o_ref[...] = hn
        if att:
            lg = (jnp.dot(hn, watt_ref[...],
                          preferred_element_type=jnp.float32) + batt_ref[...])
            row = pl.program_id(0) * BM + lax.broadcasted_iota(
                jnp.int32, (BM, 1), 0)
            lg_ref[...] = jnp.where(row < N, lg, -1e30)

    in_specs = [
        pl.BlockSpec((BM, DH), lambda i: (i, 0)),
        pl.BlockSpec((BM, DH), lambda i: (i, 0)),
        pl.BlockSpec((BM, DH), lambda i: (i + npb, 0)),
        pl.BlockSpec((BM, 1), lambda i: (i, 0)),
        pl.BlockSpec((DH, DH), lambda i: (0, 0)),
        pl.BlockSpec((1, DH), lambda i: (0, 0)),
        pl.BlockSpec((DH, DH), lambda i: (0, 0)),
        pl.BlockSpec((1, DH), lambda i: (0, 0)),
        pl.BlockSpec((1, DH), lambda i: (0, 0)),
    ]
    args = [h, sums, sums, cnts, Wl, bl.reshape(1, DH), Wr,
            g.reshape(1, DH), be.reshape(1, DH)]
    out_specs = pl.BlockSpec((BM, DH), lambda i: (i, 0))
    out_shape = jax.ShapeDtypeStruct((N_PAD, DH), jnp.float32)
    if att:
        in_specs += [
            pl.BlockSpec((DH, 1), lambda i: (0, 0)),
            pl.BlockSpec((1, 1), lambda i: (0, 0)),
        ]
        args += [Watt, batt.reshape(1, 1)]
        out_specs = [out_specs, pl.BlockSpec((BM, 1), lambda i: (i, 0))]
        out_shape = [out_shape,
                     jax.ShapeDtypeStruct((N_PAD, 1), jnp.float32)]

    return pl.pallas_call(
        body,
        grid=(npb,),
        in_specs=in_specs,
        out_specs=out_specs,
        out_shape=out_shape,
    )(*args)


def _softmax(lg2d):
    def body(l_ref, o_ref):
        l = l_ref[...]
        m = jnp.max(l)
        e = jnp.exp(l - m)
        o_ref[...] = e / jnp.sum(e)

    return pl.pallas_call(
        body,
        out_shape=jax.ShapeDtypeStruct(lg2d.shape, jnp.float32),
    )(lg2d)


def kernel(x, edge_index, edge_attr, query_embedding,
           W_in, b_in, W_q, b_q,
           Wl0, bl0, Wr0, g0, be0,
           Wl1, bl1, Wr1, g1, be1,
           W_att, b_att):
    E = edge_index.shape[1]
    ch = -(-E // (NW * K))
    ch = -(-ch // 16) * 16
    tot_ch = ch * NW
    e_pad = tot_ch * K

    src = edge_index[0]
    dst = edge_index[1]
    pad = e_pad - E
    pad_ids = lax.iota(jnp.int32, pad)
    src_p = jnp.concatenate(
        [src, pad_ids % N]).reshape(tot_ch, K)
    dst_p = jnp.concatenate(
        [dst, N + pad_ids % (N_PAD - N)]).reshape(tot_ch, K)
    x_pad = jnp.pad(x, ((0, N_PAD - N), (0, 0)))
    zrow = jnp.zeros((RPT, DH), jnp.float32)

    agg = _sc_agg_kernel(tot_ch)

    h0 = _proj(x_pad, query_embedding, W_in, b_in, W_q, b_q)
    sums0 = agg(h0, src_p, dst_p, zrow)
    cnt2d = _hist(dst_p.reshape(e_pad, 1))
    cnt_col = cnt2d.reshape(-1)[:N_PAD].reshape(N_PAD, 1)
    h1 = _layer(h0, sums0, cnt_col, Wl0, bl0, Wr0, g0, be0, relu=True)
    sums1 = agg(h1, src_p, dst_p, zrow)
    h2, lg = _layer(h1, sums1, cnt_col, Wl1, bl1, Wr1, g1, be1, relu=False,
                    Watt=W_att, batt=b_att)
    w = _softmax(lg.reshape(N_PAD // DH, DH))
    return h2[:N], w.reshape(-1)[:N]

# --- scband reference (transcript-rebuilt; emitter-appended) ---
"""Pipeline reference for scband-graph-sageencoder-33285996544640 (READ-ONLY COPY).

The authoritative reference and input builder live on the scoring server;
editing this copy changes nothing except your own understanding.
"""

import jax, jax.numpy as jnp
import numpy as np

N = 10000
E = 320000
DIN = 384
DH = 128
DE = 16


def setup_inputs(seed: int = 0) -> dict:
    key = jax.random.key(seed)
    ks = jax.random.split(key, 24)
    s = 0.05
    inp = {
        "x": jax.random.normal(ks[0], (N, DIN), dtype=jnp.float32),
        "edge_index": jax.random.randint(ks[1], (2, E), 0, N, dtype=jnp.int32),
        "edge_attr": jax.random.normal(ks[2], (E, DE), dtype=jnp.float32),
        "query_embedding": jax.random.normal(ks[3], (DIN,), dtype=jnp.float32),
        "W_in": jax.random.normal(ks[4], (DIN, DH), dtype=jnp.float32) * s,
        "b_in": jnp.zeros((DH,), dtype=jnp.float32),
        "W_q": jax.random.normal(ks[5], (DIN, DH), dtype=jnp.float32) * s,
        "b_q": jnp.zeros((DH,), dtype=jnp.float32),
        "Wl0": jax.random.normal(ks[6], (DH, DH), dtype=jnp.float32) * s,
        "bl0": jnp.zeros((DH,), dtype=jnp.float32),
        "Wr0": jax.random.normal(ks[7], (DH, DH), dtype=jnp.float32) * s,
        "g0": jnp.ones((DH,), dtype=jnp.float32),
        "be0": jnp.zeros((DH,), dtype=jnp.float32),
        "Wl1": jax.random.normal(ks[8], (DH, DH), dtype=jnp.float32) * s,
        "bl1": jnp.zeros((DH,), dtype=jnp.float32),
        "Wr1": jax.random.normal(ks[9], (DH, DH), dtype=jnp.float32) * s,
        "g1": jnp.ones((DH,), dtype=jnp.float32),
        "be1": jnp.zeros((DH,), dtype=jnp.float32),
        "W_att": jax.random.normal(ks[10], (DH, 1), dtype=jnp.float32) * s,
        "b_att": jnp.zeros((1,), dtype=jnp.float32),
    }
    return inp


def _layer_norm(v, g, b):
    m = v.mean(axis=-1, keepdims=True)
    var = v.var(axis=-1, keepdims=True)
    return (v - m) / jnp.sqrt(var + 1e-5) * g + b


def reference(x, edge_index, edge_attr, query_embedding,
              W_in, b_in, W_q, b_q,
              Wl0, bl0, Wr0, g0, be0,
              Wl1, bl1, Wr1, g1, be1,
              W_att, b_att):
    src = edge_index[0]
    dst = edge_index[1]
    h = x @ W_in + b_in
    q = query_embedding.reshape(-1) @ W_q + b_q
    h = h + q[None, :]
    layers = ((Wl0, bl0, Wr0, g0, be0), (Wl1, bl1, Wr1, g1, be1))
    num_layers = len(layers)
    for i, (Wl, bl, Wr, g, b) in enumerate(layers):
        h_in = h
        # SAGEConv mean aggregation: gather messages from src, scatter-mean to dst
        msg = h[src]
        summed = jax.ops.segment_sum(msg, dst, num_segments=N)
        cnt = jax.ops.segment_sum(jnp.ones((E,), dtype=jnp.float32), dst, num_segments=N)
        mean = summed / jnp.clip(cnt, 1.0)[:, None]
        h_out = mean @ Wl + bl + h @ Wr
        # dropout p=0.0 (eval) -> identity
        h_out = _layer_norm(h_out, g, b)
        h = h_in + h_out
        if i < num_layers - 1:
            h = jax.nn.relu(h)
    attention_logits = (h @ W_att + b_att).squeeze(-1)
    attention_weights = jax.nn.softmax(attention_logits, axis=0)
    return (h, attention_weights)

if __name__ == "__main__":
    import jax
    _d = setup_inputs()
    print(jax.jit(kernel)(*tuple(_d.values())))

</pallas_src>

<mosaic_0001>
#map = affine_map<(d0, d1) -> (0, 0)>
module attributes {stable_mosaic.version = 14 : i64} {
  func.func @agg(%arg0: i32, %arg1: i32, %arg2: memref<10240x128xf32, #tpu.memory_space<hbm>>, %arg3: memref<2560x128xi32, #tpu.memory_space<hbm>>, %arg4: memref<2560x128xi32, #tpu.memory_space<hbm>>, %arg5: memref<640x128xf32, #tpu.memory_space<hbm>>, %arg6: memref<20480x128xf32, #tpu.memory_space<hbm>>, %arg7: memref<10240x128xf32, #tpu.memory_space<vmem_shared>>, %arg8: memref<8x128xi32, #tpu.memory_space<vmem>>, %arg9: memref<8x128xi32, #tpu.memory_space<vmem>>, %arg10: memref<8x128xi32, #tpu.memory_space<vmem>>, %arg11: memref<8x128xi32, #tpu.memory_space<vmem>>, %arg12: memref<128x128xf32, #tpu.memory_space<vmem>>, %arg13: memref<128x128xf32, #tpu.memory_space<vmem>>, %arg14: memref<!tpu.dma_semaphore, #tpu.memory_space<semaphore_mem>>, %arg15: memref<!tpu.dma_semaphore, #tpu.memory_space<semaphore_mem>>, %arg16: memref<!tpu.dma_semaphore, #tpu.memory_space<semaphore_mem>>, %arg17: memref<!tpu.dma_semaphore, #tpu.memory_space<semaphore_mem>>) attributes {dimension_semantics = [#tpu.dimension_semantics<core_parallel>, #tpu.dimension_semantics<subcore_parallel>], iteration_bounds = array<i64: 2, 16>, scalar_prefetch = 0 : i64, scratch_operands = 11 : i64, tpu.core_type = #tpu.core_type<sc_vector_subcore>, window_params = [{transform_indices = #map}, {transform_indices = #map}, {transform_indices = #map}, {transform_indices = #map}, {transform_indices = #map}]} {
    %mul3A = arith.constant 2 : i32
    %mul3A_0 = arith.muli %arg1, %mul3A : i32
    %add3A = arith.addi %mul3A_0, %arg0 : i32
    %mul3A_1 = arith.constant 640 : i32
    %mul3A_2 = arith.muli %arg1, %mul3A_1 : i32
    %mul3A_3 = arith.constant 80 : i32
    %mul3A_4 = arith.muli %add3A, %mul3A_3 : i32
    %dma_start3A = arith.constant 0 : i32
    %dma_start3A_5 = tpu.memref_slice %arg7[%mul3A_2, %dma_start3A] : memref<10240x128xf32, #tpu.memory_space<vmem_shared>> -> memref<640x128xf32, #tpu.memory_space<vmem_shared>>
    tpu.enqueue_dma source(%arg5 : memref<640x128xf32, #tpu.memory_space<hbm>>) target(%dma_start3A_5 : memref<640x128xf32, #tpu.memory_space<vmem_shared>>) target_semaphore(%arg16 : memref<!tpu.dma_semaphore, #tpu.memory_space<semaphore_mem>>)
    "tpu.region"() ({
      %run_scoped3A = tpu.sem_alloc : memref<!tpu.dma_semaphore, #tpu.memory_space<semaphore_mem>>
      %dma_start3A_23 = arith.constant 0 : i32
      %dma_start3A_24 = tpu.memref_slice %arg3[%mul3A_4, %dma_start3A_23] : memref<2560x128xi32, #tpu.memory_space<hbm>> -> memref<8x128xi32, #tpu.memory_space<hbm>>
      %dma_start3A_25 = arith.constant 0 : i32
      %dma_start3A_26 = tpu.memref_slice %arg3[%mul3A_4, %dma_start3A_25] : memref<2560x128xi32, #tpu.memory_space<hbm>> -> memref<8x128xi32, #tpu.memory_space<hbm>>
      tpu.enqueue_dma source(%dma_start3A_26 : memref<8x128xi32, #tpu.memory_space<hbm>>) target(%arg8 : memref<8x128xi32, #tpu.memory_space<vmem>>) target_semaphore(%run_scoped3A : memref<!tpu.dma_semaphore, #tpu.memory_space<semaphore_mem>>)
      %dma_wait3A_27 = arith.constant 0 : i32
      %dma_wait3A_28 = tpu.memref_slice %arg3[%mul3A_4, %dma_wait3A_27] : memref<2560x128xi32, #tpu.memory_space<hbm>> -> memref<8x128xi32, #tpu.memory_space<hbm>>
      %dma_wait3A_29 = arith.constant 0 : i32
      %dma_wait3A_30 = tpu.memref_slice %arg3[%mul3A_4, %dma_wait3A_29] : memref<2560x128xi32, #tpu.memory_space<hbm>> -> memref<8x128xi32, #tpu.memory_space<hbm>>
      tpu.wait_dma2 semaphore(%run_scoped3A : memref<!tpu.dma_semaphore, #tpu.memory_space<semaphore_mem>>) src(%dma_wait3A_30 : memref<8x128xi32, #tpu.memory_space<hbm>>) dst(%arg8 : memref<8x128xi32, #tpu.memory_space<vmem>>)
      tpu.yield
    }) : () -> ()
    "tpu.region"() ({
      %run_scoped3A = tpu.sem_alloc : memref<!tpu.dma_semaphore, #tpu.memory_space<semaphore_mem>>
      %dma_start3A_23 = arith.constant 0 : i32
      %dma_start3A_24 = tpu.memref_slice %arg4[%mul3A_4, %dma_start3A_23] : memref<2560x128xi32, #tpu.memory_space<hbm>> -> memref<8x128xi32, #tpu.memory_space<hbm>>
      %dma_start3A_25 = arith.constant 0 : i32
      %dma_start3A_26 = tpu.memref_slice %arg4[%mul3A_4, %dma_start3A_25] : memref<2560x128xi32, #tpu.memory_space<hbm>> -> memref<8x128xi32, #tpu.memory_space<hbm>>
      tpu.enqueue_dma source(%dma_start3A_26 : memref<8x128xi32, #tpu.memory_space<hbm>>) target(%arg9 : memref<8x128xi32, #tpu.memory_space<vmem>>) target_semaphore(%run_scoped3A : memref<!tpu.dma_semaphore, #tpu.memory_space<semaphore_mem>>)
      %dma_wait3A_27 = arith.constant 0 : i32
      %dma_wait3A_28 = tpu.memref_slice %arg4[%mul3A_4, %dma_wait3A_27] : memref<2560x128xi32, #tpu.memory_space<hbm>> -> memref<8x128xi32, #tpu.memory_space<hbm>>
      %dma_wait3A_29 = arith.constant 0 : i32
      %dma_wait3A_30 = tpu.memref_slice %arg4[%mul3A_4, %dma_wait3A_29] : memref<2560x128xi32, #tpu.memory_space<hbm>> -> memref<8x128xi32, #tpu.memory_space<hbm>>
      tpu.wait_dma2 semaphore(%run_scoped3A : memref<!tpu.dma_semaphore, #tpu.memory_space<semaphore_mem>>) src(%dma_wait3A_30 : memref<8x128xi32, #tpu.memory_space<hbm>>) dst(%arg9 : memref<8x128xi32, #tpu.memory_space<vmem>>)
      tpu.yield
    }) : () -> ()
    %dma_start3A_6 = arith.constant 0 : i32
    %dma_start3A_7 = arith.constant 0 : i32
    %dma_start3A_8 = tpu.memref_slice %arg8[%dma_start3A_6, %dma_start3A_7] : memref<8x128xi32, #tpu.memory_space<vmem>> -> memref<1x128xi32, #tpu.memory_space<vmem>>
    %dma_start3A_9 = tpu.memref_squeeze %dma_start3A_8 : memref<1x128xi32, #tpu.memory_space<vmem>> -> memref<128xi32, #tpu.memory_space<vmem>>
    %dma_start3A_10 = arith.constant 0 : i32
    %dma_start3A_11 = arith.constant 0 : i32
    %dma_start3A_12 = tpu.memref_slice %arg2[%dma_start3A_10, %dma_start3A_11] : memref<10240x128xf32, #tpu.memory_space<hbm>> -> memref<10240x128xf32, #tpu.memory_space<hbm>>
    tpu.enqueue_indirect_dma source(%dma_start3A_12 : memref<10240x128xf32, #tpu.memory_space<hbm>>) target(%arg12 : memref<128x128xf32, #tpu.memory_space<vmem>>) offsets(%dma_start3A_9 : memref<128xi32, #tpu.memory_space<vmem>>) semaphore(%arg14 : memref<!tpu.dma_semaphore, #tpu.memory_space<semaphore_mem>>)
    %dma_wait3A = arith.constant 0 : i32
    %dma_wait3A_13 = tpu.memref_slice %arg7[%mul3A_2, %dma_wait3A] : memref<10240x128xf32, #tpu.memory_space<vmem_shared>> -> memref<640x128xf32, #tpu.memory_space<vmem_shared>>
    tpu.wait_dma2 semaphore(%arg16 : memref<!tpu.dma_semaphore, #tpu.memory_space<semaphore_mem>>) src(%arg5 : memref<640x128xf32, #tpu.memory_space<hbm>>) dst(%dma_wait3A_13 : memref<640x128xf32, #tpu.memory_space<vmem_shared>>)
    %barrier3A = arith.constant 0 : index
    tpu.barrier barrier_id(%barrier3A)
    %scan3A = arith.constant 0 : i32
    %scan3A_14 = arith.constant 0 : i32
    %scan3A_15 = arith.constant 5 : i32
    %scan3A_16 = arith.addi %scan3A_14, %scan3A_15 : i32
    %scan3A_17 = arith.constant 1 : i32
    scf.for %scan3A_23 = %scan3A_14 to %scan3A_16 step %scan3A_17  : i32 {
      %mul3A_24 = arith.constant 2 : i32
      %mul3A_25 = arith.muli %mul3A_24, %scan3A_23 : i32
      %add3A_26 = arith.constant 1 : i32
      %add3A_27 = arith.addi %mul3A_25, %add3A_26 : i32
      %lt3A = arith.constant 10 : i32
      %lt3A_28 = arith.cmpi slt, %add3A_27, %lt3A : i32
      %convert_element_type3A = arith.extui %lt3A_28 : i1 to i32
      %cond3A = arith.constant 0 : i32
      %cond3A_29 = arith.cmpi ne, %convert_element_type3A, %cond3A : i32
      scf.if %cond3A_29 {
        %add3A_280 = arith.constant 1 : i32
        %add3A_281 = arith.addi %mul3A_25, %add3A_280 : i32
        %mul3A_282 = arith.constant 8 : i32
        %mul3A_283 = arith.muli %add3A_281, %mul3A_282 : i32
        %add3A_284 = arith.addi %mul3A_4, %mul3A_283 : i32
        %dma_start3A_285 = arith.constant 0 : i32
        %dma_start3A_286 = tpu.memref_slice %arg3[%add3A_284, %dma_start3A_285] : memref<2560x128xi32, #tpu.memory_space<hbm>> -> memref<8x128xi32, #tpu.memory_space<hbm>>
        %dma_start3A_287 = arith.constant 0 : i32
        %dma_start3A_288 = tpu.memref_slice %arg3[%add3A_284, %dma_start3A_287] : memref<2560x128xi32, #tpu.memory_space<hbm>> -> memref<8x128xi32, #tpu.memory_space<hbm>>
        tpu.enqueue_dma source(%dma_start3A_288 : memref<8x128xi32, #tpu.memory_space<hbm>>) target(%arg10 : memref<8x128xi32, #tpu.memory_space<vmem>>) target_semaphore(%arg17 : memref<!tpu.dma_semaphore, #tpu.memory_space<semaphore_mem>>)
        %dma_start3A_289 = arith.constant 0 : i32
        %dma_start3A_290 = tpu.memref_slice %arg4[%add3A_284, %dma_start3A_289] : memref<2560x128xi32, #tpu.memory_space<hbm>> -> memref<8x128xi32, #tpu.memory_space<hbm>>
        %dma_start3A_291 = arith.constant 0 : i32
        %dma_start3A_292 = tpu.memref_slice %arg4[%add3A_284, %dma_start3A_291] : memref<2560x128xi32, #tpu.memory_space<hbm>> -> memref<8x128xi32, #tpu.memory_space<hbm>>
        tpu.enqueue_dma source(%dma_start3A_292 : memref<8x128xi32, #tpu.memory_space<hbm>>) target(%arg11 : memref<8x128xi32, #tpu.memory_space<vmem>>) target_semaphore(%arg17 : memref<!tpu.dma_semaphore, #tpu.memory_space<semaphore_mem>>)
      } else {
      }
      %dma_wait3A_30 = arith.constant 0 : i32
      %dma_wait3A_31 = arith.constant 0 : i32
      %dma_wait3A_32 = tpu.memref_slice %arg8[%dma_wait3A_30, %dma_wait3A_31] : memref<8x128xi32, #tpu.memory_space<vmem>> -> memref<1x128xi32, #tpu.memory_space<vmem>>
      %dma_wait3A_33 = tpu.memref_squeeze %dma_wait3A_32 : memref<1x128xi32, #tpu.memory_space<vmem>> -> memref<128xi32, #tpu.memory_space<vmem>>
      %dma_wait3A_34 = arith.constant 0 : i32
      %dma_wait3A_35 = arith.constant 0 : i32
      %dma_wait3A_36 = tpu.memref_slice %arg2[%dma_wait3A_34, %dma_wait3A_35] : memref<10240x128xf32, #tpu.memory_space<hbm>> -> memref<10240x128xf32, #tpu.memory_space<hbm>>
      tpu.wait_indirect_dma semaphore(%arg14 : memref<!tpu.dma_semaphore, #tpu.memory_space<semaphore_mem>>) src(%dma_wait3A_36 : memref<10240x128xf32, #tpu.memory_space<hbm>>) dst(%arg12 : memref<128x128xf32, #tpu.memory_space<vmem>>)
      %dma_start3A_37 = arith.constant 1 : i32
      %dma_start3A_38 = arith.constant 0 : i32
      %dma_start3A_39 = tpu.memref_slice %arg8[%dma_start3A_37, %dma_start3A_38] : memref<8x128xi32, #tpu.memory_space<vmem>> -> memref<1x128xi32, #tpu.memory_space<vmem>>
      %dma_start3A_40 = tpu.memref_squeeze %dma_start3A_39 : memref<1x128xi32, #tpu.memory_space<vmem>> -> memref<128xi32, #tpu.memory_space<vmem>>
      %dma_start3A_41 = arith.constant 0 : i32
      %dma_start3A_42 = arith.constant 0 : i32
      %dma_start3A_43 = tpu.memref_slice %arg2[%dma_start3A_41, %dma_start3A_42] : memref<10240x128xf32, #tpu.memory_space<hbm>> -> memref<10240x128xf32, #tpu.memory_space<hbm>>
      tpu.enqueue_indirect_dma source(%dma_start3A_43 : memref<10240x128xf32, #tpu.memory_space<hbm>>) target(%arg13 : memref<128x128xf32, #tpu.memory_space<vmem>>) offsets(%dma_start3A_40 : memref<128xi32, #tpu.memory_space<vmem>>) semaphore(%arg15 : memref<!tpu.dma_semaphore, #tpu.memory_space<semaphore_mem>>)
      %run_scoped3A = arith.constant 0 : i32
      "tpu.region"() ({
        %run_scoped3A_280 = tpu.sem_alloc : memref<!tpu.dma_semaphore, #tpu.memory_space<semaphore_mem>>
        %dma_start3A_281 = arith.constant 0 : i32
        %dma_start3A_282 = tpu.memref_slice %arg9[%run_scoped3A, %dma_start3A_281] : memref<8x128xi32, #tpu.memory_space<vmem>> -> memref<1x128xi32, #tpu.memory_space<vmem>>
        %dma_start3A_283 = tpu.memref_squeeze %dma_start3A_282 : memref<1x128xi32, #tpu.memory_space<vmem>> -> memref<128xi32, #tpu.memory_space<vmem>>
        %dma_start3A_284 = arith.constant 0 : i32
        %dma_start3A_285 = arith.constant 0 : i32
        %dma_start3A_286 = tpu.memref_slice %arg7[%dma_start3A_284, %dma_start3A_285] : memref<10240x128xf32, #tpu.memory_space<vmem_shared>> -> memref<10240x128xf32, #tpu.memory_space<vmem_shared>>
        tpu.enqueue_indirect_dma source(%arg12 : memref<128x128xf32, #tpu.memory_space<vmem>>) target(%dma_start3A_286 : memref<10240x128xf32, #tpu.memory_space<vmem_shared>>) offsets(%dma_start3A_283 : memref<128xi32, #tpu.memory_space<vmem>>) semaphore(%run_scoped3A_280 : memref<!tpu.dma_semaphore, #tpu.memory_space<semaphore_mem>>) {add = true}
        %dma_wait3A_287 = arith.constant 0 : i32
        %dma_wait3A_288 = tpu.memref_slice %arg9[%run_scoped3A, %dma_wait3A_287] : memref<8x128xi32, #tpu.memory_space<vmem>> -> memref<1x128xi32, #tpu.memory_space<vmem>>
        %dma_wait3A_289 = tpu.memref_squeeze %dma_wait3A_288 : memref<1x128xi32, #tpu.memory_space<vmem>> -> memref<128xi32, #tpu.memory_space<vmem>>
        %dma_wait3A_290 = arith.constant 0 : i32
        %dma_wait3A_291 = arith.constant 0 : i32
        %dma_wait3A_292 = tpu.memref_slice %arg7[%dma_wait3A_290, %dma_wait3A_291] : memref<10240x128xf32, #tpu.memory_space<vmem_shared>> -> memref<10240x128xf32, #tpu.memory_space<vmem_shared>>
        tpu.wait_indirect_dma semaphore(%run_scoped3A_280 : memref<!tpu.dma_semaphore, #tpu.memory_space<semaphore_mem>>) src(%arg12 : memref<128x128xf32, #tpu.memory_space<vmem>>) dst(%dma_wait3A_292 : memref<10240x128xf32, #tpu.memory_space<vmem_shared>>)
        tpu.yield
      }) : () -> ()
      %dma_wait3A_44 = arith.constant 1 : i32
      %dma_wait3A_45 = arith.constant 0 : i32
      %dma_wait3A_46 = tpu.memref_slice %arg8[%dma_wait3A_44, %dma_wait3A_45] : memref<8x128xi32, #tpu.memory_space<vmem>> -> memref<1x128xi32, #tpu.memory_space<vmem>>
      %dma_wait3A_47 = tpu.memref_squeeze %dma_wait3A_46 : memref<1x128xi32, #tpu.memory_space<vmem>> -> memref<128xi32, #tpu.memory_space<vmem>>
      %dma_wait3A_48 = arith.constant 0 : i32
      %dma_wait3A_49 = arith.constant 0 : i32
      %dma_wait3A_50 = tpu.memref_slice %arg2[%dma_wait3A_48, %dma_wait3A_49] : memref<10240x128xf32, #tpu.memory_space<hbm>> -> memref<10240x128xf32, #tpu.memory_space<hbm>>
      tpu.wait_indirect_dma semaphore(%arg15 : memref<!tpu.dma_semaphore, #tpu.memory_space<semaphore_mem>>) src(%dma_wait3A_50 : memref<10240x128xf32, #tpu.memory_space<hbm>>) dst(%arg13 : memref<128x128xf32, #tpu.memory_space<vmem>>)
      %dma_start3A_51 = arith.constant 2 : i32
      %dma_start3A_52 = arith.constant 0 : i32
      %dma_start3A_53 = tpu.memref_slice %arg8[%dma_start3A_51, %dma_start3A_52] : memref<8x128xi32, #tpu.memory_space<vmem>> -> memref<1x128xi32, #tpu.memory_space<vmem>>
      %dma_start3A_54 = tpu.memref_squeeze %dma_start3A_53 : memref<1x128xi32, #tpu.memory_space<vmem>> -> memref<128xi32, #tpu.memory_space<vmem>>
      %dma_start3A_55 = arith.constant 0 : i32
      %dma_start3A_56 = arith.constant 0 : i32
      %dma_start3A_57 = tpu.memref_slice %arg2[%dma_start3A_55, %dma_start3A_56] : memref<10240x128xf32, #tpu.memory_space<hbm>> -> memref<10240x128xf32, #tpu.memory_space<hbm>>
      tpu.enqueue_indirect_dma source(%dma_start3A_57 : memref<10240x128xf32, #tpu.memory_space<hbm>>) target(%arg12 : memref<128x128xf32, #tpu.memory_space<vmem>>) offsets(%dma_start3A_54 : memref<128xi32, #tpu.memory_space<vmem>>) semaphore(%arg14 : memref<!tpu.dma_semaphore, #tpu.memory_space<semaphore_mem>>)
      %run_scoped3A_58 = arith.constant 1 : i32
      "tpu.region"() ({
        %run_scoped3A_280 = tpu.sem_alloc : memref<!tpu.dma_semaphore, #tpu.memory_space<semaphore_mem>>
        %dma_start3A_281 = arith.constant 0 : i32
        %dma_start3A_282 = tpu.memref_slice %arg9[%run_scoped3A_58, %dma_start3A_281] : memref<8x128xi32, #tpu.memory_space<vmem>> -> memref<1x128xi32, #tpu.memory_space<vmem>>
        %dma_start3A_283 = tpu.memref_squeeze %dma_start3A_282 : memref<1x128xi32, #tpu.memory_space<vmem>> -> memref<128xi32, #tpu.memory_space<vmem>>
        %dma_start3A_284 = arith.constant 0 : i32
        %dma_start3A_285 = arith.constant 0 : i32
        %dma_start3A_286 = tpu.memref_slice %arg7[%dma_start3A_284, %dma_start3A_285] : memref<10240x128xf32, #tpu.memory_space<vmem_shared>> -> memref<10240x128xf32, #tpu.memory_space<vmem_shared>>
        tpu.enqueue_indirect_dma source(%arg13 : memref<128x128xf32, #tpu.memory_space<vmem>>) target(%dma_start3A_286 : memref<10240x128xf32, #tpu.memory_space<vmem_shared>>) offsets(%dma_start3A_283 : memref<128xi32, #tpu.memory_space<vmem>>) semaphore(%run_scoped3A_280 : memref<!tpu.dma_semaphore, #tpu.memory_space<semaphore_mem>>) {add = true}
        %dma_wait3A_287 = arith.constant 0 : i32
        %dma_wait3A_288 = tpu.memref_slice %arg9[%run_scoped3A_58, %dma_wait3A_287] : memref<8x128xi32, #tpu.memory_space<vmem>> -> memref<1x128xi32, #tpu.memory_space<vmem>>
        %dma_wait3A_289 = tpu.memref_squeeze %dma_wait3A_288 : memref<1x128xi32, #tpu.memory_space<vmem>> -> memref<128xi32, #tpu.memory_space<vmem>>
        %dma_wait3A_290 = arith.constant 0 : i32
        %dma_wait3A_291 = arith.constant 0 : i32
        %dma_wait3A_292 = tpu.memref_slice %arg7[%dma_wait3A_290, %dma_wait3A_291] : memref<10240x128xf32, #tpu.memory_space<vmem_shared>> -> memref<10240x128xf32, #tpu.memory_space<vmem_shared>>
        tpu.wait_indirect_dma semaphore(%run_scoped3A_280 : memref<!tpu.dma_semaphore, #tpu.memory_space<semaphore_mem>>) src(%arg13 : memref<128x128xf32, #tpu.memory_space<vmem>>) dst(%dma_wait3A_292 : memref<10240x128xf32, #tpu.memory_space<vmem_shared>>)
        tpu.yield
      }) : () -> ()
      %dma_wait3A_59 = arith.constant 2 : i32
      %dma_wait3A_60 = arith.constant 0 : i32
      %dma_wait3A_61 = tpu.memref_slice %arg8[%dma_wait3A_59, %dma_wait3A_60] : memref<8x128xi32, #tpu.memory_space<vmem>> -> memref<1x128xi32, #tpu.memory_space<vmem>>
      %dma_wait3A_62 = tpu.memref_squeeze %dma_wait3A_61 : memref<1x128xi32, #tpu.memory_space<vmem>> -> memref<128xi32, #tpu.memory_space<vmem>>
      %dma_wait3A_63 = arith.constant 0 : i32
      %dma_wait3A_64 = arith.constant 0 : i32
      %dma_wait3A_65 = tpu.memref_slice %arg2[%dma_wait3A_63, %dma_wait3A_64] : memref<10240x128xf32, #tpu.memory_space<hbm>> -> memref<10240x128xf32, #tpu.memory_space<hbm>>
      tpu.wait_indirect_dma semaphore(%arg14 : memref<!tpu.dma_semaphore, #tpu.memory_space<semaphore_mem>>) src(%dma_wait3A_65 : memref<10240x128xf32, #tpu.memory_space<hbm>>) dst(%arg12 : memref<128x128xf32, #tpu.memory_space<vmem>>)
      %dma_start3A_66 = arith.constant 3 : i32
      %dma_start3A_67 = arith.constant 0 : i32
      %dma_start3A_68 = tpu.memref_slice %arg8[%dma_start3A_66, %dma_start3A_67] : memref<8x128xi32, #tpu.memory_space<vmem>> -> memref<1x128xi32, #tpu.memory_space<vmem>>
      %dma_start3A_69 = tpu.memref_squeeze %dma_start3A_68 : memref<1x128xi32, #tpu.memory_space<vmem>> -> memref<128xi32, #tpu.memory_space<vmem>>
      %dma_start3A_70 = arith.constant 0 : i32
      %dma_start3A_71 = arith.constant 0 : i32
      %dma_start3A_72 = tpu.memref_slice %arg2[%dma_start3A_70, %dma_start3A_71] : memref<10240x128xf32, #tpu.memory_space<hbm>> -> memref<10240x128xf32, #tpu.memory_space<hbm>>
      tpu.enqueue_indirect_dma source(%dma_start3A_72 : memref<10240x128xf32, #tpu.memory_space<hbm>>) target(%arg13 : memref<128x128xf32, #tpu.memory_space<vmem>>) offsets(%dma_start3A_69 : memref<128xi32, #tpu.memory_space<vmem>>) semaphore(%arg15 : memref<!tpu.dma_semaphore, #tpu.memory_space<semaphore_mem>>)
      %run_scoped3A_73 = arith.constant 2 : i32
      "tpu.region"() ({
        %run_scoped3A_280 = tpu.sem_alloc : memref<!tpu.dma_semaphore, #tpu.memory_space<semaphore_mem>>
        %dma_start3A_281 = arith.constant 0 : i32
        %dma_start3A_282 = tpu.memref_slice %arg9[%run_scoped3A_73, %dma_start3A_281] : memref<8x128xi32, #tpu.memory_space<vmem>> -> memref<1x128xi32, #tpu.memory_space<vmem>>
        %dma_start3A_283 = tpu.memref_squeeze %dma_start3A_282 : memref<1x128xi32, #tpu.memory_space<vmem>> -> memref<128xi32, #tpu.memory_space<vmem>>
        %dma_start3A_284 = arith.constant 0 : i32
        %dma_start3A_285 = arith.constant 0 : i32
        %dma_start3A_286 = tpu.memref_slice %arg7[%dma_start3A_284, %dma_start3A_285] : memref<10240x128xf32, #tpu.memory_space<vmem_shared>> -> memref<10240x128xf32, #tpu.memory_space<vmem_shared>>
        tpu.enqueue_indirect_dma source(%arg12 : memref<128x128xf32, #tpu.memory_space<vmem>>) target(%dma_start3A_286 : memref<10240x128xf32, #tpu.memory_space<vmem_shared>>) offsets(%dma_start3A_283 : memref<128xi32, #tpu.memory_space<vmem>>) semaphore(%run_scoped3A_280 : memref<!tpu.dma_semaphore, #tpu.memory_space<semaphore_mem>>) {add = true}
        %dma_wait3A_287 = arith.constant 0 : i32
        %dma_wait3A_288 = tpu.memref_slice %arg9[%run_scoped3A_73, %dma_wait3A_287] : memref<8x128xi32, #tpu.memory_space<vmem>> -> memref<1x128xi32, #tpu.memory_space<vmem>>
        %dma_wait3A_289 = tpu.memref_squeeze %dma_wait3A_288 : memref<1x128xi32, #tpu.memory_space<vmem>> -> memref<128xi32, #tpu.memory_space<vmem>>
        %dma_wait3A_290 = arith.constant 0 : i32
        %dma_wait3A_291 = arith.constant 0 : i32
        %dma_wait3A_292 = tpu.memref_slice %arg7[%dma_wait3A_290, %dma_wait3A_291] : memref<10240x128xf32, #tpu.memory_space<vmem_shared>> -> memref<10240x128xf32, #tpu.memory_space<vmem_shared>>
        tpu.wait_indirect_dma semaphore(%run_scoped3A_280 : memref<!tpu.dma_semaphore, #tpu.memory_space<semaphore_mem>>) src(%arg12 : memref<128x128xf32, #tpu.memory_space<vmem>>) dst(%dma_wait3A_292 : memref<10240x128xf32, #tpu.memory_space<vmem_shared>>)
        tpu.yield
      }) : () -> ()
      %dma_wait3A_74 = arith.constant 3 : i32
      %dma_wait3A_75 = arith.constant 0 : i32
      %dma_wait3A_76 = tpu.memref_slice %arg8[%dma_wait3A_74, %dma_wait3A_75] : memref<8x128xi32, #tpu.memory_space<vmem>> -> memref<1x128xi32, #tpu.memory_space<vmem>>
      %dma_wait3A_77 = tpu.memref_squeeze %dma_wait3A_76 : memref<1x128xi32, #tpu.memory_space<vmem>> -> memref<128xi32, #tpu.memory_space<vmem>>
      %dma_wait3A_78 = arith.constant 0 : i32
      %dma_wait3A_79 = arith.constant 0 : i32
      %dma_wait3A_80 = tpu.memref_slice %arg2[%dma_wait3A_78, %dma_wait3A_79] : memref<10240x128xf32, #tpu.memory_space<hbm>> -> memref<10240x128xf32, #tpu.memory_space<hbm>>
      tpu.wait_indirect_dma semaphore(%arg15 : memref<!tpu.dma_semaphore, #tpu.memory_space<semaphore_mem>>) src(%dma_wait3A_80 : memref<10240x128xf32, #tpu.memory_space<hbm>>) dst(%arg13 : memref<128x128xf32, #tpu.memory_space<vmem>>)
      %dma_start3A_81 = arith.constant 4 : i32
      %dma_start3A_82 = arith.constant 0 : i32
      %dma_start3A_83 = tpu.memref_slice %arg8[%dma_start3A_81, %dma_start3A_82] : memref<8x128xi32, #tpu.memory_space<vmem>> -> memref<1x128xi32, #tpu.memory_space<vmem>>
      %dma_start3A_84 = tpu.memref_squeeze %dma_start3A_83 : memref<1x128xi32, #tpu.memory_space<vmem>> -> memref<128xi32, #tpu.memory_space<vmem>>
      %dma_start3A_85 = arith.constant 0 : i32
      %dma_start3A_86 = arith.constant 0 : i32
      %dma_start3A_87 = tpu.memref_slice %arg2[%dma_start3A_85, %dma_start3A_86] : memref<10240x128xf32, #tpu.memory_space<hbm>> -> memref<10240x128xf32, #tpu.memory_space<hbm>>
      tpu.enqueue_indirect_dma source(%dma_start3A_87 : memref<10240x128xf32, #tpu.memory_space<hbm>>) target(%arg12 : memref<128x128xf32, #tpu.memory_space<vmem>>) offsets(%dma_start3A_84 : memref<128xi32, #tpu.memory_space<vmem>>) semaphore(%arg14 : memref<!tpu.dma_semaphore, #tpu.memory_space<semaphore_mem>>)
      %run_scoped3A_88 = arith.constant 3 : i32
      "tpu.region"() ({
        %run_scoped3A_280 = tpu.sem_alloc : memref<!tpu.dma_semaphore, #tpu.memory_space<semaphore_mem>>
        %dma_start3A_281 = arith.constant 0 : i32
        %dma_start3A_282 = tpu.memref_slice %arg9[%run_scoped3A_88, %dma_start3A_281] : memref<8x128xi32, #tpu.memory_space<vmem>> -> memref<1x128xi32, #tpu.memory_space<vmem>>
        %dma_start3A_283 = tpu.memref_squeeze %dma_start3A_282 : memref<1x128xi32, #tpu.memory_space<vmem>> -> memref<128xi32, #tpu.memory_space<vmem>>
        %dma_start3A_284 = arith.constant 0 : i32
        %dma_start3A_285 = arith.constant 0 : i32
        %dma_start3A_286 = tpu.memref_slice %arg7[%dma_start3A_284, %dma_start3A_285] : memref<10240x128xf32, #tpu.memory_space<vmem_shared>> -> memref<10240x128xf32, #tpu.memory_space<vmem_shared>>
        tpu.enqueue_indirect_dma source(%arg13 : memref<128x128xf32, #tpu.memory_space<vmem>>) target(%dma_start3A_286 : memref<10240x128xf32, #tpu.memory_space<vmem_shared>>) offsets(%dma_start3A_283 : memref<128xi32, #tpu.memory_space<vmem>>) semaphore(%run_scoped3A_280 : memref<!tpu.dma_semaphore, #tpu.memory_space<semaphore_mem>>) {add = true}
        %dma_wait3A_287 = arith.constant 0 : i32
        %dma_wait3A_288 = tpu.memref_slice %arg9[%run_scoped3A_88, %dma_wait3A_287] : memref<8x128xi32, #tpu.memory_space<vmem>> -> memref<1x128xi32, #tpu.memory_space<vmem>>
        %dma_wait3A_289 = tpu.memref_squeeze %dma_wait3A_288 : memref<1x128xi32, #tpu.memory_space<vmem>> -> memref<128xi32, #tpu.memory_space<vmem>>
        %dma_wait3A_290 = arith.constant 0 : i32
        %dma_wait3A_291 = arith.constant 0 : i32
        %dma_wait3A_292 = tpu.memref_slice %arg7[%dma_wait3A_290, %dma_wait3A_291] : memref<10240x128xf32, #tpu.memory_space<vmem_shared>> -> memref<10240x128xf32, #tpu.memory_space<vmem_shared>>
        tpu.wait_indirect_dma semaphore(%run_scoped3A_280 : memref<!tpu.dma_semaphore, #tpu.memory_space<semaphore_mem>>) src(%arg13 : memref<128x128xf32, #tpu.memory_space<vmem>>) dst(%dma_wait3A_292 : memref<10240x128xf32, #tpu.memory_space<vmem_shared>>)
        tpu.yield
      }) : () -> ()
      %dma_wait3A_89 = arith.constant 4 : i32
      %dma_wait3A_90 = arith.constant 0 : i32
      %dma_wait3A_91 = tpu.memref_slice %arg8[%dma_wait3A_89, %dma_wait3A_90] : memref<8x128xi32, #tpu.memory_space<vmem>> -> memref<1x128xi32, #tpu.memory_space<vmem>>
      %dma_wait3A_92 = tpu.memref_squeeze %dma_wait3A_91 : memref<1x128xi32, #tpu.memory_space<vmem>> -> memref<128xi32, #tpu.memory_space<vmem>>
      %dma_wait3A_93 = arith.constant 0 : i32
      %dma_wait3A_94 = arith.constant 0 : i32
      %dma_wait3A_95 = tpu.memref_slice %arg2[%dma_wait3A_93, %dma_wait3A_94] : memref<10240x128xf32, #tpu.memory_space<hbm>> -> memref<10240x128xf32, #tpu.memory_space<hbm>>
      tpu.wait_indirect_dma semaphore(%arg14 : memref<!tpu.dma_semaphore, #tpu.memory_space<semaphore_mem>>) src(%dma_wait3A_95 : memref<10240x128xf32, #tpu.memory_space<hbm>>) dst(%arg12 : memref<128x128xf32, #tpu.memory_space<vmem>>)
      %dma_start3A_96 = arith.constant 5 : i32
      %dma_start3A_97 = arith.constant 0 : i32
      %dma_start3A_98 = tpu.memref_slice %arg8[%dma_start3A_96, %dma_start3A_97] : memref<8x128xi32, #tpu.memory_space<vmem>> -> memref<1x128xi32, #tpu.memory_space<vmem>>
      %dma_start3A_99 = tpu.memref_squeeze %dma_start3A_98 : memref<1x128xi32, #tpu.memory_space<vmem>> -> memref<128xi32, #tpu.memory_space<vmem>>
      %dma_start3A_100 = arith.constant 0 : i32
      %dma_start3A_101 = arith.constant 0 : i32
      %dma_start3A_102 = tpu.memref_slice %arg2[%dma_start3A_100, %dma_start3A_101] : memref<10240x128xf32, #tpu.memory_space<hbm>> -> memref<10240x128xf32, #tpu.memory_space<hbm>>
      tpu.enqueue_indirect_dma source(%dma_start3A_102 : memref<10240x128xf32, #tpu.memory_space<hbm>>) target(%arg13 : memref<128x128xf32, #tpu.memory_space<vmem>>) offsets(%dma_start3A_99 : memref<128xi32, #tpu.memory_space<vmem>>) semaphore(%arg15 : memref<!tpu.dma_semaphore, #tpu.memory_space<semaphore_mem>>)
      %run_scoped3A_103 = arith.constant 4 : i32
      "tpu.region"() ({
        %run_scoped3A_280 = tpu.sem_alloc : memref<!tpu.dma_semaphore, #tpu.memory_space<semaphore_mem>>
        %dma_start3A_281 = arith.constant 0 : i32
        %dma_start3A_282 = tpu.memref_slice %arg9[%run_scoped3A_103, %dma_start3A_281] : memref<8x128xi32, #tpu.memory_space<vmem>> -> memref<1x128xi32, #tpu.memory_space<vmem>>
        %dma_start3A_283 = tpu.memref_squeeze %dma_start3A_282 : memref<1x128xi32, #tpu.memory_space<vmem>> -> memref<128xi32, #tpu.memory_space<vmem>>
        %dma_start3A_284 = arith.constant 0 : i32
        %dma_start3A_285 = arith.constant 0 : i32
        %dma_start3A_286 = tpu.memref_slice %arg7[%dma_start3A_284, %dma_start3A_285] : memref<10240x128xf32, #tpu.memory_space<vmem_shared>> -> memref<10240x128xf32, #tpu.memory_space<vmem_shared>>
        tpu.enqueue_indirect_dma source(%arg12 : memref<128x128xf32, #tpu.memory_space<vmem>>) target(%dma_start3A_286 : memref<10240x128xf32, #tpu.memory_space<vmem_shared>>) offsets(%dma_start3A_283 : memref<128xi32, #tpu.memory_space<vmem>>) semaphore(%run_scoped3A_280 : memref<!tpu.dma_semaphore, #tpu.memory_space<semaphore_mem>>) {add = true}
        %dma_wait3A_287 = arith.constant 0 : i32
        %dma_wait3A_288 = tpu.memref_slice %arg9[%run_scoped3A_103, %dma_wait3A_287] : memref<8x128xi32, #tpu.memory_space<vmem>> -> memref<1x128xi32, #tpu.memory_space<vmem>>
        %dma_wait3A_289 = tpu.memref_squeeze %dma_wait3A_288 : memref<1x128xi32, #tpu.memory_space<vmem>> -> memref<128xi32, #tpu.memory_space<vmem>>
        %dma_wait3A_290 = arith.constant 0 : i32
        %dma_wait3A_291 = arith.constant 0 : i32
        %dma_wait3A_292 = tpu.memref_slice %arg7[%dma_wait3A_290, %dma_wait3A_291] : memref<10240x128xf32, #tpu.memory_space<vmem_shared>> -> memref<10240x128xf32, #tpu.memory_space<vmem_shared>>
        tpu.wait_indirect_dma semaphore(%run_scoped3A_280 : memref<!tpu.dma_semaphore, #tpu.memory_space<semaphore_mem>>) src(%arg12 : memref<128x128xf32, #tpu.memory_space<vmem>>) dst(%dma_wait3A_292 : memref<10240x128xf32, #tpu.memory_space<vmem_shared>>)
        tpu.yield
      }) : () -> ()
      %dma_wait3A_104 = arith.constant 5 : i32
      %dma_wait3A_105 = arith.constant 0 : i32
      %dma_wait3A_106 = tpu.memref_slice %arg8[%dma_wait3A_104, %dma_wait3A_105] : memref<8x128xi32, #tpu.memory_space<vmem>> -> memref<1x128xi32, #tpu.memory_space<vmem>>
      %dma_wait3A_107 = tpu.memref_squeeze %dma_wait3A_106 : memref<1x128xi32, #tpu.memory_space<vmem>> -> memref<128xi32, #tpu.memory_space<vmem>>
      %dma_wait3A_108 = arith.constant 0 : i32
      %dma_wait3A_109 = arith.constant 0 : i32
      %dma_wait3A_110 = tpu.memref_slice %arg2[%dma_wait3A_108, %dma_wait3A_109] : memref<10240x128xf32, #tpu.memory_space<hbm>> -> memref<10240x128xf32, #tpu.memory_space<hbm>>
      tpu.wait_indirect_dma semaphore(%arg15 : memref<!tpu.dma_semaphore, #tpu.memory_space<semaphore_mem>>) src(%dma_wait3A_110 : memref<10240x128xf32, #tpu.memory_space<hbm>>) dst(%arg13 : memref<128x128xf32, #tpu.memory_space<vmem>>)
      %dma_start3A_111 = arith.constant 6 : i32
      %dma_start3A_112 = arith.constant 0 : i32
      %dma_start3A_113 = tpu.memref_slice %arg8[%dma_start3A_111, %dma_start3A_112] : memref<8x128xi32, #tpu.memory_space<vmem>> -> memref<1x128xi32, #tpu.memory_space<vmem>>
      %dma_start3A_114 = tpu.memref_squeeze %dma_start3A_113 : memref<1x128xi32, #tpu.memory_space<vmem>> -> memref<128xi32, #tpu.memory_space<vmem>>
      %dma_start3A_115 = arith.constant 0 : i32
      %dma_start3A_116 = arith.constant 0 : i32
      %dma_start3A_117 = tpu.memref_slice %arg2[%dma_start3A_115, %dma_start3A_116] : memref<10240x128xf32, #tpu.memory_space<hbm>> -> memref<10240x128xf32, #tpu.memory_space<hbm>>
      tpu.enqueue_indirect_dma source(%dma_start3A_117 : memref<10240x128xf32, #tpu.memory_space<hbm>>) target(%arg12 : memref<128x128xf32, #tpu.memory_space<vmem>>) offsets(%dma_start3A_114 : memref<128xi32, #tpu.memory_space<vmem>>) semaphore(%arg14 : memref<!tpu.dma_semaphore, #tpu.memory_space<semaphore_mem>>)
      %run_scoped3A_118 = arith.constant 5 : i32
      "tpu.region"() ({
        %run_scoped3A_280 = tpu.sem_alloc : memref<!tpu.dma_semaphore, #tpu.memory_space<semaphore_mem>>
        %dma_start3A_281 = arith.constant 0 : i32
        %dma_start3A_282 = tpu.memref_slice %arg9[%run_scoped3A_118, %dma_start3A_281] : memref<8x128xi32, #tpu.memory_space<vmem>> -> memref<1x128xi32, #tpu.memory_space<vmem>>
        %dma_start3A_283 = tpu.memref_squeeze %dma_start3A_282 : memref<1x128xi32, #tpu.memory_space<vmem>> -> memref<128xi32, #tpu.memory_space<vmem>>
        %dma_start3A_284 = arith.constant 0 : i32
        %dma_start3A_285 = arith.constant 0 : i32
        %dma_start3A_286 = tpu.memref_slice %arg7[%dma_start3A_284, %dma_start3A_285] : memref<10240x128xf32, #tpu.memory_space<vmem_shared>> -> memref<10240x128xf32, #tpu.memory_space<vmem_shared>>
        tpu.enqueue_indirect_dma source(%arg13 : memref<128x128xf32, #tpu.memory_space<vmem>>) target(%dma_start3A_286 : memref<10240x128xf32, #tpu.memory_space<vmem_shared>>) offsets(%dma_start3A_283 : memref<128xi32, #tpu.memory_space<vmem>>) semaphore(%run_scoped3A_280 : memref<!tpu.dma_semaphore, #tpu.memory_space<semaphore_mem>>) {add = true}
        %dma_wait3A_287 = arith.constant 0 : i32
        %dma_wait3A_288 = tpu.memref_slice %arg9[%run_scoped3A_118, %dma_wait3A_287] : memref<8x128xi32, #tpu.memory_space<vmem>> -> memref<1x128xi32, #tpu.memory_space<vmem>>
        %dma_wait3A_289 = tpu.memref_squeeze %dma_wait3A_288 : memref<1x128xi32, #tpu.memory_space<vmem>> -> memref<128xi32, #tpu.memory_space<vmem>>
        %dma_wait3A_290 = arith.constant 0 : i32
        %dma_wait3A_291 = arith.constant 0 : i32
        %dma_wait3A_292 = tpu.memref_slice %arg7[%dma_wait3A_290, %dma_wait3A_291] : memref<10240x128xf32, #tpu.memory_space<vmem_shared>> -> memref<10240x128xf32, #tpu.memory_space<vmem_shared>>
        tpu.wait_indirect_dma semaphore(%run_scoped3A_280 : memref<!tpu.dma_semaphore, #tpu.memory_space<semaphore_mem>>) src(%arg13 : memref<128x128xf32, #tpu.memory_space<vmem>>) dst(%dma_wait3A_292 : memref<10240x128xf32, #tpu.memory_space<vmem_shared>>)
        tpu.yield
      }) : () -> ()
      %dma_wait3A_119 = arith.constant 6 : i32
      %dma_wait3A_120 = arith.constant 0 : i32
      %dma_wait3A_121 = tpu.memref_slice %arg8[%dma_wait3A_119, %dma_wait3A_120] : memref<8x128xi32, #tpu.memory_space<vmem>> -> memref<1x128xi32, #tpu.memory_space<vmem>>
      %dma_wait3A_122 = tpu.memref_squeeze %dma_wait3A_121 : memref<1x128xi32, #tpu.memory_space<vmem>> -> memref<128xi32, #tpu.memory_space<vmem>>
      %dma_wait3A_123 = arith.constant 0 : i32
      %dma_wait3A_124 = arith.constant 0 : i32
      %dma_wait3A_125 = tpu.memref_slice %arg2[%dma_wait3A_123, %dma_wait3A_124] : memref<10240x128xf32, #tpu.memory_space<hbm>> -> memref<10240x128xf32, #tpu.memory_space<hbm>>
      tpu.wait_indirect_dma semaphore(%arg14 : memref<!tpu.dma_semaphore, #tpu.memory_space<semaphore_mem>>) src(%dma_wait3A_125 : memref<10240x128xf32, #tpu.memory_space<hbm>>) dst(%arg12 : memref<128x128xf32, #tpu.memory_space<vmem>>)
      %dma_start3A_126 = arith.constant 7 : i32
      %dma_start3A_127 = arith.constant 0 : i32
      %dma_start3A_128 = tpu.memref_slice %arg8[%dma_start3A_126, %dma_start3A_127] : memref<8x128xi32, #tpu.memory_space<vmem>> -> memref<1x128xi32, #tpu.memory_space<vmem>>
      %dma_start3A_129 = tpu.memref_squeeze %dma_start3A_128 : memref<1x128xi32, #tpu.memory_space<vmem>> -> memref<128xi32, #tpu.memory_space<vmem>>
      %dma_start3A_130 = arith.constant 0 : i32
      %dma_start3A_131 = arith.constant 0 : i32
      %dma_start3A_132 = tpu.memref_slice %arg2[%dma_start3A_130, %dma_start3A_131] : memref<10240x128xf32, #tpu.memory_space<hbm>> -> memref<10240x128xf32, #tpu.memory_space<hbm>>
      tpu.enqueue_indirect_dma source(%dma_start3A_132 : memref<10240x128xf32, #tpu.memory_space<hbm>>) target(%arg13 : memref<128x128xf32, #tpu.memory_space<vmem>>) offsets(%dma_start3A_129 : memref<128xi32, #tpu.memory_space<vmem>>) semaphore(%arg15 : memref<!tpu.dma_semaphore, #tpu.memory_space<semaphore_mem>>)
      %run_scoped3A_133 = arith.constant 6 : i32
      "tpu.region"() ({
        %run_scoped3A_280 = tpu.sem_alloc : memref<!tpu.dma_semaphore, #tpu.memory_space<semaphore_mem>>
        %dma_start3A_281 = arith.constant 0 : i32
        %dma_start3A_282 = tpu.memref_slice %arg9[%run_scoped3A_133, %dma_start3A_281] : memref<8x128xi32, #tpu.memory_space<vmem>> -> memref<1x128xi32, #tpu.memory_space<vmem>>
        %dma_start3A_283 = tpu.memref_squeeze %dma_start3A_282 : memref<1x128xi32, #tpu.memory_space<vmem>> -> memref<128xi32, #tpu.memory_space<vmem>>
        %dma_start3A_284 = arith.constant 0 : i32
        %dma_start3A_285 = arith.constant 0 : i32
        %dma_start3A_286 = tpu.memref_slice %arg7[%dma_start3A_284, %dma_start3A_285] : memref<10240x128xf32, #tpu.memory_space<vmem_shared>> -> memref<10240x128xf32, #tpu.memory_space<vmem_shared>>
        tpu.enqueue_indirect_dma source(%arg12 : memref<128x128xf32, #tpu.memory_space<vmem>>) target(%dma_start3A_286 : memref<10240x128xf32, #tpu.memory_space<vmem_shared>>) offsets(%dma_start3A_283 : memref<128xi32, #tpu.memory_space<vmem>>) semaphore(%run_scoped3A_280 : memref<!tpu.dma_semaphore, #tpu.memory_space<semaphore_mem>>) {add = true}
        %dma_wait3A_287 = arith.constant 0 : i32
        %dma_wait3A_288 = tpu.memref_slice %arg9[%run_scoped3A_133, %dma_wait3A_287] : memref<8x128xi32, #tpu.memory_space<vmem>> -> memref<1x128xi32, #tpu.memory_space<vmem>>
        %dma_wait3A_289 = tpu.memref_squeeze %dma_wait3A_288 : memref<1x128xi32, #tpu.memory_space<vmem>> -> memref<128xi32, #tpu.memory_space<vmem>>
        %dma_wait3A_290 = arith.constant 0 : i32
        %dma_wait3A_291 = arith.constant 0 : i32
        %dma_wait3A_292 = tpu.memref_slice %arg7[%dma_wait3A_290, %dma_wait3A_291] : memref<10240x128xf32, #tpu.memory_space<vmem_shared>> -> memref<10240x128xf32, #tpu.memory_space<vmem_shared>>
        tpu.wait_indirect_dma semaphore(%run_scoped3A_280 : memref<!tpu.dma_semaphore, #tpu.memory_space<semaphore_mem>>) src(%arg12 : memref<128x128xf32, #tpu.memory_space<vmem>>) dst(%dma_wait3A_292 : memref<10240x128xf32, #tpu.memory_space<vmem_shared>>)
        tpu.yield
      }) : () -> ()
      %dma_wait3A_134 = arith.constant 7 : i32
      %dma_wait3A_135 = arith.constant 0 : i32
      %dma_wait3A_136 = tpu.memref_slice %arg8[%dma_wait3A_134, %dma_wait3A_135] : memref<8x128xi32, #tpu.memory_space<vmem>> -> memref<1x128xi32, #tpu.memory_space<vmem>>
      %dma_wait3A_137 = tpu.memref_squeeze %dma_wait3A_136 : memref<1x128xi32, #tpu.memory_space<vmem>> -> memref<128xi32, #tpu.memory_space<vmem>>
      %dma_wait3A_138 = arith.constant 0 : i32
      %dma_wait3A_139 = arith.constant 0 : i32
      %dma_wait3A_140 = tpu.memref_slice %arg2[%dma_wait3A_138, %dma_wait3A_139] : memref<10240x128xf32, #tpu.memory_space<hbm>> -> memref<10240x128xf32, #tpu.memory_space<hbm>>
      tpu.wait_indirect_dma semaphore(%arg15 : memref<!tpu.dma_semaphore, #tpu.memory_space<semaphore_mem>>) src(%dma_wait3A_140 : memref<10240x128xf32, #tpu.memory_space<hbm>>) dst(%arg13 : memref<128x128xf32, #tpu.memory_space<vmem>>)
      %add3A_141 = arith.constant 1 : i32
      %add3A_142 = arith.addi %mul3A_25, %add3A_141 : i32
      %lt3A_143 = arith.constant 10 : i32
      %lt3A_144 = arith.cmpi slt, %add3A_142, %lt3A_143 : i32
      %convert_element_type3A_145 = arith.extui %lt3A_144 : i1 to i32
      %cond3A_146 = arith.constant 0 : i32
      %cond3A_147 = arith.cmpi ne, %convert_element_type3A_145, %cond3A_146 : i32
      scf.if %cond3A_147 {
        %add3A_280 = arith.constant 1 : i32
        %add3A_281 = arith.addi %mul3A_25, %add3A_280 : i32
        %mul3A_282 = arith.constant 8 : i32
        %mul3A_283 = arith.muli %add3A_281, %mul3A_282 : i32
        %add3A_284 = arith.addi %mul3A_4, %mul3A_283 : i32
        %dma_wait3A_285 = arith.constant 0 : i32
        %dma_wait3A_286 = tpu.memref_slice %arg3[%add3A_284, %dma_wait3A_285] : memref<2560x128xi32, #tpu.memory_space<hbm>> -> memref<8x128xi32, #tpu.memory_space<hbm>>
        %dma_wait3A_287 = arith.constant 0 : i32
        %dma_wait3A_288 = tpu.memref_slice %arg3[%add3A_284, %dma_wait3A_287] : memref<2560x128xi32, #tpu.memory_space<hbm>> -> memref<8x128xi32, #tpu.memory_space<hbm>>
        tpu.wait_dma2 semaphore(%arg17 : memref<!tpu.dma_semaphore, #tpu.memory_space<semaphore_mem>>) src(%dma_wait3A_288 : memref<8x128xi32, #tpu.memory_space<hbm>>) dst(%arg10 : memref<8x128xi32, #tpu.memory_space<vmem>>)
        %dma_wait3A_289 = arith.constant 0 : i32
        %dma_wait3A_290 = tpu.memref_slice %arg4[%add3A_284, %dma_wait3A_289] : memref<2560x128xi32, #tpu.memory_space<hbm>> -> memref<8x128xi32, #tpu.memory_space<hbm>>
        %dma_wait3A_291 = arith.constant 0 : i32
        %dma_wait3A_292 = tpu.memref_slice %arg4[%add3A_284, %dma_wait3A_291] : memref<2560x128xi32, #tpu.memory_space<hbm>> -> memref<8x128xi32, #tpu.memory_space<hbm>>
        tpu.wait_dma2 semaphore(%arg17 : memref<!tpu.dma_semaphore, #tpu.memory_space<semaphore_mem>>) src(%dma_wait3A_292 : memref<8x128xi32, #tpu.memory_space<hbm>>) dst(%arg11 : memref<8x128xi32, #tpu.memory_space<vmem>>)
        %dma_start3A_293 = arith.constant 0 : i32
        %dma_start3A_294 = arith.constant 0 : i32
        %dma_start3A_295 = tpu.memref_slice %arg10[%dma_start3A_293, %dma_start3A_294] : memref<8x128xi32, #tpu.memory_space<vmem>> -> memref<1x128xi32, #tpu.memory_space<vmem>>
        %dma_start3A_296 = tpu.memref_squeeze %dma_start3A_295 : memref<1x128xi32, #tpu.memory_space<vmem>> -> memref<128xi32, #tpu.memory_space<vmem>>
        %dma_start3A_297 = arith.constant 0 : i32
        %dma_start3A_298 = arith.constant 0 : i32
        %dma_start3A_299 = tpu.memref_slice %arg2[%dma_start3A_297, %dma_start3A_298] : memref<10240x128xf32, #tpu.memory_space<hbm>> -> memref<10240x128xf32, #tpu.memory_space<hbm>>
        tpu.enqueue_indirect_dma source(%dma_start3A_299 : memref<10240x128xf32, #tpu.memory_space<hbm>>) target(%arg12 : memref<128x128xf32, #tpu.memory_space<vmem>>) offsets(%dma_start3A_296 : memref<128xi32, #tpu.memory_space<vmem>>) semaphore(%arg14 : memref<!tpu.dma_semaphore, #tpu.memory_space<semaphore_mem>>)
      } else {
      }
      %run_scoped3A_148 = arith.constant 7 : i32
      "tpu.region"() ({
        %run_scoped3A_280 = tpu.sem_alloc : memref<!tpu.dma_semaphore, #tpu.memory_space<semaphore_mem>>
        %dma_start3A_281 = arith.constant 0 : i32
        %dma_start3A_282 = tpu.memref_slice %arg9[%run_scoped3A_148, %dma_start3A_281] : memref<8x128xi32, #tpu.memory_space<vmem>> -> memref<1x128xi32, #tpu.memory_space<vmem>>
        %dma_start3A_283 = tpu.memref_squeeze %dma_start3A_282 : memref<1x128xi32, #tpu.memory_space<vmem>> -> memref<128xi32, #tpu.memory_space<vmem>>
        %dma_start3A_284 = arith.constant 0 : i32
        %dma_start3A_285 = arith.constant 0 : i32
        %dma_start3A_286 = tpu.memref_slice %arg7[%dma_start3A_284, %dma_start3A_285] : memref<10240x128xf32, #tpu.memory_space<vmem_shared>> -> memref<10240x128xf32, #tpu.memory_space<vmem_shared>>
        tpu.enqueue_indirect_dma source(%arg13 : memref<128x128xf32, #tpu.memory_space<vmem>>) target(%dma_start3A_286 : memref<10240x128xf32, #tpu.memory_space<vmem_shared>>) offsets(%dma_start3A_283 : memref<128xi32, #tpu.memory_space<vmem>>) semaphore(%run_scoped3A_280 : memref<!tpu.dma_semaphore, #tpu.memory_space<semaphore_mem>>) {add = true}
        %dma_wait3A_287 = arith.constant 0 : i32
        %dma_wait3A_288 = tpu.memref_slice %arg9[%run_scoped3A_148, %dma_wait3A_287] : memref<8x128xi32, #tpu.memory_space<vmem>> -> memref<1x128xi32, #tpu.memory_space<vmem>>
        %dma_wait3A_289 = tpu.memref_squeeze %dma_wait3A_288 : memref<1x128xi32, #tpu.memory_space<vmem>> -> memref<128xi32, #tpu.memory_space<vmem>>
        %dma_wait3A_290 = arith.constant 0 : i32
        %dma_wait3A_291 = arith.constant 0 : i32
        %dma_wait3A_292 = tpu.memref_slice %arg7[%dma_wait3A_290, %dma_wait3A_291] : memref<10240x128xf32, #tpu.memory_space<vmem_shared>> -> memref<10240x128xf32, #tpu.memory_space<vmem_shared>>
        tpu.wait_indirect_dma semaphore(%run_scoped3A_280 : memref<!tpu.dma_semaphore, #tpu.memory_space<semaphore_mem>>) src(%arg13 : memref<128x128xf32, #tpu.memory_space<vmem>>) dst(%dma_wait3A_292 : memref<10240x128xf32, #tpu.memory_space<vmem_shared>>)
        tpu.yield
      }) : () -> ()
      %mul3A_149 = arith.constant 2 : i32
      %mul3A_150 = arith.muli %mul3A_149, %scan3A_23 : i32
      %add3A_151 = arith.constant 1 : i32
      %add3A_152 = arith.addi %mul3A_150, %add3A_151 : i32
      %add3A_153 = arith.constant 1 : i32
      %add3A_154 = arith.addi %add3A_152, %add3A_153 : i32
      %lt3A_155 = arith.constant 10 : i32
      %lt3A_156 = arith.cmpi slt, %add3A_154, %lt3A_155 : i32
      %convert_element_type3A_157 = arith.extui %lt3A_156 : i1 to i32
      %cond3A_158 = arith.constant 0 : i32
      %cond3A_159 = arith.cmpi ne, %convert_element_type3A_157, %cond3A_158 : i32
      scf.if %cond3A_159 {
        %add3A_280 = arith.constant 1 : i32
        %add3A_281 = arith.addi %add3A_152, %add3A_280 : i32
        %mul3A_282 = arith.constant 8 : i32
        %mul3A_283 = arith.muli %add3A_281, %mul3A_282 : i32
        %add3A_284 = arith.addi %mul3A_4, %mul3A_283 : i32
        %dma_start3A_285 = arith.constant 0 : i32
        %dma_start3A_286 = tpu.memref_slice %arg3[%add3A_284, %dma_start3A_285] : memref<2560x128xi32, #tpu.memory_space<hbm>> -> memref<8x128xi32, #tpu.memory_space<hbm>>
        %dma_start3A_287 = arith.constant 0 : i32
        %dma_start3A_288 = tpu.memref_slice %arg3[%add3A_284, %dma_start3A_287] : memref<2560x128xi32, #tpu.memory_space<hbm>> -> memref<8x128xi32, #tpu.memory_space<hbm>>
        tpu.enqueue_dma source(%dma_start3A_288 : memref<8x128xi32, #tpu.memory_space<hbm>>) target(%arg8 : memref<8x128xi32, #tpu.memory_space<vmem>>) target_semaphore(%arg16 : memref<!tpu.dma_semaphore, #tpu.memory_space<semaphore_mem>>)
        %dma_start3A_289 = arith.constant 0 : i32
        %dma_start3A_290 = tpu.memref_slice %arg4[%add3A_284, %dma_start3A_289] : memref<2560x128xi32, #tpu.memory_space<hbm>> -> memref<8x128xi32, #tpu.memory_space<hbm>>
        %dma_start3A_291 = arith.constant 0 : i32
        %dma_start3A_292 = tpu.memref_slice %arg4[%add3A_284, %dma_start3A_291] : memref<2560x128xi32, #tpu.memory_space<hbm>> -> memref<8x128xi32, #tpu.memory_space<hbm>>
        tpu.enqueue_dma source(%dma_start3A_292 : memref<8x128xi32, #tpu.memory_space<hbm>>) target(%arg9 : memref<8x128xi32, #tpu.memory_space<vmem>>) target_semaphore(%arg16 : memref<!tpu.dma_semaphore, #tpu.memory_space<semaphore_mem>>)
      } else {
      }
      %dma_wait3A_160 = arith.constant 0 : i32
      %dma_wait3A_161 = arith.constant 0 : i32
      %dma_wait3A_162 = tpu.memref_slice %arg10[%dma_wait3A_160, %dma_wait3A_161] : memref<8x128xi32, #tpu.memory_space<vmem>> -> memref<1x128xi32, #tpu.memory_space<vmem>>
      %dma_wait3A_163 = tpu.memref_squeeze %dma_wait3A_162 : memref<1x128xi32, #tpu.memory_space<vmem>> -> memref<128xi32, #tpu.memory_space<vmem>>
      %dma_wait3A_164 = arith.constant 0 : i32
      %dma_wait3A_165 = arith.constant 0 : i32
      %dma_wait3A_166 = tpu.memref_slice %arg2[%dma_wait3A_164, %dma_wait3A_165] : memref<10240x128xf32, #tpu.memory_space<hbm>> -> memref<10240x128xf32, #tpu.memory_space<hbm>>
      tpu.wait_indirect_dma semaphore(%arg14 : memref<!tpu.dma_semaphore, #tpu.memory_space<semaphore_mem>>) src(%dma_wait3A_166 : memref<10240x128xf32, #tpu.memory_space<hbm>>) dst(%arg12 : memref<128x128xf32, #tpu.memory_space<vmem>>)
      %dma_start3A_167 = arith.constant 1 : i32
      %dma_start3A_168 = arith.constant 0 : i32
      %dma_start3A_169 = tpu.memref_slice %arg10[%dma_start3A_167, %dma_start3A_168] : memref<8x128xi32, #tpu.memory_space<vmem>> -> memref<1x128xi32, #tpu.memory_space<vmem>>
      %dma_start3A_170 = tpu.memref_squeeze %dma_start3A_169 : memref<1x128xi32, #tpu.memory_space<vmem>> -> memref<128xi32, #tpu.memory_space<vmem>>
      %dma_start3A_171 = arith.constant 0 : i32
      %dma_start3A_172 = arith.constant 0 : i32
      %dma_start3A_173 = tpu.memref_slice %arg2[%dma_start3A_171, %dma_start3A_172] : memref<10240x128xf32, #tpu.memory_space<hbm>> -> memref<10240x128xf32, #tpu.memory_space<hbm>>
      tpu.enqueue_indirect_dma source(%dma_start3A_173 : memref<10240x128xf32, #tpu.memory_space<hbm>>) target(%arg13 : memref<128x128xf32, #tpu.memory_space<vmem>>) offsets(%dma_start3A_170 : memref<128xi32, #tpu.memory_space<vmem>>) semaphore(%arg15 : memref<!tpu.dma_semaphore, #tpu.memory_space<semaphore_mem>>)
      %run_scoped3A_174 = arith.constant 0 : i32
      "tpu.region"() ({
        %run_scoped3A_280 = tpu.sem_alloc : memref<!tpu.dma_semaphore, #tpu.memory_space<semaphore_mem>>
        %dma_start3A_281 = arith.constant 0 : i32
        %dma_start3A_282 = tpu.memref_slice %arg11[%run_scoped3A_174, %dma_start3A_281] : memref<8x128xi32, #tpu.memory_space<vmem>> -> memref<1x128xi32, #tpu.memory_space<vmem>>
        %dma_start3A_283 = tpu.memref_squeeze %dma_start3A_282 : memref<1x128xi32, #tpu.memory_space<vmem>> -> memref<128xi32, #tpu.memory_space<vmem>>
        %dma_start3A_284 = arith.constant 0 : i32
        %dma_start3A_285 = arith.constant 0 : i32
        %dma_start3A_286 = tpu.memref_slice %arg7[%dma_start3A_284, %dma_start3A_285] : memref<10240x128xf32, #tpu.memory_space<vmem_shared>> -> memref<10240x128xf32, #tpu.memory_space<vmem_shared>>
        tpu.enqueue_indirect_dma source(%arg12 : memref<128x128xf32, #tpu.memory_space<vmem>>) target(%dma_start3A_286 : memref<10240x128xf32, #tpu.memory_space<vmem_shared>>) offsets(%dma_start3A_283 : memref<128xi32, #tpu.memory_space<vmem>>) semaphore(%run_scoped3A_280 : memref<!tpu.dma_semaphore, #tpu.memory_space<semaphore_mem>>) {add = true}
        %dma_wait3A_287 = arith.constant 0 : i32
        %dma_wait3A_288 = tpu.memref_slice %arg11[%run_scoped3A_174, %dma_wait3A_287] : memref<8x128xi32, #tpu.memory_space<vmem>> -> memref<1x128xi32, #tpu.memory_space<vmem>>
        %dma_wait3A_289 = tpu.memref_squeeze %dma_wait3A_288 : memref<1x128xi32, #tpu.memory_space<vmem>> -> memref<128xi32, #tpu.memory_space<vmem>>
        %dma_wait3A_290 = arith.constant 0 : i32
        %dma_wait3A_291 = arith.constant 0 : i32
        %dma_wait3A_292 = tpu.memref_slice %arg7[%dma_wait3A_290, %dma_wait3A_291] : memref<10240x128xf32, #tpu.memory_space<vmem_shared>> -> memref<10240x128xf32, #tpu.memory_space<vmem_shared>>
        tpu.wait_indirect_dma semaphore(%run_scoped3A_280 : memref<!tpu.dma_semaphore, #tpu.memory_space<semaphore_mem>>) src(%arg12 : memref<128x128xf32, #tpu.memory_space<vmem>>) dst(%dma_wait3A_292 : memref<10240x128xf32, #tpu.memory_space<vmem_shared>>)
        tpu.yield
      }) : () -> ()
      %dma_wait3A_175 = arith.constant 1 : i32
      %dma_wait3A_176 = arith.constant 0 : i32
      %dma_wait3A_177 = tpu.memref_slice %arg10[%dma_wait3A_175, %dma_wait3A_176] : memref<8x128xi32, #tpu.memory_space<vmem>> -> memref<1x128xi32, #tpu.memory_space<vmem>>
      %dma_wait3A_178 = tpu.memref_squeeze %dma_wait3A_177 : memref<1x128xi32, #tpu.memory_space<vmem>> -> memref<128xi32, #tpu.memory_space<vmem>>
      %dma_wait3A_179 = arith.constant 0 : i32
      %dma_wait3A_180 = arith.constant 0 : i32
      %dma_wait3A_181 = tpu.memref_slice %arg2[%dma_wait3A_179, %dma_wait3A_180] : memref<10240x128xf32, #tpu.memory_space<hbm>> -> memref<10240x128xf32, #tpu.memory_space<hbm>>
      tpu.wait_indirect_dma semaphore(%arg15 : memref<!tpu.dma_semaphore, #tpu.memory_space<semaphore_mem>>) src(%dma_wait3A_181 : memref<10240x128xf32, #tpu.memory_space<hbm>>) dst(%arg13 : memref<128x128xf32, #tpu.memory_space<vmem>>)
      %dma_start3A_182 = arith.constant 2 : i32
      %dma_start3A_183 = arith.constant 0 : i32
      %dma_start3A_184 = tpu.memref_slice %arg10[%dma_start3A_182, %dma_start3A_183] : memref<8x128xi32, #tpu.memory_space<vmem>> -> memref<1x128xi32, #tpu.memory_space<vmem>>
      %dma_start3A_185 = tpu.memref_squeeze %dma_start3A_184 : memref<1x128xi32, #tpu.memory_space<vmem>> -> memref<128xi32, #tpu.memory_space<vmem>>
      %dma_start3A_186 = arith.constant 0 : i32
      %dma_start3A_187 = arith.constant 0 : i32
      %dma_start3A_188 = tpu.memref_slice %arg2[%dma_start3A_186, %dma_start3A_187] : memref<10240x128xf32, #tpu.memory_space<hbm>> -> memref<10240x128xf32, #tpu.memory_space<hbm>>
      tpu.enqueue_indirect_dma source(%dma_start3A_188 : memref<10240x128xf32, #tpu.memory_space<hbm>>) target(%arg12 : memref<128x128xf32, #tpu.memory_space<vmem>>) offsets(%dma_start3A_185 : memref<128xi32, #tpu.memory_space<vmem>>) semaphore(%arg14 : memref<!tpu.dma_semaphore, #tpu.memory_space<semaphore_mem>>)
      %run_scoped3A_189 = arith.constant 1 : i32
      "tpu.region"() ({
        %run_scoped3A_280 = tpu.sem_alloc : memref<!tpu.dma_semaphore, #tpu.memory_space<semaphore_mem>>
        %dma_start3A_281 = arith.constant 0 : i32
        %dma_start3A_282 = tpu.memref_slice %arg11[%run_scoped3A_189, %dma_start3A_281] : memref<8x128xi32, #tpu.memory_space<vmem>> -> memref<1x128xi32, #tpu.memory_space<vmem>>
        %dma_start3A_283 = tpu.memref_squeeze %dma_start3A_282 : memref<1x128xi32, #tpu.memory_space<vmem>> -> memref<128xi32, #tpu.memory_space<vmem>>
        %dma_start3A_284 = arith.constant 0 : i32
        %dma_start3A_285 = arith.constant 0 : i32
        %dma_start3A_286 = tpu.memref_slice %arg7[%dma_start3A_284, %dma_start3A_285] : memref<10240x128xf32, #tpu.memory_space<vmem_shared>> -> memref<10240x128xf32, #tpu.memory_space<vmem_shared>>
        tpu.enqueue_indirect_dma source(%arg13 : memref<128x128xf32, #tpu.memory_space<vmem>>) target(%dma_start3A_286 : memref<10240x128xf32, #tpu.memory_space<vmem_shared>>) offsets(%dma_start3A_283 : memref<128xi32, #tpu.memory_space<vmem>>) semaphore(%run_scoped3A_280 : memref<!tpu.dma_semaphore, #tpu.memory_space<semaphore_mem>>) {add = true}
        %dma_wait3A_287 = arith.constant 0 : i32
        %dma_wait3A_288 = tpu.memref_slice %arg11[%run_scoped3A_189, %dma_wait3A_287] : memref<8x128xi32, #tpu.memory_space<vmem>> -> memref<1x128xi32, #tpu.memory_space<vmem>>
        %dma_wait3A_289 = tpu.memref_squeeze %dma_wait3A_288 : memref<1x128xi32, #tpu.memory_space<vmem>> -> memref<128xi32, #tpu.memory_space<vmem>>
        %dma_wait3A_290 = arith.constant 0 : i32
        %dma_wait3A_291 = arith.constant 0 : i32
        %dma_wait3A_292 = tpu.memref_slice %arg7[%dma_wait3A_290, %dma_wait3A_291] : memref<10240x128xf32, #tpu.memory_space<vmem_shared>> -> memref<10240x128xf32, #tpu.memory_space<vmem_shared>>
        tpu.wait_indirect_dma semaphore(%run_scoped3A_280 : memref<!tpu.dma_semaphore, #tpu.memory_space<semaphore_mem>>) src(%arg13 : memref<128x128xf32, #tpu.memory_space<vmem>>) dst(%dma_wait3A_292 : memref<10240x128xf32, #tpu.memory_space<vmem_shared>>)
        tpu.yield
      }) : () -> ()
      %dma_wait3A_190 = arith.constant 2 : i32
      %dma_wait3A_191 = arith.constant 0 : i32
      %dma_wait3A_192 = tpu.memref_slice %arg10[%dma_wait3A_190, %dma_wait3A_191] : memref<8x128xi32, #tpu.memory_space<vmem>> -> memref<1x128xi32, #tpu.memory_space<vmem>>
      %dma_wait3A_193 = tpu.memref_squeeze %dma_wait3A_192 : memref<1x128xi32, #tpu.memory_space<vmem>> -> memref<128xi32, #tpu.memory_space<vmem>>
      %dma_wait3A_194 = arith.constant 0 : i32
      %dma_wait3A_195 = arith.constant 0 : i32
      %dma_wait3A_196 = tpu.memref_slice %arg2[%dma_wait3A_194, %dma_wait3A_195] : memref<10240x128xf32, #tpu.memory_space<hbm>> -> memref<10240x128xf32, #tpu.memory_space<hbm>>
      tpu.wait_indirect_dma semaphore(%arg14 : memref<!tpu.dma_semaphore, #tpu.memory_space<semaphore_mem>>) src(%dma_wait3A_196 : memref<10240x128xf32, #tpu.memory_space<hbm>>) dst(%arg12 : memref<128x128xf32, #tpu.memory_space<vmem>>)
      %dma_start3A_197 = arith.constant 3 : i32
      %dma_start3A_198 = arith.constant 0 : i32
      %dma_start3A_199 = tpu.memref_slice %arg10[%dma_start3A_197, %dma_start3A_198] : memref<8x128xi32, #tpu.memory_space<vmem>> -> memref<1x128xi32, #tpu.memory_space<vmem>>
      %dma_start3A_200 = tpu.memref_squeeze %dma_start3A_199 : memref<1x128xi32, #tpu.memory_space<vmem>> -> memref<128xi32, #tpu.memory_space<vmem>>
      %dma_start3A_201 = arith.constant 0 : i32
      %dma_start3A_202 = arith.constant 0 : i32
      %dma_start3A_203 = tpu.memref_slice %arg2[%dma_start3A_201, %dma_start3A_202] : memref<10240x128xf32, #tpu.memory_space<hbm>> -> memref<10240x128xf32, #tpu.memory_space<hbm>>
      tpu.enqueue_indirect_dma source(%dma_start3A_203 : memref<10240x128xf32, #tpu.memory_space<hbm>>) target(%arg13 : memref<128x128xf32, #tpu.memory_space<vmem>>) offsets(%dma_start3A_200 : memref<128xi32, #tpu.memory_space<vmem>>) semaphore(%arg15 : memref<!tpu.dma_semaphore, #tpu.memory_space<semaphore_mem>>)
      %run_scoped3A_204 = arith.constant 2 : i32
      "tpu.region"() ({
        %run_scoped3A_280 = tpu.sem_alloc : memref<!tpu.dma_semaphore, #tpu.memory_space<semaphore_mem>>
        %dma_start3A_281 = arith.constant 0 : i32
        %dma_start3A_282 = tpu.memref_slice %arg11[%run_scoped3A_204, %dma_start3A_281] : memref<8x128xi32, #tpu.memory_space<vmem>> -> memref<1x128xi32, #tpu.memory_space<vmem>>
        %dma_start3A_283 = tpu.memref_squeeze %dma_start3A_282 : memref<1x128xi32, #tpu.memory_space<vmem>> -> memref<128xi32, #tpu.memory_space<vmem>>
        %dma_start3A_284 = arith.constant 0 : i32
        %dma_start3A_285 = arith.constant 0 : i32
        %dma_start3A_286 = tpu.memref_slice %arg7[%dma_start3A_284, %dma_start3A_285] : memref<10240x128xf32, #tpu.memory_space<vmem_shared>> -> memref<10240x128xf32, #tpu.memory_space<vmem_shared>>
        tpu.enqueue_indirect_dma source(%arg12 : memref<128x128xf32, #tpu.memory_space<vmem>>) target(%dma_start3A_286 : memref<10240x128xf32, #tpu.memory_space<vmem_shared>>) offsets(%dma_start3A_283 : memref<128xi32, #tpu.memory_space<vmem>>) semaphore(%run_scoped3A_280 : memref<!tpu.dma_semaphore, #tpu.memory_space<semaphore_mem>>) {add = true}
        %dma_wait3A_287 = arith.constant 0 : i32
        %dma_wait3A_288 = tpu.memref_slice %arg11[%run_scoped3A_204, %dma_wait3A_287] : memref<8x128xi32, #tpu.memory_space<vmem>> -> memref<1x128xi32, #tpu.memory_space<vmem>>
        %dma_wait3A_289 = tpu.memref_squeeze %dma_wait3A_288 : memref<1x128xi32, #tpu.memory_space<vmem>> -> memref<128xi32, #tpu.memory_space<vmem>>
        %dma_wait3A_290 = arith.constant 0 : i32
        %dma_wait3A_291 = arith.constant 0 : i32
        %dma_wait3A_292 = tpu.memref_slice %arg7[%dma_wait3A_290, %dma_wait3A_291] : memref<10240x128xf32, #tpu.memory_space<vmem_shared>> -> memref<10240x128xf32, #tpu.memory_space<vmem_shared>>
        tpu.wait_indirect_dma semaphore(%run_scoped3A_280 : memref<!tpu.dma_semaphore, #tpu.memory_space<semaphore_mem>>) src(%arg12 : memref<128x128xf32, #tpu.memory_space<vmem>>) dst(%dma_wait3A_292 : memref<10240x128xf32, #tpu.memory_space<vmem_shared>>)
        tpu.yield
      }) : () -> ()
      %dma_wait3A_205 = arith.constant 3 : i32
      %dma_wait3A_206 = arith.constant 0 : i32
      %dma_wait3A_207 = tpu.memref_slice %arg10[%dma_wait3A_205, %dma_wait3A_206] : memref<8x128xi32, #tpu.memory_space<vmem>> -> memref<1x128xi32, #tpu.memory_space<vmem>>
      %dma_wait3A_208 = tpu.memref_squeeze %dma_wait3A_207 : memref<1x128xi32, #tpu.memory_space<vmem>> -> memref<128xi32, #tpu.memory_space<vmem>>
      %dma_wait3A_209 = arith.constant 0 : i32
      %dma_wait3A_210 = arith.constant 0 : i32
      %dma_wait3A_211 = tpu.memref_slice %arg2[%dma_wait3A_209, %dma_wait3A_210] : memref<10240x128xf32, #tpu.memory_space<hbm>> -> memref<10240x128xf32, #tpu.memory_space<hbm>>
      tpu.wait_indirect_dma semaphore(%arg15 : memref<!tpu.dma_semaphore, #tpu.memory_space<semaphore_mem>>) src(%dma_wait3A_211 : memref<10240x128xf32, #tpu.memory_space<hbm>>) dst(%arg13 : memref<128x128xf32, #tpu.memory_space<vmem>>)
      %dma_start3A_212 = arith.constant 4 : i32
      %dma_start3A_213 = arith.constant 0 : i32
      %dma_start3A_214 = tpu.memref_slice %arg10[%dma_start3A_212, %dma_start3A_213] : memref<8x128xi32, #tpu.memory_space<vmem>> -> memref<1x128xi32, #tpu.memory_space<vmem>>
      %dma_start3A_215 = tpu.memref_squeeze %dma_start3A_214 : memref<1x128xi32, #tpu.memory_space<vmem>> -> memref<128xi32, #tpu.memory_space<vmem>>
      %dma_start3A_216 = arith.constant 0 : i32
      %dma_start3A_217 = arith.constant 0 : i32
      %dma_start3A_218 = tpu.memref_slice %arg2[%dma_start3A_216, %dma_start3A_217] : memref<10240x128xf32, #tpu.memory_space<hbm>> -> memref<10240x128xf32, #tpu.memory_space<hbm>>
      tpu.enqueue_indirect_dma source(%dma_start3A_218 : memref<10240x128xf32, #tpu.memory_space<hbm>>) target(%arg12 : memref<128x128xf32, #tpu.memory_space<vmem>>) offsets(%dma_start3A_215 : memref<128xi32, #tpu.memory_space<vmem>>) semaphore(%arg14 : memref<!tpu.dma_semaphore, #tpu.memory_space<semaphore_mem>>)
      %run_scoped3A_219 = arith.constant 3 : i32
      "tpu.region"() ({
        %run_scoped3A_280 = tpu.sem_alloc : memref<!tpu.dma_semaphore, #tpu.memory_space<semaphore_mem>>
        %dma_start3A_281 = arith.constant 0 : i32
        %dma_start3A_282 = tpu.memref_slice %arg11[%run_scoped3A_219, %dma_start3A_281] : memref<8x128xi32, #tpu.memory_space<vmem>> -> memref<1x128xi32, #tpu.memory_space<vmem>>
        %dma_start3A_283 = tpu.memref_squeeze %dma_start3A_282 : memref<1x128xi32, #tpu.memory_space<vmem>> -> memref<128xi32, #tpu.memory_space<vmem>>
        %dma_start3A_284 = arith.constant 0 : i32
        %dma_start3A_285 = arith.constant 0 : i32
        %dma_start3A_286 = tpu.memref_slice %arg7[%dma_start3A_284, %dma_start3A_285] : memref<10240x128xf32, #tpu.memory_space<vmem_shared>> -> memref<10240x128xf32, #tpu.memory_space<vmem_shared>>
        tpu.enqueue_indirect_dma source(%arg13 : memref<128x128xf32, #tpu.memory_space<vmem>>) target(%dma_start3A_286 : memref<10240x128xf32, #tpu.memory_space<vmem_shared>>) offsets(%dma_start3A_283 : memref<128xi32, #tpu.memory_space<vmem>>) semaphore(%run_scoped3A_280 : memref<!tpu.dma_semaphore, #tpu.memory_space<semaphore_mem>>) {add = true}
        %dma_wait3A_287 = arith.constant 0 : i32
        %dma_wait3A_288 = tpu.memref_slice %arg11[%run_scoped3A_219, %dma_wait3A_287] : memref<8x128xi32, #tpu.memory_space<vmem>> -> memref<1x128xi32, #tpu.memory_space<vmem>>
        %dma_wait3A_289 = tpu.memref_squeeze %dma_wait3A_288 : memref<1x128xi32, #tpu.memory_space<vmem>> -> memref<128xi32, #tpu.memory_space<vmem>>
        %dma_wait3A_290 = arith.constant 0 : i32
        %dma_wait3A_291 = arith.constant 0 : i32
        %dma_wait3A_292 = tpu.memref_slice %arg7[%dma_wait3A_290, %dma_wait3A_291] : memref<10240x128xf32, #tpu.memory_space<vmem_shared>> -> memref<10240x128xf32, #tpu.memory_space<vmem_shared>>
        tpu.wait_indirect_dma semaphore(%run_scoped3A_280 : memref<!tpu.dma_semaphore, #tpu.memory_space<semaphore_mem>>) src(%arg13 : memref<128x128xf32, #tpu.memory_space<vmem>>) dst(%dma_wait3A_292 : memref<10240x128xf32, #tpu.memory_space<vmem_shared>>)
        tpu.yield
      }) : () -> ()
      %dma_wait3A_220 = arith.constant 4 : i32
      %dma_wait3A_221 = arith.constant 0 : i32
      %dma_wait3A_222 = tpu.memref_slice %arg10[%dma_wait3A_220, %dma_wait3A_221] : memref<8x128xi32, #tpu.memory_space<vmem>> -> memref<1x128xi32, #tpu.memory_space<vmem>>
      %dma_wait3A_223 = tpu.memref_squeeze %dma_wait3A_222 : memref<1x128xi32, #tpu.memory_space<vmem>> -> memref<128xi32, #tpu.memory_space<vmem>>
      %dma_wait3A_224 = arith.constant 0 : i32
      %dma_wait3A_225 = arith.constant 0 : i32
      %dma_wait3A_226 = tpu.memref_slice %arg2[%dma_wait3A_224, %dma_wait3A_225] : memref<10240x128xf32, #tpu.memory_space<hbm>> -> memref<10240x128xf32, #tpu.memory_space<hbm>>
      tpu.wait_indirect_dma semaphore(%arg14 : memref<!tpu.dma_semaphore, #tpu.memory_space<semaphore_mem>>) src(%dma_wait3A_226 : memref<10240x128xf32, #tpu.memory_space<hbm>>) dst(%arg12 : memref<128x128xf32, #tpu.memory_space<vmem>>)
      %dma_start3A_227 = arith.constant 5 : i32
      %dma_start3A_228 = arith.constant 0 : i32
      %dma_start3A_229 = tpu.memref_slice %arg10[%dma_start3A_227, %dma_start3A_228] : memref<8x128xi32, #tpu.memory_space<vmem>> -> memref<1x128xi32, #tpu.memory_space<vmem>>
      %dma_start3A_230 = tpu.memref_squeeze %dma_start3A_229 : memref<1x128xi32, #tpu.memory_space<vmem>> -> memref<128xi32, #tpu.memory_space<vmem>>
      %dma_start3A_231 = arith.constant 0 : i32
      %dma_start3A_232 = arith.constant 0 : i32
      %dma_start3A_233 = tpu.memref_slice %arg2[%dma_start3A_231, %dma_start3A_232] : memref<10240x128xf32, #tpu.memory_space<hbm>> -> memref<10240x128xf32, #tpu.memory_space<hbm>>
      tpu.enqueue_indirect_dma source(%dma_start3A_233 : memref<10240x128xf32, #tpu.memory_space<hbm>>) target(%arg13 : memref<128x128xf32, #tpu.memory_space<vmem>>) offsets(%dma_start3A_230 : memref<128xi32, #tpu.memory_space<vmem>>) semaphore(%arg15 : memref<!tpu.dma_semaphore, #tpu.memory_space<semaphore_mem>>)
      %run_scoped3A_234 = arith.constant 4 : i32
      "tpu.region"() ({
        %run_scoped3A_280 = tpu.sem_alloc : memref<!tpu.dma_semaphore, #tpu.memory_space<semaphore_mem>>
        %dma_start3A_281 = arith.constant 0 : i32
        %dma_start3A_282 = tpu.memref_slice %arg11[%run_scoped3A_234, %dma_start3A_281] : memref<8x128xi32, #tpu.memory_space<vmem>> -> memref<1x128xi32, #tpu.memory_space<vmem>>
        %dma_start3A_283 = tpu.memref_squeeze %dma_start3A_282 : memref<1x128xi32, #tpu.memory_space<vmem>> -> memref<128xi32, #tpu.memory_space<vmem>>
        %dma_start3A_284 = arith.constant 0 : i32
        %dma_start3A_285 = arith.constant 0 : i32
        %dma_start3A_286 = tpu.memref_slice %arg7[%dma_start3A_284, %dma_start3A_285] : memref<10240x128xf32, #tpu.memory_space<vmem_shared>> -> memref<10240x128xf32, #tpu.memory_space<vmem_shared>>
        tpu.enqueue_indirect_dma source(%arg12 : memref<128x128xf32, #tpu.memory_space<vmem>>) target(%dma_start3A_286 : memref<10240x128xf32, #tpu.memory_space<vmem_shared>>) offsets(%dma_start3A_283 : memref<128xi32, #tpu.memory_space<vmem>>) semaphore(%run_scoped3A_280 : memref<!tpu.dma_semaphore, #tpu.memory_space<semaphore_mem>>) {add = true}
        %dma_wait3A_287 = arith.constant 0 : i32
        %dma_wait3A_288 = tpu.memref_slice %arg11[%run_scoped3A_234, %dma_wait3A_287] : memref<8x128xi32, #tpu.memory_space<vmem>> -> memref<1x128xi32, #tpu.memory_space<vmem>>
        %dma_wait3A_289 = tpu.memref_squeeze %dma_wait3A_288 : memref<1x128xi32, #tpu.memory_space<vmem>> -> memref<128xi32, #tpu.memory_space<vmem>>
        %dma_wait3A_290 = arith.constant 0 : i32
        %dma_wait3A_291 = arith.constant 0 : i32
        %dma_wait3A_292 = tpu.memref_slice %arg7[%dma_wait3A_290, %dma_wait3A_291] : memref<10240x128xf32, #tpu.memory_space<vmem_shared>> -> memref<10240x128xf32, #tpu.memory_space<vmem_shared>>
        tpu.wait_indirect_dma semaphore(%run_scoped3A_280 : memref<!tpu.dma_semaphore, #tpu.memory_space<semaphore_mem>>) src(%arg12 : memref<128x128xf32, #tpu.memory_space<vmem>>) dst(%dma_wait3A_292 : memref<10240x128xf32, #tpu.memory_space<vmem_shared>>)
        tpu.yield
      }) : () -> ()
      %dma_wait3A_235 = arith.constant 5 : i32
      %dma_wait3A_236 = arith.constant 0 : i32
      %dma_wait3A_237 = tpu.memref_slice %arg10[%dma_wait3A_235, %dma_wait3A_236] : memref<8x128xi32, #tpu.memory_space<vmem>> -> memref<1x128xi32, #tpu.memory_space<vmem>>
      %dma_wait3A_238 = tpu.memref_squeeze %dma_wait3A_237 : memref<1x128xi32, #tpu.memory_space<vmem>> -> memref<128xi32, #tpu.memory_space<vmem>>
      %dma_wait3A_239 = arith.constant 0 : i32
      %dma_wait3A_240 = arith.constant 0 : i32
      %dma_wait3A_241 = tpu.memref_slice %arg2[%dma_wait3A_239, %dma_wait3A_240] : memref<10240x128xf32, #tpu.memory_space<hbm>> -> memref<10240x128xf32, #tpu.memory_space<hbm>>
      tpu.wait_indirect_dma semaphore(%arg15 : memref<!tpu.dma_semaphore, #tpu.memory_space<semaphore_mem>>) src(%dma_wait3A_241 : memref<10240x128xf32, #tpu.memory_space<hbm>>) dst(%arg13 : memref<128x128xf32, #tpu.memory_space<vmem>>)
      %dma_start3A_242 = arith.constant 6 : i32
      %dma_start3A_243 = arith.constant 0 : i32
      %dma_start3A_244 = tpu.memref_slice %arg10[%dma_start3A_242, %dma_start3A_243] : memref<8x128xi32, #tpu.memory_space<vmem>> -> memref<1x128xi32, #tpu.memory_space<vmem>>
      %dma_start3A_245 = tpu.memref_squeeze %dma_start3A_244 : memref<1x128xi32, #tpu.memory_space<vmem>> -> memref<128xi32, #tpu.memory_space<vmem>>
      %dma_start3A_246 = arith.constant 0 : i32
      %dma_start3A_247 = arith.constant 0 : i32
      %dma_start3A_248 = tpu.memref_slice %arg2[%dma_start3A_246, %dma_start3A_247] : memref<10240x128xf32, #tpu.memory_space<hbm>> -> memref<10240x128xf32, #tpu.memory_space<hbm>>
      tpu.enqueue_indirect_dma source(%dma_start3A_248 : memref<10240x128xf32, #tpu.memory_space<hbm>>) target(%arg12 : memref<128x128xf32, #tpu.memory_space<vmem>>) offsets(%dma_start3A_245 : memref<128xi32, #tpu.memory_space<vmem>>) semaphore(%arg14 : memref<!tpu.dma_semaphore, #tpu.memory_space<semaphore_mem>>)
      %run_scoped3A_249 = arith.constant 5 : i32
      "tpu.region"() ({
        %run_scoped3A_280 = tpu.sem_alloc : memref<!tpu.dma_semaphore, #tpu.memory_space<semaphore_mem>>
        %dma_start3A_281 = arith.constant 0 : i32
        %dma_start3A_282 = tpu.memref_slice %arg11[%run_scoped3A_249, %dma_start3A_281] : memref<8x128xi32, #tpu.memory_space<vmem>> -> memref<1x128xi32, #tpu.memory_space<vmem>>
        %dma_start3A_283 = tpu.memref_squeeze %dma_start3A_282 : memref<1x128xi32, #tpu.memory_space<vmem>> -> memref<128xi32, #tpu.memory_space<vmem>>
        %dma_start3A_284 = arith.constant 0 : i32
        %dma_start3A_285 = arith.constant 0 : i32
        %dma_start3A_286 = tpu.memref_slice %arg7[%dma_start3A_284, %dma_start3A_285] : memref<10240x128xf32, #tpu.memory_space<vmem_shared>> -> memref<10240x128xf32, #tpu.memory_space<vmem_shared>>
        tpu.enqueue_indirect_dma source(%arg13 : memref<128x128xf32, #tpu.memory_space<vmem>>) target(%dma_start3A_286 : memref<10240x128xf32, #tpu.memory_space<vmem_shared>>) offsets(%dma_start3A_283 : memref<128xi32, #tpu.memory_space<vmem>>) semaphore(%run_scoped3A_280 : memref<!tpu.dma_semaphore, #tpu.memory_space<semaphore_mem>>) {add = true}
        %dma_wait3A_287 = arith.constant 0 : i32
        %dma_wait3A_288 = tpu.memref_slice %arg11[%run_scoped3A_249, %dma_wait3A_287] : memref<8x128xi32, #tpu.memory_space<vmem>> -> memref<1x128xi32, #tpu.memory_space<vmem>>
        %dma_wait3A_289 = tpu.memref_squeeze %dma_wait3A_288 : memref<1x128xi32, #tpu.memory_space<vmem>> -> memref<128xi32, #tpu.memory_space<vmem>>
        %dma_wait3A_290 = arith.constant 0 : i32
        %dma_wait3A_291 = arith.constant 0 : i32
        %dma_wait3A_292 = tpu.memref_slice %arg7[%dma_wait3A_290, %dma_wait3A_291] : memref<10240x128xf32, #tpu.memory_space<vmem_shared>> -> memref<10240x128xf32, #tpu.memory_space<vmem_shared>>
        tpu.wait_indirect_dma semaphore(%run_scoped3A_280 : memref<!tpu.dma_semaphore, #tpu.memory_space<semaphore_mem>>) src(%arg13 : memref<128x128xf32, #tpu.memory_space<vmem>>) dst(%dma_wait3A_292 : memref<10240x128xf32, #tpu.memory_space<vmem_shared>>)
        tpu.yield
      }) : () -> ()
      %dma_wait3A_250 = arith.constant 6 : i32
      %dma_wait3A_251 = arith.constant 0 : i32
      %dma_wait3A_252 = tpu.memref_slice %arg10[%dma_wait3A_250, %dma_wait3A_251] : memref<8x128xi32, #tpu.memory_space<vmem>> -> memref<1x128xi32, #tpu.memory_space<vmem>>
      %dma_wait3A_253 = tpu.memref_squeeze %dma_wait3A_252 : memref<1x128xi32, #tpu.memory_space<vmem>> -> memref<128xi32, #tpu.memory_space<vmem>>
      %dma_wait3A_254 = arith.constant 0 : i32
      %dma_wait3A_255 = arith.constant 0 : i32
      %dma_wait3A_256 = tpu.memref_slice %arg2[%dma_wait3A_254, %dma_wait3A_255] : memref<10240x128xf32, #tpu.memory_space<hbm>> -> memref<10240x128xf32, #tpu.memory_space<hbm>>
      tpu.wait_indirect_dma semaphore(%arg14 : memref<!tpu.dma_semaphore, #tpu.memory_space<semaphore_mem>>) src(%dma_wait3A_256 : memref<10240x128xf32, #tpu.memory_space<hbm>>) dst(%arg12 : memref<128x128xf32, #tpu.memory_space<vmem>>)
      %dma_start3A_257 = arith.constant 7 : i32
      %dma_start3A_258 = arith.constant 0 : i32
      %dma_start3A_259 = tpu.memref_slice %arg10[%dma_start3A_257, %dma_start3A_258] : memref<8x128xi32, #tpu.memory_space<vmem>> -> memref<1x128xi32, #tpu.memory_space<vmem>>
      %dma_start3A_260 = tpu.memref_squeeze %dma_start3A_259 : memref<1x128xi32, #tpu.memory_space<vmem>> -> memref<128xi32, #tpu.memory_space<vmem>>
      %dma_start3A_261 = arith.constant 0 : i32
      %dma_start3A_262 = arith.constant 0 : i32
      %dma_start3A_263 = tpu.memref_slice %arg2[%dma_start3A_261, %dma_start3A_262] : memref<10240x128xf32, #tpu.memory_space<hbm>> -> memref<10240x128xf32, #tpu.memory_space<hbm>>
      tpu.enqueue_indirect_dma source(%dma_start3A_263 : memref<10240x128xf32, #tpu.memory_space<hbm>>) target(%arg13 : memref<128x128xf32, #tpu.memory_space<vmem>>) offsets(%dma_start3A_260 : memref<128xi32, #tpu.memory_space<vmem>>) semaphore(%arg15 : memref<!tpu.dma_semaphore, #tpu.memory_space<semaphore_mem>>)
      %run_scoped3A_264 = arith.constant 6 : i32
      "tpu.region"() ({
        %run_scoped3A_280 = tpu.sem_alloc : memref<!tpu.dma_semaphore, #tpu.memory_space<semaphore_mem>>
        %dma_start3A_281 = arith.constant 0 : i32
        %dma_start3A_282 = tpu.memref_slice %arg11[%run_scoped3A_264, %dma_start3A_281] : memref<8x128xi32, #tpu.memory_space<vmem>> -> memref<1x128xi32, #tpu.memory_space<vmem>>
        %dma_start3A_283 = tpu.memref_squeeze %dma_start3A_282 : memref<1x128xi32, #tpu.memory_space<vmem>> -> memref<128xi32, #tpu.memory_space<vmem>>
        %dma_start3A_284 = arith.constant 0 : i32
        %dma_start3A_285 = arith.constant 0 : i32
        %dma_start3A_286 = tpu.memref_slice %arg7[%dma_start3A_284, %dma_start3A_285] : memref<10240x128xf32, #tpu.memory_space<vmem_shared>> -> memref<10240x128xf32, #tpu.memory_space<vmem_shared>>
        tpu.enqueue_indirect_dma source(%arg12 : memref<128x128xf32, #tpu.memory_space<vmem>>) target(%dma_start3A_286 : memref<10240x128xf32, #tpu.memory_space<vmem_shared>>) offsets(%dma_start3A_283 : memref<128xi32, #tpu.memory_space<vmem>>) semaphore(%run_scoped3A_280 : memref<!tpu.dma_semaphore, #tpu.memory_space<semaphore_mem>>) {add = true}
        %dma_wait3A_287 = arith.constant 0 : i32
        %dma_wait3A_288 = tpu.memref_slice %arg11[%run_scoped3A_264, %dma_wait3A_287] : memref<8x128xi32, #tpu.memory_space<vmem>> -> memref<1x128xi32, #tpu.memory_space<vmem>>
        %dma_wait3A_289 = tpu.memref_squeeze %dma_wait3A_288 : memref<1x128xi32, #tpu.memory_space<vmem>> -> memref<128xi32, #tpu.memory_space<vmem>>
        %dma_wait3A_290 = arith.constant 0 : i32
        %dma_wait3A_291 = arith.constant 0 : i32
        %dma_wait3A_292 = tpu.memref_slice %arg7[%dma_wait3A_290, %dma_wait3A_291] : memref<10240x128xf32, #tpu.memory_space<vmem_shared>> -> memref<10240x128xf32, #tpu.memory_space<vmem_shared>>
        tpu.wait_indirect_dma semaphore(%run_scoped3A_280 : memref<!tpu.dma_semaphore, #tpu.memory_space<semaphore_mem>>) src(%arg12 : memref<128x128xf32, #tpu.memory_space<vmem>>) dst(%dma_wait3A_292 : memref<10240x128xf32, #tpu.memory_space<vmem_shared>>)
        tpu.yield
      }) : () -> ()
      %dma_wait3A_265 = arith.constant 7 : i32
      %dma_wait3A_266 = arith.constant 0 : i32
      %dma_wait3A_267 = tpu.memref_slice %arg10[%dma_wait3A_265, %dma_wait3A_266] : memref<8x128xi32, #tpu.memory_space<vmem>> -> memref<1x128xi32, #tpu.memory_space<vmem>>
      %dma_wait3A_268 = tpu.memref_squeeze %dma_wait3A_267 : memref<1x128xi32, #tpu.memory_space<vmem>> -> memref<128xi32, #tpu.memory_space<vmem>>
      %dma_wait3A_269 = arith.constant 0 : i32
      %dma_wait3A_270 = arith.constant 0 : i32
      %dma_wait3A_271 = tpu.memref_slice %arg2[%dma_wait3A_269, %dma_wait3A_270] : memref<10240x128xf32, #tpu.memory_space<hbm>> -> memref<10240x128xf32, #tpu.memory_space<hbm>>
      tpu.wait_indirect_dma semaphore(%arg15 : memref<!tpu.dma_semaphore, #tpu.memory_space<semaphore_mem>>) src(%dma_wait3A_271 : memref<10240x128xf32, #tpu.memory_space<hbm>>) dst(%arg13 : memref<128x128xf32, #tpu.memory_space<vmem>>)
      %add3A_272 = arith.constant 1 : i32
      %add3A_273 = arith.addi %add3A_152, %add3A_272 : i32
      %lt3A_274 = arith.constant 10 : i32
      %lt3A_275 = arith.cmpi slt, %add3A_273, %lt3A_274 : i32
      %convert_element_type3A_276 = arith.extui %lt3A_275 : i1 to i32
      %cond3A_277 = arith.constant 0 : i32
      %cond3A_278 = arith.cmpi ne, %convert_element_type3A_276, %cond3A_277 : i32
      scf.if %cond3A_278 {
        %add3A_280 = arith.constant 1 : i32
        %add3A_281 = arith.addi %add3A_152, %add3A_280 : i32
        %mul3A_282 = arith.constant 8 : i32
        %mul3A_283 = arith.muli %add3A_281, %mul3A_282 : i32
        %add3A_284 = arith.addi %mul3A_4, %mul3A_283 : i32
        %dma_wait3A_285 = arith.constant 0 : i32
        %dma_wait3A_286 = tpu.memref_slice %arg3[%add3A_284, %dma_wait3A_285] : memref<2560x128xi32, #tpu.memory_space<hbm>> -> memref<8x128xi32, #tpu.memory_space<hbm>>
        %dma_wait3A_287 = arith.constant 0 : i32
        %dma_wait3A_288 = tpu.memref_slice %arg3[%add3A_284, %dma_wait3A_287] : memref<2560x128xi32, #tpu.memory_space<hbm>> -> memref<8x128xi32, #tpu.memory_space<hbm>>
        tpu.wait_dma2 semaphore(%arg16 : memref<!tpu.dma_semaphore, #tpu.memory_space<semaphore_mem>>) src(%dma_wait3A_288 : memref<8x128xi32, #tpu.memory_space<hbm>>) dst(%arg8 : memref<8x128xi32, #tpu.memory_space<vmem>>)
        %dma_wait3A_289 = arith.constant 0 : i32
        %dma_wait3A_290 = tpu.memref_slice %arg4[%add3A_284, %dma_wait3A_289] : memref<2560x128xi32, #tpu.memory_space<hbm>> -> memref<8x128xi32, #tpu.memory_space<hbm>>
        %dma_wait3A_291 = arith.constant 0 : i32
        %dma_wait3A_292 = tpu.memref_slice %arg4[%add3A_284, %dma_wait3A_291] : memref<2560x128xi32, #tpu.memory_space<hbm>> -> memref<8x128xi32, #tpu.memory_space<hbm>>
        tpu.wait_dma2 semaphore(%arg16 : memref<!tpu.dma_semaphore, #tpu.memory_space<semaphore_mem>>) src(%dma_wait3A_292 : memref<8x128xi32, #tpu.memory_space<hbm>>) dst(%arg9 : memref<8x128xi32, #tpu.memory_space<vmem>>)
        %dma_start3A_293 = arith.constant 0 : i32
        %dma_start3A_294 = arith.constant 0 : i32
        %dma_start3A_295 = tpu.memref_slice %arg8[%dma_start3A_293, %dma_start3A_294] : memref<8x128xi32, #tpu.memory_space<vmem>> -> memref<1x128xi32, #tpu.memory_space<vmem>>
        %dma_start3A_296 = tpu.memref_squeeze %dma_start3A_295 : memref<1x128xi32, #tpu.memory_space<vmem>> -> memref<128xi32, #tpu.memory_space<vmem>>
        %dma_start3A_297 = arith.constant 0 : i32
        %dma_start3A_298 = arith.constant 0 : i32
        %dma_start3A_299 = tpu.memref_slice %arg2[%dma_start3A_297, %dma_start3A_298] : memref<10240x128xf32, #tpu.memory_space<hbm>> -> memref<10240x128xf32, #tpu.memory_space<hbm>>
        tpu.enqueue_indirect_dma source(%dma_start3A_299 : memref<10240x128xf32, #tpu.memory_space<hbm>>) target(%arg12 : memref<128x128xf32, #tpu.memory_space<vmem>>) offsets(%dma_start3A_296 : memref<128xi32, #tpu.memory_space<vmem>>) semaphore(%arg14 : memref<!tpu.dma_semaphore, #tpu.memory_space<semaphore_mem>>)
      } else {
      }
      %run_scoped3A_279 = arith.constant 7 : i32
      "tpu.region"() ({
        %run_scoped3A_280 = tpu.sem_alloc : memref<!tpu.dma_semaphore, #tpu.memory_space<semaphore_mem>>
        %dma_start3A_281 = arith.constant 0 : i32
        %dma_start3A_282 = tpu.memref_slice %arg11[%run_scoped3A_279, %dma_start3A_281] : memref<8x128xi32, #tpu.memory_space<vmem>> -> memref<1x128xi32, #tpu.memory_space<vmem>>
        %dma_start3A_283 = tpu.memref_squeeze %dma_start3A_282 : memref<1x128xi32, #tpu.memory_space<vmem>> -> memref<128xi32, #tpu.memory_space<vmem>>
        %dma_start3A_284 = arith.constant 0 : i32
        %dma_start3A_285 = arith.constant 0 : i32
        %dma_start3A_286 = tpu.memref_slice %arg7[%dma_start3A_284, %dma_start3A_285] : memref<10240x128xf32, #tpu.memory_space<vmem_shared>> -> memref<10240x128xf32, #tpu.memory_space<vmem_shared>>
        tpu.enqueue_indirect_dma source(%arg13 : memref<128x128xf32, #tpu.memory_space<vmem>>) target(%dma_start3A_286 : memref<10240x128xf32, #tpu.memory_space<vmem_shared>>) offsets(%dma_start3A_283 : memref<128xi32, #tpu.memory_space<vmem>>) semaphore(%run_scoped3A_280 : memref<!tpu.dma_semaphore, #tpu.memory_space<semaphore_mem>>) {add = true}
        %dma_wait3A_287 = arith.constant 0 : i32
        %dma_wait3A_288 = tpu.memref_slice %arg11[%run_scoped3A_279, %dma_wait3A_287] : memref<8x128xi32, #tpu.memory_space<vmem>> -> memref<1x128xi32, #tpu.memory_space<vmem>>
        %dma_wait3A_289 = tpu.memref_squeeze %dma_wait3A_288 : memref<1x128xi32, #tpu.memory_space<vmem>> -> memref<128xi32, #tpu.memory_space<vmem>>
        %dma_wait3A_290 = arith.constant 0 : i32
        %dma_wait3A_291 = arith.constant 0 : i32
        %dma_wait3A_292 = tpu.memref_slice %arg7[%dma_wait3A_290, %dma_wait3A_291] : memref<10240x128xf32, #tpu.memory_space<vmem_shared>> -> memref<10240x128xf32, #tpu.memory_space<vmem_shared>>
        tpu.wait_indirect_dma semaphore(%run_scoped3A_280 : memref<!tpu.dma_semaphore, #tpu.memory_space<semaphore_mem>>) src(%arg13 : memref<128x128xf32, #tpu.memory_space<vmem>>) dst(%dma_wait3A_292 : memref<10240x128xf32, #tpu.memory_space<vmem_shared>>)
        tpu.yield
      }) : () -> ()
    }
    %scan3A_18 = arith.constant 5 : i32
    %barrier3A_19 = arith.constant 0 : index
    tpu.barrier barrier_id(%barrier3A_19)
    %mul3A_20 = arith.constant 10240 : i32
    %mul3A_21 = arith.muli %arg0, %mul3A_20 : i32
    %add3A_22 = arith.addi %mul3A_21, %mul3A_2 : i32
    "tpu.region"() ({
      %run_scoped3A = tpu.sem_alloc : memref<!tpu.dma_semaphore, #tpu.memory_space<semaphore_mem>>
      %dma_start3A_23 = arith.constant 0 : i32
      %dma_start3A_24 = tpu.memref_slice %arg6[%add3A_22, %dma_start3A_23] : memref<20480x128xf32, #tpu.memory_space<hbm>> -> memref<640x128xf32, #tpu.memory_space<hbm>>
      %dma_start3A_25 = arith.constant 0 : i32
      %dma_start3A_26 = tpu.memref_slice %arg7[%mul3A_2, %dma_start3A_25] : memref<10240x128xf32, #tpu.memory_space<vmem_shared>> -> memref<640x128xf32, #tpu.memory_space<vmem_shared>>
      tpu.enqueue_dma source(%dma_start3A_26 : memref<640x128xf32, #tpu.memory_space<vmem_shared>>) target(%dma_start3A_24 : memref<640x128xf32, #tpu.memory_space<hbm>>) target_semaphore(%run_scoped3A : memref<!tpu.dma_semaphore, #tpu.memory_space<semaphore_mem>>)
      %dma_wait3A_27 = arith.constant 0 : i32
      %dma_wait3A_28 = tpu.memref_slice %arg6[%add3A_22, %dma_wait3A_27] : memref<20480x128xf32, #tpu.memory_space<hbm>> -> memref<640x128xf32, #tpu.memory_space<hbm>>
      %dma_wait3A_29 = arith.constant 0 : i32
      %dma_wait3A_30 = tpu.memref_slice %arg7[%mul3A_2, %dma_wait3A_29] : memref<10240x128xf32, #tpu.memory_space<vmem_shared>> -> memref<640x128xf32, #tpu.memory_space<vmem_shared>>
      tpu.wait_dma2 semaphore(%run_scoped3A : memref<!tpu.dma_semaphore, #tpu.memory_space<semaphore_mem>>) src(%dma_wait3A_30 : memref<640x128xf32, #tpu.memory_space<vmem_shared>>) dst(%dma_wait3A_28 : memref<640x128xf32, #tpu.memory_space<hbm>>)
      tpu.yield
    }) : () -> ()
    return
  }
}

#map = affine_map<(d0, d1) -> (0, 0)>
module attributes {stable_mosaic.version = 14 : i64} {
  func.func @agg(%arg0: i32, %arg1: i32, %arg2: memref<10240x128xf32, #tpu.memory_space<hbm>>, %arg3: memref<2560x128xi32, #tpu.memory_space<hbm>>, %arg4: memref<2560x128xi32, #tpu.memory_space<hbm>>, %arg5: memref<640x128xf32, #tpu.memory_space<hbm>>, %arg6: memref<20480x128xf32, #tpu.memory_space<hbm>>, %arg7: memref<10240x128xf32, #tpu.memory_space<vmem_shared>>, %arg8: memref<8x128xi32, #tpu.memory_space<vmem>>, %arg9: memref<8x128xi32, #tpu.memory_space<vmem>>, %arg10: memref<8x128xi32, #tpu.memory_space<vmem>>, %arg11: memref<8x128xi32, #tpu.memory_space<vmem>>, %arg12: memref<128x128xf32, #tpu.memory_space<vmem>>, %arg13: memref<128x128xf32, #tpu.memory_space<vmem>>, %arg14: memref<!tpu.dma_semaphore, #tpu.memory_space<semaphore_mem>>, %arg15: memref<!tpu.dma_semaphore, #tpu.memory_space<semaphore_mem>>, %arg16: memref<!tpu.dma_semaphore, #tpu.memory_space<semaphore_mem>>, %arg17: memref<!tpu.dma_semaphore, #tpu.memory_space<semaphore_mem>>) attributes {dimension_semantics = [#tpu.dimension_semantics<core_parallel>, #tpu.dimension_semantics<subcore_parallel>], iteration_bounds = array<i64: 2, 16>, scalar_prefetch = 0 : i64, scratch_operands = 11 : i64, tpu.core_type = #tpu.core_type<sc_vector_subcore>, window_params = [{transform_indices = #map}, {transform_indices = #map}, {transform_indices = #map}, {transform_indices = #map}, {transform_indices = #map}]} {
    %mul3A = arith.constant 2 : i32
    %mul3A_0 = arith.muli %arg1, %mul3A : i32
    %add3A = arith.addi %mul3A_0, %arg0 : i32
    %mul3A_1 = arith.constant 640 : i32
    %mul3A_2 = arith.muli %arg1, %mul3A_1 : i32
    %mul3A_3 = arith.constant 80 : i32
    %mul3A_4 = arith.muli %add3A, %mul3A_3 : i32
    %dma_start3A = arith.constant 0 : i32
    %dma_start3A_5 = tpu.memref_slice %arg7[%mul3A_2, %dma_start3A] : memref<10240x128xf32, #tpu.memory_space<vmem_shared>> -> memref<640x128xf32, #tpu.memory_space<vmem_shared>>
    tpu.enqueue_dma source(%arg5 : memref<640x128xf32, #tpu.memory_space<hbm>>) target(%dma_start3A_5 : memref<640x128xf32, #tpu.memory_space<vmem_shared>>) target_semaphore(%arg16 : memref<!tpu.dma_semaphore, #tpu.memory_space<semaphore_mem>>)
    "tpu.region"() ({
      %run_scoped3A = tpu.sem_alloc : memref<!tpu.dma_semaphore, #tpu.memory_space<semaphore_mem>>
      %dma_start3A_23 = arith.constant 0 : i32
      %dma_start3A_24 = tpu.memref_slice %arg3[%mul3A_4, %dma_start3A_23] : memref<2560x128xi32, #tpu.memory_space<hbm>> -> memref<8x128xi32, #tpu.memory_space<hbm>>
      %dma_start3A_25 = arith.constant 0 : i32
      %dma_start3A_26 = tpu.memref_slice %arg3[%mul3A_4, %dma_start3A_25] : memref<2560x128xi32, #tpu.memory_space<hbm>> -> memref<8x128xi32, #tpu.memory_space<hbm>>
      tpu.enqueue_dma source(%dma_start3A_26 : memref<8x128xi32, #tpu.memory_space<hbm>>) target(%arg8 : memref<8x128xi32, #tpu.memory_space<vmem>>) target_semaphore(%run_scoped3A : memref<!tpu.dma_semaphore, #tpu.memory_space<semaphore_mem>>)
      %dma_wait3A_27 = arith.constant 0 : i32
      %dma_wait3A_28 = tpu.memref_slice %arg3[%mul3A_4, %dma_wait3A_27] : memref<2560x128xi32, #tpu.memory_space<hbm>> -> memref<8x128xi32, #tpu.memory_space<hbm>>
      %dma_wait3A_29 = arith.constant 0 : i32
      %dma_wait3A_30 = tpu.memref_slice %arg3[%mul3A_4, %dma_wait3A_29] : memref<2560x128xi32, #tpu.memory_space<hbm>> -> memref<8x128xi32, #tpu.memory_space<hbm>>
      tpu.wait_dma2 semaphore(%run_scoped3A : memref<!tpu.dma_semaphore, #tpu.memory_space<semaphore_mem>>) src(%dma_wait3A_30 : memref<8x128xi32, #tpu.memory_space<hbm>>) dst(%arg8 : memref<8x128xi32, #tpu.memory_space<vmem>>)
      tpu.yield
    }) : () -> ()
    "tpu.region"() ({
      %run_scoped3A = tpu.sem_alloc : memref<!tpu.dma_semaphore, #tpu.memory_space<semaphore_mem>>
      %dma_start3A_23 = arith.constant 0 : i32
      %dma_start3A_24 = tpu.memref_slice %arg4[%mul3A_4, %dma_start3A_23] : memref<2560x128xi32, #tpu.memory_space<hbm>> -> memref<8x128xi32, #tpu.memory_space<hbm>>
      %dma_start3A_25 = arith.constant 0 : i32
      %dma_start3A_26 = tpu.memref_slice %arg4[%mul3A_4, %dma_start3A_25] : memref<2560x128xi32, #tpu.memory_space<hbm>> -> memref<8x128xi32, #tpu.memory_space<hbm>>
      tpu.enqueue_dma source(%dma_start3A_26 : memref<8x128xi32, #tpu.memory_space<hbm>>) target(%arg9 : memref<8x128xi32, #tpu.memory_space<vmem>>) target_semaphore(%run_scoped3A : memref<!tpu.dma_semaphore, #tpu.memory_space<semaphore_mem>>)
      %dma_wait3A_27 = arith.constant 0 : i32
      %dma_wait3A_28 = tpu.memref_slice %arg4[%mul3A_4, %dma_wait3A_27] : memref<2560x128xi32, #tpu.memory_space<hbm>> -> memref<8x128xi32, #tpu.memory_space<hbm>>
      %dma_wait3A_29 = arith.constant 0 : i32
      %dma_wait3A_30 = tpu.memref_slice %arg4[%mul3A_4, %dma_wait3A_29] : memref<2560x128xi32, #tpu.memory_space<hbm>> -> memref<8x128xi32, #tpu.memory_space<hbm>>
      tpu.wait_dma2 semaphore(%run_scoped3A : memref<!tpu.dma_semaphore, #tpu.memory_space<semaphore_mem>>) src(%dma_wait3A_30 : memref<8x128xi32, #tpu.memory_space<hbm>>) dst(%arg9 : memref<8x128xi32, #tpu.memory_space<vmem>>)
      tpu.yield
    }) : () -> ()
    %dma_start3A_6 = arith.constant 0 : i32
    %dma_start3A_7 = arith.constant 0 : i32
    %dma_start3A_8 = tpu.memref_slice %arg8[%dma_start3A_6, %dma_start3A_7] : memref<8x128xi32, #tpu.memory_space<vmem>> -> memref<1x128xi32, #tpu.memory_space<vmem>>
    %dma_start3A_9 = tpu.memref_squeeze %dma_start3A_8 : memref<1x128xi32, #tpu.memory_space<vmem>> -> memref<128xi32, #tpu.memory_space<vmem>>
    %dma_start3A_10 = arith.constant 0 : i32
    %dma_start3A_11 = arith.constant 0 : i32
    %dma_start3A_12 = tpu.memref_slice %arg2[%dma_start3A_10, %dma_start3A_11] : memref<10240x128xf32, #tpu.memory_space<hbm>> -> memref<10240x128xf32, #tpu.memory_space<hbm>>
    tpu.enqueue_indirect_dma source(%dma_start3A_12 : memref<10240x128xf32, #tpu.memory_space<hbm>>) target(%arg12 : memref<128x128xf32, #tpu.memory_space<vmem>>) offsets(%dma_start3A_9 : memref<128xi32, #tpu.memory_space<vmem>>) semaphore(%arg14 : memref<!tpu.dma_semaphore, #tpu.memory_space<semaphore_mem>>)
    %dma_wait3A = arith.constant 0 : i32
    %dma_wait3A_13 = tpu.memref_slice %arg7[%mul3A_2, %dma_wait3A] : memref<10240x128xf32, #tpu.memory_space<vmem_shared>> -> memref<640x128xf32, #tpu.memory_space<vmem_shared>>
    tpu.wait_dma2 semaphore(%arg16 : memref<!tpu.dma_semaphore, #tpu.memory_space<semaphore_mem>>) src(%arg5 : memref<640x128xf32, #tpu.memory_space<hbm>>) dst(%dma_wait3A_13 : memref<640x128xf32, #tpu.memory_space<vmem_shared>>)
    %barrier3A = arith.constant 0 : index
    tpu.barrier barrier_id(%barrier3A)
    %scan3A = arith.constant 0 : i32
    %scan3A_14 = arith.constant 0 : i32
    %scan3A_15 = arith.constant 5 : i32
    %scan3A_16 = arith.addi %scan3A_14, %scan3A_15 : i32
    %scan3A_17 = arith.constant 1 : i32
    scf.for %scan3A_23 = %scan3A_14 to %scan3A_16 step %scan3A_17  : i32 {
      %mul3A_24 = arith.constant 2 : i32
      %mul3A_25 = arith.muli %mul3A_24, %scan3A_23 : i32
      %add3A_26 = arith.constant 1 : i32
      %add3A_27 = arith.addi %mul3A_25, %add3A_26 : i32
      %lt3A = arith.constant 10 : i32
      %lt3A_28 = arith.cmpi slt, %add3A_27, %lt3A : i32
      %convert_element_type3A = arith.extui %lt3A_28 : i1 to i32
      %cond3A = arith.constant 0 : i32
      %cond3A_29 = arith.cmpi ne, %convert_element_type3A, %cond3A : i32
      scf.if %cond3A_29 {
        %add3A_280 = arith.constant 1 : i32
        %add3A_281 = arith.addi %mul3A_25, %add3A_280 : i32
        %mul3A_282 = arith.constant 8 : i32
        %mul3A_283 = arith.muli %add3A_281, %mul3A_282 : i32
        %add3A_284 = arith.addi %mul3A_4, %mul3A_283 : i32
        %dma_start3A_285 = arith.constant 0 : i32
        %dma_start3A_286 = tpu.memref_slice %arg3[%add3A_284, %dma_start3A_285] : memref<2560x128xi32, #tpu.memory_space<hbm>> -> memref<8x128xi32, #tpu.memory_space<hbm>>
        %dma_start3A_287 = arith.constant 0 : i32
        %dma_start3A_288 = tpu.memref_slice %arg3[%add3A_284, %dma_start3A_287] : memref<2560x128xi32, #tpu.memory_space<hbm>> -> memref<8x128xi32, #tpu.memory_space<hbm>>
        tpu.enqueue_dma source(%dma_start3A_288 : memref<8x128xi32, #tpu.memory_space<hbm>>) target(%arg10 : memref<8x128xi32, #tpu.memory_space<vmem>>) target_semaphore(%arg17 : memref<!tpu.dma_semaphore, #tpu.memory_space<semaphore_mem>>)
        %dma_start3A_289 = arith.constant 0 : i32
        %dma_start3A_290 = tpu.memref_slice %arg4[%add3A_284, %dma_start3A_289] : memref<2560x128xi32, #tpu.memory_space<hbm>> -> memref<8x128xi32, #tpu.memory_space<hbm>>
        %dma_start3A_291 = arith.constant 0 : i32
        %dma_start3A_292 = tpu.memref_slice %arg4[%add3A_284, %dma_start3A_291] : memref<2560x128xi32, #tpu.memory_space<hbm>> -> memref<8x128xi32, #tpu.memory_space<hbm>>
        tpu.enqueue_dma source(%dma_start3A_292 : memref<8x128xi32, #tpu.memory_space<hbm>>) target(%arg11 : memref<8x128xi32, #tpu.memory_space<vmem>>) target_semaphore(%arg17 : memref<!tpu.dma_semaphore, #tpu.memory_space<semaphore_mem>>)
      } else {
      }
      %dma_wait3A_30 = arith.constant 0 : i32
      %dma_wait3A_31 = arith.constant 0 : i32
      %dma_wait3A_32 = tpu.memref_slice %arg8[%dma_wait3A_30, %dma_wait3A_31] : memref<8x128xi32, #tpu.memory_space<vmem>> -> memref<1x128xi32, #tpu.memory_space<vmem>>
      %dma_wait3A_33 = tpu.memref_squeeze %dma_wait3A_32 : memref<1x128xi32, #tpu.memory_space<vmem>> -> memref<128xi32, #tpu.memory_space<vmem>>
      %dma_wait3A_34 = arith.constant 0 : i32
      %dma_wait3A_35 = arith.constant 0 : i32
      %dma_wait3A_36 = tpu.memref_slice %arg2[%dma_wait3A_34, %dma_wait3A_35] : memref<10240x128xf32, #tpu.memory_space<hbm>> -> memref<10240x128xf32, #tpu.memory_space<hbm>>
      tpu.wait_indirect_dma semaphore(%arg14 : memref<!tpu.dma_semaphore, #tpu.memory_space<semaphore_mem>>) src(%dma_wait3A_36 : memref<10240x128xf32, #tpu.memory_space<hbm>>) dst(%arg12 : memref<128x128xf32, #tpu.memory_space<vmem>>)
      %dma_start3A_37 = arith.constant 1 : i32
      %dma_start3A_38 = arith.constant 0 : i32
      %dma_start3A_39 = tpu.memref_slice %arg8[%dma_start3A_37, %dma_start3A_38] : memref<8x128xi32, #tpu.memory_space<vmem>> -> memref<1x128xi32, #tpu.memory_space<vmem>>
      %dma_start3A_40 = tpu.memref_squeeze %dma_start3A_39 : memref<1x128xi32, #tpu.memory_space<vmem>> -> memref<128xi32, #tpu.memory_space<vmem>>
      %dma_start3A_41 = arith.constant 0 : i32
      %dma_start3A_42 = arith.constant 0 : i32
      %dma_start3A_43 = tpu.memref_slice %arg2[%dma_start3A_41, %dma_start3A_42] : memref<10240x128xf32, #tpu.memory_space<hbm>> -> memref<10240x128xf32, #tpu.memory_space<hbm>>
      tpu.enqueue_indirect_dma source(%dma_start3A_43 : memref<10240x128xf32, #tpu.memory_space<hbm>>) target(%arg13 : memref<128x128xf32, #tpu.memory_space<vmem>>) offsets(%dma_start3A_40 : memref<128xi32, #tpu.memory_space<vmem>>) semaphore(%arg15 : memref<!tpu.dma_semaphore, #tpu.memory_space<semaphore_mem>>)
      %run_scoped3A = arith.constant 0 : i32
      "tpu.region"() ({
        %run_scoped3A_280 = tpu.sem_alloc : memref<!tpu.dma_semaphore, #tpu.memory_space<semaphore_mem>>
        %dma_start3A_281 = arith.constant 0 : i32
        %dma_start3A_282 = tpu.memref_slice %arg9[%run_scoped3A, %dma_start3A_281] : memref<8x128xi32, #tpu.memory_space<vmem>> -> memref<1x128xi32, #tpu.memory_space<vmem>>
        %dma_start3A_283 = tpu.memref_squeeze %dma_start3A_282 : memref<1x128xi32, #tpu.memory_space<vmem>> -> memref<128xi32, #tpu.memory_space<vmem>>
        %dma_start3A_284 = arith.constant 0 : i32
        %dma_start3A_285 = arith.constant 0 : i32
        %dma_start3A_286 = tpu.memref_slice %arg7[%dma_start3A_284, %dma_start3A_285] : memref<10240x128xf32, #tpu.memory_space<vmem_shared>> -> memref<10240x128xf32, #tpu.memory_space<vmem_shared>>
        tpu.enqueue_indirect_dma source(%arg12 : memref<128x128xf32, #tpu.memory_space<vmem>>) target(%dma_start3A_286 : memref<10240x128xf32, #tpu.memory_space<vmem_shared>>) offsets(%dma_start3A_283 : memref<128xi32, #tpu.memory_space<vmem>>) semaphore(%run_scoped3A_280 : memref<!tpu.dma_semaphore, #tpu.memory_space<semaphore_mem>>) {add = true}
        %dma_wait3A_287 = arith.constant 0 : i32
        %dma_wait3A_288 = tpu.memref_slice %arg9[%run_scoped3A, %dma_wait3A_287] : memref<8x128xi32, #tpu.memory_space<vmem>> -> memref<1x128xi32, #tpu.memory_space<vmem>>
        %dma_wait3A_289 = tpu.memref_squeeze %dma_wait3A_288 : memref<1x128xi32, #tpu.memory_space<vmem>> -> memref<128xi32, #tpu.memory_space<vmem>>
        %dma_wait3A_290 = arith.constant 0 : i32
        %dma_wait3A_291 = arith.constant 0 : i32
        %dma_wait3A_292 = tpu.memref_slice %arg7[%dma_wait3A_290, %dma_wait3A_291] : memref<10240x128xf32, #tpu.memory_space<vmem_shared>> -> memref<10240x128xf32, #tpu.memory_space<vmem_shared>>
        tpu.wait_indirect_dma semaphore(%run_scoped3A_280 : memref<!tpu.dma_semaphore, #tpu.memory_space<semaphore_mem>>) src(%arg12 : memref<128x128xf32, #tpu.memory_space<vmem>>) dst(%dma_wait3A_292 : memref<10240x128xf32, #tpu.memory_space<vmem_shared>>)
        tpu.yield
      }) : () -> ()
      %dma_wait3A_44 = arith.constant 1 : i32
      %dma_wait3A_45 = arith.constant 0 : i32
      %dma_wait3A_46 = tpu.memref_slice %arg8[%dma_wait3A_44, %dma_wait3A_45] : memref<8x128xi32, #tpu.memory_space<vmem>> -> memref<1x128xi32, #tpu.memory_space<vmem>>
      %dma_wait3A_47 = tpu.memref_squeeze %dma_wait3A_46 : memref<1x128xi32, #tpu.memory_space<vmem>> -> memref<128xi32, #tpu.memory_space<vmem>>
      %dma_wait3A_48 = arith.constant 0 : i32
      %dma_wait3A_49 = arith.constant 0 : i32
      %dma_wait3A_50 = tpu.memref_slice %arg2[%dma_wait3A_48, %dma_wait3A_49] : memref<10240x128xf32, #tpu.memory_space<hbm>> -> memref<10240x128xf32, #tpu.memory_space<hbm>>
      tpu.wait_indirect_dma semaphore(%arg15 : memref<!tpu.dma_semaphore, #tpu.memory_space<semaphore_mem>>) src(%dma_wait3A_50 : memref<10240x128xf32, #tpu.memory_space<hbm>>) dst(%arg13 : memref<128x128xf32, #tpu.memory_space<vmem>>)
      %dma_start3A_51 = arith.constant 2 : i32
      %dma_start3A_52 = arith.constant 0 : i32
      %dma_start3A_53 = tpu.memref_slice %arg8[%dma_start3A_51, %dma_start3A_52] : memref<8x128xi32, #tpu.memory_space<vmem>> -> memref<1x128xi32, #tpu.memory_space<vmem>>
      %dma_start3A_54 = tpu.memref_squeeze %dma_start3A_53 : memref<1x128xi32, #tpu.memory_space<vmem>> -> memref<128xi32, #tpu.memory_space<vmem>>
      %dma_start3A_55 = arith.constant 0 : i32
      %dma_start3A_56 = arith.constant 0 : i32
      %dma_start3A_57 = tpu.memref_slice %arg2[%dma_start3A_55, %dma_start3A_56] : memref<10240x128xf32, #tpu.memory_space<hbm>> -> memref<10240x128xf32, #tpu.memory_space<hbm>>
      tpu.enqueue_indirect_dma source(%dma_start3A_57 : memref<10240x128xf32, #tpu.memory_space<hbm>>) target(%arg12 : memref<128x128xf32, #tpu.memory_space<vmem>>) offsets(%dma_start3A_54 : memref<128xi32, #tpu.memory_space<vmem>>) semaphore(%arg14 : memref<!tpu.dma_semaphore, #tpu.memory_space<semaphore_mem>>)
      %run_scoped3A_58 = arith.constant 1 : i32
      "tpu.region"() ({
        %run_scoped3A_280 = tpu.sem_alloc : memref<!tpu.dma_semaphore, #tpu.memory_space<semaphore_mem>>
        %dma_start3A_281 = arith.constant 0 : i32
        %dma_start3A_282 = tpu.memref_slice %arg9[%run_scoped3A_58, %dma_start3A_281] : memref<8x128xi32, #tpu.memory_space<vmem>> -> memref<1x128xi32, #tpu.memory_space<vmem>>
        %dma_start3A_283 = tpu.memref_squeeze %dma_start3A_282 : memref<1x128xi32, #tpu.memory_space<vmem>> -> memref<128xi32, #tpu.memory_space<vmem>>
        %dma_start3A_284 = arith.constant 0 : i32
        %dma_start3A_285 = arith.constant 0 : i32
        %dma_start3A_286 = tpu.memref_slice %arg7[%dma_start3A_284, %dma_start3A_285] : memref<10240x128xf32, #tpu.memory_space<vmem_shared>> -> memref<10240x128xf32, #tpu.memory_space<vmem_shared>>
        tpu.enqueue_indirect_dma source(%arg13 : memref<128x128xf32, #tpu.memory_space<vmem>>) target(%dma_start3A_286 : memref<10240x128xf32, #tpu.memory_space<vmem_shared>>) offsets(%dma_start3A_283 : memref<128xi32, #tpu.memory_space<vmem>>) semaphore(%run_scoped3A_280 : memref<!tpu.dma_semaphore, #tpu.memory_space<semaphore_mem>>) {add = true}
        %dma_wait3A_287 = arith.constant 0 : i32
        %dma_wait3A_288 = tpu.memref_slice %arg9[%run_scoped3A_58, %dma_wait3A_287] : memref<8x128xi32, #tpu.memory_space<vmem>> -> memref<1x128xi32, #tpu.memory_space<vmem>>
        %dma_wait3A_289 = tpu.memref_squeeze %dma_wait3A_288 : memref<1x128xi32, #tpu.memory_space<vmem>> -> memref<128xi32, #tpu.memory_space<vmem>>
        %dma_wait3A_290 = arith.constant 0 : i32
        %dma_wait3A_291 = arith.constant 0 : i32
        %dma_wait3A_292 = tpu.memref_slice %arg7[%dma_wait3A_290, %dma_wait3A_291] : memref<10240x128xf32, #tpu.memory_space<vmem_shared>> -> memref<10240x128xf32, #tpu.memory_space<vmem_shared>>
        tpu.wait_indirect_dma semaphore(%run_scoped3A_280 : memref<!tpu.dma_semaphore, #tpu.memory_space<semaphore_mem>>) src(%arg13 : memref<128x128xf32, #tpu.memory_space<vmem>>) dst(%dma_wait3A_292 : memref<10240x128xf32, #tpu.memory_space<vmem_shared>>)
        tpu.yield
      }) : () -> ()
      %dma_wait3A_59 = arith.constant 2 : i32
      %dma_wait3A_60 = arith.constant 0 : i32
      %dma_wait3A_61 = tpu.memref_slice %arg8[%dma_wait3A_59, %dma_wait3A_60] : memref<8x128xi32, #tpu.memory_space<vmem>> -> memref<1x128xi32, #tpu.memory_space<vmem>>
      %dma_wait3A_62 = tpu.memref_squeeze %dma_wait3A_61 : memref<1x128xi32, #tpu.memory_space<vmem>> -> memref<128xi32, #tpu.memory_space<vmem>>
      %dma_wait3A_63 = arith.constant 0 : i32
      %dma_wait3A_64 = arith.constant 0 : i32
      %dma_wait3A_65 = tpu.memref_slice %arg2[%dma_wait3A_63, %dma_wait3A_64] : memref<10240x128xf32, #tpu.memory_space<hbm>> -> memref<10240x128xf32, #tpu.memory_space<hbm>>
      tpu.wait_indirect_dma semaphore(%arg14 : memref<!tpu.dma_semaphore, #tpu.memory_space<semaphore_mem>>) src(%dma_wait3A_65 : memref<10240x128xf32, #tpu.memory_space<hbm>>) dst(%arg12 : memref<128x128xf32, #tpu.memory_space<vmem>>)
      %dma_start3A_66 = arith.constant 3 : i32
      %dma_start3A_67 = arith.constant 0 : i32
      %dma_start3A_68 = tpu.memref_slice %arg8[%dma_start3A_66, %dma_start3A_67] : memref<8x128xi32, #tpu.memory_space<vmem>> -> memref<1x128xi32, #tpu.memory_space<vmem>>
      %dma_start3A_69 = tpu.memref_squeeze %dma_start3A_68 : memref<1x128xi32, #tpu.memory_space<vmem>> -> memref<128xi32, #tpu.memory_space<vmem>>
      %dma_start3A_70 = arith.constant 0 : i32
      %dma_start3A_71 = arith.constant 0 : i32
      %dma_start3A_72 = tpu.memref_slice %arg2[%dma_start3A_70, %dma_start3A_71] : memref<10240x128xf32, #tpu.memory_space<hbm>> -> memref<10240x128xf32, #tpu.memory_space<hbm>>
      tpu.enqueue_indirect_dma source(%dma_start3A_72 : memref<10240x128xf32, #tpu.memory_space<hbm>>) target(%arg13 : memref<128x128xf32, #tpu.memory_space<vmem>>) offsets(%dma_start3A_69 : memref<128xi32, #tpu.memory_space<vmem>>) semaphore(%arg15 : memref<!tpu.dma_semaphore, #tpu.memory_space<semaphore_mem>>)
      %run_scoped3A_73 = arith.constant 2 : i32
      "tpu.region"() ({
        %run_scoped3A_280 = tpu.sem_alloc : memref<!tpu.dma_semaphore, #tpu.memory_space<semaphore_mem>>
        %dma_start3A_281 = arith.constant 0 : i32
        %dma_start3A_282 = tpu.memref_slice %arg9[%run_scoped3A_73, %dma_start3A_281] : memref<8x128xi32, #tpu.memory_space<vmem>> -> memref<1x128xi32, #tpu.memory_space<vmem>>
        %dma_start3A_283 = tpu.memref_squeeze %dma_start3A_282 : memref<1x128xi32, #tpu.memory_space<vmem>> -> memref<128xi32, #tpu.memory_space<vmem>>
        %dma_start3A_284 = arith.constant 0 : i32
        %dma_start3A_285 = arith.constant 0 : i32
        %dma_start3A_286 = tpu.memref_slice %arg7[%dma_start3A_284, %dma_start3A_285] : memref<10240x128xf32, #tpu.memory_space<vmem_shared>> -> memref<10240x128xf32, #tpu.memory_space<vmem_shared>>
        tpu.enqueue_indirect_dma source(%arg12 : memref<128x128xf32, #tpu.memory_space<vmem>>) target(%dma_start3A_286 : memref<10240x128xf32, #tpu.memory_space<vmem_shared>>) offsets(%dma_start3A_283 : memref<128xi32, #tpu.memory_space<vmem>>) semaphore(%run_scoped3A_280 : memref<!tpu.dma_semaphore, #tpu.memory_space<semaphore_mem>>) {add = true}
        %dma_wait3A_287 = arith.constant 0 : i32
        %dma_wait3A_288 = tpu.memref_slice %arg9[%run_scoped3A_73, %dma_wait3A_287] : memref<8x128xi32, #tpu.memory_space<vmem>> -> memref<1x128xi32, #tpu.memory_space<vmem>>
        %dma_wait3A_289 = tpu.memref_squeeze %dma_wait3A_288 : memref<1x128xi32, #tpu.memory_space<vmem>> -> memref<128xi32, #tpu.memory_space<vmem>>
        %dma_wait3A_290 = arith.constant 0 : i32
        %dma_wait3A_291 = arith.constant 0 : i32
        %dma_wait3A_292 = tpu.memref_slice %arg7[%dma_wait3A_290, %dma_wait3A_291] : memref<10240x128xf32, #tpu.memory_space<vmem_shared>> -> memref<10240x128xf32, #tpu.memory_space<vmem_shared>>
        tpu.wait_indirect_dma semaphore(%run_scoped3A_280 : memref<!tpu.dma_semaphore, #tpu.memory_space<semaphore_mem>>) src(%arg12 : memref<128x128xf32, #tpu.memory_space<vmem>>) dst(%dma_wait3A_292 : memref<10240x128xf32, #tpu.memory_space<vmem_shared>>)
        tpu.yield
      }) : () -> ()
      %dma_wait3A_74 = arith.constant 3 : i32
      %dma_wait3A_75 = arith.constant 0 : i32
      %dma_wait3A_76 = tpu.memref_slice %arg8[%dma_wait3A_74, %dma_wait3A_75] : memref<8x128xi32, #tpu.memory_space<vmem>> -> memref<1x128xi32, #tpu.memory_space<vmem>>
      %dma_wait3A_77 = tpu.memref_squeeze %dma_wait3A_76 : memref<1x128xi32, #tpu.memory_space<vmem>> -> memref<128xi32, #tpu.memory_space<vmem>>
      %dma_wait3A_78 = arith.constant 0 : i32
      %dma_wait3A_79 = arith.constant 0 : i32
      %dma_wait3A_80 = tpu.memref_slice %arg2[%dma_wait3A_78, %dma_wait3A_79] : memref<10240x128xf32, #tpu.memory_space<hbm>> -> memref<10240x128xf32, #tpu.memory_space<hbm>>
      tpu.wait_indirect_dma semaphore(%arg15 : memref<!tpu.dma_semaphore, #tpu.memory_space<semaphore_mem>>) src(%dma_wait3A_80 : memref<10240x128xf32, #tpu.memory_space<hbm>>) dst(%arg13 : memref<128x128xf32, #tpu.memory_space<vmem>>)
      %dma_start3A_81 = arith.constant 4 : i32
      %dma_start3A_82 = arith.constant 0 : i32
      %dma_start3A_83 = tpu.memref_slice %arg8[%dma_start3A_81, %dma_start3A_82] : memref<8x128xi32, #tpu.memory_space<vmem>> -> memref<1x128xi32, #tpu.memory_space<vmem>>
      %dma_start3A_84 = tpu.memref_squeeze %dma_start3A_83 : memref<1x128xi32, #tpu.memory_space<vmem>> -> memref<128xi32, #tpu.memory_space<vmem>>
      %dma_start3A_85 = arith.constant 0 : i32
      %dma_start3A_86 = arith.constant 0 : i32
      %dma_start3A_87 = tpu.memref_slice %arg2[%dma_start3A_85, %dma_start3A_86] : memref<10240x128xf32, #tpu.memory_space<hbm>> -> memref<10240x128xf32, #tpu.memory_space<hbm>>
      tpu.enqueue_indirect_dma source(%dma_start3A_87 : memref<10240x128xf32, #tpu.memory_space<hbm>>) target(%arg12 : memref<128x128xf32, #tpu.memory_space<vmem>>) offsets(%dma_start3A_84 : memref<128xi32, #tpu.memory_space<vmem>>) semaphore(%arg14 : memref<!tpu.dma_semaphore, #tpu.memory_space<semaphore_mem>>)
      %run_scoped3A_88 = arith.constant 3 : i32
      "tpu.region"() ({
        %run_scoped3A_280 = tpu.sem_alloc : memref<!tpu.dma_semaphore, #tpu.memory_space<semaphore_mem>>
        %dma_start3A_281 = arith.constant 0 : i32
        %dma_start3A_282 = tpu.memref_slice %arg9[%run_scoped3A_88, %dma_start3A_281] : memref<8x128xi32, #tpu.memory_space<vmem>> -> memref<1x128xi32, #tpu.memory_space<vmem>>
        %dma_start3A_283 = tpu.memref_squeeze %dma_start3A_282 : memref<1x128xi32, #tpu.memory_space<vmem>> -> memref<128xi32, #tpu.memory_space<vmem>>
        %dma_start3A_284 = arith.constant 0 : i32
        %dma_start3A_285 = arith.constant 0 : i32
        %dma_start3A_286 = tpu.memref_slice %arg7[%dma_start3A_284, %dma_start3A_285] : memref<10240x128xf32, #tpu.memory_space<vmem_shared>> -> memref<10240x128xf32, #tpu.memory_space<vmem_shared>>
        tpu.enqueue_indirect_dma source(%arg13 : memref<128x128xf32, #tpu.memory_space<vmem>>) target(%dma_start3A_286 : memref<10240x128xf32, #tpu.memory_space<vmem_shared>>) offsets(%dma_start3A_283 : memref<128xi32, #tpu.memory_space<vmem>>) semaphore(%run_scoped3A_280 : memref<!tpu.dma_semaphore, #tpu.memory_space<semaphore_mem>>) {add = true}
        %dma_wait3A_287 = arith.constant 0 : i32
        %dma_wait3A_288 = tpu.memref_slice %arg9[%run_scoped3A_88, %dma_wait3A_287] : memref<8x128xi32, #tpu.memory_space<vmem>> -> memref<1x128xi32, #tpu.memory_space<vmem>>
        %dma_wait3A_289 = tpu.memref_squeeze %dma_wait3A_288 : memref<1x128xi32, #tpu.memory_space<vmem>> -> memref<128xi32, #tpu.memory_space<vmem>>
        %dma_wait3A_290 = arith.constant 0 : i32
        %dma_wait3A_291 = arith.constant 0 : i32
        %dma_wait3A_292 = tpu.memref_slice %arg7[%dma_wait3A_290, %dma_wait3A_291] : memref<10240x128xf32, #tpu.memory_space<vmem_shared>> -> memref<10240x128xf32, #tpu.memory_space<vmem_shared>>
        tpu.wait_indirect_dma semaphore(%run_scoped3A_280 : memref<!tpu.dma_semaphore, #tpu.memory_space<semaphore_mem>>) src(%arg13 : memref<128x128xf32, #tpu.memory_space<vmem>>) dst(%dma_wait3A_292 : memref<10240x128xf32, #tpu.memory_space<vmem_shared>>)
        tpu.yield
      }) : () -> ()
      %dma_wait3A_89 = arith.constant 4 : i32
      %dma_wait3A_90 = arith.constant 0 : i32
      %dma_wait3A_91 = tpu.memref_slice %arg8[%dma_wait3A_89, %dma_wait3A_90] : memref<8x128xi32, #tpu.memory_space<vmem>> -> memref<1x128xi32, #tpu.memory_space<vmem>>
      %dma_wait3A_92 = tpu.memref_squeeze %dma_wait3A_91 : memref<1x128xi32, #tpu.memory_space<vmem>> -> memref<128xi32, #tpu.memory_space<vmem>>
      %dma_wait3A_93 = arith.constant 0 : i32
      %dma_wait3A_94 = arith.constant 0 : i32
      %dma_wait3A_95 = tpu.memref_slice %arg2[%dma_wait3A_93, %dma_wait3A_94] : memref<10240x128xf32, #tpu.memory_space<hbm>> -> memref<10240x128xf32, #tpu.memory_space<hbm>>
      tpu.wait_indirect_dma semaphore(%arg14 : memref<!tpu.dma_semaphore, #tpu.memory_space<semaphore_mem>>) src(%dma_wait3A_95 : memref<10240x128xf32, #tpu.memory_space<hbm>>) dst(%arg12 : memref<128x128xf32, #tpu.memory_space<vmem>>)
      %dma_start3A_96 = arith.constant 5 : i32
      %dma_start3A_97 = arith.constant 0 : i32
      %dma_start3A_98 = tpu.memref_slice %arg8[%dma_start3A_96, %dma_start3A_97] : memref<8x128xi32, #tpu.memory_space<vmem>> -> memref<1x128xi32, #tpu.memory_space<vmem>>
      %dma_start3A_99 = tpu.memref_squeeze %dma_start3A_98 : memref<1x128xi32, #tpu.memory_space<vmem>> -> memref<128xi32, #tpu.memory_space<vmem>>
      %dma_start3A_100 = arith.constant 0 : i32
      %dma_start3A_101 = arith.constant 0 : i32
      %dma_start3A_102 = tpu.memref_slice %arg2[%dma_start3A_100, %dma_start3A_101] : memref<10240x128xf32, #tpu.memory_space<hbm>> -> memref<10240x128xf32, #tpu.memory_space<hbm>>
      tpu.enqueue_indirect_dma source(%dma_start3A_102 : memref<10240x128xf32, #tpu.memory_space<hbm>>) target(%arg13 : memref<128x128xf32, #tpu.memory_space<vmem>>) offsets(%dma_start3A_99 : memref<128xi32, #tpu.memory_space<vmem>>) semaphore(%arg15 : memref<!tpu.dma_semaphore, #tpu.memory_space<semaphore_mem>>)
      %run_scoped3A_103 = arith.constant 4 : i32
      "tpu.region"() ({
        %run_scoped3A_280 = tpu.sem_alloc : memref<!tpu.dma_semaphore, #tpu.memory_space<semaphore_mem>>
        %dma_start3A_281 = arith.constant 0 : i32
        %dma_start3A_282 = tpu.memref_slice %arg9[%run_scoped3A_103, %dma_start3A_281] : memref<8x128xi32, #tpu.memory_space<vmem>> -> memref<1x128xi32, #tpu.memory_space<vmem>>
        %dma_start3A_283 = tpu.memref_squeeze %dma_start3A_282 : memref<1x128xi32, #tpu.memory_space<vmem>> -> memref<128xi32, #tpu.memory_space<vmem>>
        %dma_start3A_284 = arith.constant 0 : i32
        %dma_start3A_285 = arith.constant 0 : i32
        %dma_start3A_286 = tpu.memref_slice %arg7[%dma_start3A_284, %dma_start3A_285] : memref<10240x128xf32, #tpu.memory_space<vmem_shared>> -> memref<10240x128xf32, #tpu.memory_space<vmem_shared>>
        tpu.enqueue_indirect_dma source(%arg12 : memref<128x128xf32, #tpu.memory_space<vmem>>) target(%dma_start3A_286 : memref<10240x128xf32, #tpu.memory_space<vmem_shared>>) offsets(%dma_start3A_283 : memref<128xi32, #tpu.memory_space<vmem>>) semaphore(%run_scoped3A_280 : memref<!tpu.dma_semaphore, #tpu.memory_space<semaphore_mem>>) {add = true}
        %dma_wait3A_287 = arith.constant 0 : i32
        %dma_wait3A_288 = tpu.memref_slice %arg9[%run_scoped3A_103, %dma_wait3A_287] : memref<8x128xi32, #tpu.memory_space<vmem>> -> memref<1x128xi32, #tpu.memory_space<vmem>>
        %dma_wait3A_289 = tpu.memref_squeeze %dma_wait3A_288 : memref<1x128xi32, #tpu.memory_space<vmem>> -> memref<128xi32, #tpu.memory_space<vmem>>
        %dma_wait3A_290 = arith.constant 0 : i32
        %dma_wait3A_291 = arith.constant 0 : i32
        %dma_wait3A_292 = tpu.memref_slice %arg7[%dma_wait3A_290, %dma_wait3A_291] : memref<10240x128xf32, #tpu.memory_space<vmem_shared>> -> memref<10240x128xf32, #tpu.memory_space<vmem_shared>>
        tpu.wait_indirect_dma semaphore(%run_scoped3A_280 : memref<!tpu.dma_semaphore, #tpu.memory_space<semaphore_mem>>) src(%arg12 : memref<128x128xf32, #tpu.memory_space<vmem>>) dst(%dma_wait3A_292 : memref<10240x128xf32, #tpu.memory_space<vmem_shared>>)
        tpu.yield
      }) : () -> ()
      %dma_wait3A_104 = arith.constant 5 : i32
      %dma_wait3A_105 = arith.constant 0 : i32
      %dma_wait3A_106 = tpu.memref_slice %arg8[%dma_wait3A_104, %dma_wait3A_105] : memref<8x128xi32, #tpu.memory_space<vmem>> -> memref<1x128xi32, #tpu.memory_space<vmem>>
      %dma_wait3A_107 = tpu.memref_squeeze %dma_wait3A_106 : memref<1x128xi32, #tpu.memory_space<vmem>> -> memref<128xi32, #tpu.memory_space<vmem>>
      %dma_wait3A_108 = arith.constant 0 : i32
      %dma_wait3A_109 = arith.constant 0 : i32
      %dma_wait3A_110 = tpu.memref_slice %arg2[%dma_wait3A_108, %dma_wait3A_109] : memref<10240x128xf32, #tpu.memory_space<hbm>> -> memref<10240x128xf32, #tpu.memory_space<hbm>>
      tpu.wait_indirect_dma semaphore(%arg15 : memref<!tpu.dma_semaphore, #tpu.memory_space<semaphore_mem>>) src(%dma_wait3A_110 : memref<10240x128xf32, #tpu.memory_space<hbm>>) dst(%arg13 : memref<128x128xf32, #tpu.memory_space<vmem>>)
      %dma_start3A_111 = arith.constant 6 : i32
      %dma_start3A_112 = arith.constant 0 : i32
      %dma_start3A_113 = tpu.memref_slice %arg8[%dma_start3A_111, %dma_start3A_112] : memref<8x128xi32, #tpu.memory_space<vmem>> -> memref<1x128xi32, #tpu.memory_space<vmem>>
      %dma_start3A_114 = tpu.memref_squeeze %dma_start3A_113 : memref<1x128xi32, #tpu.memory_space<vmem>> -> memref<128xi32, #tpu.memory_space<vmem>>
      %dma_start3A_115 = arith.constant 0 : i32
      %dma_start3A_116 = arith.constant 0 : i32
      %dma_start3A_117 = tpu.memref_slice %arg2[%dma_start3A_115, %dma_start3A_116] : memref<10240x128xf32, #tpu.memory_space<hbm>> -> memref<10240x128xf32, #tpu.memory_space<hbm>>
      tpu.enqueue_indirect_dma source(%dma_start3A_117 : memref<10240x128xf32, #tpu.memory_space<hbm>>) target(%arg12 : memref<128x128xf32, #tpu.memory_space<vmem>>) offsets(%dma_start3A_114 : memref<128xi32, #tpu.memory_space<vmem>>) semaphore(%arg14 : memref<!tpu.dma_semaphore, #tpu.memory_space<semaphore_mem>>)
      %run_scoped3A_118 = arith.constant 5 : i32
      "tpu.region"() ({
        %run_scoped3A_280 = tpu.sem_alloc : memref<!tpu.dma_semaphore, #tpu.memory_space<semaphore_mem>>
        %dma_start3A_281 = arith.constant 0 : i32
        %dma_start3A_282 = tpu.memref_slice %arg9[%run_scoped3A_118, %dma_start3A_281] : memref<8x128xi32, #tpu.memory_space<vmem>> -> memref<1x128xi32, #tpu.memory_space<vmem>>
        %dma_start3A_283 = tpu.memref_squeeze %dma_start3A_282 : memref<1x128xi32, #tpu.memory_space<vmem>> -> memref<128xi32, #tpu.memory_space<vmem>>
        %dma_start3A_284 = arith.constant 0 : i32
        %dma_start3A_285 = arith.constant 0 : i32
        %dma_start3A_286 = tpu.memref_slice %arg7[%dma_start3A_284, %dma_start3A_285] : memref<10240x128xf32, #tpu.memory_space<vmem_shared>> -> memref<10240x128xf32, #tpu.memory_space<vmem_shared>>
        tpu.enqueue_indirect_dma source(%arg13 : memref<128x128xf32, #tpu.memory_space<vmem>>) target(%dma_start3A_286 : memref<10240x128xf32, #tpu.memory_space<vmem_shared>>) offsets(%dma_start3A_283 : memref<128xi32, #tpu.memory_space<vmem>>) semaphore(%run_scoped3A_280 : memref<!tpu.dma_semaphore, #tpu.memory_space<semaphore_mem>>) {add = true}
        %dma_wait3A_287 = arith.constant 0 : i32
        %dma_wait3A_288 = tpu.memref_slice %arg9[%run_scoped3A_118, %dma_wait3A_287] : memref<8x128xi32, #tpu.memory_space<vmem>> -> memref<1x128xi32, #tpu.memory_space<vmem>>
        %dma_wait3A_289 = tpu.memref_squeeze %dma_wait3A_288 : memref<1x128xi32, #tpu.memory_space<vmem>> -> memref<128xi32, #tpu.memory_space<vmem>>
        %dma_wait3A_290 = arith.constant 0 : i32
        %dma_wait3A_291 = arith.constant 0 : i32
        %dma_wait3A_292 = tpu.memref_slice %arg7[%dma_wait3A_290, %dma_wait3A_291] : memref<10240x128xf32, #tpu.memory_space<vmem_shared>> -> memref<10240x128xf32, #tpu.memory_space<vmem_shared>>
        tpu.wait_indirect_dma semaphore(%run_scoped3A_280 : memref<!tpu.dma_semaphore, #tpu.memory_space<semaphore_mem>>) src(%arg13 : memref<128x128xf32, #tpu.memory_space<vmem>>) dst(%dma_wait3A_292 : memref<10240x128xf32, #tpu.memory_space<vmem_shared>>)
        tpu.yield
      }) : () -> ()
      %dma_wait3A_119 = arith.constant 6 : i32
      %dma_wait3A_120 = arith.constant 0 : i32
      %dma_wait3A_121 = tpu.memref_slice %arg8[%dma_wait3A_119, %dma_wait3A_120] : memref<8x128xi32, #tpu.memory_space<vmem>> -> memref<1x128xi32, #tpu.memory_space<vmem>>
      %dma_wait3A_122 = tpu.memref_squeeze %dma_wait3A_121 : memref<1x128xi32, #tpu.memory_space<vmem>> -> memref<128xi32, #tpu.memory_space<vmem>>
      %dma_wait3A_123 = arith.constant 0 : i32
      %dma_wait3A_124 = arith.constant 0 : i32
      %dma_wait3A_125 = tpu.memref_slice %arg2[%dma_wait3A_123, %dma_wait3A_124] : memref<10240x128xf32, #tpu.memory_space<hbm>> -> memref<10240x128xf32, #tpu.memory_space<hbm>>
      tpu.wait_indirect_dma semaphore(%arg14 : memref<!tpu.dma_semaphore, #tpu.memory_space<semaphore_mem>>) src(%dma_wait3A_125 : memref<10240x128xf32, #tpu.memory_space<hbm>>) dst(%arg12 : memref<128x128xf32, #tpu.memory_space<vmem>>)
      %dma_start3A_126 = arith.constant 7 : i32
      %dma_start3A_127 = arith.constant 0 : i32
      %dma_start3A_128 = tpu.memref_slice %arg8[%dma_start3A_126, %dma_start3A_127] : memref<8x128xi32, #tpu.memory_space<vmem>> -> memref<1x128xi32, #tpu.memory_space<vmem>>
      %dma_start3A_129 = tpu.memref_squeeze %dma_start3A_128 : memref<1x128xi32, #tpu.memory_space<vmem>> -> memref<128xi32, #tpu.memory_space<vmem>>
      %dma_start3A_130 = arith.constant 0 : i32
      %dma_start3A_131 = arith.constant 0 : i32
      %dma_start3A_132 = tpu.memref_slice %arg2[%dma_start3A_130, %dma_start3A_131] : memref<10240x128xf32, #tpu.memory_space<hbm>> -> memref<10240x128xf32, #tpu.memory_space<hbm>>
      tpu.enqueue_indirect_dma source(%dma_start3A_132 : memref<10240x128xf32, #tpu.memory_space<hbm>>) target(%arg13 : memref<128x128xf32, #tpu.memory_space<vmem>>) offsets(%dma_start3A_129 : memref<128xi32, #tpu.memory_space<vmem>>) semaphore(%arg15 : memref<!tpu.dma_semaphore, #tpu.memory_space<semaphore_mem>>)
      %run_scoped3A_133 = arith.constant 6 : i32
      "tpu.region"() ({
        %run_scoped3A_280 = tpu.sem_alloc : memref<!tpu.dma_semaphore, #tpu.memory_space<semaphore_mem>>
        %dma_start3A_281 = arith.constant 0 : i32
        %dma_start3A_282 = tpu.memref_slice %arg9[%run_scoped3A_133, %dma_start3A_281] : memref<8x128xi32, #tpu.memory_space<vmem>> -> memref<1x128xi32, #tpu.memory_space<vmem>>
        %dma_start3A_283 = tpu.memref_squeeze %dma_start3A_282 : memref<1x128xi32, #tpu.memory_space<vmem>> -> memref<128xi32, #tpu.memory_space<vmem>>
        %dma_start3A_284 = arith.constant 0 : i32
        %dma_start3A_285 = arith.constant 0 : i32
        %dma_start3A_286 = tpu.memref_slice %arg7[%dma_start3A_284, %dma_start3A_285] : memref<10240x128xf32, #tpu.memory_space<vmem_shared>> -> memref<10240x128xf32, #tpu.memory_space<vmem_shared>>
        tpu.enqueue_indirect_dma source(%arg12 : memref<128x128xf32, #tpu.memory_space<vmem>>) target(%dma_start3A_286 : memref<10240x128xf32, #tpu.memory_space<vmem_shared>>) offsets(%dma_start3A_283 : memref<128xi32, #tpu.memory_space<vmem>>) semaphore(%run_scoped3A_280 : memref<!tpu.dma_semaphore, #tpu.memory_space<semaphore_mem>>) {add = true}
        %dma_wait3A_287 = arith.constant 0 : i32
        %dma_wait3A_288 = tpu.memref_slice %arg9[%run_scoped3A_133, %dma_wait3A_287] : memref<8x128xi32, #tpu.memory_space<vmem>> -> memref<1x128xi32, #tpu.memory_space<vmem>>
        %dma_wait3A_289 = tpu.memref_squeeze %dma_wait3A_288 : memref<1x128xi32, #tpu.memory_space<vmem>> -> memref<128xi32, #tpu.memory_space<vmem>>
        %dma_wait3A_290 = arith.constant 0 : i32
        %dma_wait3A_291 = arith.constant 0 : i32
        %dma_wait3A_292 = tpu.memref_slice %arg7[%dma_wait3A_290, %dma_wait3A_291] : memref<10240x128xf32, #tpu.memory_space<vmem_shared>> -> memref<10240x128xf32, #tpu.memory_space<vmem_shared>>
        tpu.wait_indirect_dma semaphore(%run_scoped3A_280 : memref<!tpu.dma_semaphore, #tpu.memory_space<semaphore_mem>>) src(%arg12 : memref<128x128xf32, #tpu.memory_space<vmem>>) dst(%dma_wait3A_292 : memref<10240x128xf32, #tpu.memory_space<vmem_shared>>)
        tpu.yield
      }) : () -> ()
      %dma_wait3A_134 = arith.constant 7 : i32
      %dma_wait3A_135 = arith.constant 0 : i32
      %dma_wait3A_136 = tpu.memref_slice %arg8[%dma_wait3A_134, %dma_wait3A_135] : memref<8x128xi32, #tpu.memory_space<vmem>> -> memref<1x128xi32, #tpu.memory_space<vmem>>
      %dma_wait3A_137 = tpu.memref_squeeze %dma_wait3A_136 : memref<1x128xi32, #tpu.memory_space<vmem>> -> memref<128xi32, #tpu.memory_space<vmem>>
      %dma_wait3A_138 = arith.constant 0 : i32
      %dma_wait3A_139 = arith.constant 0 : i32
      %dma_wait3A_140 = tpu.memref_slice %arg2[%dma_wait3A_138, %dma_wait3A_139] : memref<10240x128xf32, #tpu.memory_space<hbm>> -> memref<10240x128xf32, #tpu.memory_space<hbm>>
      tpu.wait_indirect_dma semaphore(%arg15 : memref<!tpu.dma_semaphore, #tpu.memory_space<semaphore_mem>>) src(%dma_wait3A_140 : memref<10240x128xf32, #tpu.memory_space<hbm>>) dst(%arg13 : memref<128x128xf32, #tpu.memory_space<vmem>>)
      %add3A_141 = arith.constant 1 : i32
      %add3A_142 = arith.addi %mul3A_25, %add3A_141 : i32
      %lt3A_143 = arith.constant 10 : i32
      %lt3A_144 = arith.cmpi slt, %add3A_142, %lt3A_143 : i32
      %convert_element_type3A_145 = arith.extui %lt3A_144 : i1 to i32
      %cond3A_146 = arith.constant 0 : i32
      %cond3A_147 = arith.cmpi ne, %convert_element_type3A_145, %cond3A_146 : i32
      scf.if %cond3A_147 {
        %add3A_280 = arith.constant 1 : i32
        %add3A_281 = arith.addi %mul3A_25, %add3A_280 : i32
        %mul3A_282 = arith.constant 8 : i32
        %mul3A_283 = arith.muli %add3A_281, %mul3A_282 : i32
        %add3A_284 = arith.addi %mul3A_4, %mul3A_283 : i32
        %dma_wait3A_285 = arith.constant 0 : i32
        %dma_wait3A_286 = tpu.memref_slice %arg3[%add3A_284, %dma_wait3A_285] : memref<2560x128xi32, #tpu.memory_space<hbm>> -> memref<8x128xi32, #tpu.memory_space<hbm>>
        %dma_wait3A_287 = arith.constant 0 : i32
        %dma_wait3A_288 = tpu.memref_slice %arg3[%add3A_284, %dma_wait3A_287] : memref<2560x128xi32, #tpu.memory_space<hbm>> -> memref<8x128xi32, #tpu.memory_space<hbm>>
        tpu.wait_dma2 semaphore(%arg17 : memref<!tpu.dma_semaphore, #tpu.memory_space<semaphore_mem>>) src(%dma_wait3A_288 : memref<8x128xi32, #tpu.memory_space<hbm>>) dst(%arg10 : memref<8x128xi32, #tpu.memory_space<vmem>>)
        %dma_wait3A_289 = arith.constant 0 : i32
        %dma_wait3A_290 = tpu.memref_slice %arg4[%add3A_284, %dma_wait3A_289] : memref<2560x128xi32, #tpu.memory_space<hbm>> -> memref<8x128xi32, #tpu.memory_space<hbm>>
        %dma_wait3A_291 = arith.constant 0 : i32
        %dma_wait3A_292 = tpu.memref_slice %arg4[%add3A_284, %dma_wait3A_291] : memref<2560x128xi32, #tpu.memory_space<hbm>> -> memref<8x128xi32, #tpu.memory_space<hbm>>
        tpu.wait_dma2 semaphore(%arg17 : memref<!tpu.dma_semaphore, #tpu.memory_space<semaphore_mem>>) src(%dma_wait3A_292 : memref<8x128xi32, #tpu.memory_space<hbm>>) dst(%arg11 : memref<8x128xi32, #tpu.memory_space<vmem>>)
        %dma_start3A_293 = arith.constant 0 : i32
        %dma_start3A_294 = arith.constant 0 : i32
        %dma_start3A_295 = tpu.memref_slice %arg10[%dma_start3A_293, %dma_start3A_294] : memref<8x128xi32, #tpu.memory_space<vmem>> -> memref<1x128xi32, #tpu.memory_space<vmem>>
        %dma_start3A_296 = tpu.memref_squeeze %dma_start3A_295 : memref<1x128xi32, #tpu.memory_space<vmem>> -> memref<128xi32, #tpu.memory_space<vmem>>
        %dma_start3A_297 = arith.constant 0 : i32
        %dma_start3A_298 = arith.constant 0 : i32
        %dma_start3A_299 = tpu.memref_slice %arg2[%dma_start3A_297, %dma_start3A_298] : memref<10240x128xf32, #tpu.memory_space<hbm>> -> memref<10240x128xf32, #tpu.memory_space<hbm>>
        tpu.enqueue_indirect_dma source(%dma_start3A_299 : memref<10240x128xf32, #tpu.memory_space<hbm>>) target(%arg12 : memref<128x128xf32, #tpu.memory_space<vmem>>) offsets(%dma_start3A_296 : memref<128xi32, #tpu.memory_space<vmem>>) semaphore(%arg14 : memref<!tpu.dma_semaphore, #tpu.memory_space<semaphore_mem>>)
      } else {
      }
      %run_scoped3A_148 = arith.constant 7 : i32
      "tpu.region"() ({
        %run_scoped3A_280 = tpu.sem_alloc : memref<!tpu.dma_semaphore, #tpu.memory_space<semaphore_mem>>
        %dma_start3A_281 = arith.constant 0 : i32
        %dma_start3A_282 = tpu.memref_slice %arg9[%run_scoped3A_148, %dma_start3A_281] : memref<8x128xi32, #tpu.memory_space<vmem>> -> memref<1x128xi32, #tpu.memory_space<vmem>>
        %dma_start3A_283 = tpu.memref_squeeze %dma_start3A_282 : memref<1x128xi32, #tpu.memory_space<vmem>> -> memref<128xi32, #tpu.memory_space<vmem>>
        %dma_start3A_284 = arith.constant 0 : i32
        %dma_start3A_285 = arith.constant 0 : i32
        %dma_start3A_286 = tpu.memref_slice %arg7[%dma_start3A_284, %dma_start3A_285] : memref<10240x128xf32, #tpu.memory_space<vmem_shared>> -> memref<10240x128xf32, #tpu.memory_space<vmem_shared>>
        tpu.enqueue_indirect_dma source(%arg13 : memref<128x128xf32, #tpu.memory_space<vmem>>) target(%dma_start3A_286 : memref<10240x128xf32, #tpu.memory_space<vmem_shared>>) offsets(%dma_start3A_283 : memref<128xi32, #tpu.memory_space<vmem>>) semaphore(%run_scoped3A_280 : memref<!tpu.dma_semaphore, #tpu.memory_space<semaphore_mem>>) {add = true}
        %dma_wait3A_287 = arith.constant 0 : i32
        %dma_wait3A_288 = tpu.memref_slice %arg9[%run_scoped3A_148, %dma_wait3A_287] : memref<8x128xi32, #tpu.memory_space<vmem>> -> memref<1x128xi32, #tpu.memory_space<vmem>>
        %dma_wait3A_289 = tpu.memref_squeeze %dma_wait3A_288 : memref<1x128xi32, #tpu.memory_space<vmem>> -> memref<128xi32, #tpu.memory_space<vmem>>
        %dma_wait3A_290 = arith.constant 0 : i32
        %dma_wait3A_291 = arith.constant 0 : i32
        %dma_wait3A_292 = tpu.memref_slice %arg7[%dma_wait3A_290, %dma_wait3A_291] : memref<10240x128xf32, #tpu.memory_space<vmem_shared>> -> memref<10240x128xf32, #tpu.memory_space<vmem_shared>>
        tpu.wait_indirect_dma semaphore(%run_scoped3A_280 : memref<!tpu.dma_semaphore, #tpu.memory_space<semaphore_mem>>) src(%arg13 : memref<128x128xf32, #tpu.memory_space<vmem>>) dst(%dma_wait3A_292 : memref<10240x128xf32, #tpu.memory_space<vmem_shared>>)
        tpu.yield
      }) : () -> ()
      %mul3A_149 = arith.constant 2 : i32
      %mul3A_150 = arith.muli %mul3A_149, %scan3A_23 : i32
      %add3A_151 = arith.constant 1 : i32
      %add3A_152 = arith.addi %mul3A_150, %add3A_151 : i32
      %add3A_153 = arith.constant 1 : i32
      %add3A_154 = arith.addi %add3A_152, %add3A_153 : i32
      %lt3A_155 = arith.constant 10 : i32
      %lt3A_156 = arith.cmpi slt, %add3A_154, %lt3A_155 : i32
      %convert_element_type3A_157 = arith.extui %lt3A_156 : i1 to i32
      %cond3A_158 = arith.constant 0 : i32
      %cond3A_159 = arith.cmpi ne, %convert_element_type3A_157, %cond3A_158 : i32
      scf.if %cond3A_159 {
        %add3A_280 = arith.constant 1 : i32
        %add3A_281 = arith.addi %add3A_152, %add3A_280 : i32
        %mul3A_282 = arith.constant 8 : i32
        %mul3A_283 = arith.muli %add3A_281, %mul3A_282 : i32
        %add3A_284 = arith.addi %mul3A_4, %mul3A_283 : i32
        %dma_start3A_285 = arith.constant 0 : i32
        %dma_start3A_286 = tpu.memref_slice %arg3[%add3A_284, %dma_start3A_285] : memref<2560x128xi32, #tpu.memory_space<hbm>> -> memref<8x128xi32, #tpu.memory_space<hbm>>
        %dma_start3A_287 = arith.constant 0 : i32
        %dma_start3A_288 = tpu.memref_slice %arg3[%add3A_284, %dma_start3A_287] : memref<2560x128xi32, #tpu.memory_space<hbm>> -> memref<8x128xi32, #tpu.memory_space<hbm>>
        tpu.enqueue_dma source(%dma_start3A_288 : memref<8x128xi32, #tpu.memory_space<hbm>>) target(%arg8 : memref<8x128xi32, #tpu.memory_space<vmem>>) target_semaphore(%arg16 : memref<!tpu.dma_semaphore, #tpu.memory_space<semaphore_mem>>)
        %dma_start3A_289 = arith.constant 0 : i32
        %dma_start3A_290 = tpu.memref_slice %arg4[%add3A_284, %dma_start3A_289] : memref<2560x128xi32, #tpu.memory_space<hbm>> -> memref<8x128xi32, #tpu.memory_space<hbm>>
        %dma_start3A_291 = arith.constant 0 : i32
        %dma_start3A_292 = tpu.memref_slice %arg4[%add3A_284, %dma_start3A_291] : memref<2560x128xi32, #tpu.memory_space<hbm>> -> memref<8x128xi32, #tpu.memory_space<hbm>>
        tpu.enqueue_dma source(%dma_start3A_292 : memref<8x128xi32, #tpu.memory_space<hbm>>) target(%arg9 : memref<8x128xi32, #tpu.memory_space<vmem>>) target_semaphore(%arg16 : memref<!tpu.dma_semaphore, #tpu.memory_space<semaphore_mem>>)
      } else {
      }
      %dma_wait3A_160 = arith.constant 0 : i32
      %dma_wait3A_161 = arith.constant 0 : i32
      %dma_wait3A_162 = tpu.memref_slice %arg10[%dma_wait3A_160, %dma_wait3A_161] : memref<8x128xi32, #tpu.memory_space<vmem>> -> memref<1x128xi32, #tpu.memory_space<vmem>>
      %dma_wait3A_163 = tpu.memref_squeeze %dma_wait3A_162 : memref<1x128xi32, #tpu.memory_space<vmem>> -> memref<128xi32, #tpu.memory_space<vmem>>
      %dma_wait3A_164 = arith.constant 0 : i32
      %dma_wait3A_165 = arith.constant 0 : i32
      %dma_wait3A_166 = tpu.memref_slice %arg2[%dma_wait3A_164, %dma_wait3A_165] : memref<10240x128xf32, #tpu.memory_space<hbm>> -> memref<10240x128xf32, #tpu.memory_space<hbm>>
      tpu.wait_indirect_dma semaphore(%arg14 : memref<!tpu.dma_semaphore, #tpu.memory_space<semaphore_mem>>) src(%dma_wait3A_166 : memref<10240x128xf32, #tpu.memory_space<hbm>>) dst(%arg12 : memref<128x128xf32, #tpu.memory_space<vmem>>)
      %dma_start3A_167 = arith.constant 1 : i32
      %dma_start3A_168 = arith.constant 0 : i32
      %dma_start3A_169 = tpu.memref_slice %arg10[%dma_start3A_167, %dma_start3A_168] : memref<8x128xi32, #tpu.memory_space<vmem>> -> memref<1x128xi32, #tpu.memory_space<vmem>>
      %dma_start3A_170 = tpu.memref_squeeze %dma_start3A_169 : memref<1x128xi32, #tpu.memory_space<vmem>> -> memref<128xi32, #tpu.memory_space<vmem>>
      %dma_start3A_171 = arith.constant 0 : i32
      %dma_start3A_172 = arith.constant 0 : i32
      %dma_start3A_173 = tpu.memref_slice %arg2[%dma_start3A_171, %dma_start3A_172] : memref<10240x128xf32, #tpu.memory_space<hbm>> -> memref<10240x128xf32, #tpu.memory_space<hbm>>
      tpu.enqueue_indirect_dma source(%dma_start3A_173 : memref<10240x128xf32, #tpu.memory_space<hbm>>) target(%arg13 : memref<128x128xf32, #tpu.memory_space<vmem>>) offsets(%dma_start3A_170 : memref<128xi32, #tpu.memory_space<vmem>>) semaphore(%arg15 : memref<!tpu.dma_semaphore, #tpu.memory_space<semaphore_mem>>)
      %run_scoped3A_174 = arith.constant 0 : i32
      "tpu.region"() ({
        %run_scoped3A_280 = tpu.sem_alloc : memref<!tpu.dma_semaphore, #tpu.memory_space<semaphore_mem>>
        %dma_start3A_281 = arith.constant 0 : i32
        %dma_start3A_282 = tpu.memref_slice %arg11[%run_scoped3A_174, %dma_start3A_281] : memref<8x128xi32, #tpu.memory_space<vmem>> -> memref<1x128xi32, #tpu.memory_space<vmem>>
        %dma_start3A_283 = tpu.memref_squeeze %dma_start3A_282 : memref<1x128xi32, #tpu.memory_space<vmem>> -> memref<128xi32, #tpu.memory_space<vmem>>
        %dma_start3A_284 = arith.constant 0 : i32
        %dma_start3A_285 = arith.constant 0 : i32
        %dma_start3A_286 = tpu.memref_slice %arg7[%dma_start3A_284, %dma_start3A_285] : memref<10240x128xf32, #tpu.memory_space<vmem_shared>> -> memref<10240x128xf32, #tpu.memory_space<vmem_shared>>
        tpu.enqueue_indirect_dma source(%arg12 : memref<128x128xf32, #tpu.memory_space<vmem>>) target(%dma_start3A_286 : memref<10240x128xf32, #tpu.memory_space<vmem_shared>>) offsets(%dma_start3A_283 : memref<128xi32, #tpu.memory_space<vmem>>) semaphore(%run_scoped3A_280 : memref<!tpu.dma_semaphore, #tpu.memory_space<semaphore_mem>>) {add = true}
        %dma_wait3A_287 = arith.constant 0 : i32
        %dma_wait3A_288 = tpu.memref_slice %arg11[%run_scoped3A_174, %dma_wait3A_287] : memref<8x128xi32, #tpu.memory_space<vmem>> -> memref<1x128xi32, #tpu.memory_space<vmem>>
        %dma_wait3A_289 = tpu.memref_squeeze %dma_wait3A_288 : memref<1x128xi32, #tpu.memory_space<vmem>> -> memref<128xi32, #tpu.memory_space<vmem>>
        %dma_wait3A_290 = arith.constant 0 : i32
        %dma_wait3A_291 = arith.constant 0 : i32
        %dma_wait3A_292 = tpu.memref_slice %arg7[%dma_wait3A_290, %dma_wait3A_291] : memref<10240x128xf32, #tpu.memory_space<vmem_shared>> -> memref<10240x128xf32, #tpu.memory_space<vmem_shared>>
        tpu.wait_indirect_dma semaphore(%run_scoped3A_280 : memref<!tpu.dma_semaphore, #tpu.memory_space<semaphore_mem>>) src(%arg12 : memref<128x128xf32, #tpu.memory_space<vmem>>) dst(%dma_wait3A_292 : memref<10240x128xf32, #tpu.memory_space<vmem_shared>>)
        tpu.yield
      }) : () -> ()
      %dma_wait3A_175 = arith.constant 1 : i32
      %dma_wait3A_176 = arith.constant 0 : i32
      %dma_wait3A_177 = tpu.memref_slice %arg10[%dma_wait3A_175, %dma_wait3A_176] : memref<8x128xi32, #tpu.memory_space<vmem>> -> memref<1x128xi32, #tpu.memory_space<vmem>>
      %dma_wait3A_178 = tpu.memref_squeeze %dma_wait3A_177 : memref<1x128xi32, #tpu.memory_space<vmem>> -> memref<128xi32, #tpu.memory_space<vmem>>
      %dma_wait3A_179 = arith.constant 0 : i32
      %dma_wait3A_180 = arith.constant 0 : i32
      %dma_wait3A_181 = tpu.memref_slice %arg2[%dma_wait3A_179, %dma_wait3A_180] : memref<10240x128xf32, #tpu.memory_space<hbm>> -> memref<10240x128xf32, #tpu.memory_space<hbm>>
      tpu.wait_indirect_dma semaphore(%arg15 : memref<!tpu.dma_semaphore, #tpu.memory_space<semaphore_mem>>) src(%dma_wait3A_181 : memref<10240x128xf32, #tpu.memory_space<hbm>>) dst(%arg13 : memref<128x128xf32, #tpu.memory_space<vmem>>)
      %dma_start3A_182 = arith.constant 2 : i32
      %dma_start3A_183 = arith.constant 0 : i32
      %dma_start3A_184 = tpu.memref_slice %arg10[%dma_start3A_182, %dma_start3A_183] : memref<8x128xi32, #tpu.memory_space<vmem>> -> memref<1x128xi32, #tpu.memory_space<vmem>>
      %dma_start3A_185 = tpu.memref_squeeze %dma_start3A_184 : memref<1x128xi32, #tpu.memory_space<vmem>> -> memref<128xi32, #tpu.memory_space<vmem>>
      %dma_start3A_186 = arith.constant 0 : i32
      %dma_start3A_187 = arith.constant 0 : i32
      %dma_start3A_188 = tpu.memref_slice %arg2[%dma_start3A_186, %dma_start3A_187] : memref<10240x128xf32, #tpu.memory_space<hbm>> -> memref<10240x128xf32, #tpu.memory_space<hbm>>
      tpu.enqueue_indirect_dma source(%dma_start3A_188 : memref<10240x128xf32, #tpu.memory_space<hbm>>) target(%arg12 : memref<128x128xf32, #tpu.memory_space<vmem>>) offsets(%dma_start3A_185 : memref<128xi32, #tpu.memory_space<vmem>>) semaphore(%arg14 : memref<!tpu.dma_semaphore, #tpu.memory_space<semaphore_mem>>)
      %run_scoped3A_189 = arith.constant 1 : i32
      "tpu.region"() ({
        %run_scoped3A_280 = tpu.sem_alloc : memref<!tpu.dma_semaphore, #tpu.memory_space<semaphore_mem>>
        %dma_start3A_281 = arith.constant 0 : i32
        %dma_start3A_282 = tpu.memref_slice %arg11[%run_scoped3A_189, %dma_start3A_281] : memref<8x128xi32, #tpu.memory_space<vmem>> -> memref<1x128xi32, #tpu.memory_space<vmem>>
        %dma_start3A_283 = tpu.memref_squeeze %dma_start3A_282 : memref<1x128xi32, #tpu.memory_space<vmem>> -> memref<128xi32, #tpu.memory_space<vmem>>
        %dma_start3A_284 = arith.constant 0 : i32
        %dma_start3A_285 = arith.constant 0 : i32
        %dma_start3A_286 = tpu.memref_slice %arg7[%dma_start3A_284, %dma_start3A_285] : memref<10240x128xf32, #tpu.memory_space<vmem_shared>> -> memref<10240x128xf32, #tpu.memory_space<vmem_shared>>
        tpu.enqueue_indirect_dma source(%arg13 : memref<128x128xf32, #tpu.memory_space<vmem>>) target(%dma_start3A_286 : memref<10240x128xf32, #tpu.memory_space<vmem_shared>>) offsets(%dma_start3A_283 : memref<128xi32, #tpu.memory_space<vmem>>) semaphore(%run_scoped3A_280 : memref<!tpu.dma_semaphore, #tpu.memory_space<semaphore_mem>>) {add = true}
        %dma_wait3A_287 = arith.constant 0 : i32
        %dma_wait3A_288 = tpu.memref_slice %arg11[%run_scoped3A_189, %dma_wait3A_287] : memref<8x128xi32, #tpu.memory_space<vmem>> -> memref<1x128xi32, #tpu.memory_space<vmem>>
        %dma_wait3A_289 = tpu.memref_squeeze %dma_wait3A_288 : memref<1x128xi32, #tpu.memory_space<vmem>> -> memref<128xi32, #tpu.memory_space<vmem>>
        %dma_wait3A_290 = arith.constant 0 : i32
        %dma_wait3A_291 = arith.constant 0 : i32
        %dma_wait3A_292 = tpu.memref_slice %arg7[%dma_wait3A_290, %dma_wait3A_291] : memref<10240x128xf32, #tpu.memory_space<vmem_shared>> -> memref<10240x128xf32, #tpu.memory_space<vmem_shared>>
        tpu.wait_indirect_dma semaphore(%run_scoped3A_280 : memref<!tpu.dma_semaphore, #tpu.memory_space<semaphore_mem>>) src(%arg13 : memref<128x128xf32, #tpu.memory_space<vmem>>) dst(%dma_wait3A_292 : memref<10240x128xf32, #tpu.memory_space<vmem_shared>>)
        tpu.yield
      }) : () -> ()
      %dma_wait3A_190 = arith.constant 2 : i32
      %dma_wait3A_191 = arith.constant 0 : i32
      %dma_wait3A_192 = tpu.memref_slice %arg10[%dma_wait3A_190, %dma_wait3A_191] : memref<8x128xi32, #tpu.memory_space<vmem>> -> memref<1x128xi32, #tpu.memory_space<vmem>>
      %dma_wait3A_193 = tpu.memref_squeeze %dma_wait3A_192 : memref<1x128xi32, #tpu.memory_space<vmem>> -> memref<128xi32, #tpu.memory_space<vmem>>
      %dma_wait3A_194 = arith.constant 0 : i32
      %dma_wait3A_195 = arith.constant 0 : i32
      %dma_wait3A_196 = tpu.memref_slice %arg2[%dma_wait3A_194, %dma_wait3A_195] : memref<10240x128xf32, #tpu.memory_space<hbm>> -> memref<10240x128xf32, #tpu.memory_space<hbm>>
      tpu.wait_indirect_dma semaphore(%arg14 : memref<!tpu.dma_semaphore, #tpu.memory_space<semaphore_mem>>) src(%dma_wait3A_196 : memref<10240x128xf32, #tpu.memory_space<hbm>>) dst(%arg12 : memref<128x128xf32, #tpu.memory_space<vmem>>)
      %dma_start3A_197 = arith.constant 3 : i32
      %dma_start3A_198 = arith.constant 0 : i32
      %dma_start3A_199 = tpu.memref_slice %arg10[%dma_start3A_197, %dma_start3A_198] : memref<8x128xi32, #tpu.memory_space<vmem>> -> memref<1x128xi32, #tpu.memory_space<vmem>>
      %dma_start3A_200 = tpu.memref_squeeze %dma_start3A_199 : memref<1x128xi32, #tpu.memory_space<vmem>> -> memref<128xi32, #tpu.memory_space<vmem>>
      %dma_start3A_201 = arith.constant 0 : i32
      %dma_start3A_202 = arith.constant 0 : i32
      %dma_start3A_203 = tpu.memref_slice %arg2[%dma_start3A_201, %dma_start3A_202] : memref<10240x128xf32, #tpu.memory_space<hbm>> -> memref<10240x128xf32, #tpu.memory_space<hbm>>
      tpu.enqueue_indirect_dma source(%dma_start3A_203 : memref<10240x128xf32, #tpu.memory_space<hbm>>) target(%arg13 : memref<128x128xf32, #tpu.memory_space<vmem>>) offsets(%dma_start3A_200 : memref<128xi32, #tpu.memory_space<vmem>>) semaphore(%arg15 : memref<!tpu.dma_semaphore, #tpu.memory_space<semaphore_mem>>)
      %run_scoped3A_204 = arith.constant 2 : i32
      "tpu.region"() ({
        %run_scoped3A_280 = tpu.sem_alloc : memref<!tpu.dma_semaphore, #tpu.memory_space<semaphore_mem>>
        %dma_start3A_281 = arith.constant 0 : i32
        %dma_start3A_282 = tpu.memref_slice %arg11[%run_scoped3A_204, %dma_start3A_281] : memref<8x128xi32, #tpu.memory_space<vmem>> -> memref<1x128xi32, #tpu.memory_space<vmem>>
        %dma_start3A_283 = tpu.memref_squeeze %dma_start3A_282 : memref<1x128xi32, #tpu.memory_space<vmem>> -> memref<128xi32, #tpu.memory_space<vmem>>
        %dma_start3A_284 = arith.constant 0 : i32
        %dma_start3A_285 = arith.constant 0 : i32
        %dma_start3A_286 = tpu.memref_slice %arg7[%dma_start3A_284, %dma_start3A_285] : memref<10240x128xf32, #tpu.memory_space<vmem_shared>> -> memref<10240x128xf32, #tpu.memory_space<vmem_shared>>
        tpu.enqueue_indirect_dma source(%arg12 : memref<128x128xf32, #tpu.memory_space<vmem>>) target(%dma_start3A_286 : memref<10240x128xf32, #tpu.memory_space<vmem_shared>>) offsets(%dma_start3A_283 : memref<128xi32, #tpu.memory_space<vmem>>) semaphore(%run_scoped3A_280 : memref<!tpu.dma_semaphore, #tpu.memory_space<semaphore_mem>>) {add = true}
        %dma_wait3A_287 = arith.constant 0 : i32
        %dma_wait3A_288 = tpu.memref_slice %arg11[%run_scoped3A_204, %dma_wait3A_287] : memref<8x128xi32, #tpu.memory_space<vmem>> -> memref<1x128xi32, #tpu.memory_space<vmem>>
        %dma_wait3A_289 = tpu.memref_squeeze %dma_wait3A_288 : memref<1x128xi32, #tpu.memory_space<vmem>> -> memref<128xi32, #tpu.memory_space<vmem>>
        %dma_wait3A_290 = arith.constant 0 : i32
        %dma_wait3A_291 = arith.constant 0 : i32
        %dma_wait3A_292 = tpu.memref_slice %arg7[%dma_wait3A_290, %dma_wait3A_291] : memref<10240x128xf32, #tpu.memory_space<vmem_shared>> -> memref<10240x128xf32, #tpu.memory_space<vmem_shared>>
        tpu.wait_indirect_dma semaphore(%run_scoped3A_280 : memref<!tpu.dma_semaphore, #tpu.memory_space<semaphore_mem>>) src(%arg12 : memref<128x128xf32, #tpu.memory_space<vmem>>) dst(%dma_wait3A_292 : memref<10240x128xf32, #tpu.memory_space<vmem_shared>>)
        tpu.yield
      }) : () -> ()
      %dma_wait3A_205 = arith.constant 3 : i32
      %dma_wait3A_206 = arith.constant 0 : i32
      %dma_wait3A_207 = tpu.memref_slice %arg10[%dma_wait3A_205, %dma_wait3A_206] : memref<8x128xi32, #tpu.memory_space<vmem>> -> memref<1x128xi32, #tpu.memory_space<vmem>>
      %dma_wait3A_208 = tpu.memref_squeeze %dma_wait3A_207 : memref<1x128xi32, #tpu.memory_space<vmem>> -> memref<128xi32, #tpu.memory_space<vmem>>
      %dma_wait3A_209 = arith.constant 0 : i32
      %dma_wait3A_210 = arith.constant 0 : i32
      %dma_wait3A_211 = tpu.memref_slice %arg2[%dma_wait3A_209, %dma_wait3A_210] : memref<10240x128xf32, #tpu.memory_space<hbm>> -> memref<10240x128xf32, #tpu.memory_space<hbm>>
      tpu.wait_indirect_dma semaphore(%arg15 : memref<!tpu.dma_semaphore, #tpu.memory_space<semaphore_mem>>) src(%dma_wait3A_211 : memref<10240x128xf32, #tpu.memory_space<hbm>>) dst(%arg13 : memref<128x128xf32, #tpu.memory_space<vmem>>)
      %dma_start3A_212 = arith.constant 4 : i32
      %dma_start3A_213 = arith.constant 0 : i32
      %dma_start3A_214 = tpu.memref_slice %arg10[%dma_start3A_212, %dma_start3A_213] : memref<8x128xi32, #tpu.memory_space<vmem>> -> memref<1x128xi32, #tpu.memory_space<vmem>>
      %dma_start3A_215 = tpu.memref_squeeze %dma_start3A_214 : memref<1x128xi32, #tpu.memory_space<vmem>> -> memref<128xi32, #tpu.memory_space<vmem>>
      %dma_start3A_216 = arith.constant 0 : i32
      %dma_start3A_217 = arith.constant 0 : i32
      %dma_start3A_218 = tpu.memref_slice %arg2[%dma_start3A_216, %dma_start3A_217] : memref<10240x128xf32, #tpu.memory_space<hbm>> -> memref<10240x128xf32, #tpu.memory_space<hbm>>
      tpu.enqueue_indirect_dma source(%dma_start3A_218 : memref<10240x128xf32, #tpu.memory_space<hbm>>) target(%arg12 : memref<128x128xf32, #tpu.memory_space<vmem>>) offsets(%dma_start3A_215 : memref<128xi32, #tpu.memory_space<vmem>>) semaphore(%arg14 : memref<!tpu.dma_semaphore, #tpu.memory_space<semaphore_mem>>)
      %run_scoped3A_219 = arith.constant 3 : i32
      "tpu.region"() ({
        %run_scoped3A_280 = tpu.sem_alloc : memref<!tpu.dma_semaphore, #tpu.memory_space<semaphore_mem>>
        %dma_start3A_281 = arith.constant 0 : i32
        %dma_start3A_282 = tpu.memref_slice %arg11[%run_scoped3A_219, %dma_start3A_281] : memref<8x128xi32, #tpu.memory_space<vmem>> -> memref<1x128xi32, #tpu.memory_space<vmem>>
        %dma_start3A_283 = tpu.memref_squeeze %dma_start3A_282 : memref<1x128xi32, #tpu.memory_space<vmem>> -> memref<128xi32, #tpu.memory_space<vmem>>
        %dma_start3A_284 = arith.constant 0 : i32
        %dma_start3A_285 = arith.constant 0 : i32
        %dma_start3A_286 = tpu.memref_slice %arg7[%dma_start3A_284, %dma_start3A_285] : memref<10240x128xf32, #tpu.memory_space<vmem_shared>> -> memref<10240x128xf32, #tpu.memory_space<vmem_shared>>
        tpu.enqueue_indirect_dma source(%arg13 : memref<128x128xf32, #tpu.memory_space<vmem>>) target(%dma_start3A_286 : memref<10240x128xf32, #tpu.memory_space<vmem_shared>>) offsets(%dma_start3A_283 : memref<128xi32, #tpu.memory_space<vmem>>) semaphore(%run_scoped3A_280 : memref<!tpu.dma_semaphore, #tpu.memory_space<semaphore_mem>>) {add = true}
        %dma_wait3A_287 = arith.constant 0 : i32
        %dma_wait3A_288 = tpu.memref_slice %arg11[%run_scoped3A_219, %dma_wait3A_287] : memref<8x128xi32, #tpu.memory_space<vmem>> -> memref<1x128xi32, #tpu.memory_space<vmem>>
        %dma_wait3A_289 = tpu.memref_squeeze %dma_wait3A_288 : memref<1x128xi32, #tpu.memory_space<vmem>> -> memref<128xi32, #tpu.memory_space<vmem>>
        %dma_wait3A_290 = arith.constant 0 : i32
        %dma_wait3A_291 = arith.constant 0 : i32
        %dma_wait3A_292 = tpu.memref_slice %arg7[%dma_wait3A_290, %dma_wait3A_291] : memref<10240x128xf32, #tpu.memory_space<vmem_shared>> -> memref<10240x128xf32, #tpu.memory_space<vmem_shared>>
        tpu.wait_indirect_dma semaphore(%run_scoped3A_280 : memref<!tpu.dma_semaphore, #tpu.memory_space<semaphore_mem>>) src(%arg13 : memref<128x128xf32, #tpu.memory_space<vmem>>) dst(%dma_wait3A_292 : memref<10240x128xf32, #tpu.memory_space<vmem_shared>>)
        tpu.yield
      }) : () -> ()
      %dma_wait3A_220 = arith.constant 4 : i32
      %dma_wait3A_221 = arith.constant 0 : i32
      %dma_wait3A_222 = tpu.memref_slice %arg10[%dma_wait3A_220, %dma_wait3A_221] : memref<8x128xi32, #tpu.memory_space<vmem>> -> memref<1x128xi32, #tpu.memory_space<vmem>>
      %dma_wait3A_223 = tpu.memref_squeeze %dma_wait3A_222 : memref<1x128xi32, #tpu.memory_space<vmem>> -> memref<128xi32, #tpu.memory_space<vmem>>
      %dma_wait3A_224 = arith.constant 0 : i32
      %dma_wait3A_225 = arith.constant 0 : i32
      %dma_wait3A_226 = tpu.memref_slice %arg2[%dma_wait3A_224, %dma_wait3A_225] : memref<10240x128xf32, #tpu.memory_space<hbm>> -> memref<10240x128xf32, #tpu.memory_space<hbm>>
      tpu.wait_indirect_dma semaphore(%arg14 : memref<!tpu.dma_semaphore, #tpu.memory_space<semaphore_mem>>) src(%dma_wait3A_226 : memref<10240x128xf32, #tpu.memory_space<hbm>>) dst(%arg12 : memref<128x128xf32, #tpu.memory_space<vmem>>)
      %dma_start3A_227 = arith.constant 5 : i32
      %dma_start3A_228 = arith.constant 0 : i32
      %dma_start3A_229 = tpu.memref_slice %arg10[%dma_start3A_227, %dma_start3A_228] : memref<8x128xi32, #tpu.memory_space<vmem>> -> memref<1x128xi32, #tpu.memory_space<vmem>>
      %dma_start3A_230 = tpu.memref_squeeze %dma_start3A_229 : memref<1x128xi32, #tpu.memory_space<vmem>> -> memref<128xi32, #tpu.memory_space<vmem>>
      %dma_start3A_231 = arith.constant 0 : i32
      %dma_start3A_232 = arith.constant 0 : i32
      %dma_start3A_233 = tpu.memref_slice %arg2[%dma_start3A_231, %dma_start3A_232] : memref<10240x128xf32, #tpu.memory_space<hbm>> -> memref<10240x128xf32, #tpu.memory_space<hbm>>
      tpu.enqueue_indirect_dma source(%dma_start3A_233 : memref<10240x128xf32, #tpu.memory_space<hbm>>) target(%arg13 : memref<128x128xf32, #tpu.memory_space<vmem>>) offsets(%dma_start3A_230 : memref<128xi32, #tpu.memory_space<vmem>>) semaphore(%arg15 : memref<!tpu.dma_semaphore, #tpu.memory_space<semaphore_mem>>)
      %run_scoped3A_234 = arith.constant 4 : i32
      "tpu.region"() ({
        %run_scoped3A_280 = tpu.sem_alloc : memref<!tpu.dma_semaphore, #tpu.memory_space<semaphore_mem>>
        %dma_start3A_281 = arith.constant 0 : i32
        %dma_start3A_282 = tpu.memref_slice %arg11[%run_scoped3A_234, %dma_start3A_281] : memref<8x128xi32, #tpu.memory_space<vmem>> -> memref<1x128xi32, #tpu.memory_space<vmem>>
        %dma_start3A_283 = tpu.memref_squeeze %dma_start3A_282 : memref<1x128xi32, #tpu.memory_space<vmem>> -> memref<128xi32, #tpu.memory_space<vmem>>
        %dma_start3A_284 = arith.constant 0 : i32
        %dma_start3A_285 = arith.constant 0 : i32
        %dma_start3A_286 = tpu.memref_slice %arg7[%dma_start3A_284, %dma_start3A_285] : memref<10240x128xf32, #tpu.memory_space<vmem_shared>> -> memref<10240x128xf32, #tpu.memory_space<vmem_shared>>
        tpu.enqueue_indirect_dma source(%arg12 : memref<128x128xf32, #tpu.memory_space<vmem>>) target(%dma_start3A_286 : memref<10240x128xf32, #tpu.memory_space<vmem_shared>>) offsets(%dma_start3A_283 : memref<128xi32, #tpu.memory_space<vmem>>) semaphore(%run_scoped3A_280 : memref<!tpu.dma_semaphore, #tpu.memory_space<semaphore_mem>>) {add = true}
        %dma_wait3A_287 = arith.constant 0 : i32
        %dma_wait3A_288 = tpu.memref_slice %arg11[%run_scoped3A_234, %dma_wait3A_287] : memref<8x128xi32, #tpu.memory_space<vmem>> -> memref<1x128xi32, #tpu.memory_space<vmem>>
        %dma_wait3A_289 = tpu.memref_squeeze %dma_wait3A_288 : memref<1x128xi32, #tpu.memory_space<vmem>> -> memref<128xi32, #tpu.memory_space<vmem>>
        %dma_wait3A_290 = arith.constant 0 : i32
        %dma_wait3A_291 = arith.constant 0 : i32
        %dma_wait3A_292 = tpu.memref_slice %arg7[%dma_wait3A_290, %dma_wait3A_291] : memref<10240x128xf32, #tpu.memory_space<vmem_shared>> -> memref<10240x128xf32, #tpu.memory_space<vmem_shared>>
        tpu.wait_indirect_dma semaphore(%run_scoped3A_280 : memref<!tpu.dma_semaphore, #tpu.memory_space<semaphore_mem>>) src(%arg12 : memref<128x128xf32, #tpu.memory_space<vmem>>) dst(%dma_wait3A_292 : memref<10240x128xf32, #tpu.memory_space<vmem_shared>>)
        tpu.yield
      }) : () -> ()
      %dma_wait3A_235 = arith.constant 5 : i32
      %dma_wait3A_236 = arith.constant 0 : i32
      %dma_wait3A_237 = tpu.memref_slice %arg10[%dma_wait3A_235, %dma_wait3A_236] : memref<8x128xi32, #tpu.memory_space<vmem>> -> memref<1x128xi32, #tpu.memory_space<vmem>>
      %dma_wait3A_238 = tpu.memref_squeeze %dma_wait3A_237 : memref<1x128xi32, #tpu.memory_space<vmem>> -> memref<128xi32, #tpu.memory_space<vmem>>
      %dma_wait3A_239 = arith.constant 0 : i32
      %dma_wait3A_240 = arith.constant 0 : i32
      %dma_wait3A_241 = tpu.memref_slice %arg2[%dma_wait3A_239, %dma_wait3A_240] : memref<10240x128xf32, #tpu.memory_space<hbm>> -> memref<10240x128xf32, #tpu.memory_space<hbm>>
      tpu.wait_indirect_dma semaphore(%arg15 : memref<!tpu.dma_semaphore, #tpu.memory_space<semaphore_mem>>) src(%dma_wait3A_241 : memref<10240x128xf32, #tpu.memory_space<hbm>>) dst(%arg13 : memref<128x128xf32, #tpu.memory_space<vmem>>)
      %dma_start3A_242 = arith.constant 6 : i32
      %dma_start3A_243 = arith.constant 0 : i32
      %dma_start3A_244 = tpu.memref_slice %arg10[%dma_start3A_242, %dma_start3A_243] : memref<8x128xi32, #tpu.memory_space<vmem>> -> memref<1x128xi32, #tpu.memory_space<vmem>>
      %dma_start3A_245 = tpu.memref_squeeze %dma_start3A_244 : memref<1x128xi32, #tpu.memory_space<vmem>> -> memref<128xi32, #tpu.memory_space<vmem>>
      %dma_start3A_246 = arith.constant 0 : i32
      %dma_start3A_247 = arith.constant 0 : i32
      %dma_start3A_248 = tpu.memref_slice %arg2[%dma_start3A_246, %dma_start3A_247] : memref<10240x128xf32, #tpu.memory_space<hbm>> -> memref<10240x128xf32, #tpu.memory_space<hbm>>
      tpu.enqueue_indirect_dma source(%dma_start3A_248 : memref<10240x128xf32, #tpu.memory_space<hbm>>) target(%arg12 : memref<128x128xf32, #tpu.memory_space<vmem>>) offsets(%dma_start3A_245 : memref<128xi32, #tpu.memory_space<vmem>>) semaphore(%arg14 : memref<!tpu.dma_semaphore, #tpu.memory_space<semaphore_mem>>)
      %run_scoped3A_249 = arith.constant 5 : i32
      "tpu.region"() ({
        %run_scoped3A_280 = tpu.sem_alloc : memref<!tpu.dma_semaphore, #tpu.memory_space<semaphore_mem>>
        %dma_start3A_281 = arith.constant 0 : i32
        %dma_start3A_282 = tpu.memref_slice %arg11[%run_scoped3A_249, %dma_start3A_281] : memref<8x128xi32, #tpu.memory_space<vmem>> -> memref<1x128xi32, #tpu.memory_space<vmem>>
        %dma_start3A_283 = tpu.memref_squeeze %dma_start3A_282 : memref<1x128xi32, #tpu.memory_space<vmem>> -> memref<128xi32, #tpu.memory_space<vmem>>
        %dma_start3A_284 = arith.constant 0 : i32
        %dma_start3A_285 = arith.constant 0 : i32
        %dma_start3A_286 = tpu.memref_slice %arg7[%dma_start3A_284, %dma_start3A_285] : memref<10240x128xf32, #tpu.memory_space<vmem_shared>> -> memref<10240x128xf32, #tpu.memory_space<vmem_shared>>
        tpu.enqueue_indirect_dma source(%arg13 : memref<128x128xf32, #tpu.memory_space<vmem>>) target(%dma_start3A_286 : memref<10240x128xf32, #tpu.memory_space<vmem_shared>>) offsets(%dma_start3A_283 : memref<128xi32, #tpu.memory_space<vmem>>) semaphore(%run_scoped3A_280 : memref<!tpu.dma_semaphore, #tpu.memory_space<semaphore_mem>>) {add = true}
        %dma_wait3A_287 = arith.constant 0 : i32
        %dma_wait3A_288 = tpu.memref_slice %arg11[%run_scoped3A_249, %dma_wait3A_287] : memref<8x128xi32, #tpu.memory_space<vmem>> -> memref<1x128xi32, #tpu.memory_space<vmem>>
        %dma_wait3A_289 = tpu.memref_squeeze %dma_wait3A_288 : memref<1x128xi32, #tpu.memory_space<vmem>> -> memref<128xi32, #tpu.memory_space<vmem>>
        %dma_wait3A_290 = arith.constant 0 : i32
        %dma_wait3A_291 = arith.constant 0 : i32
        %dma_wait3A_292 = tpu.memref_slice %arg7[%dma_wait3A_290, %dma_wait3A_291] : memref<10240x128xf32, #tpu.memory_space<vmem_shared>> -> memref<10240x128xf32, #tpu.memory_space<vmem_shared>>
        tpu.wait_indirect_dma semaphore(%run_scoped3A_280 : memref<!tpu.dma_semaphore, #tpu.memory_space<semaphore_mem>>) src(%arg13 : memref<128x128xf32, #tpu.memory_space<vmem>>) dst(%dma_wait3A_292 : memref<10240x128xf32, #tpu.memory_space<vmem_shared>>)
        tpu.yield
      }) : () -> ()
      %dma_wait3A_250 = arith.constant 6 : i32
      %dma_wait3A_251 = arith.constant 0 : i32
      %dma_wait3A_252 = tpu.memref_slice %arg10[%dma_wait3A_250, %dma_wait3A_251] : memref<8x128xi32, #tpu.memory_space<vmem>> -> memref<1x128xi32, #tpu.memory_space<vmem>>
      %dma_wait3A_253 = tpu.memref_squeeze %dma_wait3A_252 : memref<1x128xi32, #tpu.memory_space<vmem>> -> memref<128xi32, #tpu.memory_space<vmem>>
      %dma_wait3A_254 = arith.constant 0 : i32
      %dma_wait3A_255 = arith.constant 0 : i32
      %dma_wait3A_256 = tpu.memref_slice %arg2[%dma_wait3A_254, %dma_wait3A_255] : memref<10240x128xf32, #tpu.memory_space<hbm>> -> memref<10240x128xf32, #tpu.memory_space<hbm>>
      tpu.wait_indirect_dma semaphore(%arg14 : memref<!tpu.dma_semaphore, #tpu.memory_space<semaphore_mem>>) src(%dma_wait3A_256 : memref<10240x128xf32, #tpu.memory_space<hbm>>) dst(%arg12 : memref<128x128xf32, #tpu.memory_space<vmem>>)
      %dma_start3A_257 = arith.constant 7 : i32
      %dma_start3A_258 = arith.constant 0 : i32
      %dma_start3A_259 = tpu.memref_slice %arg10[%dma_start3A_257, %dma_start3A_258] : memref<8x128xi32, #tpu.memory_space<vmem>> -> memref<1x128xi32, #tpu.memory_space<vmem>>
      %dma_start3A_260 = tpu.memref_squeeze %dma_start3A_259 : memref<1x128xi32, #tpu.memory_space<vmem>> -> memref<128xi32, #tpu.memory_space<vmem>>
      %dma_start3A_261 = arith.constant 0 : i32
      %dma_start3A_262 = arith.constant 0 : i32
      %dma_start3A_263 = tpu.memref_slice %arg2[%dma_start3A_261, %dma_start3A_262] : memref<10240x128xf32, #tpu.memory_space<hbm>> -> memref<10240x128xf32, #tpu.memory_space<hbm>>
      tpu.enqueue_indirect_dma source(%dma_start3A_263 : memref<10240x128xf32, #tpu.memory_space<hbm>>) target(%arg13 : memref<128x128xf32, #tpu.memory_space<vmem>>) offsets(%dma_start3A_260 : memref<128xi32, #tpu.memory_space<vmem>>) semaphore(%arg15 : memref<!tpu.dma_semaphore, #tpu.memory_space<semaphore_mem>>)
      %run_scoped3A_264 = arith.constant 6 : i32
      "tpu.region"() ({
        %run_scoped3A_280 = tpu.sem_alloc : memref<!tpu.dma_semaphore, #tpu.memory_space<semaphore_mem>>
        %dma_start3A_281 = arith.constant 0 : i32
        %dma_start3A_282 = tpu.memref_slice %arg11[%run_scoped3A_264, %dma_start3A_281] : memref<8x128xi32, #tpu.memory_space<vmem>> -> memref<1x128xi32, #tpu.memory_space<vmem>>
        %dma_start3A_283 = tpu.memref_squeeze %dma_start3A_282 : memref<1x128xi32, #tpu.memory_space<vmem>> -> memref<128xi32, #tpu.memory_space<vmem>>
        %dma_start3A_284 = arith.constant 0 : i32
        %dma_start3A_285 = arith.constant 0 : i32
        %dma_start3A_286 = tpu.memref_slice %arg7[%dma_start3A_284, %dma_start3A_285] : memref<10240x128xf32, #tpu.memory_space<vmem_shared>> -> memref<10240x128xf32, #tpu.memory_space<vmem_shared>>
        tpu.enqueue_indirect_dma source(%arg12 : memref<128x128xf32, #tpu.memory_space<vmem>>) target(%dma_start3A_286 : memref<10240x128xf32, #tpu.memory_space<vmem_shared>>) offsets(%dma_start3A_283 : memref<128xi32, #tpu.memory_space<vmem>>) semaphore(%run_scoped3A_280 : memref<!tpu.dma_semaphore, #tpu.memory_space<semaphore_mem>>) {add = true}
        %dma_wait3A_287 = arith.constant 0 : i32
        %dma_wait3A_288 = tpu.memref_slice %arg11[%run_scoped3A_264, %dma_wait3A_287] : memref<8x128xi32, #tpu.memory_space<vmem>> -> memref<1x128xi32, #tpu.memory_space<vmem>>
        %dma_wait3A_289 = tpu.memref_squeeze %dma_wait3A_288 : memref<1x128xi32, #tpu.memory_space<vmem>> -> memref<128xi32, #tpu.memory_space<vmem>>
        %dma_wait3A_290 = arith.constant 0 : i32
        %dma_wait3A_291 = arith.constant 0 : i32
        %dma_wait3A_292 = tpu.memref_slice %arg7[%dma_wait3A_290, %dma_wait3A_291] : memref<10240x128xf32, #tpu.memory_space<vmem_shared>> -> memref<10240x128xf32, #tpu.memory_space<vmem_shared>>
        tpu.wait_indirect_dma semaphore(%run_scoped3A_280 : memref<!tpu.dma_semaphore, #tpu.memory_space<semaphore_mem>>) src(%arg12 : memref<128x128xf32, #tpu.memory_space<vmem>>) dst(%dma_wait3A_292 : memref<10240x128xf32, #tpu.memory_space<vmem_shared>>)
        tpu.yield
      }) : () -> ()
      %dma_wait3A_265 = arith.constant 7 : i32
      %dma_wait3A_266 = arith.constant 0 : i32
      %dma_wait3A_267 = tpu.memref_slice %arg10[%dma_wait3A_265, %dma_wait3A_266] : memref<8x128xi32, #tpu.memory_space<vmem>> -> memref<1x128xi32, #tpu.memory_space<vmem>>
      %dma_wait3A_268 = tpu.memref_squeeze %dma_wait3A_267 : memref<1x128xi32, #tpu.memory_space<vmem>> -> memref<128xi32, #tpu.memory_space<vmem>>
      %dma_wait3A_269 = arith.constant 0 : i32
      %dma_wait3A_270 = arith.constant 0 : i32
      %dma_wait3A_271 = tpu.memref_slice %arg2[%dma_wait3A_269, %dma_wait3A_270] : memref<10240x128xf32, #tpu.memory_space<hbm>> -> memref<10240x128xf32, #tpu.memory_space<hbm>>
      tpu.wait_indirect_dma semaphore(%arg15 : memref<!tpu.dma_semaphore, #tpu.memory_space<semaphore_mem>>) src(%dma_wait3A_271 : memref<10240x128xf32, #tpu.memory_space<hbm>>) dst(%arg13 : memref<128x128xf32, #tpu.memory_space<vmem>>)
      %add3A_272 = arith.constant 1 : i32
      %add3A_273 = arith.addi %add3A_152, %add3A_272 : i32
      %lt3A_274 = arith.constant 10 : i32
      %lt3A_275 = arith.cmpi slt, %add3A_273, %lt3A_274 : i32
      %convert_element_type3A_276 = arith.extui %lt3A_275 : i1 to i32
      %cond3A_277 = arith.constant 0 : i32
      %cond3A_278 = arith.cmpi ne, %convert_element_type3A_276, %cond3A_277 : i32
      scf.if %cond3A_278 {
        %add3A_280 = arith.constant 1 : i32
        %add3A_281 = arith.addi %add3A_152, %add3A_280 : i32
        %mul3A_282 = arith.constant 8 : i32
        %mul3A_283 = arith.muli %add3A_281, %mul3A_282 : i32
        %add3A_284 = arith.addi %mul3A_4, %mul3A_283 : i32
        %dma_wait3A_285 = arith.constant 0 : i32
        %dma_wait3A_286 = tpu.memref_slice %arg3[%add3A_284, %dma_wait3A_285] : memref<2560x128xi32, #tpu.memory_space<hbm>> -> memref<8x128xi32, #tpu.memory_space<hbm>>
        %dma_wait3A_287 = arith.constant 0 : i32
        %dma_wait3A_288 = tpu.memref_slice %arg3[%add3A_284, %dma_wait3A_287] : memref<2560x128xi32, #tpu.memory_space<hbm>> -> memref<8x128xi32, #tpu.memory_space<hbm>>
        tpu.wait_dma2 semaphore(%arg16 : memref<!tpu.dma_semaphore, #tpu.memory_space<semaphore_mem>>) src(%dma_wait3A_288 : memref<8x128xi32, #tpu.memory_space<hbm>>) dst(%arg8 : memref<8x128xi32, #tpu.memory_space<vmem>>)
        %dma_wait3A_289 = arith.constant 0 : i32
        %dma_wait3A_290 = tpu.memref_slice %arg4[%add3A_284, %dma_wait3A_289] : memref<2560x128xi32, #tpu.memory_space<hbm>> -> memref<8x128xi32, #tpu.memory_space<hbm>>
        %dma_wait3A_291 = arith.constant 0 : i32
        %dma_wait3A_292 = tpu.memref_slice %arg4[%add3A_284, %dma_wait3A_291] : memref<2560x128xi32, #tpu.memory_space<hbm>> -> memref<8x128xi32, #tpu.memory_space<hbm>>
        tpu.wait_dma2 semaphore(%arg16 : memref<!tpu.dma_semaphore, #tpu.memory_space<semaphore_mem>>) src(%dma_wait3A_292 : memref<8x128xi32, #tpu.memory_space<hbm>>) dst(%arg9 : memref<8x128xi32, #tpu.memory_space<vmem>>)
        %dma_start3A_293 = arith.constant 0 : i32
        %dma_start3A_294 = arith.constant 0 : i32
        %dma_start3A_295 = tpu.memref_slice %arg8[%dma_start3A_293, %dma_start3A_294] : memref<8x128xi32, #tpu.memory_space<vmem>> -> memref<1x128xi32, #tpu.memory_space<vmem>>
        %dma_start3A_296 = tpu.memref_squeeze %dma_start3A_295 : memref<1x128xi32, #tpu.memory_space<vmem>> -> memref<128xi32, #tpu.memory_space<vmem>>
        %dma_start3A_297 = arith.constant 0 : i32
        %dma_start3A_298 = arith.constant 0 : i32
        %dma_start3A_299 = tpu.memref_slice %arg2[%dma_start3A_297, %dma_start3A_298] : memref<10240x128xf32, #tpu.memory_space<hbm>> -> memref<10240x128xf32, #tpu.memory_space<hbm>>
        tpu.enqueue_indirect_dma source(%dma_start3A_299 : memref<10240x128xf32, #tpu.memory_space<hbm>>) target(%arg12 : memref<128x128xf32, #tpu.memory_space<vmem>>) offsets(%dma_start3A_296 : memref<128xi32, #tpu.memory_space<vmem>>) semaphore(%arg14 : memref<!tpu.dma_semaphore, #tpu.memory_space<semaphore_mem>>)
      } else {
      }
      %run_scoped3A_279 = arith.constant 7 : i32
      "tpu.region"() ({
        %run_scoped3A_280 = tpu.sem_alloc : memref<!tpu.dma_semaphore, #tpu.memory_space<semaphore_mem>>
        %dma_start3A_281 = arith.constant 0 : i32
        %dma_start3A_282 = tpu.memref_slice %arg11[%run_scoped3A_279, %dma_start3A_281] : memref<8x128xi32, #tpu.memory_space<vmem>> -> memref<1x128xi32, #tpu.memory_space<vmem>>
        %dma_start3A_283 = tpu.memref_squeeze %dma_start3A_282 : memref<1x128xi32, #tpu.memory_space<vmem>> -> memref<128xi32, #tpu.memory_space<vmem>>
        %dma_start3A_284 = arith.constant 0 : i32
        %dma_start3A_285 = arith.constant 0 : i32
        %dma_start3A_286 = tpu.memref_slice %arg7[%dma_start3A_284, %dma_start3A_285] : memref<10240x128xf32, #tpu.memory_space<vmem_shared>> -> memref<10240x128xf32, #tpu.memory_space<vmem_shared>>
        tpu.enqueue_indirect_dma source(%arg13 : memref<128x128xf32, #tpu.memory_space<vmem>>) target(%dma_start3A_286 : memref<10240x128xf32, #tpu.memory_space<vmem_shared>>) offsets(%dma_start3A_283 : memref<128xi32, #tpu.memory_space<vmem>>) semaphore(%run_scoped3A_280 : memref<!tpu.dma_semaphore, #tpu.memory_space<semaphore_mem>>) {add = true}
        %dma_wait3A_287 = arith.constant 0 : i32
        %dma_wait3A_288 = tpu.memref_slice %arg11[%run_scoped3A_279, %dma_wait3A_287] : memref<8x128xi32, #tpu.memory_space<vmem>> -> memref<1x128xi32, #tpu.memory_space<vmem>>
        %dma_wait3A_289 = tpu.memref_squeeze %dma_wait3A_288 : memref<1x128xi32, #tpu.memory_space<vmem>> -> memref<128xi32, #tpu.memory_space<vmem>>
        %dma_wait3A_290 = arith.constant 0 : i32
        %dma_wait3A_291 = arith.constant 0 : i32
        %dma_wait3A_292 = tpu.memref_slice %arg7[%dma_wait3A_290, %dma_wait3A_291] : memref<10240x128xf32, #tpu.memory_space<vmem_shared>> -> memref<10240x128xf32, #tpu.memory_space<vmem_shared>>
        tpu.wait_indirect_dma semaphore(%run_scoped3A_280 : memref<!tpu.dma_semaphore, #tpu.memory_space<semaphore_mem>>) src(%arg13 : memref<128x128xf32, #tpu.memory_space<vmem>>) dst(%dma_wait3A_292 : memref<10240x128xf32, #tpu.memory_space<vmem_shared>>)
        tpu.yield
      }) : () -> ()
    }
    %scan3A_18 = arith.constant 5 : i32
    %barrier3A_19 = arith.constant 0 : index
    tpu.barrier barrier_id(%barrier3A_19)
    %mul3A_20 = arith.constant 10240 : i32
    %mul3A_21 = arith.muli %arg0, %mul3A_20 : i32
    %add3A_22 = arith.addi %mul3A_21, %mul3A_2 : i32
    "tpu.region"() ({
      %run_scoped3A = tpu.sem_alloc : memref<!tpu.dma_semaphore, #tpu.memory_space<semaphore_mem>>
      %dma_start3A_23 = arith.constant 0 : i32
      %dma_start3A_24 = tpu.memref_slice %arg6[%add3A_22, %dma_start3A_23] : memref<20480x128xf32, #tpu.memory_space<hbm>> -> memref<640x128xf32, #tpu.memory_space<hbm>>
      %dma_start3A_25 = arith.constant 0 : i32
      %dma_start3A_26 = tpu.memref_slice %arg7[%mul3A_2, %dma_start3A_25] : memref<10240x128xf32, #tpu.memory_space<vmem_shared>> -> memref<640x128xf32, #tpu.memory_space<vmem_shared>>
      tpu.enqueue_dma source(%dma_start3A_26 : memref<640x128xf32, #tpu.memory_space<vmem_shared>>) target(%dma_start3A_24 : memref<640x128xf32, #tpu.memory_space<hbm>>) target_semaphore(%run_scoped3A : memref<!tpu.dma_semaphore, #tpu.memory_space<semaphore_mem>>)
      %dma_wait3A_27 = arith.constant 0 : i32
      %dma_wait3A_28 = tpu.memref_slice %arg6[%add3A_22, %dma_wait3A_27] : memref<20480x128xf32, #tpu.memory_space<hbm>> -> memref<640x128xf32, #tpu.memory_space<hbm>>
      %dma_wait3A_29 = arith.constant 0 : i32
      %dma_wait3A_30 = tpu.memref_slice %arg7[%mul3A_2, %dma_wait3A_29] : memref<10240x128xf32, #tpu.memory_space<vmem_shared>> -> memref<640x128xf32, #tpu.memory_space<vmem_shared>>
      tpu.wait_dma2 semaphore(%run_scoped3A : memref<!tpu.dma_semaphore, #tpu.memory_space<semaphore_mem>>) src(%dma_wait3A_30 : memref<640x128xf32, #tpu.memory_space<vmem_shared>>) dst(%dma_wait3A_28 : memref<640x128xf32, #tpu.memory_space<hbm>>)
      tpu.yield
    }) : () -> ()
    return
  }
}

module attributes {stable_mosaic.version = 14 : i64} {
  func.func @body(%arg0: i32, %arg1: memref<1024x384xf32, #tpu.memory_space<vmem>>, %arg2: memref<1x384xf32, #tpu.memory_space<vmem>>, %arg3: memref<384x128xf32, #tpu.memory_space<vmem>>, %arg4: memref<1x128xf32, #tpu.memory_space<vmem>>, %arg5: memref<384x128xf32, #tpu.memory_space<vmem>>, %arg6: memref<1x128xf32, #tpu.memory_space<vmem>>, %arg7: memref<1024x128xf32, #tpu.memory_space<vmem>>) attributes {dimension_semantics = [#tpu.dimension_semantics<arbitrary>], iteration_bounds = array<i64: 10>, scalar_prefetch = 0 : i64, scratch_operands = 0 : i64, tpu.core_type = #tpu.core_type<tc>, window_params = [{transform_indices = @transform_0, window_bounds = array<i64: 1024, 384>}, {pipeline_mode = #tpu.pipeline_mode<synchronous>, transform_indices = @transform_1, window_bounds = array<i64: 1, 384>}, {pipeline_mode = #tpu.pipeline_mode<synchronous>, transform_indices = @transform_2, window_bounds = array<i64: 384, 128>}, {pipeline_mode = #tpu.pipeline_mode<synchronous>, transform_indices = @transform_3, window_bounds = array<i64: 1, 128>}, {pipeline_mode = #tpu.pipeline_mode<synchronous>, transform_indices = @transform_4, window_bounds = array<i64: 384, 128>}, {pipeline_mode = #tpu.pipeline_mode<synchronous>, transform_indices = @transform_5, window_bounds = array<i64: 1, 128>}, {transform_indices = @transform_6, window_bounds = array<i64: 1024, 128>}]} {
    %get3A = arith.constant 0 : index
    %get3A_0 = arith.constant 0 : index
    %get3A_1 = vector.load %arg2[%get3A, %get3A_0] : memref<1x384xf32, #tpu.memory_space<vmem>>, vector<1x384xf32>
    %get3A_2 = arith.constant 0 : index
    %get3A_3 = arith.constant 0 : index
    %get3A_4 = vector.load %arg5[%get3A_2, %get3A_3] : memref<384x128xf32, #tpu.memory_space<vmem>>, vector<384x128xf32>
    %dot_general3A = arith.constant dense<0.000000e+00> : vector<1x128xf32>
    %dot_general3A_5 = tpu.matmul %get3A_1, %get3A_4, %dot_general3A {dimension_numbers = #tpu.dot_dimension_numbers<[1], [0], [0], [1], [0, 0, 1, 1], [], []>, transpose_lhs_hint = false} : vector<1x384xf32>, vector<384x128xf32>, vector<1x128xf32> -> vector<1x128xf32>
    %get3A_6 = arith.constant 0 : index
    %get3A_7 = arith.constant 0 : index
    %get3A_8 = vector.load %arg6[%get3A_6, %get3A_7] : memref<1x128xf32, #tpu.memory_space<vmem>>, vector<1x128xf32>
    %add3A = arith.addf %dot_general3A_5, %get3A_8 : vector<1x128xf32>
    %get3A_9 = arith.constant 0 : index
    %get3A_10 = arith.constant 0 : index
    %get3A_11 = vector.load %arg1[%get3A_9, %get3A_10] : memref<1024x384xf32, #tpu.memory_space<vmem>>, vector<1024x384xf32>
    %get3A_12 = arith.constant 0 : index
    %get3A_13 = arith.constant 0 : index
    %get3A_14 = vector.load %arg3[%get3A_12, %get3A_13] : memref<384x128xf32, #tpu.memory_space<vmem>>, vector<384x128xf32>
    %dot_general3A_15 = arith.constant dense<0.000000e+00> : vector<1024x128xf32>
    %dot_general3A_16 = tpu.matmul %get3A_11, %get3A_14, %dot_general3A_15 {dimension_numbers = #tpu.dot_dimension_numbers<[1], [0], [0], [1], [0, 0, 1, 1], [], []>, transpose_lhs_hint = false} : vector<1024x384xf32>, vector<384x128xf32>, vector<1024x128xf32> -> vector<1024x128xf32>
    %get3A_17 = arith.constant 0 : index
    %get3A_18 = arith.constant 0 : index
    %get3A_19 = vector.load %arg4[%get3A_17, %get3A_18] : memref<1x128xf32, #tpu.memory_space<vmem>>, vector<1x128xf32>
    %add3A_20 = vector.broadcast %get3A_19 : vector<1x128xf32> to vector<1024x128xf32>
    %add3A_21 = arith.addf %dot_general3A_16, %add3A_20 : vector<1024x128xf32>
    %add3A_22 = vector.broadcast %add3A : vector<1x128xf32> to vector<1024x128xf32>
    %add3A_23 = arith.addf %add3A_21, %add3A_22 : vector<1024x128xf32>
    %swap3A = arith.constant 0 : index
    %swap3A_24 = arith.constant 0 : index
    %swap3A_25 = vector.load %arg7[%swap3A, %swap3A_24] : memref<1024x128xf32, #tpu.memory_space<vmem>>, vector<1024x128xf32>
    tpu.vector_store %arg7[%swap3A, %swap3A_24], %add3A_23 {strides = array<i32>} : memref<1024x128xf32, #tpu.memory_space<vmem>>, vector<1024x128xf32>,
    return
  }
  func.func @transform_0(%arg0: i32) -> (i32, i32) {
    %c0_i32 = arith.constant 0 : i32
    %c0_i32_0 = arith.constant 0 : i32
    return %arg0, %c0_i32 : i32, i32
  }
  func.func @transform_1(%arg0: i32) -> (i32, i32) {
    %c0_i32 = arith.constant 0 : i32
    %c0_i32_0 = arith.constant 0 : i32
    %c0_i32_1 = arith.constant 0 : i32
    return %c0_i32, %c0_i32_0 : i32, i32
  }
  func.func @transform_2(%arg0: i32) -> (i32, i32) {
    %c0_i32 = arith.constant 0 : i32
    %c0_i32_0 = arith.constant 0 : i32
    %c0_i32_1 = arith.constant 0 : i32
    return %c0_i32, %c0_i32_0 : i32, i32
  }
  func.func @transform_3(%arg0: i32) -> (i32, i32) {
    %c0_i32 = arith.constant 0 : i32
    %c0_i32_0 = arith.constant 0 : i32
    %c0_i32_1 = arith.constant 0 : i32
    return %c0_i32, %c0_i32_0 : i32, i32
  }
  func.func @transform_4(%arg0: i32) -> (i32, i32) {
    %c0_i32 = arith.constant 0 : i32
    %c0_i32_0 = arith.constant 0 : i32
    %c0_i32_1 = arith.constant 0 : i32
    return %c0_i32, %c0_i32_0 : i32, i32
  }
  func.func @transform_5(%arg0: i32) -> (i32, i32) {
    %c0_i32 = arith.constant 0 : i32
    %c0_i32_0 = arith.constant 0 : i32
    %c0_i32_1 = arith.constant 0 : i32
    return %c0_i32, %c0_i32_0 : i32, i32
  }
  func.func @transform_6(%arg0: i32) -> (i32, i32) {
    %c0_i32 = arith.constant 0 : i32
    %c0_i32_0 = arith.constant 0 : i32
    return %arg0, %c0_i32 : i32, i32
  }
}

module attributes {stable_mosaic.version = 14 : i64} {
  func.func @body(%arg0: i32, %arg1: memref<8192x1xi32, #tpu.memory_space<vmem>>, %arg2: memref<128x128xf32, #tpu.memory_space<vmem>>) attributes {dimension_semantics = [#tpu.dimension_semantics<arbitrary>], iteration_bounds = array<i64: 40>, scalar_prefetch = 0 : i64, scratch_operands = 0 : i64, tpu.core_type = #tpu.core_type<tc>, window_params = [{transform_indices = @transform_0, window_bounds = array<i64: 8192, 1>}, {pipeline_mode = #tpu.pipeline_mode<synchronous>, transform_indices = @transform_1, window_bounds = array<i64: 128, 128>}]} {
    %get3A = arith.constant 0 : index
    %get3A_0 = arith.constant 0 : index
    %get3A_1 = vector.load %arg1[%get3A, %get3A_0] : memref<8192x1xi32, #tpu.memory_space<vmem>>, vector<8192x1xi32>
    %jit3A = arith.constant 128 : i32
    %div3A = vector.broadcast %jit3A : i32 to vector<8192x1xi32>
    %div3A_2 = arith.divsi %get3A_1, %div3A : vector<8192x1xi32>
    %sign3A = arith.constant 0 : i32
    %sign3A_3 = vector.broadcast %sign3A : i32 to vector<8192x1xi32>
    %sign3A_4 = arith.cmpi sgt, %get3A_1, %sign3A_3 : vector<8192x1xi32>
    %sign3A_5 = arith.extui %sign3A_4 : vector<8192x1xi1> to vector<8192x1xi32>
    %sign3A_6 = arith.constant 0 : i32
    %sign3A_7 = vector.broadcast %sign3A_6 : i32 to vector<8192x1xi32>
    %sign3A_8 = arith.cmpi slt, %get3A_1, %sign3A_7 : vector<8192x1xi32>
    %sign3A_9 = arith.extui %sign3A_8 : vector<8192x1xi1> to vector<8192x1xi32>
    %sign3A_10 = arith.subi %sign3A_5, %sign3A_9 : vector<8192x1xi32>
    %sign3A_11 = arith.constant 0 : i32
    %sign3A_12 = arith.cmpi sgt, %jit3A, %sign3A_11 : i32
    %sign3A_13 = arith.extui %sign3A_12 : i1 to i32
    %sign3A_14 = arith.constant 0 : i32
    %sign3A_15 = arith.cmpi slt, %jit3A, %sign3A_14 : i32
    %sign3A_16 = arith.extui %sign3A_15 : i1 to i32
    %sign3A_17 = arith.subi %sign3A_13, %sign3A_16 : i32
    %ne3A = vector.broadcast %sign3A_17 : i32 to vector<8192x1xi32>
    %ne3A_18 = arith.cmpi ne, %sign3A_10, %ne3A : vector<8192x1xi32>
    %rem3A = vector.broadcast %jit3A : i32 to vector<8192x1xi32>
    %rem3A_19 = arith.remsi %get3A_1, %rem3A : vector<8192x1xi32>
    %ne3A_20 = arith.constant 0 : i32
    %ne3A_21 = vector.broadcast %ne3A_20 : i32 to vector<8192x1xi32>
    %ne3A_22 = arith.cmpi ne, %rem3A_19, %ne3A_21 : vector<8192x1xi32>
    %and3A = arith.andi %ne3A_18, %ne3A_22 : vector<8192x1xi1>
    %sub3A = arith.constant 1 : i32
    %sub3A_23 = vector.broadcast %sub3A : i32 to vector<8192x1xi32>
    %sub3A_24 = arith.subi %div3A_2, %sub3A_23 : vector<8192x1xi32>
    %select_n3A = arith.select %and3A, %sub3A_24, %div3A_2 : vector<8192x1xi1>, vector<8192x1xi32>
    %mul3A = arith.constant 128 : i32
    %mul3A_25 = vector.broadcast %mul3A : i32 to vector<8192x1xi32>
    %mul3A_26 = arith.muli %select_n3A, %mul3A_25 : vector<8192x1xi32>
    %sub3A_27 = arith.subi %get3A_1, %mul3A_26 : vector<8192x1xi32>
    %iota3A = tpu.iota {dimensions = array<i32: 1>} : vector<1x128xi32>
    %eq3A = vector.broadcast %select_n3A : vector<8192x1xi32> to vector<8192x128xi32>
    %eq3A_28 = vector.broadcast %iota3A : vector<1x128xi32> to vector<8192x128xi32>
    %eq3A_29 = arith.cmpi eq, %eq3A, %eq3A_28 : vector<8192x128xi32>
    %convert_element_type3A = arith.extui %eq3A_29 : vector<8192x128xi1> to vector<8192x128xi32>
    %convert_element_type3A_30 = arith.sitofp %convert_element_type3A : vector<8192x128xi32> to vector<8192x128xf32>
    %convert_element_type3A_31 = arith.truncf %convert_element_type3A_30 : vector<8192x128xf32> to vector<8192x128xbf16>
    %eq3A_32 = vector.broadcast %sub3A_27 : vector<8192x1xi32> to vector<8192x128xi32>
    %eq3A_33 = vector.broadcast %iota3A : vector<1x128xi32> to vector<8192x128xi32>
    %eq3A_34 = arith.cmpi eq, %eq3A_32, %eq3A_33 : vector<8192x128xi32>
    %convert_element_type3A_35 = arith.extui %eq3A_34 : vector<8192x128xi1> to vector<8192x128xi32>
    %convert_element_type3A_36 = arith.sitofp %convert_element_type3A_35 : vector<8192x128xi32> to vector<8192x128xf32>
    %convert_element_type3A_37 = arith.truncf %convert_element_type3A_36 : vector<8192x128xf32> to vector<8192x128xbf16>
    %dot_general3A = arith.constant dense<0.000000e+00> : vector<128x128xf32>
    %dot_general3A_38 = tpu.matmul %convert_element_type3A_31, %convert_element_type3A_37, %dot_general3A {dimension_numbers = #tpu.dot_dimension_numbers<[0], [0], [1], [1], [0, 1, 1, 1], [], []>, transpose_lhs_hint = false} : vector<8192x128xbf16>, vector<8192x128xbf16>, vector<128x128xf32> -> vector<128x128xf32>
    %eq3A_39 = arith.constant 0 : i32
    %eq3A_40 = arith.cmpi eq, %arg0, %eq3A_39 : i32
    %convert_element_type3A_41 = arith.extui %eq3A_40 : i1 to i32
    %cond3A = arith.constant 0 : i32
    %cond3A_42 = arith.cmpi ne, %convert_element_type3A_41, %cond3A : i32
    scf.if %cond3A_42 {
      %broadcast_in_dim3A = arith.constant 0.000000e+00 : f32
      %broadcast_in_dim3A_48 = vector.broadcast %broadcast_in_dim3A : f32 to vector<128x128xf32>
      %swap3A_49 = arith.constant 0 : index
      %swap3A_50 = arith.constant 0 : index
      %swap3A_51 = vector.load %arg2[%swap3A_49, %swap3A_50] : memref<128x128xf32, #tpu.memory_space<vmem>>, vector<128x128xf32>
      tpu.vector_store %arg2[%swap3A_49, %swap3A_50], %broadcast_in_dim3A_48 {strides = array<i32>} : memref<128x128xf32, #tpu.memory_space<vmem>>, vector<128x128xf32>,
    } else {
    }
    %get3A_43 = arith.constant 0 : index
    %get3A_44 = arith.constant 0 : index
    %get3A_45 = vector.load %arg2[%get3A_43, %get3A_44] : memref<128x128xf32, #tpu.memory_space<vmem>>, vector<128x128xf32>
    %add3A = arith.addf %get3A_45, %dot_general3A_38 : vector<128x128xf32>
    %swap3A = arith.constant 0 : index
    %swap3A_46 = arith.constant 0 : index
    %swap3A_47 = vector.load %arg2[%swap3A, %swap3A_46] : memref<128x128xf32, #tpu.memory_space<vmem>>, vector<128x128xf32>
    tpu.vector_store %arg2[%swap3A, %swap3A_46], %add3A {strides = array<i32>} : memref<128x128xf32, #tpu.memory_space<vmem>>, vector<128x128xf32>,
    return
  }
  func.func @transform_0(%arg0: i32) -> (i32, i32) {
    %c0_i32 = arith.constant 0 : i32
    %c0_i32_0 = arith.constant 0 : i32
    return %arg0, %c0_i32 : i32, i32
  }
  func.func @transform_1(%arg0: i32) -> (i32, i32) {
    %c0_i32 = arith.constant 0 : i32
    %c0_i32_0 = arith.constant 0 : i32
    %c0_i32_1 = arith.constant 0 : i32
    return %c0_i32, %c0_i32_0 : i32, i32
  }
}

module attributes {stable_mosaic.version = 14 : i64} {
  func.func @body(%arg0: i32, %arg1: memref<1024x128xf32, #tpu.memory_space<vmem>>, %arg2: memref<1024x128xf32, #tpu.memory_space<vmem>>, %arg3: memref<1024x128xf32, #tpu.memory_space<vmem>>, %arg4: memref<1024x1xf32, #tpu.memory_space<vmem>>, %arg5: memref<128x128xf32, #tpu.memory_space<vmem>>, %arg6: memref<1x128xf32, #tpu.memory_space<vmem>>, %arg7: memref<128x128xf32, #tpu.memory_space<vmem>>, %arg8: memref<1x128xf32, #tpu.memory_space<vmem>>, %arg9: memref<1x128xf32, #tpu.memory_space<vmem>>, %arg10: memref<1024x128xf32, #tpu.memory_space<vmem>>) attributes {dimension_semantics = [#tpu.dimension_semantics<arbitrary>], iteration_bounds = array<i64: 10>, scalar_prefetch = 0 : i64, scratch_operands = 0 : i64, tpu.core_type = #tpu.core_type<tc>, window_params = [{transform_indices = @transform_0, window_bounds = array<i64: 1024, 128>}, {transform_indices = @transform_1, window_bounds = array<i64: 1024, 128>}, {transform_indices = @transform_2, window_bounds = array<i64: 1024, 128>}, {transform_indices = @transform_3, window_bounds = array<i64: 1024, 1>}, {pipeline_mode = #tpu.pipeline_mode<synchronous>, transform_indices = @transform_4, window_bounds = array<i64: 128, 128>}, {pipeline_mode = #tpu.pipeline_mode<synchronous>, transform_indices = @transform_5, window_bounds = array<i64: 1, 128>}, {pipeline_mode = #tpu.pipeline_mode<synchronous>, transform_indices = @transform_6, window_bounds = array<i64: 128, 128>}, {pipeline_mode = #tpu.pipeline_mode<synchronous>, transform_indices = @transform_7, window_bounds = array<i64: 1, 128>}, {pipeline_mode = #tpu.pipeline_mode<synchronous>, transform_indices = @transform_8, window_bounds = array<i64: 1, 128>}, {transform_indices = @transform_9, window_bounds = array<i64: 1024, 128>}]} {
    %get3A = arith.constant 0 : index
    %get3A_0 = arith.constant 0 : index
    %get3A_1 = vector.load %arg4[%get3A, %get3A_0] : memref<1024x1xf32, #tpu.memory_space<vmem>>, vector<1024x1xf32>
    %max3A = arith.constant 1.000000e+00 : f32
    %max3A_2 = vector.broadcast %max3A : f32 to vector<1024x1xf32>
    %max3A_3 = arith.maximumf %get3A_1, %max3A_2 : vector<1024x1xf32>
    %get3A_4 = arith.constant 0 : index
    %get3A_5 = arith.constant 0 : index
    %get3A_6 = vector.load %arg2[%get3A_4, %get3A_5] : memref<1024x128xf32, #tpu.memory_space<vmem>>, vector<1024x128xf32>
    %get3A_7 = arith.constant 0 : index
    %get3A_8 = arith.constant 0 : index
    %get3A_9 = vector.load %arg3[%get3A_7, %get3A_8] : memref<1024x128xf32, #tpu.memory_space<vmem>>, vector<1024x128xf32>
    %add3A = arith.addf %get3A_6, %get3A_9 : vector<1024x128xf32>
    %div3A = vector.broadcast %max3A_3 : vector<1024x1xf32> to vector<1024x128xf32>
    %div3A_10 = arith.divf %add3A, %div3A : vector<1024x128xf32>
    %get3A_11 = arith.constant 0 : index
    %get3A_12 = arith.constant 0 : index
    %get3A_13 = vector.load %arg5[%get3A_11, %get3A_12] : memref<128x128xf32, #tpu.memory_space<vmem>>, vector<128x128xf32>
    %dot_general3A = arith.constant dense<0.000000e+00> : vector<1024x128xf32>
    %dot_general3A_14 = tpu.matmul %div3A_10, %get3A_13, %dot_general3A {dimension_numbers = #tpu.dot_dimension_numbers<[1], [0], [0], [1], [0, 0, 1, 1], [], []>, transpose_lhs_hint = false} : vector<1024x128xf32>, vector<128x128xf32>, vector<1024x128xf32> -> vector<1024x128xf32>
    %get3A_15 = arith.constant 0 : index
    %get3A_16 = arith.constant 0 : index
    %get3A_17 = vector.load %arg6[%get3A_15, %get3A_16] : memref<1x128xf32, #tpu.memory_space<vmem>>, vector<1x128xf32>
    %add3A_18 = vector.broadcast %get3A_17 : vector<1x128xf32> to vector<1024x128xf32>
    %add3A_19 = arith.addf %dot_general3A_14, %add3A_18 : vector<1024x128xf32>
    %get3A_20 = arith.constant 0 : index
    %get3A_21 = arith.constant 0 : index
    %get3A_22 = vector.load %arg1[%get3A_20, %get3A_21] : memref<1024x128xf32, #tpu.memory_space<vmem>>, vector<1024x128xf32>
    %get3A_23 = arith.constant 0 : index
    %get3A_24 = arith.constant 0 : index
    %get3A_25 = vector.load %arg7[%get3A_23, %get3A_24] : memref<128x128xf32, #tpu.memory_space<vmem>>, vector<128x128xf32>
    %dot_general3A_26 = arith.constant dense<0.000000e+00> : vector<1024x128xf32>
    %dot_general3A_27 = tpu.matmul %get3A_22, %get3A_25, %dot_general3A_26 {dimension_numbers = #tpu.dot_dimension_numbers<[1], [0], [0], [1], [0, 0, 1, 1], [], []>, transpose_lhs_hint = false} : vector<1024x128xf32>, vector<128x128xf32>, vector<1024x128xf32> -> vector<1024x128xf32>
    %add3A_28 = arith.addf %add3A_19, %dot_general3A_27 : vector<1024x128xf32>
    %reduce_sum3A = arith.constant dense<0.000000e+00> : vector<1024xf32>
    %reduce_sum3A_29 = vector.multi_reduction <add>, %add3A_28, %reduce_sum3A [1] : vector<1024x128xf32> to vector<1024xf32>
    %broadcast_in_dim3A = vector.shape_cast %reduce_sum3A_29 : vector<1024xf32> to vector<1024x1xf32>
    %div3A_30 = arith.constant 1.280000e+02 : f32
    %div3A_31 = vector.broadcast %div3A_30 : f32 to vector<1024x1xf32>
    %div3A_32 = arith.divf %broadcast_in_dim3A, %div3A_31 : vector<1024x1xf32>
    %sub3A = vector.broadcast %div3A_32 : vector<1024x1xf32> to vector<1024x128xf32>
    %sub3A_33 = arith.subf %add3A_28, %sub3A : vector<1024x128xf32>
    %sub3A_34 = vector.broadcast %div3A_32 : vector<1024x1xf32> to vector<1024x128xf32>
    %sub3A_35 = arith.subf %add3A_28, %sub3A_34 : vector<1024x128xf32>
    %mul3A = arith.mulf %sub3A_33, %sub3A_35 : vector<1024x128xf32>
    %reduce_sum3A_36 = arith.constant dense<0.000000e+00> : vector<1024xf32>
    %reduce_sum3A_37 = vector.multi_reduction <add>, %mul3A, %reduce_sum3A_36 [1] : vector<1024x128xf32> to vector<1024xf32>
    %broadcast_in_dim3A_38 = vector.shape_cast %reduce_sum3A_37 : vector<1024xf32> to vector<1024x1xf32>
    %div3A_39 = arith.constant 1.280000e+02 : f32
    %div3A_40 = vector.broadcast %div3A_39 : f32 to vector<1024x1xf32>
    %div3A_41 = arith.divf %broadcast_in_dim3A_38, %div3A_40 : vector<1024x1xf32>
    %sub3A_42 = vector.broadcast %div3A_32 : vector<1024x1xf32> to vector<1024x128xf32>
    %sub3A_43 = arith.subf %add3A_28, %sub3A_42 : vector<1024x128xf32>
    %add3A_44 = arith.constant 9.99999974E-6 : f32
    %add3A_45 = vector.broadcast %add3A_44 : f32 to vector<1024x1xf32>
    %add3A_46 = arith.addf %div3A_41, %add3A_45 : vector<1024x1xf32>
    %rsqrt3A = math.rsqrt %add3A_46 : vector<1024x1xf32>
    %mul3A_47 = vector.broadcast %rsqrt3A : vector<1024x1xf32> to vector<1024x128xf32>
    %mul3A_48 = arith.mulf %sub3A_43, %mul3A_47 : vector<1024x128xf32>
    %get3A_49 = arith.constant 0 : index
    %get3A_50 = arith.constant 0 : index
    %get3A_51 = vector.load %arg8[%get3A_49, %get3A_50] : memref<1x128xf32, #tpu.memory_space<vmem>>, vector<1x128xf32>
    %mul3A_52 = vector.broadcast %get3A_51 : vector<1x128xf32> to vector<1024x128xf32>
    %mul3A_53 = arith.mulf %mul3A_48, %mul3A_52 : vector<1024x128xf32>
    %get3A_54 = arith.constant 0 : index
    %get3A_55 = arith.constant 0 : index
    %get3A_56 = vector.load %arg9[%get3A_54, %get3A_55] : memref<1x128xf32, #tpu.memory_space<vmem>>, vector<1x128xf32>
    %add3A_57 = vector.broadcast %get3A_56 : vector<1x128xf32> to vector<1024x128xf32>
    %add3A_58 = arith.addf %mul3A_53, %add3A_57 : vector<1024x128xf32>
    %get3A_59 = arith.constant 0 : index
    %get3A_60 = arith.constant 0 : index
    %get3A_61 = vector.load %arg1[%get3A_59, %get3A_60] : memref<1024x128xf32, #tpu.memory_space<vmem>>, vector<1024x128xf32>
    %add3A_62 = arith.addf %get3A_61, %add3A_58 : vector<1024x128xf32>
    %max3A_63 = arith.constant 0.000000e+00 : f32
    %max3A_64 = vector.broadcast %max3A_63 : f32 to vector<1024x128xf32>
    %max3A_65 = arith.maximumf %add3A_62, %max3A_64 : vector<1024x128xf32>
    %swap3A = arith.constant 0 : index
    %swap3A_66 = arith.constant 0 : index
    %swap3A_67 = vector.load %arg10[%swap3A, %swap3A_66] : memref<1024x128xf32, #tpu.memory_space<vmem>>, vector<1024x128xf32>
    tpu.vector_store %arg10[%swap3A, %swap3A_66], %max3A_65 {strides = array<i32>} : memref<1024x128xf32, #tpu.memory_space<vmem>>, vector<1024x128xf32>,
    return
  }
  func.func @transform_0(%arg0: i32) -> (i32, i32) {
    %c0_i32 = arith.constant 0 : i32
    %c0_i32_0 = arith.constant 0 : i32
    return %arg0, %c0_i32 : i32, i32
  }
  func.func @transform_1(%arg0: i32) -> (i32, i32) {
    %c0_i32 = arith.constant 0 : i32
    %c0_i32_0 = arith.constant 0 : i32
    return %arg0, %c0_i32 : i32, i32
  }
  func.func @transform_2(%arg0: i32) -> (i32, i32) {
    %add3A = arith.constant 10 : i32
    %add3A_0 = arith.addi %arg0, %add3A : i32
    %c0_i32 = arith.constant 0 : i32
    %c0_i32_1 = arith.constant 0 : i32
    return %add3A_0, %c0_i32 : i32, i32
  }
  func.func @transform_3(%arg0: i32) -> (i32, i32) {
    %c0_i32 = arith.constant 0 : i32
    %c0_i32_0 = arith.constant 0 : i32
    return %arg0, %c0_i32 : i32, i32
  }
  func.func @transform_4(%arg0: i32) -> (i32, i32) {
    %c0_i32 = arith.constant 0 : i32
    %c0_i32_0 = arith.constant 0 : i32
    %c0_i32_1 = arith.constant 0 : i32
    return %c0_i32, %c0_i32_0 : i32, i32
  }
  func.func @transform_5(%arg0: i32) -> (i32, i32) {
    %c0_i32 = arith.constant 0 : i32
    %c0_i32_0 = arith.constant 0 : i32
    %c0_i32_1 = arith.constant 0 : i32
    return %c0_i32, %c0_i32_0 : i32, i32
  }
  func.func @transform_6(%arg0: i32) -> (i32, i32) {
    %c0_i32 = arith.constant 0 : i32
    %c0_i32_0 = arith.constant 0 : i32
    %c0_i32_1 = arith.constant 0 : i32
    return %c0_i32, %c0_i32_0 : i32, i32
  }
  func.func @transform_7(%arg0: i32) -> (i32, i32) {
    %c0_i32 = arith.constant 0 : i32
    %c0_i32_0 = arith.constant 0 : i32
    %c0_i32_1 = arith.constant 0 : i32
    return %c0_i32, %c0_i32_0 : i32, i32
  }
  func.func @transform_8(%arg0: i32) -> (i32, i32) {
    %c0_i32 = arith.constant 0 : i32
    %c0_i32_0 = arith.constant 0 : i32
    %c0_i32_1 = arith.constant 0 : i32
    return %c0_i32, %c0_i32_0 : i32, i32
  }
  func.func @transform_9(%arg0: i32) -> (i32, i32) {
    %c0_i32 = arith.constant 0 : i32
    %c0_i32_0 = arith.constant 0 : i32
    return %arg0, %c0_i32 : i32, i32
  }
}

module attributes {stable_mosaic.version = 14 : i64} {
  func.func @body(%arg0: i32, %arg1: memref<1024x128xf32, #tpu.memory_space<vmem>>, %arg2: memref<1024x128xf32, #tpu.memory_space<vmem>>, %arg3: memref<1024x128xf32, #tpu.memory_space<vmem>>, %arg4: memref<1024x1xf32, #tpu.memory_space<vmem>>, %arg5: memref<128x128xf32, #tpu.memory_space<vmem>>, %arg6: memref<1x128xf32, #tpu.memory_space<vmem>>, %arg7: memref<128x128xf32, #tpu.memory_space<vmem>>, %arg8: memref<1x128xf32, #tpu.memory_space<vmem>>, %arg9: memref<1x128xf32, #tpu.memory_space<vmem>>, %arg10: memref<128x1xf32, #tpu.memory_space<vmem>>, %arg11: memref<1x1xf32, #tpu.memory_space<vmem>>, %arg12: memref<1024x128xf32, #tpu.memory_space<vmem>>, %arg13: memref<1024x1xf32, #tpu.memory_space<vmem>>) attributes {dimension_semantics = [#tpu.dimension_semantics<arbitrary>], iteration_bounds = array<i64: 10>, scalar_prefetch = 0 : i64, scratch_operands = 0 : i64, tpu.core_type = #tpu.core_type<tc>, window_params = [{transform_indices = @transform_0, window_bounds = array<i64: 1024, 128>}, {transform_indices = @transform_1, window_bounds = array<i64: 1024, 128>}, {transform_indices = @transform_2, window_bounds = array<i64: 1024, 128>}, {transform_indices = @transform_3, window_bounds = array<i64: 1024, 1>}, {pipeline_mode = #tpu.pipeline_mode<synchronous>, transform_indices = @transform_4, window_bounds = array<i64: 128, 128>}, {pipeline_mode = #tpu.pipeline_mode<synchronous>, transform_indices = @transform_5, window_bounds = array<i64: 1, 128>}, {pipeline_mode = #tpu.pipeline_mode<synchronous>, transform_indices = @transform_6, window_bounds = array<i64: 128, 128>}, {pipeline_mode = #tpu.pipeline_mode<synchronous>, transform_indices = @transform_7, window_bounds = array<i64: 1, 128>}, {pipeline_mode = #tpu.pipeline_mode<synchronous>, transform_indices = @transform_8, window_bounds = array<i64: 1, 128>}, {pipeline_mode = #tpu.pipeline_mode<synchronous>, transform_indices = @transform_9, window_bounds = array<i64: 128, 1>}, {pipeline_mode = #tpu.pipeline_mode<synchronous>, transform_indices = @transform_10, window_bounds = array<i64: 1, 1>}, {transform_indices = @transform_11, window_bounds = array<i64: 1024, 128>}, {transform_indices = @transform_12, window_bounds = array<i64: 1024, 1>}]} {
    %get3A = arith.constant 0 : index
    %get3A_0 = arith.constant 0 : index
    %get3A_1 = vector.load %arg4[%get3A, %get3A_0] : memref<1024x1xf32, #tpu.memory_space<vmem>>, vector<1024x1xf32>
    %max3A = arith.constant 1.000000e+00 : f32
    %max3A_2 = vector.broadcast %max3A : f32 to vector<1024x1xf32>
    %max3A_3 = arith.maximumf %get3A_1, %max3A_2 : vector<1024x1xf32>
    %get3A_4 = arith.constant 0 : index
    %get3A_5 = arith.constant 0 : index
    %get3A_6 = vector.load %arg2[%get3A_4, %get3A_5] : memref<1024x128xf32, #tpu.memory_space<vmem>>, vector<1024x128xf32>
    %get3A_7 = arith.constant 0 : index
    %get3A_8 = arith.constant 0 : index
    %get3A_9 = vector.load %arg3[%get3A_7, %get3A_8] : memref<1024x128xf32, #tpu.memory_space<vmem>>, vector<1024x128xf32>
    %add3A = arith.addf %get3A_6, %get3A_9 : vector<1024x128xf32>
    %div3A = vector.broadcast %max3A_3 : vector<1024x1xf32> to vector<1024x128xf32>
    %div3A_10 = arith.divf %add3A, %div3A : vector<1024x128xf32>
    %get3A_11 = arith.constant 0 : index
    %get3A_12 = arith.constant 0 : index
    %get3A_13 = vector.load %arg5[%get3A_11, %get3A_12] : memref<128x128xf32, #tpu.memory_space<vmem>>, vector<128x128xf32>
    %dot_general3A = arith.constant dense<0.000000e+00> : vector<1024x128xf32>
    %dot_general3A_14 = tpu.matmul %div3A_10, %get3A_13, %dot_general3A {dimension_numbers = #tpu.dot_dimension_numbers<[1], [0], [0], [1], [0, 0, 1, 1], [], []>, transpose_lhs_hint = false} : vector<1024x128xf32>, vector<128x128xf32>, vector<1024x128xf32> -> vector<1024x128xf32>
    %get3A_15 = arith.constant 0 : index
    %get3A_16 = arith.constant 0 : index
    %get3A_17 = vector.load %arg6[%get3A_15, %get3A_16] : memref<1x128xf32, #tpu.memory_space<vmem>>, vector<1x128xf32>
    %add3A_18 = vector.broadcast %get3A_17 : vector<1x128xf32> to vector<1024x128xf32>
    %add3A_19 = arith.addf %dot_general3A_14, %add3A_18 : vector<1024x128xf32>
    %get3A_20 = arith.constant 0 : index
    %get3A_21 = arith.constant 0 : index
    %get3A_22 = vector.load %arg1[%get3A_20, %get3A_21] : memref<1024x128xf32, #tpu.memory_space<vmem>>, vector<1024x128xf32>
    %get3A_23 = arith.constant 0 : index
    %get3A_24 = arith.constant 0 : index
    %get3A_25 = vector.load %arg7[%get3A_23, %get3A_24] : memref<128x128xf32, #tpu.memory_space<vmem>>, vector<128x128xf32>
    %dot_general3A_26 = arith.constant dense<0.000000e+00> : vector<1024x128xf32>
    %dot_general3A_27 = tpu.matmul %get3A_22, %get3A_25, %dot_general3A_26 {dimension_numbers = #tpu.dot_dimension_numbers<[1], [0], [0], [1], [0, 0, 1, 1], [], []>, transpose_lhs_hint = false} : vector<1024x128xf32>, vector<128x128xf32>, vector<1024x128xf32> -> vector<1024x128xf32>
    %add3A_28 = arith.addf %add3A_19, %dot_general3A_27 : vector<1024x128xf32>
    %reduce_sum3A = arith.constant dense<0.000000e+00> : vector<1024xf32>
    %reduce_sum3A_29 = vector.multi_reduction <add>, %add3A_28, %reduce_sum3A [1] : vector<1024x128xf32> to vector<1024xf32>
    %broadcast_in_dim3A = vector.shape_cast %reduce_sum3A_29 : vector<1024xf32> to vector<1024x1xf32>
    %div3A_30 = arith.constant 1.280000e+02 : f32
    %div3A_31 = vector.broadcast %div3A_30 : f32 to vector<1024x1xf32>
    %div3A_32 = arith.divf %broadcast_in_dim3A, %div3A_31 : vector<1024x1xf32>
    %sub3A = vector.broadcast %div3A_32 : vector<1024x1xf32> to vector<1024x128xf32>
    %sub3A_33 = arith.subf %add3A_28, %sub3A : vector<1024x128xf32>
    %sub3A_34 = vector.broadcast %div3A_32 : vector<1024x1xf32> to vector<1024x128xf32>
    %sub3A_35 = arith.subf %add3A_28, %sub3A_34 : vector<1024x128xf32>
    %mul3A = arith.mulf %sub3A_33, %sub3A_35 : vector<1024x128xf32>
    %reduce_sum3A_36 = arith.constant dense<0.000000e+00> : vector<1024xf32>
    %reduce_sum3A_37 = vector.multi_reduction <add>, %mul3A, %reduce_sum3A_36 [1] : vector<1024x128xf32> to vector<1024xf32>
    %broadcast_in_dim3A_38 = vector.shape_cast %reduce_sum3A_37 : vector<1024xf32> to vector<1024x1xf32>
    %div3A_39 = arith.constant 1.280000e+02 : f32
    %div3A_40 = vector.broadcast %div3A_39 : f32 to vector<1024x1xf32>
    %div3A_41 = arith.divf %broadcast_in_dim3A_38, %div3A_40 : vector<1024x1xf32>
    %sub3A_42 = vector.broadcast %div3A_32 : vector<1024x1xf32> to vector<1024x128xf32>
    %sub3A_43 = arith.subf %add3A_28, %sub3A_42 : vector<1024x128xf32>
    %add3A_44 = arith.constant 9.99999974E-6 : f32
    %add3A_45 = vector.broadcast %add3A_44 : f32 to vector<1024x1xf32>
    %add3A_46 = arith.addf %div3A_41, %add3A_45 : vector<1024x1xf32>
    %rsqrt3A = math.rsqrt %add3A_46 : vector<1024x1xf32>
    %mul3A_47 = vector.broadcast %rsqrt3A : vector<1024x1xf32> to vector<1024x128xf32>
    %mul3A_48 = arith.mulf %sub3A_43, %mul3A_47 : vector<1024x128xf32>
    %get3A_49 = arith.constant 0 : index
    %get3A_50 = arith.constant 0 : index
    %get3A_51 = vector.load %arg8[%get3A_49, %get3A_50] : memref<1x128xf32, #tpu.memory_space<vmem>>, vector<1x128xf32>
    %mul3A_52 = vector.broadcast %get3A_51 : vector<1x128xf32> to vector<1024x128xf32>
    %mul3A_53 = arith.mulf %mul3A_48, %mul3A_52 : vector<1024x128xf32>
    %get3A_54 = arith.constant 0 : index
    %get3A_55 = arith.constant 0 : index
    %get3A_56 = vector.load %arg9[%get3A_54, %get3A_55] : memref<1x128xf32, #tpu.memory_space<vmem>>, vector<1x128xf32>
    %add3A_57 = vector.broadcast %get3A_56 : vector<1x128xf32> to vector<1024x128xf32>
    %add3A_58 = arith.addf %mul3A_53, %add3A_57 : vector<1024x128xf32>
    %get3A_59 = arith.constant 0 : index
    %get3A_60 = arith.constant 0 : index
    %get3A_61 = vector.load %arg1[%get3A_59, %get3A_60] : memref<1024x128xf32, #tpu.memory_space<vmem>>, vector<1024x128xf32>
    %add3A_62 = arith.addf %get3A_61, %add3A_58 : vector<1024x128xf32>
    %swap3A = arith.constant 0 : index
    %swap3A_63 = arith.constant 0 : index
    %swap3A_64 = vector.load %arg12[%swap3A, %swap3A_63] : memref<1024x128xf32, #tpu.memory_space<vmem>>, vector<1024x128xf32>
    tpu.vector_store %arg12[%swap3A, %swap3A_63], %add3A_62 {strides = array<i32>} : memref<1024x128xf32, #tpu.memory_space<vmem>>, vector<1024x128xf32>,
    %get3A_65 = arith.constant 0 : index
    %get3A_66 = arith.constant 0 : index
    %get3A_67 = vector.load %arg10[%get3A_65, %get3A_66] : memref<128x1xf32, #tpu.memory_space<vmem>>, vector<128x1xf32>
    %dot_general3A_68 = arith.constant dense<0.000000e+00> : vector<1024x1xf32>
    %dot_general3A_69 = tpu.matmul %add3A_62, %get3A_67, %dot_general3A_68 {dimension_numbers = #tpu.dot_dimension_numbers<[1], [0], [0], [1], [0, 0, 1, 1], [], []>, transpose_lhs_hint = false} : vector<1024x128xf32>, vector<128x1xf32>, vector<1024x1xf32> -> vector<1024x1xf32>
    %get3A_70 = arith.constant 0 : index
    %get3A_71 = arith.constant 0 : index
    %get3A_72 = vector.load %arg11[%get3A_70, %get3A_71] : memref<1x1xf32, #tpu.memory_space<vmem>>, vector<1x1xf32>
    %add3A_73 = vector.broadcast %get3A_72 : vector<1x1xf32> to vector<1024x1xf32>
    %add3A_74 = arith.addf %dot_general3A_69, %add3A_73 : vector<1024x1xf32>
    %mul3A_75 = arith.constant 1024 : i32
    %mul3A_76 = arith.muli %arg0, %mul3A_75 : i32
    %iota3A = tpu.iota {dimensions = array<i32: 0>} : vector<1024x1xi32>
    %add3A_77 = vector.broadcast %mul3A_76 : i32 to vector<1024x1xi32>
    %add3A_78 = arith.addi %add3A_77, %iota3A : vector<1024x1xi32>
    %lt3A = arith.constant 10000 : i32
    %lt3A_79 = vector.broadcast %lt3A : i32 to vector<1024x1xi32>
    %lt3A_80 = arith.cmpi slt, %add3A_78, %lt3A_79 : vector<1024x1xi32>
    %jit3A = arith.constant -1.000000e+30 : f32
    %broadcast_in_dim3A_81 = vector.broadcast %jit3A : f32 to vector<1024x1xf32>
    %select_n3A = arith.select %lt3A_80, %add3A_74, %broadcast_in_dim3A_81 : vector<1024x1xi1>, vector<1024x1xf32>
    %swap3A_82 = arith.constant 0 : index
    %swap3A_83 = arith.constant 0 : index
    %swap3A_84 = vector.load %arg13[%swap3A_82, %swap3A_83] : memref<1024x1xf32, #tpu.memory_space<vmem>>, vector<1024x1xf32>
    tpu.vector_store %arg13[%swap3A_82, %swap3A_83], %select_n3A {strides = array<i32>} : memref<1024x1xf32, #tpu.memory_space<vmem>>, vector<1024x1xf32>,
    return
  }
  func.func @transform_0(%arg0: i32) -> (i32, i32) {
    %c0_i32 = arith.constant 0 : i32
    %c0_i32_0 = arith.constant 0 : i32
    return %arg0, %c0_i32 : i32, i32
  }
  func.func @transform_1(%arg0: i32) -> (i32, i32) {
    %c0_i32 = arith.constant 0 : i32
    %c0_i32_0 = arith.constant 0 : i32
    return %arg0, %c0_i32 : i32, i32
  }
  func.func @transform_2(%arg0: i32) -> (i32, i32) {
    %add3A = arith.constant 10 : i32
    %add3A_0 = arith.addi %arg0, %add3A : i32
    %c0_i32 = arith.constant 0 : i32
    %c0_i32_1 = arith.constant 0 : i32
    return %add3A_0, %c0_i32 : i32, i32
  }
  func.func @transform_3(%arg0: i32) -> (i32, i32) {
    %c0_i32 = arith.constant 0 : i32
    %c0_i32_0 = arith.constant 0 : i32
    return %arg0, %c0_i32 : i32, i32
  }
  func.func @transform_4(%arg0: i32) -> (i32, i32) {
    %c0_i32 = arith.constant 0 : i32
    %c0_i32_0 = arith.constant 0 : i32
    %c0_i32_1 = arith.constant 0 : i32
    return %c0_i32, %c0_i32_0 : i32, i32
  }
  func.func @transform_5(%arg0: i32) -> (i32, i32) {
    %c0_i32 = arith.constant 0 : i32
    %c0_i32_0 = arith.constant 0 : i32
    %c0_i32_1 = arith.constant 0 : i32
    return %c0_i32, %c0_i32_0 : i32, i32
  }
  func.func @transform_6(%arg0: i32) -> (i32, i32) {
    %c0_i32 = arith.constant 0 : i32
    %c0_i32_0 = arith.constant 0 : i32
    %c0_i32_1 = arith.constant 0 : i32
    return %c0_i32, %c0_i32_0 : i32, i32
  }
  func.func @transform_7(%arg0: i32) -> (i32, i32) {
    %c0_i32 = arith.constant 0 : i32
    %c0_i32_0 = arith.constant 0 : i32
    %c0_i32_1 = arith.constant 0 : i32
    return %c0_i32, %c0_i32_0 : i32, i32
  }
  func.func @transform_8(%arg0: i32) -> (i32, i32) {
    %c0_i32 = arith.constant 0 : i32
    %c0_i32_0 = arith.constant 0 : i32
    %c0_i32_1 = arith.constant 0 : i32
    return %c0_i32, %c0_i32_0 : i32, i32
  }
  func.func @transform_9(%arg0: i32) -> (i32, i32) {
    %c0_i32 = arith.constant 0 : i32
    %c0_i32_0 = arith.constant 0 : i32
    %c0_i32_1 = arith.constant 0 : i32
    return %c0_i32, %c0_i32_0 : i32, i32
  }
  func.func @transform_10(%arg0: i32) -> (i32, i32) {
    %c0_i32 = arith.constant 0 : i32
    %c0_i32_0 = arith.constant 0 : i32
    %c0_i32_1 = arith.constant 0 : i32
    return %c0_i32, %c0_i32_0 : i32, i32
  }
  func.func @transform_11(%arg0: i32) -> (i32, i32) {
    %c0_i32 = arith.constant 0 : i32
    %c0_i32_0 = arith.constant 0 : i32
    return %arg0, %c0_i32 : i32, i32
  }
  func.func @transform_12(%arg0: i32) -> (i32, i32) {
    %c0_i32 = arith.constant 0 : i32
    %c0_i32_0 = arith.constant 0 : i32
    return %arg0, %c0_i32 : i32, i32
  }
}

module attributes {stable_mosaic.version = 14 : i64} {
  func.func @body(%arg0: memref<80x128xf32, #tpu.memory_space<vmem>>, %arg1: memref<80x128xf32, #tpu.memory_space<vmem>>) attributes {dimension_semantics = [], scalar_prefetch = 0 : i64, scratch_operands = 0 : i64, tpu.core_type = #tpu.core_type<tc>} {
    %get3A = arith.constant 0 : index
    %get3A_0 = arith.constant 0 : index
    %get3A_1 = vector.load %arg0[%get3A, %get3A_0] : memref<80x128xf32, #tpu.memory_space<vmem>>, vector<80x128xf32>
    %reduce_max3A = vector.shape_cast %get3A_1 : vector<80x128xf32> to vector<1x80x128xf32>
    %reduce_max3A_2 = arith.constant dense<0xFF800000> : vector<1xf32>
    %reduce_max3A_3 = vector.multi_reduction <maximumf>, %reduce_max3A, %reduce_max3A_2 [1, 2] : vector<1x80x128xf32> to vector<1xf32>
    %reduce_max3A_4 = vector.shape_cast %reduce_max3A_3 : vector<1xf32> to vector<1x1x1xf32>
    %reduce_max3A_5 = vector.extract %reduce_max3A_4[0, 0, 0] : f32 from vector<1x1x1xf32>
    %sub3A = vector.broadcast %reduce_max3A_5 : f32 to vector<80x128xf32>
    %sub3A_6 = arith.subf %get3A_1, %sub3A : vector<80x128xf32>
    %exp3A = math.exp %sub3A_6 : vector<80x128xf32>
    %reduce_sum3A = vector.shape_cast %exp3A : vector<80x128xf32> to vector<1x80x128xf32>
    %reduce_sum3A_7 = arith.constant dense<0.000000e+00> : vector<1xf32>
    %reduce_sum3A_8 = vector.multi_reduction <add>, %reduce_sum3A, %reduce_sum3A_7 [1, 2] : vector<1x80x128xf32> to vector<1xf32>
    %reduce_sum3A_9 = vector.shape_cast %reduce_sum3A_8 : vector<1xf32> to vector<1x1x1xf32>
    %reduce_sum3A_10 = vector.extract %reduce_sum3A_9[0, 0, 0] : f32 from vector<1x1x1xf32>
    %div3A = vector.broadcast %reduce_sum3A_10 : f32 to vector<80x128xf32>
    %div3A_11 = arith.divf %exp3A, %div3A : vector<80x128xf32>
    %swap3A = arith.constant 0 : index
    %swap3A_12 = arith.constant 0 : index
    %swap3A_13 = vector.load %arg1[%swap3A, %swap3A_12] : memref<80x128xf32, #tpu.memory_space<vmem>>, vector<80x128xf32>
    tpu.vector_store %arg1[%swap3A, %swap3A_12], %div3A_11 {strides = array<i32>} : memref<80x128xf32, #tpu.memory_space<vmem>>, vector<80x128xf32>,
    return
  }
}

</mosaic_0001>

<sc_bundles>
// kernel: kernel.12.cloned.1.call-start
scs
__scs_entry_jumppad:
0x0: {  	(pc) =	sbr.rel $0x88, $3  }
0x1: {  	(tag) =	ssettag $0x0;
	lr =	simm.s32 $0x1  }
0x2: {  	[smem:$0x3F8E] =	sst lr;
	_ =	strace $0xD0000000  }
0x3: {  	_ = 	snop  }
0x4: {  	_ = 	snop  }
0x5: {  	_ = 	snop  }
0x6: {  	_ = 	snop  }
0x7: {  	_ = 	snop  }
__scs_overlays_trampoline_lowered:
0x8: {  	[smem:$0x3F9D] =	sst s0  }
0x9: {  	[smem:$0x3F9E] =	sst s1  }
0xa: {  	[smem:$0x3F9F] =	sst s2  }
0xb: {  	[smem:$0x3FA0] =	sst s3  }
0xc: {  	[smem:$0x3FA1] =	sst s4  }
0xd: {  	[smem:$0x3FA2] =	sst s5  }
0xe: {  	[smem:$0x3FA3] =	sst s6  }
0xf: {  	[smem:$0x3FA4] =	sst s7  }
0x10: {  	[smem:$0x3FA5] =	sst s8  }
0x11: {  	[smem:$0x3FA6] =	sst s9;
	s0 =	simm.s32 @!p0 $0x0  }
0x12: {  	s1 =	sld [smem:$0x3F8C];
	s0 =	simm.s32 @p0 $0x1  }
0x13: {  	[smem:$0x3FA7] =	sst s0;
	s0 =	simm.s32 @!p1 $0x0  }
0x14: {  	s2 =	sld [smem:$0x3F8B];
	s0 =	simm.s32 @p1 $0x1  }
0x15: {  	[smem:$0x3FA8] =	sst s0;
	s0 =	simm.s32 @!p2 $0x0  }
0x16: {  	s3 =	sld [smem:$0x3FDB];
	s0 =	simm.s32 @p2 $0x1  }
0x17: {  	s4 =	simm.s32 $0x1BF5;
	[smem:$0x3FAA] =	sst s0  }
0x18: {  	s0 =	sld [smem:$0x3F8D];
	_ =	swait.ge [sflag:s4], $0x0  }
0x19: {  	s7 =	sld [smem:$0x3F8E]  }
0x1a: {  	s8 =	sadd.s32 $0xFFFFE003, lr  }
0x1b: {  	s9 =	sadd.s32 $0xFFFFFEF7, lr;
	s5 =	simm.s32 $0xFFFFFFFF;
	p2 =	slt.u32 s8, $0xFFFFF086  }
0x1c: {  	p1 =	slt.u32 s9, $0xF7A;
	s5 =	simm.s32 @!p2 $0x0  }
0x1d: {  	s5 =	simm.s32 @p1 $0x1;
	p0 =	seq.s32 s7, s2  }
0x1e: {  	s7 =	smul.u32 @!p0 $0xF7A, s2;
	p2 =	seq.s32 @!p0 s5, $0x0  }
0x1f: {  	s9 =	smul.u32 $0xF7A, s1;
	s8 =	simm.s32 @!p0 $0x1BF5;
	p2 =	por !p2, p0  }
0x20: {  	[sflag:s8] =	ssyncset.s32 @!p0 $0xFFFFF086;
	s6 =	sadd.s32 @!p0 s3, s7;
	s7 =	simm.s32 @!p0 $0x108  }
0x21: {  	s3 =	sadd.s32 s3, s9;
	s6 =	sadd.s32 @!p0 $0x88, s6;
	s7 =	simm.s32 @p2 $0x1082  }
0x22: {  	[simem:s7], [sflag:s8] =	dma.local @!p0 [hbm:s6], $0xF7A  }
0x23: {  	s9 =	sor.u32 $0xD0000000, s2;
	s6 =	simm.s32 $0x108;
	_ =	swait.ge @!p0 [sflag:s8], $0x0  }
0x24: {  	s3 =	sadd.s32 $0x88, s3;
	s6 =	simm.s32 @!p1 $0x1082;
	[sflag:s4] =	ssyncset.s32 $0xFFFFF086  }
0x25: {  	[simem:s6], [sflag:s4] =	dma.local [hbm:s3], $0xF7A  }
0x26: {  	[smem:$0x3F8E] =	sst s1;
	(tag) =	ssettag s2;
	_ =	strace s9  }
0x27: {  	s1 =	sld [smem:$0x3F9E]  }
0x28: {  	s2 =	sld [smem:$0x3F9F]  }
0x29: {  	s4 =	sld [smem:$0x3FA1]  }
0x2a: {  	p0 =	seq.s32 s5, $0x0;
	s5 =	sld [smem:$0x3FA2]  }
0x2b: {  	s6 =	sld [smem:$0x3FA3]  }
0x2c: {  	s7 =	sld [smem:$0x3FA4]  }
0x2d: {  	s3 =	simm.s32 $0x108;
	s8 =	sld [smem:$0x3FA5]  }
0x2e: {  	s3 =	simm.s32 @!p0 $0x1082;
	s9 =	sld [smem:$0x3FA6]  }
0x2f: {  	lr =	sadd.s32 s0, s3;
	s0 =	sld [smem:$0x3F9D]  }
0x30: {  	s3 =	sld [smem:$0x3FA0]  }
0x31: {  	[smem:$0x3FA9] =	sst s10  }
0x32: {  	s10 =	sld [smem:$0x3FA7];
	_ =	sdelay $0x3  }
0x33: {  	p0 =	seq.s32 s10, $0x1;
	s10 =	sld [smem:$0x3FA9];
	_ =	sdelay $0x3  }
0x34: {  	[smem:$0x3FA9] =	sst s10  }
0x35: {  	s10 =	sld [smem:$0x3FA8];
	_ =	sdelay $0x3  }
0x36: {  	p1 =	seq.s32 s10, $0x1;
	s10 =	sld [smem:$0x3FA9];
	_ =	sdelay $0x3  }
0x37: {  	[smem:$0x3FA9] =	sst s10  }
0x38: {  	s10 =	sld [smem:$0x3FAA]  }
0x39: {  	_ = 	snop;
	(pc) =	sbr.ind lr, $3  }
0x3a: {  	_ = 	snop  }
0x3b: {  	_ = 	snop  }
0x3c: {  	p2 =	seq.s32 s10, $0x1;
	s10 =	sld [smem:$0x3FA9]  }
0x3d: {  	_ =	shalt  }
0x3e: {  	_ =	shalt  }
0x3f: {  	_ =	shalt  }
0x40: {  	_ =	shalt  }
0x41: {  	_ =	shalt  }
0x42: {  	_ =	shalt  }
0x43: {  	_ =	shalt  }
0x44: {  	_ =	shalt  }
0x45: {  	_ =	shalt  }
0x46: {  	_ =	shalt  }
0x47: {  	_ =	shalt  }
0x48: {  	_ =	shalt  }
0x49: {  	_ =	shalt  }
0x4a: {  	_ =	shalt  }
0x4b: {  	_ =	shalt  }
0x4c: {  	_ =	shalt  }
0x4d: {  	_ =	shalt  }
0x4e: {  	_ =	shalt  }
0x4f: {  	_ =	shalt  }
0x50: {  	_ =	shalt  }
0x51: {  	_ =	shalt  }
0x52: {  	_ =	shalt  }
0x53: {  	_ =	shalt  }
0x54: {  	_ =	shalt  }
0x55: {  	_ =	shalt  }
0x56: {  	_ =	shalt  }
0x57: {  	_ =	shalt  }
0x58: {  	_ =	shalt  }
0x59: {  	_ =	shalt  }
0x5a: {  	_ =	shalt  }
0x5b: {  	_ =	shalt  }
0x5c: {  	_ =	shalt  }
0x5d: {  	_ =	shalt  }
0x5e: {  	_ =	shalt  }
0x5f: {  	_ =	shalt  }
0x60: {  	_ =	shalt  }
0x61: {  	_ =	shalt  }
0x62: {  	_ =	shalt  }
0x63: {  	_ =	shalt  }
0x64: {  	_ =	shalt  }
0x65: {  	_ =	shalt  }
0x66: {  	_ =	shalt  }
0x67: {  	_ =	shalt  }
0x68: {  	_ =	shalt  }
0x69: {  	_ =	shalt  }
0x6a: {  	_ =	shalt  }
0x6b: {  	_ =	shalt  }
0x6c: {  	_ =	shalt  }
0x6d: {  	_ =	shalt  }
0x6e: {  	_ =	shalt  }
0x6f: {  	_ =	shalt  }
0x70: {  	_ =	shalt  }
0x71: {  	_ =	shalt  }
0x72: {  	_ =	shalt  }
0x73: {  	_ =	shalt  }
0x74: {  	_ =	shalt  }
0x75: {  	_ =	shalt  }
0x76: {  	_ =	shalt  }
0x77: {  	_ =	shalt  }
0x78: {  	_ =	shalt  }
0x79: {  	_ =	shalt  }
0x7a: {  	_ =	shalt  }
0x7b: {  	_ =	shalt  }
0x7c: {  	_ =	shalt  }
0x7d: {  	_ =	shalt  }
0x7e: {  	_ =	shalt  }
0x7f: {  	_ =	shalt  }
0x80: {  	_ =	shalt  }
0x81: {  	_ =	shalt  }
0x82: {  	_ =	shalt  }
0x83: {  	_ =	shalt  }
0x84: {  	_ =	shalt  }
0x85: {  	_ =	shalt  }
0x86: {  	_ =	shalt  }
0x87: {  	_ =	shalt  }
.Lfunc_end0:
.L_simem_size_0:
called_computation.1_lowered:
.L_overlay_start_0:
0x88: {  	s2 =	sld [smem:$0x3FD9]  }
0x89: {  	s3 =	sld [smem:$0x3FFE];
	_ =	sdelay $0x1  }
0x8a: {  	s1 =	srdreg.scid  }
0x8b: {  	s0 =	sand.u32 $0x1, s1  }
0x8c: {  	s14 =	sshll.u32 s0, $0xA;
	s2 =	sadd.s32 s3, s2  }
0x8d: {  	s2 =	sadd.s32 s2, s14  }
0x8e: {  	[smem:$0x3FB5] =	sst s2  }
0x8f: {  	_ = 	snop  }
0x90: {  	s2 =	sld [smem:$0x3FD0];
	_ =	sdelay $0x2  }
0x91: {  	s15 =	simm.s32 $0xA;
	s4 =	simm.s32 $0x10  }
0x92: {  	[smem:s4], [sflag:s15] =	dma.local [hbm:s2], $0x1  }
0x93: {  	_ =	swait.eq [sflag:s15], $0x1  }
0x94: {  	[sflag:s15] =	ssyncset.done $0x0  }
0x95: {  	[sflag:s15] =	ssyncadd.s32 $0xFFFFFFFF  }
0x96: {  	s16 =	sld [smem:$0x10];
	(tm) =	ssettm $0x1  }
0x97: {  	s17 =	sld [smem:$0x3FFB];
	_ =	sdelay $0x3  }
0x98: {  	_ =	strace s17  }
0x99: {  	s3 =	sld [smem:$0x3FFC];
	_ =	sdelay $0x3  }
0x9a: {  	_ =	strace s3  }
0x9b: {  	s3 =	sld [smem:$0x3FFD];
	_ =	sdelay $0x3  }
0x9c: {  	_ =	strace s3  }
0x9d: {  	_ =	strace $0x8FFFFFFF  }
0x9e: {  	s18 =	sld [smem:$0x3FDB];
	_ =	sdelay $0x1  }
0x9f: {  	s19 =	simm.s32 $_scs_section_size  }
0xa0: {  	s5 =	simm.s32 $_size__tile_overlayer_lowered;
	s6 =	simm.s32 $_tile_overlayer_lowered  }
0xa1: {  	s22 =	simm.s32 $0x1BFF;
	s21 =	sshll.u32 s6, $0x1;
	s3 =	sadd.s32 s19, s18  }
0xa2: {  	s7 =	simm.s32 $0x0;
	s20 =	sshll.u32 s5, $0x1;
	s5 =	sadd.s32 s21, s3  }
0xa3: {  	[timem:s7], [sflag:s22] =	dma.local [hbm:s5], s20  }
0xa4: {  	_ =	swait.ge [sflag:s22], s20  }
0xa5: {  	s4 =	ssub.s32 $0x0, s20;
	[sflag:s22] =	ssyncset.done $0x0  }
0xa6: {  	[sflag:s22] =	ssyncadd.s32 s4;
	_ =	sdelay $0x1  }
0xa7: {  	s23 =	simm.s32 $0x1B8B  }
0xa8: {  	_ =	swait.ge [sflag:s23], $0x1  }
0xa9: {  	[sflag:s23] =	ssyncset.done $0x0  }
0xaa: {  	s25 =	simm.s32 $0x1B8E;
	s24 =	sld [smem:$0x3FFE];
	[sflag:s23] =	ssyncadd.s32 $0xFFFFFFFF  }
0xab: {  	s26 =	simm.s32 $execute0_lowered;
	[smem:$0x3FD2] =	sst s25  }
0xac: {  	s5 =	sshll.u32 s26, $0x1;
	_ =	strace $0x80000049;
	[dreg:$0x1] =	wrdreg $0xFFFFFFFF  }
0xad: {  	s28 =	simm.s32 $_size_execute0_lowered;
	s3 =	sadd.s32 s3, s5;
	[dreg:$0x0] =	wrdreg $0x0  }
0xae: {  	s5 =	sshll.u32 s28, $0x1;
	[dreg:$0x2] =	wrdreg s3  }
0xaf: {  	[dreg:$0x3] =	wrdreg s5  }
0xb0: {  	[dreg:$0x4] =	wrdreg $0xC0  }
0xb1: {  	_ =	task [dreg:s7], $0x5FFFF  }
0xb2: {  	[dreg:$0x1] =	wrdreg $0xFFFFFFFF  }
0xb3: {  	[dreg:$0x0] =	wrdreg $0x60  }
0xb4: {  	[dreg:$0x2] =	wrdreg s24  }
0xb5: {  	[dreg:$0x3] =	wrdreg s16  }
0xb6: {  	[dreg:$0x4] =	wrdreg $0x0  }
0xb7: {  	[dreg:$0x5] =	wrdreg $0x9  }
0xb8: {  	_ =	task.clear_ibuf [dreg:s7], $0x6FFFF;
	_ =	strace $0x90000049  }
0xb9: {  	s29 =	simm.s32 $0x9;
	_ =	strace $0x8000004B  }
0xba: {  	_ =	swait.ge [sflag:s29], $0x1  }
0xbb: {  	[sflag:s29] =	ssyncadd.s32 $0xFFFFFFFF  }
0xbc: {  	_ =	strace $0x9000004B  }
0xbd: {  	_ =	sfence  }
0xbe: {  	s30 =	sld [smem:$0x0];
	_ =	sdelay $0x2  }
0xbf: {  	s31 =	sshll.u32 s1, $0xD;
	s1 =	sshrl.u32 s1, $0x2  }
0xc0: {  	s3 =	sand.u32 $0x4000, s31;
	s1 =	sadd.s32 s1, s30  }
0xc1: {  	s0 =	sor.u32 s3, s0;
	s1 =	sshll.u32 s1, $0x11  }
0xc2: {  	s0 =	sor.u32 s1, s0  }
0xc3: {  	s0 =	sadd.s32 $0x8F2B, s0  }
0xc4: {  	[sflag:s0] =	ssyncadd.remote.s32 $0x1  }
0xc5: {  	_ =	sfence.sel $0xFFFF  }
0xc6: {  	[dreg:$0x0] =	wrdreg $0xFFFFFFFF;
	(pc) =	sbr.abs _section_cstart, $3  }
0xc7: {  	[dreg:$0x1] =	wrdreg $0xFFFFFFFF  }
0xc8: {  	_ =	task.clear_ibuf [dreg:s7], $0x2FFFF;
	_ =	strace $0x9FFFFFFF  }
0xc9: {  	(tm) =	ssettm $0x7FFFFFFF  }
tec
execute0_lowered:
.L_overlay_start_1:
0x0: {  	(tag) =	ssettag $0x1  }
0x1: {  	s0 =	rddreg [dreg:$0x0]  }
0x2: {  	s1 =	rddreg [dreg:$0x1]  }
0x3: {  	s2 =	rddreg [dreg:$0x2];
	s13 =	stileid.u32;
	s3 =	simm.s32 $0x0  }
0x4: {  	s4 =	srdreg.scid;
	s22 =	simm.s32 $0x14080;
	s23 =	simm.s32 $0x14100  }
0x5: {  	s25 =	simm.s32 $0x14480;
	s28 =	simm.s32 $0x14E00;
	s29 =	simm.s32 $0x14B00  }
0x6: {  	s30 =	simm.s32 $0x14E80;
	s31 =	simm.s32 $0x14B80;
	s5 =	smul.u32 $0x2800, s13  }
0x7: {  	[smem:$0x7FF] =	sst s3;
	s6 =	sand.u32 $0x1, s4;
	s11 =	sadd.s32 $0x34A00, s0  }
0x8: {  	s7 =	smul.u32 $0x14, s13;
	_ =	strace $0x8000004A;
	[dreg:$0x1c] =	wrdreg s11  }
0x9: {  	s4 =	sadd.s32 $0xCA00, s0;
	s9 =	sadd.s32 $0x2A00, s0;
	[dreg:$0x8] =	wrdreg s22  }
0xa: {  	s16 =	sshll.u32 s13, $0x1;
	s17 =	smul.u32 $0x50000, s13;
	[dreg:$0x9] =	wrdreg s23  }
0xb: {  	s24 =	sshll.u32 s13, $0x6;
	s8 =	smul.u32 $0xA, s6;
	[dreg:$0xa] =	wrdreg s25  }
0xc: {  	s13 =	simm.s32 $0x14280;
	s10 =	smul.u32 $0x28000, s6;
	[dreg:$0x1d] =	wrdreg s24  }
0xd: {  	s26 =	ssub.s32 $0x2, s6;
	[dreg:$0xf] =	wrdreg s13;
	s22 =	simm.s32 $0x14900  }
0xe: {  	s23 =	simm.s32 $0x14C80;
	s25 =	simm.s32 $0x14D00;
	[dreg:$0x17] =	wrdreg s22  }
0xf: {  	s12 =	sshrl.u32 s26, $0x1;
	s21 =	sshrl.u32 s17, $0x2;
	[dreg:$0x18] =	wrdreg s23  }
0x10: {  	s17 =	simm.s32 $0x14680;
	s22 =	simm.s32 $0x19000;
	[dreg:$0x1a] =	wrdreg s25  }
0x11: {  	s23 =	simm.s32 $0x2;
	s25 =	simm.s32 $0x14D80;
	s5 =	sadd.s32 s5, s10  }
0x12: {  	s10 =	sor.u32 s6, s16;
	s6 =	sor.u32 $0x1C03, s24;
	[dreg:$0x12] =	wrdreg s17  }
0x13: {  	s14 =	ssub.s32 s26, s12;
	s26 =	simm.s32 $0x14180;
	[dreg:$0x1e] =	wrdreg s6  }
0x14: {  	s7 =	sadd.s32 s8, s7;
	s16 =	simm.s32 $0x14300;
	[dreg:$0xb] =	wrdreg s26  }
0x15: {  	s17 =	simm.s32 $0x15000;
	s24 =	simm.s32 $0x14980;
	[dreg:$0x11] =	wrdreg s16  }
0x16: {  	s7 =	sshll.u32 s7, $0x7;
	s6 =	simm.s32 $0x14500;
	[dreg:$0x19] =	wrdreg s24  }
0x17: {  	s0 =	sadd.s32 s5, s0;
	s14 =	smax.u32 s14, $0x1;
	[dreg:$0xc] =	wrdreg s6  }
0x18: {  	s10 =	smul.u32 $0x500, s10;
	s26 =	simm.s32 $0x14A00;
	[smem:$0x7FD] =	sst s14  }
0x19: {  	s15 =	sadd.s32 $0x100, s7;
	s0 =	sadd.s32 $0x37200, s0;
	[dreg:$0x1b] =	wrdreg s26  }
0x1a: {  	s16 =	simm.s32 $0x80;
	s12 =	sadd.s32 s15, s1;
	[smem:$0x7FC] =	sst s0  }
0x1b: {  	s18 =	sadd.s32 s7, s1;
	s8 =	sadd.s32 s15, s9;
	[dreg:$0x4] =	wrdreg s12  }
0x1c: {  	s7 =	sadd.s32 s7, s9;
	s19 =	sadd.s32 $0x80, s18;
	[dreg:$0x5] =	wrdreg s8  }
0x1d: {  	s24 =	simm.s32 $0x4;
	s20 =	sadd.s32 $0x80, s7;
	[dreg:$0x6] =	wrdreg s19  }
0x1e: {  	s5 =	simm.s32 $0x0;
	s1 =	sadd.s32 s1, s10;
	[dreg:$0x7] =	wrdreg s20  }
0x1f: {  	s14 =	simm.s32 $0x5;
	s11 =	sadd.s32 s9, s10;
	[dreg:$0x1f] =	wrdreg s1  }
0x20: {  	s26 =	simm.s32 $0x14A80;
	s15 =	simm.s32 $0x14600;
	[smem:$0x7FB] =	sst s11  }
0x21: {  	s7 =	sadd.s32 s21, s2;
	s18 =	simm.s32 $0x14380;
	[dreg:$0x10] =	wrdreg s15  }
0x22: {  	s21 =	simm.s32 $0x14880;
	s0 =	simm.s32 $0x14F00;
	[dreg:$0x13] =	wrdreg s18  }
0x23: {  	s8 =	simm.s32 $0x14200;
	s12 =	simm.s32 $0x14580;
	[dreg:$0x16] =	wrdreg s21  }
0x24: {  	s15 =	simm.s32 $0x14400;
	s19 =	simm.s32 $0x14700;
	[dreg:$0xd] =	wrdreg s8  }
0x25: {  	s20 =	simm.s32 $0x14780;
	s21 =	simm.s32 $0x1;
	[dreg:$0xe] =	wrdreg s12  }
0x26: {  	s1 =	simm.s32 $0x14F80;
	s12 =	sshrl.u32 s7, $0x3;
	[dreg:$0x14] =	wrdreg s19  }
0x27: {  	[dreg:$0x15] =	wrdreg s20;
	s19 =	simm.s32 $0x14800;
	s20 =	simm.s32 $0x14C00  }
.LBB2_1:
0x28: {  	s6 =	rddreg [dreg:$0x1c]  }
0x29: {  	s7 =	rddreg [dreg:$0x1e]  }
0x2a: {  	[spmem:s12], [sflag:s7] =	dma.local [hbm:s6], $0x2800  }
0x2b: {  	s18 =	simm.s32 $0x14000;
	s6 =	rddreg [dreg:$0x1f]  }
0x2c: {  	[tilespmem:s18], [sflag:$0x5] =	stream.linear.gather [hbm4b:s6+s3], $0x400, $0x38;
	[tilespmem:$0x1D000] =	vst v63  }
0x2d: {  	_ =	swait.ge [sflag:s14], $0x400  }
0x2e: {  	s8 =	sld [smem:$0x7FB]  }
0x2f: {  	[sflag:s14] =	ssyncset.done $0x0  }
0x30: {  	[sflag:s14] =	ssyncadd.s32 $0xFFFFFC00  }
0x31: {  	[tilespmem:s15], [sflag:$0x5] =	stream.linear.gather [hbm4b:s8+s3], $0x400, $0x38;
	[tilespmem:$0x1D000] =	vst v63  }
0x32: {  	_ =	swait.ge [sflag:s14], $0x400  }
0x33: {  	[sflag:s14] =	ssyncset.done $0x0  }
0x34: {  	s9 =	simm.s32 $0x3;
	[sflag:s14] =	ssyncadd.s32 $0xFFFFFC00  }
0x35: {  	[tilespmem:s17], [sflag:$0x1] =	stream.indirect.gather [hbm4b:s4+s16], $0x80, s18, s16, $0xb8;
	[tilespmem:$0x1D000] =	vst v63  }
0x36: {  	_ =	swait.ge [sflag:s9], $0x2800  }
0x37: {  	[sflag:s9] =	ssyncset.done $0x0  }
0x38: {  	[sflag:s9] =	ssyncadd.s32 $0xFFFFD800  }
0x39: {  	[bflag:$0x0] =	sbarrier.arrive $0xFFFF  }
0x3a: {  	s10 =	rddreg [dreg:$0x6]  }
0x3b: {  	s8 =	rddreg [dreg:$0x7];
	s7 =	sadd.s32 $0x0, s10  }
0x3c: {  	[tilespmem:s19], [sflag:$0x4] =	stream.linear.gather [hbm4b:s7+s3], $0x400, $0x38;
	[tilespmem:$0x1D000] =	vst v63  }
0x3d: {  	s11 =	sadd.s32 $0x0, s8  }
0x3e: {  	[tilespmem:s20], [sflag:$0x4] =	stream.linear.gather [hbm4b:s11+s3], $0x400, $0x38;
	[tilespmem:$0x1D000] =	vst v63  }
0x3f: {  	_ =	swait.ge [sflag:s21], $0x4000  }
0x40: {  	[sflag:s21] =	ssyncset.done $0x0  }
0x41: {  	s13 =	rddreg [dreg:$0x8];
	[sflag:s21] =	ssyncadd.s32 $0xFFFFC000  }
0x42: {  	[tilespmem:s22], [sflag:$0x2] =	stream.indirect.gather [hbm4b:s4+s16], $0x80, s13, s16, $0xb8;
	[tilespmem:$0x1D000] =	vst v63  }
0x43: {  	_ = 	snop  }
0x44: {  	[spmem:s2] =	stream.indirect.scatter.add.f32 [tilespmem:s17], [sflag:$0x5], $0x80, s15, s16, $0xb8;
	[tilespmem:$0x1D000] =	vst v63  }
0x45: {  	_ =	swait.ge [sflag:s14], $0x4000  }
0x46: {  	[sflag:s14] =	ssyncset.done $0x0  }
0x47: {  	[sflag:s14] =	ssyncadd.s32 $0xFFFFC000  }
0x48: {  	_ =	swait.ge [sflag:s23], $0x4000  }
0x49: {  	[sflag:s23] =	ssyncset.done $0x0  }
0x4a: {  	s18 =	rddreg [dreg:$0x9];
	[sflag:s23] =	ssyncadd.s32 $0xFFFFC000  }
0x4b: {  	[tilespmem:s17], [sflag:$0x1] =	stream.indirect.gather [hbm4b:s4+s16], $0x80, s18, s16, $0xb8;
	[tilespmem:$0x1D000] =	vst v63  }
0x4c: {  	s6 =	rddreg [dreg:$0xa]  }
0x4d: {  	[spmem:s2] =	stream.indirect.scatter.add.f32 [tilespmem:s22], [sflag:$0x5], $0x80, s6, s16, $0xb8;
	[tilespmem:$0x1D000] =	vst v63  }
0x4e: {  	_ =	swait.ge [sflag:s14], $0x4000  }
0x4f: {  	[sflag:s14] =	ssyncset.done $0x0  }
0x50: {  	[sflag:s14] =	ssyncadd.s32 $0xFFFFC000  }
0x51: {  	_ =	swait.ge [sflag:s21], $0x4000  }
0x52: {  	[sflag:s21] =	ssyncset.done $0x0  }
0x53: {  	s9 =	rddreg [dreg:$0xb];
	[sflag:s21] =	ssyncadd.s32 $0xFFFFC000  }
0x54: {  	[tilespmem:s22], [sflag:$0x2] =	stream.indirect.gather [hbm4b:s4+s16], $0x80, s9, s16, $0xb8;
	[tilespmem:$0x1D000] =	vst v63  }
0x55: {  	s10 =	rddreg [dreg:$0xc]  }
0x56: {  	[spmem:s2] =	stream.indirect.scatter.add.f32 [tilespmem:s17], [sflag:$0x5], $0x80, s10, s16, $0xb8;
	[tilespmem:$0x1D000] =	vst v63  }
0x57: {  	_ =	swait.ge [sflag:s14], $0x4000  }
0x58: {  	[sflag:s14] =	ssyncset.done $0x0  }
0x59: {  	[sflag:s14] =	ssyncadd.s32 $0xFFFFC000  }
0x5a: {  	_ =	swait.ge [sflag:s23], $0x4000  }
0x5b: {  	[sflag:s23] =	ssyncset.done $0x0  }
0x5c: {  	s11 =	rddreg [dreg:$0xd];
	[sflag:s23] =	ssyncadd.s32 $0xFFFFC000  }
0x5d: {  	[tilespmem:s17], [sflag:$0x1] =	stream.indirect.gather [hbm4b:s4+s16], $0x80, s11, s16, $0xb8;
	[tilespmem:$0x1D000] =	vst v63  }
0x5e: {  	s13 =	rddreg [dreg:$0xe]  }
0x5f: {  	[spmem:s2] =	stream.indirect.scatter.add.f32 [tilespmem:s22], [sflag:$0x5], $0x80, s13, s16, $0xb8;
	[tilespmem:$0x1D000] =	vst v63  }
0x60: {  	_ =	swait.ge [sflag:s14], $0x4000  }
0x61: {  	[sflag:s14] =	ssyncset.done $0x0  }
0x62: {  	[sflag:s14] =	ssyncadd.s32 $0xFFFFC000  }
0x63: {  	_ =	swait.ge [sflag:s21], $0x4000  }
0x64: {  	[sflag:s21] =	ssyncset.done $0x0  }
0x65: {  	s18 =	rddreg [dreg:$0xf];
	[sflag:s21] =	ssyncadd.s32 $0xFFFFC000  }
0x66: {  	[tilespmem:s22], [sflag:$0x2] =	stream.indirect.gather [hbm4b:s4+s16], $0x80, s18, s16, $0xb8;
	[tilespmem:$0x1D000] =	vst v63  }
0x67: {  	s6 =	rddreg [dreg:$0x10]  }
0x68: {  	[spmem:s2] =	stream.indirect.scatter.add.f32 [tilespmem:s17], [sflag:$0x5], $0x80, s6, s16, $0xb8;
	[tilespmem:$0x1D000] =	vst v63  }
0x69: {  	_ =	swait.ge [sflag:s14], $0x4000  }
0x6a: {  	[sflag:s14] =	ssyncset.done $0x0  }
0x6b: {  	[sflag:s14] =	ssyncadd.s32 $0xFFFFC000  }
0x6c: {  	_ =	swait.ge [sflag:s23], $0x4000  }
0x6d: {  	[sflag:s23] =	ssyncset.done $0x0  }
0x6e: {  	s9 =	rddreg [dreg:$0x11];
	[sflag:s23] =	ssyncadd.s32 $0xFFFFC000  }
0x6f: {  	[tilespmem:s17], [sflag:$0x1] =	stream.indirect.gather [hbm4b:s4+s16], $0x80, s9, s16, $0xb8;
	[tilespmem:$0x1D000] =	vst v63  }
0x70: {  	s10 =	rddreg [dreg:$0x12]  }
0x71: {  	[spmem:s2] =	stream.indirect.scatter.add.f32 [tilespmem:s22], [sflag:$0x5], $0x80, s10, s16, $0xb8;
	[tilespmem:$0x1D000] =	vst v63  }
0x72: {  	_ =	swait.ge [sflag:s14], $0x4000  }
0x73: {  	[sflag:s14] =	ssyncset.done $0x0  }
0x74: {  	[sflag:s14] =	ssyncadd.s32 $0xFFFFC000  }
0x75: {  	_ =	swait.ge [sflag:s21], $0x4000  }
0x76: {  	[sflag:s21] =	ssyncset.done $0x0  }
0x77: {  	s11 =	rddreg [dreg:$0x13];
	[sflag:s21] =	ssyncadd.s32 $0xFFFFC000  }
0x78: {  	[tilespmem:s22], [sflag:$0x2] =	stream.indirect.gather [hbm4b:s4+s16], $0x80, s11, s16, $0xb8;
	[tilespmem:$0x1D000] =	vst v63  }
0x79: {  	s13 =	rddreg [dreg:$0x14]  }
0x7a: {  	[spmem:s2] =	stream.indirect.scatter.add.f32 [tilespmem:s17], [sflag:$0x5], $0x80, s13, s16, $0xb8;
	[tilespmem:$0x1D000] =	vst v63  }
0x7b: {  	_ =	swait.ge [sflag:s14], $0x4000  }
0x7c: {  	[sflag:s14] =	ssyncset.done $0x0  }
0x7d: {  	[sflag:s14] =	ssyncadd.s32 $0xFFFFC000  }
0x7e: {  	_ =	swait.ge [sflag:s23], $0x4000  }
0x7f: {  	[sflag:s23] =	ssyncset.done $0x0  }
0x80: {  	[sflag:s23] =	ssyncadd.s32 $0xFFFFC000  }
0x81: {  	_ =	swait.ge [sflag:s24], $0x400  }
0x82: {  	[sflag:s24] =	ssyncset.done $0x0  }
0x83: {  	[sflag:s24] =	ssyncadd.s32 $0xFFFFFC00  }
0x84: {  	_ =	swait.ge [sflag:s24], $0x400  }
0x85: {  	[sflag:s24] =	ssyncset.done $0x0  }
0x86: {  	[sflag:s24] =	ssyncadd.s32 $0xFFFFFC00  }
0x87: {  	[tilespmem:s17], [sflag:$0x1] =	stream.indirect.gather [hbm4b:s4+s16], $0x80, s19, s16, $0xb8;
	[tilespmem:$0x1D000] =	vst v63  }
0x88: {  	s18 =	rddreg [dreg:$0x15]  }
0x89: {  	[spmem:s2] =	stream.indirect.scatter.add.f32 [tilespmem:s22], [sflag:$0x5], $0x80, s18, s16, $0xb8;
	[tilespmem:$0x1D000] =	vst v63  }
0x8a: {  	_ =	swait.ge [sflag:s14], $0x4000  }
0x8b: {  	p0 =	por $0x0, $0x0;
	s7 =	rddreg [dreg:$0x4]  }
0x8c: {  	s13 =	simm.s32 @!p0 $0x0;
	[sflag:s14] =	ssyncset.done $0x0;
	s8 =	rddreg [dreg:$0x5]  }
0x8d: {  	[sflag:s14] =	ssyncadd.s32 $0xFFFFC000;
	s9 =	sadd.s32 @!p0 $0x0, s7;
	s7 =	simm.s32 @!p0 $0x14000  }
0x8e: {  	[tilespmem:s7], [sflag:$0x3] =	stream.linear.gather @!p0 [hbm4b:s9+s13], $0x400, $0x38;
	[tilespmem:$0x1D000] =	vst v63  }
0x8f: {  	s8 =	sadd.s32 @!p0 $0x0, s8;
	s9 =	simm.s32 @!p0 $0x14400  }
0x90: {  	[tilespmem:s9], [sflag:$0x3] =	stream.linear.gather @!p0 [hbm4b:s8+s13], $0x400, $0x38;
	[tilespmem:$0x1D000] =	vst v63  }
0x91: {  	_ =	swait.ge [sflag:s21], $0x4000  }
0x92: {  	[sflag:s21] =	ssyncset.done $0x0  }
0x93: {  	s6 =	rddreg [dreg:$0x16];
	[sflag:s21] =	ssyncadd.s32 $0xFFFFC000  }
0x94: {  	[tilespmem:s22], [sflag:$0x2] =	stream.indirect.gather [hbm4b:s4+s16], $0x80, s6, s16, $0xb8;
	[tilespmem:$0x1D000] =	vst v63  }
0x95: {  	_ = 	snop  }
0x96: {  	[spmem:s2] =	stream.indirect.scatter.add.f32 [tilespmem:s17], [sflag:$0x5], $0x80, s20, s16, $0xb8;
	[tilespmem:$0x1D000] =	vst v63  }
0x97: {  	_ =	swait.ge [sflag:s14], $0x4000  }
0x98: {  	[sflag:s14] =	ssyncset.done $0x0  }
0x99: {  	[sflag:s14] =	ssyncadd.s32 $0xFFFFC000  }
0x9a: {  	_ =	swait.ge [sflag:s23], $0x4000  }
0x9b: {  	[sflag:s23] =	ssyncset.done $0x0  }
0x9c: {  	s9 =	rddreg [dreg:$0x17];
	[sflag:s23] =	ssyncadd.s32 $0xFFFFC000  }
0x9d: {  	[tilespmem:s17], [sflag:$0x1] =	stream.indirect.gather [hbm4b:s4+s16], $0x80, s9, s16, $0xb8;
	[tilespmem:$0x1D000] =	vst v63  }
0x9e: {  	s10 =	rddreg [dreg:$0x18]  }
0x9f: {  	[spmem:s2] =	stream.indirect.scatter.add.f32 [tilespmem:s22], [sflag:$0x5], $0x80, s10, s16, $0xb8;
	[tilespmem:$0x1D000] =	vst v63  }
0xa0: {  	_ =	swait.ge [sflag:s14], $0x4000  }
0xa1: {  	[sflag:s14] =	ssyncset.done $0x0  }
0xa2: {  	[sflag:s14] =	ssyncadd.s32 $0xFFFFC000  }
0xa3: {  	_ =	swait.ge [sflag:s21], $0x4000  }
0xa4: {  	[sflag:s21] =	ssyncset.done $0x0  }
0xa5: {  	s11 =	rddreg [dreg:$0x19];
	[sflag:s21] =	ssyncadd.s32 $0xFFFFC000  }
0xa6: {  	[tilespmem:s22], [sflag:$0x2] =	stream.indirect.gather [hbm4b:s4+s16], $0x80, s11, s16, $0xb8;
	[tilespmem:$0x1D000] =	vst v63  }
0xa7: {  	s13 =	rddreg [dreg:$0x1a]  }
0xa8: {  	[spmem:s2] =	stream.indirect.scatter.add.f32 [tilespmem:s17], [sflag:$0x5], $0x80, s13, s16, $0xb8;
	[tilespmem:$0x1D000] =	vst v63  }
0xa9: {  	_ =	swait.ge [sflag:s14], $0x4000  }
0xaa: {  	[sflag:s14] =	ssyncset.done $0x0  }
0xab: {  	[sflag:s14] =	ssyncadd.s32 $0xFFFFC000  }
0xac: {  	_ =	swait.ge [sflag:s23], $0x4000  }
0xad: {  	[sflag:s23] =	ssyncset.done $0x0  }
0xae: {  	s18 =	rddreg [dreg:$0x1b];
	[sflag:s23] =	ssyncadd.s32 $0xFFFFC000  }
0xaf: {  	[tilespmem:s17], [sflag:$0x1] =	stream.indirect.gather [hbm4b:s4+s16], $0x80, s18, s16, $0xb8;
	[tilespmem:$0x1D000] =	vst v63  }
0xb0: {  	_ = 	snop  }
0xb1: {  	[spmem:s2] =	stream.indirect.scatter.add.f32 [tilespmem:s22], [sflag:$0x5], $0x80, s25, s16, $0xb8;
	[tilespmem:$0x1D000] =	vst v63  }
0xb2: {  	_ =	swait.ge [sflag:s14], $0x4000  }
0xb3: {  	[sflag:s14] =	ssyncset.done $0x0  }
0xb4: {  	[sflag:s14] =	ssyncadd.s32 $0xFFFFC000  }
0xb5: {  	_ =	swait.ge [sflag:s21], $0x4000  }
0xb6: {  	[sflag:s21] =	ssyncset.done $0x0  }
0xb7: {  	[sflag:s21] =	ssyncadd.s32 $0xFFFFC000  }
0xb8: {  	[tilespmem:s22], [sflag:$0x2] =	stream.indirect.gather [hbm4b:s4+s16], $0x80, s26, s16, $0xb8;
	[tilespmem:$0x1D000] =	vst v63  }
0xb9: {  	_ = 	snop  }
0xba: {  	[spmem:s2] =	stream.indirect.scatter.add.f32 [tilespmem:s17], [sflag:$0x5], $0x80, s28, s16, $0xb8;
	[tilespmem:$0x1D000] =	vst v63  }
0xbb: {  	_ =	swait.ge [sflag:s14], $0x4000  }
0xbc: {  	[sflag:s14] =	ssyncset.done $0x0  }
0xbd: {  	[sflag:s14] =	ssyncadd.s32 $0xFFFFC000  }
0xbe: {  	_ =	swait.ge [sflag:s23], $0x4000  }
0xbf: {  	[sflag:s23] =	ssyncset.done $0x0  }
0xc0: {  	[sflag:s23] =	ssyncadd.s32 $0xFFFFC000  }
0xc1: {  	[tilespmem:s17], [sflag:$0x1] =	stream.indirect.gather [hbm4b:s4+s16], $0x80, s29, s16, $0xb8;
	[tilespmem:$0x1D000] =	vst v63  }
0xc2: {  	_ = 	snop  }
0xc3: {  	[spmem:s2] =	stream.indirect.scatter.add.f32 [tilespmem:s22], [sflag:$0x5], $0x80, s30, s16, $0xb8;
	[tilespmem:$0x1D000] =	vst v63  }
0xc4: {  	_ =	swait.ge [sflag:s14], $0x4000  }
0xc5: {  	[sflag:s14] =	ssyncset.done $0x0  }
0xc6: {  	[sflag:s14] =	ssyncadd.s32 $0xFFFFC000  }
0xc7: {  	_ =	swait.ge [sflag:s21], $0x4000  }
0xc8: {  	[sflag:s21] =	ssyncset.done $0x0  }
0xc9: {  	[sflag:s21] =	ssyncadd.s32 $0xFFFFC000  }
0xca: {  	[tilespmem:s22], [sflag:$0x2] =	stream.indirect.gather [hbm4b:s4+s16], $0x80, s31, s16, $0xb8;
	[tilespmem:$0x1D000] =	vst v63  }
0xcb: {  	_ = 	snop  }
0xcc: {  	[spmem:s2] =	stream.indirect.scatter.add.f32 [tilespmem:s17], [sflag:$0x5], $0x80, s0, s16, $0xb8;
	[tilespmem:$0x1D000] =	vst v63  }
0xcd: {  	_ =	swait.ge [sflag:s14], $0x4000  }
0xce: {  	[sflag:s14] =	ssyncset.done $0x0  }
0xcf: {  	[sflag:s14] =	ssyncadd.s32 $0xFFFFC000  }
0xd0: {  	_ =	swait.ge [sflag:s23], $0x4000  }
0xd1: {  	[sflag:s23] =	ssyncset.done $0x0  }
0xd2: {  	s8 =	simm.s32 @!p0 $0x3;
	[sflag:s23] =	ssyncadd.s32 $0xFFFFC000  }
0xd3: {  	_ =	swait.ge @!p0 [sflag:s8], $0x400  }
0xd4: {  	[sflag:s8] =	ssyncset.done @!p0 $0x0  }
0xd5: {  	[sflag:s8] =	ssyncadd.s32 @!p0 $0xFFFFFC00  }
0xd6: {  	_ =	swait.ge @!p0 [sflag:s8], $0x400  }
0xd7: {  	[sflag:s8] =	ssyncset.done @!p0 $0x0  }
0xd8: {  	s9 =	simm.s32 @!p0 $0x80;
	[sflag:s8] =	ssyncadd.s32 @!p0 $0xFFFFFC00;
	s8 =	simm.s32 @!p0 $0x15000  }
0xd9: {  	[tilespmem:s8], [sflag:$0x1] =	stream.indirect.gather @!p0 [hbm4b:s4+s9], $0x80, s7, s9, $0xb8;
	[tilespmem:$0x1D000] =	vst v63  }
0xda: {  	_ = 	snop  }
0xdb: {  	[spmem:s2] =	stream.indirect.scatter.add.f32 [tilespmem:s22], [sflag:$0x5], $0x80, s1, s16, $0xb8;
	[tilespmem:$0x1D000] =	vst v63  }
0xdc: {  	s7 =	simm.s32 $0x100;
	s8 =	simm.s32 $0x200;
	_ =	swait.ge [sflag:s14], $0x4000  }
.LBB2_2:
0xdd: {  	s9 =	rddreg [dreg:$0x6];
	[sflag:s14] =	ssyncset.done $0x0  }
0xde: {  	s10 =	rddreg [dreg:$0x7];
	[sflag:s14] =	ssyncadd.s32 $0xFFFFC000;
	s9 =	sadd.s32 s7, s9  }
0xdf: {  	[tilespmem:s19], [sflag:$0x4] =	stream.linear.gather [hbm4b:s9+s3], $0x400, $0x38;
	[tilespmem:$0x1D000] =	vst v63  }
0xe0: {  	s18 =	sadd.s32 s7, s10  }
0xe1: {  	[tilespmem:s20], [sflag:$0x4] =	stream.linear.gather [hbm4b:s18+s3], $0x400, $0x38;
	[tilespmem:$0x1D000] =	vst v63  }
0xe2: {  	_ =	swait.ge [sflag:s21], $0x4000  }
0xe3: {  	[sflag:s21] =	ssyncset.done $0x0  }
0xe4: {  	s6 =	rddreg [dreg:$0x8];
	[sflag:s21] =	ssyncadd.s32 $0xFFFFC000  }
0xe5: {  	[tilespmem:s22], [sflag:$0x2] =	stream.indirect.gather [hbm4b:s4+s16], $0x80, s6, s16, $0xb8;
	[tilespmem:$0x1D000] =	vst v63  }
0xe6: {  	_ = 	snop  }
0xe7: {  	[spmem:s2] =	stream.indirect.scatter.add.f32 [tilespmem:s17], [sflag:$0x5], $0x80, s15, s16, $0xb8;
	[tilespmem:$0x1D000] =	vst v63  }
0xe8: {  	_ =	swait.ge [sflag:s14], $0x4000  }
0xe9: {  	[sflag:s14] =	ssyncset.done $0x0  }
0xea: {  	[sflag:s14] =	ssyncadd.s32 $0xFFFFC000  }
0xeb: {  	_ =	swait.ge [sflag:s23], $0x4000  }
0xec: {  	[sflag:s23] =	ssyncset.done $0x0  }
0xed: {  	s10 =	rddreg [dreg:$0x9];
	[sflag:s23] =	ssyncadd.s32 $0xFFFFC000  }
0xee: {  	[tilespmem:s17], [sflag:$0x1] =	stream.indirect.gather [hbm4b:s4+s16], $0x80, s10, s16, $0xb8;
	[tilespmem:$0x1D000] =	vst v63  }
0xef: {  	s11 =	rddreg [dreg:$0xa]  }
0xf0: {  	[spmem:s2] =	stream.indirect.scatter.add.f32 [tilespmem:s22], [sflag:$0x5], $0x80, s11, s16, $0xb8;
	[tilespmem:$0x1D000] =	vst v63  }
0xf1: {  	_ =	swait.ge [sflag:s14], $0x4000  }
0xf2: {  	[sflag:s14] =	ssyncset.done $0x0  }
0xf3: {  	[sflag:s14] =	ssyncadd.s32 $0xFFFFC000  }
0xf4: {  	_ =	swait.ge [sflag:s21], $0x4000  }
0xf5: {  	[sflag:s21] =	ssyncset.done $0x0  }
0xf6: {  	s18 =	rddreg [dreg:$0xb];
	[sflag:s21] =	ssyncadd.s32 $0xFFFFC000  }
0xf7: {  	[tilespmem:s22], [sflag:$0x2] =	stream.indirect.gather [hbm4b:s4+s16], $0x80, s18, s16, $0xb8;
	[tilespmem:$0x1D000] =	vst v63  }
0xf8: {  	s6 =	rddreg [dreg:$0xc]  }
0xf9: {  	[spmem:s2] =	stream.indirect.scatter.add.f32 [tilespmem:s17], [sflag:$0x5], $0x80, s6, s16, $0xb8;
	[tilespmem:$0x1D000] =	vst v63  }
0xfa: {  	_ =	swait.ge [sflag:s14], $0x4000  }
0xfb: {  	[sflag:s14] =	ssyncset.done $0x0  }
0xfc: {  	[sflag:s14] =	ssyncadd.s32 $0xFFFFC000  }
0xfd: {  	_ =	swait.ge [sflag:s23], $0x4000  }
0xfe: {  	[sflag:s23] =	ssyncset.done $0x0  }
0xff: {  	s10 =	rddreg [dreg:$0xd];
	[sflag:s23] =	ssyncadd.s32 $0xFFFFC000  }
0x100: {  	[tilespmem:s17], [sflag:$0x1] =	stream.indirect.gather [hbm4b:s4+s16], $0x80, s10, s16, $0xb8;
	[tilespmem:$0x1D000] =	vst v63  }
0x101: {  	s11 =	rddreg [dreg:$0xe]  }
0x102: {  	[spmem:s2] =	stream.indirect.scatter.add.f32 [tilespmem:s22], [sflag:$0x5], $0x80, s11, s16, $0xb8;
	[tilespmem:$0x1D000] =	vst v63  }
0x103: {  	_ =	swait.ge [sflag:s14], $0x4000  }
0x104: {  	[sflag:s14] =	ssyncset.done $0x0  }
0x105: {  	[sflag:s14] =	ssyncadd.s32 $0xFFFFC000  }
0x106: {  	_ =	swait.ge [sflag:s21], $0x4000  }
0x107: {  	[sflag:s21] =	ssyncset.done $0x0  }
0x108: {  	s18 =	rddreg [dreg:$0xf];
	[sflag:s21] =	ssyncadd.s32 $0xFFFFC000  }
0x109: {  	[tilespmem:s22], [sflag:$0x2] =	stream.indirect.gather [hbm4b:s4+s16], $0x80, s18, s16, $0xb8;
	[tilespmem:$0x1D000] =	vst v63  }
0x10a: {  	s6 =	rddreg [dreg:$0x10]  }
0x10b: {  	[spmem:s2] =	stream.indirect.scatter.add.f32 [tilespmem:s17], [sflag:$0x5], $0x80, s6, s16, $0xb8;
	[tilespmem:$0x1D000] =	vst v63  }
0x10c: {  	_ =	swait.ge [sflag:s14], $0x4000  }
0x10d: {  	[sflag:s14] =	ssyncset.done $0x0  }
0x10e: {  	[sflag:s14] =	ssyncadd.s32 $0xFFFFC000  }
0x10f: {  	_ =	swait.ge [sflag:s23], $0x4000  }
0x110: {  	[sflag:s23] =	ssyncset.done $0x0  }
0x111: {  	s10 =	rddreg [dreg:$0x11];
	[sflag:s23] =	ssyncadd.s32 $0xFFFFC000  }
0x112: {  	[tilespmem:s17], [sflag:$0x1] =	stream.indirect.gather [hbm4b:s4+s16], $0x80, s10, s16, $0xb8;
	[tilespmem:$0x1D000] =	vst v63  }
0x113: {  	s11 =	rddreg [dreg:$0x12]  }
0x114: {  	[spmem:s2] =	stream.indirect.scatter.add.f32 [tilespmem:s22], [sflag:$0x5], $0x80, s11, s16, $0xb8;
	[tilespmem:$0x1D000] =	vst v63  }
0x115: {  	_ =	swait.ge [sflag:s14], $0x4000  }
0x116: {  	[sflag:s14] =	ssyncset.done $0x0  }
0x117: {  	[sflag:s14] =	ssyncadd.s32 $0xFFFFC000  }
0x118: {  	_ =	swait.ge [sflag:s21], $0x4000  }
0x119: {  	[sflag:s21] =	ssyncset.done $0x0  }
0x11a: {  	s18 =	rddreg [dreg:$0x13];
	[sflag:s21] =	ssyncadd.s32 $0xFFFFC000  }
0x11b: {  	[tilespmem:s22], [sflag:$0x2] =	stream.indirect.gather [hbm4b:s4+s16], $0x80, s18, s16, $0xb8;
	[tilespmem:$0x1D000] =	vst v63  }
0x11c: {  	s6 =	rddreg [dreg:$0x14]  }
0x11d: {  	[spmem:s2] =	stream.indirect.scatter.add.f32 [tilespmem:s17], [sflag:$0x5], $0x80, s6, s16, $0xb8;
	[tilespmem:$0x1D000] =	vst v63  }
0x11e: {  	_ =	swait.ge [sflag:s14], $0x4000  }
0x11f: {  	[sflag:s14] =	ssyncset.done $0x0  }
0x120: {  	[sflag:s14] =	ssyncadd.s32 $0xFFFFC000  }
0x121: {  	_ =	swait.ge [sflag:s23], $0x4000  }
0x122: {  	[sflag:s23] =	ssyncset.done $0x0  }
0x123: {  	[sflag:s23] =	ssyncadd.s32 $0xFFFFC000  }
0x124: {  	_ =	swait.ge [sflag:s24], $0x400  }
0x125: {  	[sflag:s24] =	ssyncset.done $0x0  }
0x126: {  	[sflag:s24] =	ssyncadd.s32 $0xFFFFFC00  }
0x127: {  	_ =	swait.ge [sflag:s24], $0x400  }
0x128: {  	[sflag:s24] =	ssyncset.done $0x0  }
0x129: {  	[sflag:s24] =	ssyncadd.s32 $0xFFFFFC00  }
0x12a: {  	[tilespmem:s17], [sflag:$0x1] =	stream.indirect.gather [hbm4b:s4+s16], $0x80, s19, s16, $0xb8;
	[tilespmem:$0x1D000] =	vst v63  }
0x12b: {  	s10 =	rddreg [dreg:$0x15]  }
0x12c: {  	[spmem:s2] =	stream.indirect.scatter.add.f32 [tilespmem:s22], [sflag:$0x5], $0x80, s10, s16, $0xb8;
	[tilespmem:$0x1D000] =	vst v63  }
0x12d: {  	_ =	swait.ge [sflag:s14], $0x4000  }
0x12e: {  	p1 =	seq.s32 s7, $0x400;
	s9 =	rddreg [dreg:$0x4]  }
0x12f: {  	s6 =	simm.s32 @!p1 $0x0;
	[sflag:s14] =	ssyncset.done $0x0;
	s10 =	rddreg [dreg:$0x5]  }
0x130: {  	[sflag:s14] =	ssyncadd.s32 $0xFFFFC000;
	s11 =	sadd.s32 @!p1 s7, s9;
	s9 =	simm.s32 @!p1 $0x14000  }
0x131: {  	[tilespmem:s9], [sflag:$0x3] =	stream.linear.gather @!p1 [hbm4b:s11+s6], $0x400, $0x38;
	[tilespmem:$0x1D000] =	vst v63  }
0x132: {  	s18 =	simm.s32 @!p1 $0x14400;
	s10 =	sadd.s32 @!p1 s7, s10  }
0x133: {  	[tilespmem:s18], [sflag:$0x3] =	stream.linear.gather @!p1 [hbm4b:s10+s6], $0x400, $0x38;
	[tilespmem:$0x1D000] =	vst v63  }
0x134: {  	_ =	swait.ge [sflag:s21], $0x4000  }
0x135: {  	[sflag:s21] =	ssyncset.done $0x0  }
0x136: {  	s11 =	rddreg [dreg:$0x16];
	[sflag:s21] =	ssyncadd.s32 $0xFFFFC000  }
0x137: {  	[tilespmem:s22], [sflag:$0x2] =	stream.indirect.gather [hbm4b:s4+s16], $0x80, s11, s16, $0xb8;
	[tilespmem:$0x1D000] =	vst v63  }
0x138: {  	_ = 	snop  }
0x139: {  	[spmem:s2] =	stream.indirect.scatter.add.f32 [tilespmem:s17], [sflag:$0x5], $0x80, s20, s16, $0xb8;
	[tilespmem:$0x1D000] =	vst v63  }
0x13a: {  	_ =	swait.ge [sflag:s14], $0x4000  }
0x13b: {  	[sflag:s14] =	ssyncset.done $0x0  }
0x13c: {  	[sflag:s14] =	ssyncadd.s32 $0xFFFFC000  }
0x13d: {  	_ =	swait.ge [sflag:s23], $0x4000  }
0x13e: {  	s13 =	smov.u32 s8;
	[sflag:s23] =	ssyncset.done $0x0  }
0x13f: {  	s7 =	smov.u32 s13;
	s13 =	rddreg [dreg:$0x17];
	[sflag:s23] =	ssyncadd.s32 $0xFFFFC000  }
0x140: {  	[tilespmem:s17], [sflag:$0x1] =	stream.indirect.gather [hbm4b:s4+s16], $0x80, s13, s16, $0xb8;
	[tilespmem:$0x1D000] =	vst v63  }
0x141: {  	s18 =	rddreg [dreg:$0x18]  }
0x142: {  	[spmem:s2] =	stream.indirect.scatter.add.f32 [tilespmem:s22], [sflag:$0x5], $0x80, s18, s16, $0xb8;
	[tilespmem:$0x1D000] =	vst v63  }
0x143: {  	_ =	swait.ge [sflag:s14], $0x4000  }
0x144: {  	[sflag:s14] =	ssyncset.done $0x0  }
0x145: {  	[sflag:s14] =	ssyncadd.s32 $0xFFFFC000  }
0x146: {  	_ =	swait.ge [sflag:s21], $0x4000  }
0x147: {  	[sflag:s21] =	ssyncset.done $0x0  }
0x148: {  	s11 =	rddreg [dreg:$0x19];
	[sflag:s21] =	ssyncadd.s32 $0xFFFFC000  }
0x149: {  	[tilespmem:s22], [sflag:$0x2] =	stream.indirect.gather [hbm4b:s4+s16], $0x80, s11, s16, $0xb8;
	[tilespmem:$0x1D000] =	vst v63  }
0x14a: {  	s13 =	rddreg [dreg:$0x1a]  }
0x14b: {  	[spmem:s2] =	stream.indirect.scatter.add.f32 [tilespmem:s17], [sflag:$0x5], $0x80, s13, s16, $0xb8;
	[tilespmem:$0x1D000] =	vst v63  }
0x14c: {  	_ =	swait.ge [sflag:s14], $0x4000  }
0x14d: {  	[sflag:s14] =	ssyncset.done $0x0  }
0x14e: {  	[sflag:s14] =	ssyncadd.s32 $0xFFFFC000  }
0x14f: {  	_ =	swait.ge [sflag:s23], $0x4000  }
0x150: {  	[sflag:s23] =	ssyncset.done $0x0  }
0x151: {  	s18 =	rddreg [dreg:$0x1b];
	[sflag:s23] =	ssyncadd.s32 $0xFFFFC000  }
0x152: {  	[tilespmem:s17], [sflag:$0x1] =	stream.indirect.gather [hbm4b:s4+s16], $0x80, s18, s16, $0xb8;
	[tilespmem:$0x1D000] =	vst v63  }
0x153: {  	_ = 	snop  }
0x154: {  	[spmem:s2] =	stream.indirect.scatter.add.f32 [tilespmem:s22], [sflag:$0x5], $0x80, s25, s16, $0xb8;
	[tilespmem:$0x1D000] =	vst v63  }
0x155: {  	_ =	swait.ge [sflag:s14], $0x4000  }
0x156: {  	[sflag:s14] =	ssyncset.done $0x0  }
0x157: {  	[sflag:s14] =	ssyncadd.s32 $0xFFFFC000  }
0x158: {  	_ =	swait.ge [sflag:s21], $0x4000  }
0x159: {  	[sflag:s21] =	ssyncset.done $0x0  }
0x15a: {  	[sflag:s21] =	ssyncadd.s32 $0xFFFFC000  }
0x15b: {  	[tilespmem:s22], [sflag:$0x2] =	stream.indirect.gather [hbm4b:s4+s16], $0x80, s26, s16, $0xb8;
	[tilespmem:$0x1D000] =	vst v63  }
0x15c: {  	_ = 	snop  }
0x15d: {  	[spmem:s2] =	stream.indirect.scatter.add.f32 [tilespmem:s17], [sflag:$0x5], $0x80, s28, s16, $0xb8;
	[tilespmem:$0x1D000] =	vst v63  }
0x15e: {  	_ =	swait.ge [sflag:s14], $0x4000  }
0x15f: {  	[sflag:s14] =	ssyncset.done $0x0  }
0x160: {  	[sflag:s14] =	ssyncadd.s32 $0xFFFFC000  }
0x161: {  	_ =	swait.ge [sflag:s23], $0x4000  }
0x162: {  	[sflag:s23] =	ssyncset.done $0x0  }
0x163: {  	[sflag:s23] =	ssyncadd.s32 $0xFFFFC000  }
0x164: {  	[tilespmem:s17], [sflag:$0x1] =	stream.indirect.gather [hbm4b:s4+s16], $0x80, s29, s16, $0xb8;
	[tilespmem:$0x1D000] =	vst v63  }
0x165: {  	_ = 	snop  }
0x166: {  	[spmem:s2] =	stream.indirect.scatter.add.f32 [tilespmem:s22], [sflag:$0x5], $0x80, s30, s16, $0xb8;
	[tilespmem:$0x1D000] =	vst v63  }
0x167: {  	_ =	swait.ge [sflag:s14], $0x4000  }
0x168: {  	[sflag:s14] =	ssyncset.done $0x0  }
0x169: {  	[sflag:s14] =	ssyncadd.s32 $0xFFFFC000  }
0x16a: {  	_ =	swait.ge [sflag:s21], $0x4000  }
0x16b: {  	[sflag:s21] =	ssyncset.done $0x0  }
0x16c: {  	[sflag:s21] =	ssyncadd.s32 $0xFFFFC000  }
0x16d: {  	[tilespmem:s22], [sflag:$0x2] =	stream.indirect.gather [hbm4b:s4+s16], $0x80, s31, s16, $0xb8;
	[tilespmem:$0x1D000] =	vst v63  }
0x16e: {  	_ = 	snop  }
0x16f: {  	[spmem:s2] =	stream.indirect.scatter.add.f32 [tilespmem:s17], [sflag:$0x5], $0x80, s0, s16, $0xb8;
	[tilespmem:$0x1D000] =	vst v63  }
0x170: {  	_ =	swait.ge [sflag:s14], $0x4000  }
0x171: {  	[sflag:s14] =	ssyncset.done $0x0  }
0x172: {  	[sflag:s14] =	ssyncadd.s32 $0xFFFFC000  }
0x173: {  	_ =	swait.ge [sflag:s23], $0x4000  }
0x174: {  	[sflag:s23] =	ssyncset.done $0x0  }
0x175: {  	s6 =	simm.s32 @!p1 $0x3;
	[sflag:s23] =	ssyncadd.s32 $0xFFFFC000  }
0x176: {  	_ =	swait.ge @!p1 [sflag:s6], $0x400  }
0x177: {  	[sflag:s6] =	ssyncset.done @!p1 $0x0  }
0x178: {  	[sflag:s6] =	ssyncadd.s32 @!p1 $0xFFFFFC00  }
0x179: {  	s8 =	sadd.s32 $0x100, s8;
	_ =	swait.ge @!p1 [sflag:s6], $0x400  }
0x17a: {  	p0 =	sne.s32 s8, $0x500;
	s10 =	simm.s32 @!p1 $0x80;
	[sflag:s6] =	ssyncset.done @!p1 $0x0  }
.Ltmp0:
0x17b: {  	s11 =	simm.s32 @!p1 $0x15000;
	[sflag:s6] =	ssyncadd.s32 @!p1 $0xFFFFFC00;
	(pc) =	sbr.rel @p0 .LBB2_2-.Ltmp0, $4  }
0x17c: {  	[tilespmem:s11], [sflag:$0x1] =	stream.indirect.gather @!p1 [hbm4b:s4+s10], $0x80, s9, s10, $0xb8;
	[tilespmem:$0x1D000] =	vst v63  }
0x17d: {  	_ = 	snop  }
0x17e: {  	[spmem:s2] =	stream.indirect.scatter.add.f32 [tilespmem:s22], [sflag:$0x5], $0x80, s1, s16, $0xb8;
	[tilespmem:$0x1D000] =	vst v63  }
0x17f: {  	_ =	swait.ge [sflag:s14], $0x4000  }
0x180: {  	s6 =	rddreg [dreg:$0x6];
	[sflag:s14] =	ssyncset.done $0x0  }
0x181: {  	s8 =	rddreg [dreg:$0x7];
	[sflag:s14] =	ssyncadd.s32 $0xFFFFC000;
	s6 =	sadd.s32 s7, s6  }
0x182: {  	[tilespmem:s19], [sflag:$0x4] =	stream.linear.gather [hbm4b:s6+s3], $0x400, $0x38;
	[tilespmem:$0x1D000] =	vst v63  }
0x183: {  	s8 =	sadd.s32 s7, s8  }
0x184: {  	[tilespmem:s20], [sflag:$0x4] =	stream.linear.gather [hbm4b:s8+s3], $0x400, $0x38;
	[tilespmem:$0x1D000] =	vst v63  }
0x185: {  	_ =	swait.ge [sflag:s21], $0x4000  }
0x186: {  	[sflag:s21] =	ssyncset.done $0x0  }
0x187: {  	s9 =	rddreg [dreg:$0x8];
	[sflag:s21] =	ssyncadd.s32 $0xFFFFC000  }
0x188: {  	[tilespmem:s22], [sflag:$0x2] =	stream.indirect.gather [hbm4b:s4+s16], $0x80, s9, s16, $0xb8;
	[tilespmem:$0x1D000] =	vst v63  }
0x189: {  	_ = 	snop  }
0x18a: {  	[spmem:s2] =	stream.indirect.scatter.add.f32 [tilespmem:s17], [sflag:$0x5], $0x80, s15, s16, $0xb8;
	[tilespmem:$0x1D000] =	vst v63  }
0x18b: {  	_ =	swait.ge [sflag:s14], $0x4000  }
0x18c: {  	[sflag:s14] =	ssyncset.done $0x0  }
0x18d: {  	[sflag:s14] =	ssyncadd.s32 $0xFFFFC000  }
0x18e: {  	_ =	swait.ge [sflag:s23], $0x4000  }
0x18f: {  	[sflag:s23] =	ssyncset.done $0x0  }
0x190: {  	s10 =	rddreg [dreg:$0x9];
	[sflag:s23] =	ssyncadd.s32 $0xFFFFC000  }
0x191: {  	[tilespmem:s17], [sflag:$0x1] =	stream.indirect.gather [hbm4b:s4+s16], $0x80, s10, s16, $0xb8;
	[tilespmem:$0x1D000] =	vst v63  }
0x192: {  	s11 =	rddreg [dreg:$0xa]  }
0x193: {  	[spmem:s2] =	stream.indirect.scatter.add.f32 [tilespmem:s22], [sflag:$0x5], $0x80, s11, s16, $0xb8;
	[tilespmem:$0x1D000] =	vst v63  }
0x194: {  	_ =	swait.ge [sflag:s14], $0x4000  }
0x195: {  	[sflag:s14] =	ssyncset.done $0x0  }
0x196: {  	[sflag:s14] =	ssyncadd.s32 $0xFFFFC000  }
0x197: {  	_ =	swait.ge [sflag:s21], $0x4000  }
0x198: {  	[sflag:s21] =	ssyncset.done $0x0  }
0x199: {  	s13 =	rddreg [dreg:$0xb];
	[sflag:s21] =	ssyncadd.s32 $0xFFFFC000  }
0x19a: {  	[tilespmem:s22], [sflag:$0x2] =	stream.indirect.gather [hbm4b:s4+s16], $0x80, s13, s16, $0xb8;
	[tilespmem:$0x1D000] =	vst v63  }
0x19b: {  	s18 =	rddreg [dreg:$0xc]  }
0x19c: {  	[spmem:s2] =	stream.indirect.scatter.add.f32 [tilespmem:s17], [sflag:$0x5], $0x80, s18, s16, $0xb8;
	[tilespmem:$0x1D000] =	vst v63  }
0x19d: {  	_ =	swait.ge [sflag:s14], $0x4000  }
0x19e: {  	[sflag:s14] =	ssyncset.done $0x0  }
0x19f: {  	[sflag:s14] =	ssyncadd.s32 $0xFFFFC000  }
0x1a0: {  	_ =	swait.ge [sflag:s23], $0x4000  }
0x1a1: {  	[sflag:s23] =	ssyncset.done $0x0  }
0x1a2: {  	s8 =	rddreg [dreg:$0xd];
	[sflag:s23] =	ssyncadd.s32 $0xFFFFC000  }
0x1a3: {  	[tilespmem:s17], [sflag:$0x1] =	stream.indirect.gather [hbm4b:s4+s16], $0x80, s8, s16, $0xb8;
	[tilespmem:$0x1D000] =	vst v63  }
0x1a4: {  	s9 =	rddreg [dreg:$0xe]  }
0x1a5: {  	[spmem:s2] =	stream.indirect.scatter.add.f32 [tilespmem:s22], [sflag:$0x5], $0x80, s9, s16, $0xb8;
	[tilespmem:$0x1D000] =	vst v63  }
0x1a6: {  	_ =	swait.ge [sflag:s14], $0x4000  }
0x1a7: {  	[sflag:s14] =	ssyncset.done $0x0  }
0x1a8: {  	[sflag:s14] =	ssyncadd.s32 $0xFFFFC000  }
0x1a9: {  	_ =	swait.ge [sflag:s21], $0x4000  }
0x1aa: {  	[sflag:s21] =	ssyncset.done $0x0  }
0x1ab: {  	s10 =	rddreg [dreg:$0xf];
	[sflag:s21] =	ssyncadd.s32 $0xFFFFC000  }
0x1ac: {  	[tilespmem:s22], [sflag:$0x2] =	stream.indirect.gather [hbm4b:s4+s16], $0x80, s10, s16, $0xb8;
	[tilespmem:$0x1D000] =	vst v63  }
0x1ad: {  	s11 =	rddreg [dreg:$0x10]  }
0x1ae: {  	[spmem:s2] =	stream.indirect.scatter.add.f32 [tilespmem:s17], [sflag:$0x5], $0x80, s11, s16, $0xb8;
	[tilespmem:$0x1D000] =	vst v63  }
0x1af: {  	_ =	swait.ge [sflag:s14], $0x4000  }
0x1b0: {  	[sflag:s14] =	ssyncset.done $0x0  }
0x1b1: {  	[sflag:s14] =	ssyncadd.s32 $0xFFFFC000  }
0x1b2: {  	_ =	swait.ge [sflag:s23], $0x4000  }
0x1b3: {  	[sflag:s23] =	ssyncset.done $0x0  }
0x1b4: {  	s13 =	rddreg [dreg:$0x11];
	[sflag:s23] =	ssyncadd.s32 $0xFFFFC000  }
0x1b5: {  	[tilespmem:s17], [sflag:$0x1] =	stream.indirect.gather [hbm4b:s4+s16], $0x80, s13, s16, $0xb8;
	[tilespmem:$0x1D000] =	vst v63  }
0x1b6: {  	s18 =	rddreg [dreg:$0x12]  }
0x1b7: {  	[spmem:s2] =	stream.indirect.scatter.add.f32 [tilespmem:s22], [sflag:$0x5], $0x80, s18, s16, $0xb8;
	[tilespmem:$0x1D000] =	vst v63  }
0x1b8: {  	_ =	swait.ge [sflag:s14], $0x4000  }
0x1b9: {  	[sflag:s14] =	ssyncset.done $0x0  }
0x1ba: {  	[sflag:s14] =	ssyncadd.s32 $0xFFFFC000  }
0x1bb: {  	_ =	swait.ge [sflag:s21], $0x4000  }
0x1bc: {  	[sflag:s21] =	ssyncset.done $0x0  }
0x1bd: {  	s8 =	rddreg [dreg:$0x13];
	[sflag:s21] =	ssyncadd.s32 $0xFFFFC000  }
0x1be: {  	[tilespmem:s22], [sflag:$0x2] =	stream.indirect.gather [hbm4b:s4+s16], $0x80, s8, s16, $0xb8;
	[tilespmem:$0x1D000] =	vst v63  }
0x1bf: {  	s9 =	rddreg [dreg:$0x14]  }
0x1c0: {  	[spmem:s2] =	stream.indirect.scatter.add.f32 [tilespmem:s17], [sflag:$0x5], $0x80, s9, s16, $0xb8;
	[tilespmem:$0x1D000] =	vst v63  }
0x1c1: {  	_ =	swait.ge [sflag:s14], $0x4000  }
0x1c2: {  	[sflag:s14] =	ssyncset.done $0x0  }
0x1c3: {  	[sflag:s14] =	ssyncadd.s32 $0xFFFFC000  }
0x1c4: {  	_ =	swait.ge [sflag:s23], $0x4000  }
0x1c5: {  	[sflag:s23] =	ssyncset.done $0x0  }
0x1c6: {  	[sflag:s23] =	ssyncadd.s32 $0xFFFFC000  }
0x1c7: {  	_ =	swait.ge [sflag:s24], $0x400  }
0x1c8: {  	[sflag:s24] =	ssyncset.done $0x0  }
0x1c9: {  	[sflag:s24] =	ssyncadd.s32 $0xFFFFFC00  }
0x1ca: {  	_ =	swait.ge [sflag:s24], $0x400  }
0x1cb: {  	[sflag:s24] =	ssyncset.done $0x0  }
0x1cc: {  	[sflag:s24] =	ssyncadd.s32 $0xFFFFFC00  }
0x1cd: {  	[tilespmem:s17], [sflag:$0x1] =	stream.indirect.gather [hbm4b:s4+s16], $0x80, s19, s16, $0xb8;
	[tilespmem:$0x1D000] =	vst v63  }
0x1ce: {  	p0 =	seq.s32 s7, $0x400;
	s10 =	rddreg [dreg:$0x15]  }
0x1cf: {  	[spmem:s2] =	stream.indirect.scatter.add.f32 [tilespmem:s22], [sflag:$0x5], $0x80, s10, s16, $0xb8;
	[tilespmem:$0x1D000] =	vst v63  }
0x1d0: {  	s8 =	simm.s32 @!p0 $0x14000;
	_ =	swait.ge [sflag:s14], $0x4000  }
0x1d1: {  	s10 =	simm.s32 @!p0 $0x0;
	s6 =	rddreg [dreg:$0x4];
	[sflag:s14] =	ssyncset.done $0x0  }
0x1d2: {  	s9 =	rddreg [dreg:$0x5];
	[sflag:s14] =	ssyncadd.s32 $0xFFFFC000;
	s6 =	sadd.s32 @!p0 s7, s6  }
0x1d3: {  	[tilespmem:s8], [sflag:$0x3] =	stream.linear.gather @!p0 [hbm4b:s6+s10], $0x400, $0x38;
	[tilespmem:$0x1D000] =	vst v63  }
0x1d4: {  	s6 =	sadd.s32 @!p0 s7, s9;
	s7 =	simm.s32 @!p0 $0x14400  }
0x1d5: {  	[tilespmem:s7], [sflag:$0x3] =	stream.linear.gather @!p0 [hbm4b:s6+s10], $0x400, $0x38;
	[tilespmem:$0x1D000] =	vst v63  }
0x1d6: {  	_ =	swait.ge [sflag:s21], $0x4000  }
0x1d7: {  	[sflag:s21] =	ssyncset.done $0x0  }
0x1d8: {  	s11 =	rddreg [dreg:$0x16];
	[sflag:s21] =	ssyncadd.s32 $0xFFFFC000  }
0x1d9: {  	[tilespmem:s22], [sflag:$0x2] =	stream.indirect.gather [hbm4b:s4+s16], $0x80, s11, s16, $0xb8;
	[tilespmem:$0x1D000] =	vst v63  }
0x1da: {  	_ = 	snop  }
0x1db: {  	[spmem:s2] =	stream.indirect.scatter.add.f32 [tilespmem:s17], [sflag:$0x5], $0x80, s20, s16, $0xb8;
	[tilespmem:$0x1D000] =	vst v63  }
0x1dc: {  	_ =	swait.ge [sflag:s14], $0x4000  }
0x1dd: {  	[sflag:s14] =	ssyncset.done $0x0  }
0x1de: {  	[sflag:s14] =	ssyncadd.s32 $0xFFFFC000  }
0x1df: {  	_ =	swait.ge [sflag:s23], $0x4000  }
0x1e0: {  	[sflag:s23] =	ssyncset.done $0x0  }
0x1e1: {  	s13 =	rddreg [dreg:$0x17];
	[sflag:s23] =	ssyncadd.s32 $0xFFFFC000  }
0x1e2: {  	[tilespmem:s17], [sflag:$0x1] =	stream.indirect.gather [hbm4b:s4+s16], $0x80, s13, s16, $0xb8;
	[tilespmem:$0x1D000] =	vst v63  }
0x1e3: {  	s18 =	rddreg [dreg:$0x18]  }
0x1e4: {  	[spmem:s2] =	stream.indirect.scatter.add.f32 [tilespmem:s22], [sflag:$0x5], $0x80, s18, s16, $0xb8;
	[tilespmem:$0x1D000] =	vst v63  }
0x1e5: {  	_ =	swait.ge [sflag:s14], $0x4000  }
0x1e6: {  	[sflag:s14] =	ssyncset.done $0x0  }
0x1e7: {  	[sflag:s14] =	ssyncadd.s32 $0xFFFFC000  }
0x1e8: {  	_ =	swait.ge [sflag:s21], $0x4000  }
0x1e9: {  	[sflag:s21] =	ssyncset.done $0x0  }
0x1ea: {  	s7 =	rddreg [dreg:$0x19];
	[sflag:s21] =	ssyncadd.s32 $0xFFFFC000  }
0x1eb: {  	[tilespmem:s22], [sflag:$0x2] =	stream.indirect.gather [hbm4b:s4+s16], $0x80, s7, s16, $0xb8;
	[tilespmem:$0x1D000] =	vst v63  }
0x1ec: {  	s9 =	rddreg [dreg:$0x1a]  }
0x1ed: {  	[spmem:s2] =	stream.indirect.scatter.add.f32 [tilespmem:s17], [sflag:$0x5], $0x80, s9, s16, $0xb8;
	[tilespmem:$0x1D000] =	vst v63  }
0x1ee: {  	_ =	swait.ge [sflag:s14], $0x4000  }
0x1ef: {  	[sflag:s14] =	ssyncset.done $0x0  }
0x1f0: {  	[sflag:s14] =	ssyncadd.s32 $0xFFFFC000  }
0x1f1: {  	_ =	swait.ge [sflag:s23], $0x4000  }
0x1f2: {  	[sflag:s23] =	ssyncset.done $0x0  }
0x1f3: {  	s10 =	rddreg [dreg:$0x1b];
	[sflag:s23] =	ssyncadd.s32 $0xFFFFC000  }
0x1f4: {  	[tilespmem:s17], [sflag:$0x1] =	stream.indirect.gather [hbm4b:s4+s16], $0x80, s10, s16, $0xb8;
	[tilespmem:$0x1D000] =	vst v63  }
0x1f5: {  	_ = 	snop  }
0x1f6: {  	[spmem:s2] =	stream.indirect.scatter.add.f32 [tilespmem:s22], [sflag:$0x5], $0x80, s25, s16, $0xb8;
	[tilespmem:$0x1D000] =	vst v63  }
0x1f7: {  	_ =	swait.ge [sflag:s14], $0x4000  }
0x1f8: {  	[sflag:s14] =	ssyncset.done $0x0  }
0x1f9: {  	[sflag:s14] =	ssyncadd.s32 $0xFFFFC000  }
0x1fa: {  	_ =	swait.ge [sflag:s21], $0x4000  }
0x1fb: {  	[sflag:s21] =	ssyncset.done $0x0  }
0x1fc: {  	[sflag:s21] =	ssyncadd.s32 $0xFFFFC000  }
0x1fd: {  	[tilespmem:s22], [sflag:$0x2] =	stream.indirect.gather [hbm4b:s4+s16], $0x80, s26, s16, $0xb8;
	[tilespmem:$0x1D000] =	vst v63  }
0x1fe: {  	_ = 	snop  }
0x1ff: {  	[spmem:s2] =	stream.indirect.scatter.add.f32 [tilespmem:s17], [sflag:$0x5], $0x80, s28, s16, $0xb8;
	[tilespmem:$0x1D000] =	vst v63  }
0x200: {  	_ =	swait.ge [sflag:s14], $0x4000  }
0x201: {  	[sflag:s14] =	ssyncset.done $0x0  }
0x202: {  	[sflag:s14] =	ssyncadd.s32 $0xFFFFC000  }
0x203: {  	_ =	swait.ge [sflag:s23], $0x4000  }
0x204: {  	[sflag:s23] =	ssyncset.done $0x0  }
0x205: {  	[sflag:s23] =	ssyncadd.s32 $0xFFFFC000  }
0x206: {  	[tilespmem:s17], [sflag:$0x1] =	stream.indirect.gather [hbm4b:s4+s16], $0x80, s29, s16, $0xb8;
	[tilespmem:$0x1D000] =	vst v63  }
0x207: {  	_ = 	snop  }
0x208: {  	[spmem:s2] =	stream.indirect.scatter.add.f32 [tilespmem:s22], [sflag:$0x5], $0x80, s30, s16, $0xb8;
	[tilespmem:$0x1D000] =	vst v63  }
0x209: {  	_ =	swait.ge [sflag:s14], $0x4000  }
0x20a: {  	[sflag:s14] =	ssyncset.done $0x0  }
0x20b: {  	[sflag:s14] =	ssyncadd.s32 $0xFFFFC000  }
0x20c: {  	_ =	swait.ge [sflag:s21], $0x4000  }
0x20d: {  	[sflag:s21] =	ssyncset.done $0x0  }
0x20e: {  	[sflag:s21] =	ssyncadd.s32 $0xFFFFC000  }
0x20f: {  	[tilespmem:s22], [sflag:$0x2] =	stream.indirect.gather [hbm4b:s4+s16], $0x80, s31, s16, $0xb8;
	[tilespmem:$0x1D000] =	vst v63  }
0x210: {  	_ = 	snop  }
0x211: {  	[spmem:s2] =	stream.indirect.scatter.add.f32 [tilespmem:s17], [sflag:$0x5], $0x80, s0, s16, $0xb8;
	[tilespmem:$0x1D000] =	vst v63  }
0x212: {  	_ =	swait.ge [sflag:s14], $0x4000  }
0x213: {  	[sflag:s14] =	ssyncset.done $0x0  }
0x214: {  	[sflag:s14] =	ssyncadd.s32 $0xFFFFC000  }
0x215: {  	_ =	swait.ge [sflag:s23], $0x4000  }
0x216: {  	[sflag:s23] =	ssyncset.done $0x0  }
0x217: {  	s6 =	simm.s32 @!p0 $0x3;
	[sflag:s23] =	ssyncadd.s32 $0xFFFFC000  }
0x218: {  	_ =	swait.ge @!p0 [sflag:s6], $0x400  }
0x219: {  	[sflag:s6] =	ssyncset.done @!p0 $0x0  }
0x21a: {  	[sflag:s6] =	ssyncadd.s32 @!p0 $0xFFFFFC00  }
0x21b: {  	_ =	swait.ge @!p0 [sflag:s6], $0x400  }
0x21c: {  	[sflag:s6] =	ssyncset.done @!p0 $0x0  }
0x21d: {  	s7 =	simm.s32 @!p0 $0x80;
	[sflag:s6] =	ssyncadd.s32 @!p0 $0xFFFFFC00;
	s6 =	simm.s32 @!p0 $0x15000  }
0x21e: {  	[tilespmem:s6], [sflag:$0x1] =	stream.indirect.gather @!p0 [hbm4b:s4+s7], $0x80, s8, s7, $0xb8;
	[tilespmem:$0x1D000] =	vst v63  }
0x21f: {  	_ = 	snop  }
0x220: {  	[spmem:s2] =	stream.indirect.scatter.add.f32 [tilespmem:s22], [sflag:$0x5], $0x80, s1, s16, $0xb8;
	[tilespmem:$0x1D000] =	vst v63  }
0x221: {  	_ =	swait.ge [sflag:s14], $0x4000  }
0x222: {  	[sflag:s14] =	ssyncset.done $0x0  }
0x223: {  	[sflag:s14] =	ssyncadd.s32 $0xFFFFC000  }
0x224: {  	[bflag:$0x0] =	sbarrier.arrive $0xFFFF  }
0x225: {  	s13 =	sld [smem:$0x7FC]  }
0x226: {  	s11 =	rddreg [dreg:$0x1d]  }
0x227: {  	s6 =	sor.u32 $0x1C05, s11  }
0x228: {  	[hbm:s13], [sflag:s6] =	dma.local [spmem:s12], $0x2800  }
0x229: {  	_ =	swait.ge [sflag:s14], $0x2800  }
0x22a: {  	s18 =	sld [smem:$0x7FD];
	_ =	sdelay $0x1  }
0x22b: {  	s5 =	sadd.s32 $0x1, s5  }
0x22c: {  	p0 =	sne.s32 s5, s18  }
.Ltmp1:
0x22d: {  	_ = 	snop;
	(pc) =	sbr.rel @p0 .LBB2_1-.Ltmp1, $3  }
0x22e: {  	_ =	sdelay $0x1  }
0x22f: {  	[sflag:s14] =	ssyncset.done $0x0  }
0x230: {  	[sflag:s14] =	ssyncadd.s32 $0xFFFFD800  }
0x231: {  	_ =	sfence.sel $0x180000  }
0x232: {  	[bflag:$0x0] =	sbarrier.arrive $0xFFFF  }
0x233: {  	_ =	strace $0x9000004A  }
0x234: {  	s0 =	stileid.u32;
	[bflag:$0x2] =	sbarrier.arrive $0xFFFF  }
0x235: {  	p0 =	sne.s32 s0, $0x0;
	s0 =	rddreg [dreg:$0x3]  }
0x236: {  	s0 =	sadd.s32 @!p0 $0x100000, s0  }
0x237: {  	[sflag:s0] =	ssyncadd.tile.s32 @!p0 $0x1;
	_ =	shalt  }
.Lfunc_end2:
_tile_overlayer_lowered:
.L_overlay_start_2:
0x238: {  	(tag) =	ssettag $0x2  }
0x239: {  	s0 =	rddreg [dreg:$0x0];
	s2 =	stileid.u32  }
0x23a: {  	s1 =	rddreg [dreg:$0x1];
	p0 =	sne.s32 s2, $0x0  }
0x23b: {  	s3 =	rddreg [dreg:$0x2];
	[bflag:$0x3] =	sbarrier.arrive $0xFFFF;
	s2 =	simm.s32 @!p0 $0x1C05  }
0x23c: {  	[timem:s3], [sflag:s2] =	dma.local @!p0 [hbm:s0], s1  }
0x23d: {  	s0 =	simm.s32 @!p0 $0x5  }
0x23e: {  	_ =	swait.ge @!p0 [sflag:s0], s1  }
0x23f: {  	s1 =	ssub.s32 @!p0 $0x0, s1;
	[sflag:s0] =	ssyncset.done @!p0 $0x0  }
0x240: {  	[sflag:s0] =	ssyncadd.s32 @!p0 s1  }
0x241: {  	[bflag:$0x3] =	sbarrier.arrive $0xFFFF  }
0x242: {  	_ =	shalt  }

// kernel: kernel.9.cloned.1.call-start
scs
__scs_entry_jumppad:
0x0: {  	(pc) =	sbr.rel $0x88, $3  }
0x1: {  	(tag) =	ssettag $0x0;
	lr =	simm.s32 $0x1  }
0x2: {  	[smem:$0x3F8E] =	sst lr;
	_ =	strace $0xD0000000  }
0x3: {  	_ = 	snop  }
0x4: {  	_ = 	snop  }
0x5: {  	_ = 	snop  }
0x6: {  	_ = 	snop  }
0x7: {  	_ = 	snop  }
__scs_overlays_trampoline_lowered:
0x8: {  	[smem:$0x3F9D] =	sst s0  }
0x9: {  	[smem:$0x3F9E] =	sst s1  }
0xa: {  	[smem:$0x3F9F] =	sst s2  }
0xb: {  	[smem:$0x3FA0] =	sst s3  }
0xc: {  	[smem:$0x3FA1] =	sst s4  }
0xd: {  	[smem:$0x3FA2] =	sst s5  }
0xe: {  	[smem:$0x3FA3] =	sst s6  }
0xf: {  	[smem:$0x3FA4] =	sst s7  }
0x10: {  	[smem:$0x3FA5] =	sst s8  }
0x11: {  	[smem:$0x3FA6] =	sst s9;
	s0 =	simm.s32 @!p0 $0x0  }
0x12: {  	s1 =	sld [smem:$0x3F8C];
	s0 =	simm.s32 @p0 $0x1  }
0x13: {  	[smem:$0x3FA7] =	sst s0;
	s0 =	simm.s32 @!p1 $0x0  }
0x14: {  	s2 =	sld [smem:$0x3F8B];
	s0 =	simm.s32 @p1 $0x1  }
0x15: {  	[smem:$0x3FA8] =	sst s0;
	s0 =	simm.s32 @!p2 $0x0  }
0x16: {  	s3 =	sld [smem:$0x3FDB];
	s0 =	simm.s32 @p2 $0x1  }
0x17: {  	s4 =	simm.s32 $0x1BF5;
	[smem:$0x3FAA] =	sst s0  }
0x18: {  	s0 =	sld [smem:$0x3F8D];
	_ =	swait.ge [sflag:s4], $0x0  }
0x19: {  	s7 =	sld [smem:$0x3F8E]  }
0x1a: {  	s8 =	sadd.s32 $0xFFFFE003, lr  }
0x1b: {  	s9 =	sadd.s32 $0xFFFFFEF7, lr;
	s5 =	simm.s32 $0xFFFFFFFF;
	p2 =	slt.u32 s8, $0xFFFFF086  }
0x1c: {  	p1 =	slt.u32 s9, $0xF7A;
	s5 =	simm.s32 @!p2 $0x0  }
0x1d: {  	s5 =	simm.s32 @p1 $0x1;
	p0 =	seq.s32 s7, s2  }
0x1e: {  	s7 =	smul.u32 @!p0 $0xF7A, s2;
	p2 =	seq.s32 @!p0 s5, $0x0  }
0x1f: {  	s9 =	smul.u32 $0xF7A, s1;
	s8 =	simm.s32 @!p0 $0x1BF5;
	p2 =	por !p2, p0  }
0x20: {  	[sflag:s8] =	ssyncset.s32 @!p0 $0xFFFFF086;
	s6 =	sadd.s32 @!p0 s3, s7;
	s7 =	simm.s32 @!p0 $0x108  }
0x21: {  	s3 =	sadd.s32 s3, s9;
	s6 =	sadd.s32 @!p0 $0x88, s6;
	s7 =	simm.s32 @p2 $0x1082  }
0x22: {  	[simem:s7], [sflag:s8] =	dma.local @!p0 [hbm:s6], $0xF7A  }
0x23: {  	s9 =	sor.u32 $0xD0000000, s2;
	s6 =	simm.s32 $0x108;
	_ =	swait.ge @!p0 [sflag:s8], $0x0  }
0x24: {  	s3 =	sadd.s32 $0x88, s3;
	s6 =	simm.s32 @!p1 $0x1082;
	[sflag:s4] =	ssyncset.s32 $0xFFFFF086  }
0x25: {  	[simem:s6], [sflag:s4] =	dma.local [hbm:s3], $0xF7A  }
0x26: {  	[smem:$0x3F8E] =	sst s1;
	(tag) =	ssettag s2;
	_ =	strace s9  }
0x27: {  	s1 =	sld [smem:$0x3F9E]  }
0x28: {  	s2 =	sld [smem:$0x3F9F]  }
0x29: {  	s4 =	sld [smem:$0x3FA1]  }
0x2a: {  	p0 =	seq.s32 s5, $0x0;
	s5 =	sld [smem:$0x3FA2]  }
0x2b: {  	s6 =	sld [smem:$0x3FA3]  }
0x2c: {  	s7 =	sld [smem:$0x3FA4]  }
0x2d: {  	s3 =	simm.s32 $0x108;
	s8 =	sld [smem:$0x3FA5]  }
0x2e: {  	s3 =	simm.s32 @!p0 $0x1082;
	s9 =	sld [smem:$0x3FA6]  }
0x2f: {  	lr =	sadd.s32 s0, s3;
	s0 =	sld [smem:$0x3F9D]  }
0x30: {  	s3 =	sld [smem:$0x3FA0]  }
0x31: {  	[smem:$0x3FA9] =	sst s10  }
0x32: {  	s10 =	sld [smem:$0x3FA7];
	_ =	sdelay $0x3  }
0x33: {  	p0 =	seq.s32 s10, $0x1;
	s10 =	sld [smem:$0x3FA9];
	_ =	sdelay $0x3  }
0x34: {  	[smem:$0x3FA9] =	sst s10  }
0x35: {  	s10 =	sld [smem:$0x3FA8];
	_ =	sdelay $0x3  }
0x36: {  	p1 =	seq.s32 s10, $0x1;
	s10 =	sld [smem:$0x3FA9];
	_ =	sdelay $0x3  }
0x37: {  	[smem:$0x3FA9] =	sst s10  }
0x38: {  	s10 =	sld [smem:$0x3FAA]  }
0x39: {  	_ = 	snop;
	(pc) =	sbr.ind lr, $3  }
0x3a: {  	_ = 	snop  }
0x3b: {  	_ = 	snop  }
0x3c: {  	p2 =	seq.s32 s10, $0x1;
	s10 =	sld [smem:$0x3FA9]  }
0x3d: {  	_ =	shalt  }
0x3e: {  	_ =	shalt  }
0x3f: {  	_ =	shalt  }
0x40: {  	_ =	shalt  }
0x41: {  	_ =	shalt  }
0x42: {  	_ =	shalt  }
0x43: {  	_ =	shalt  }
0x44: {  	_ =	shalt  }
0x45: {  	_ =	shalt  }
0x46: {  	_ =	shalt  }
0x47: {  	_ =	shalt  }
0x48: {  	_ =	shalt  }
0x49: {  	_ =	shalt  }
0x4a: {  	_ =	shalt  }
0x4b: {  	_ =	shalt  }
0x4c: {  	_ =	shalt  }
0x4d: {  	_ =	shalt  }
0x4e: {  	_ =	shalt  }
0x4f: {  	_ =	shalt  }
0x50: {  	_ =	shalt  }
0x51: {  	_ =	shalt  }
0x52: {  	_ =	shalt  }
0x53: {  	_ =	shalt  }
0x54: {  	_ =	shalt  }
0x55: {  	_ =	shalt  }
0x56: {  	_ =	shalt  }
0x57: {  	_ =	shalt  }
0x58: {  	_ =	shalt  }
0x59: {  	_ =	shalt  }
0x5a: {  	_ =	shalt  }
0x5b: {  	_ =	shalt  }
0x5c: {  	_ =	shalt  }
0x5d: {  	_ =	shalt  }
0x5e: {  	_ =	shalt  }
0x5f: {  	_ =	shalt  }
0x60: {  	_ =	shalt  }
0x61: {  	_ =	shalt  }
0x62: {  	_ =	shalt  }
0x63: {  	_ =	shalt  }
0x64: {  	_ =	shalt  }
0x65: {  	_ =	shalt  }
0x66: {  	_ =	shalt  }
0x67: {  	_ =	shalt  }
0x68: {  	_ =	shalt  }
0x69: {  	_ =	shalt  }
0x6a: {  	_ =	shalt  }
0x6b: {  	_ =	shalt  }
0x6c: {  	_ =	shalt  }
0x6d: {  	_ =	shalt  }
0x6e: {  	_ =	shalt  }
0x6f: {  	_ =	shalt  }
0x70: {  	_ =	shalt  }
0x71: {  	_ =	shalt  }
0x72: {  	_ =	shalt  }
0x73: {  	_ =	shalt  }
0x74: {  	_ =	shalt  }
0x75: {  	_ =	shalt  }
0x76: {  	_ =	shalt  }
0x77: {  	_ =	shalt  }
0x78: {  	_ =	shalt  }
0x79: {  	_ =	shalt  }
0x7a: {  	_ =	shalt  }
0x7b: {  	_ =	shalt  }
0x7c: {  	_ =	shalt  }
0x7d: {  	_ =	shalt  }
0x7e: {  	_ =	shalt  }
0x7f: {  	_ =	shalt  }
0x80: {  	_ =	shalt  }
0x81: {  	_ =	shalt  }
0x82: {  	_ =	shalt  }
0x83: {  	_ =	shalt  }
0x84: {  	_ =	shalt  }
0x85: {  	_ =	shalt  }
0x86: {  	_ =	shalt  }
0x87: {  	_ =	shalt  }
.Lfunc_end0:
.L_simem_size_0:
called_computation_lowered:
.L_overlay_start_0:
0x88: {  	s2 =	sld [smem:$0x3FD9]  }
0x89: {  	s3 =	sld [smem:$0x3FFE];
	_ =	sdelay $0x1  }
0x8a: {  	s1 =	srdreg.scid  }
0x8b: {  	s0 =	sand.u32 $0x1, s1  }
0x8c: {  	s14 =	sshll.u32 s0, $0xA;
	s2 =	sadd.s32 s3, s2  }
0x8d: {  	s2 =	sadd.s32 s2, s14  }
0x8e: {  	[smem:$0x3FB5] =	sst s2  }
0x8f: {  	_ = 	snop  }
0x90: {  	s2 =	sld [smem:$0x3FD0];
	_ =	sdelay $0x2  }
0x91: {  	s15 =	simm.s32 $0xA;
	s4 =	simm.s32 $0x10  }
0x92: {  	[smem:s4], [sflag:s15] =	dma.local [hbm:s2], $0x1  }
0x93: {  	_ =	swait.eq [sflag:s15], $0x1  }
0x94: {  	[sflag:s15] =	ssyncset.done $0x0  }
0x95: {  	[sflag:s15] =	ssyncadd.s32 $0xFFFFFFFF  }
0x96: {  	s16 =	sld [smem:$0x10];
	(tm) =	ssettm $0x1  }
0x97: {  	s17 =	sld [smem:$0x3FFB];
	_ =	sdelay $0x3  }
0x98: {  	_ =	strace s17  }
0x99: {  	s3 =	sld [smem:$0x3FFC];
	_ =	sdelay $0x3  }
0x9a: {  	_ =	strace s3  }
0x9b: {  	s3 =	sld [smem:$0x3FFD];
	_ =	sdelay $0x3  }
0x9c: {  	_ =	strace s3  }
0x9d: {  	_ =	strace $0x8FFFFFFF  }
0x9e: {  	s18 =	sld [smem:$0x3FDB];
	_ =	sdelay $0x1  }
0x9f: {  	s19 =	simm.s32 $_scs_section_size  }
0xa0: {  	s5 =	simm.s32 $_size__tile_overlayer_lowered;
	s6 =	simm.s32 $_tile_overlayer_lowered  }
0xa1: {  	s22 =	simm.s32 $0x1BFF;
	s21 =	sshll.u32 s6, $0x1;
	s3 =	sadd.s32 s19, s18  }
0xa2: {  	s7 =	simm.s32 $0x0;
	s20 =	sshll.u32 s5, $0x1;
	s5 =	sadd.s32 s21, s3  }
0xa3: {  	[timem:s7], [sflag:s22] =	dma.local [hbm:s5], s20  }
0xa4: {  	_ =	swait.ge [sflag:s22], s20  }
0xa5: {  	s4 =	ssub.s32 $0x0, s20;
	[sflag:s22] =	ssyncset.done $0x0  }
0xa6: {  	[sflag:s22] =	ssyncadd.s32 s4;
	_ =	sdelay $0x1  }
0xa7: {  	s23 =	simm.s32 $0x1B8B  }
0xa8: {  	_ =	swait.ge [sflag:s23], $0x1  }
0xa9: {  	[sflag:s23] =	ssyncset.done $0x0  }
0xaa: {  	s25 =	simm.s32 $0x1B8E;
	s24 =	sld [smem:$0x3FFE];
	[sflag:s23] =	ssyncadd.s32 $0xFFFFFFFF  }
0xab: {  	s26 =	simm.s32 $execute0_lowered;
	[smem:$0x3FD2] =	sst s25  }
0xac: {  	s5 =	sshll.u32 s26, $0x1;
	_ =	strace $0x80000046;
	[dreg:$0x1] =	wrdreg $0xFFFFFFFF  }
0xad: {  	s28 =	simm.s32 $_size_execute0_lowered;
	s3 =	sadd.s32 s3, s5;
	[dreg:$0x0] =	wrdreg $0x0  }
0xae: {  	s5 =	sshll.u32 s28, $0x1;
	[dreg:$0x2] =	wrdreg s3  }
0xaf: {  	[dreg:$0x3] =	wrdreg s5  }
0xb0: {  	[dreg:$0x4] =	wrdreg $0xC0  }
0xb1: {  	_ =	task [dreg:s7], $0x5FFFF  }
0xb2: {  	[dreg:$0x1] =	wrdreg $0xFFFFFFFF  }
0xb3: {  	[dreg:$0x0] =	wrdreg $0x60  }
0xb4: {  	[dreg:$0x2] =	wrdreg s24  }
0xb5: {  	[dreg:$0x3] =	wrdreg s16  }
0xb6: {  	[dreg:$0x4] =	wrdreg $0x0  }
0xb7: {  	[dreg:$0x5] =	wrdreg $0x9  }
0xb8: {  	_ =	task.clear_ibuf [dreg:s7], $0x6FFFF;
	_ =	strace $0x90000046  }
0xb9: {  	s29 =	simm.s32 $0x9;
	_ =	strace $0x80000048  }
0xba: {  	_ =	swait.ge [sflag:s29], $0x1  }
0xbb: {  	[sflag:s29] =	ssyncadd.s32 $0xFFFFFFFF  }
0xbc: {  	_ =	strace $0x90000048  }
0xbd: {  	_ =	sfence  }
0xbe: {  	s30 =	sld [smem:$0x0];
	_ =	sdelay $0x2  }
0xbf: {  	s31 =	sshll.u32 s1, $0xD;
	s1 =	sshrl.u32 s1, $0x2  }
0xc0: {  	s3 =	sand.u32 $0x4000, s31;
	s1 =	sadd.s32 s1, s30  }
0xc1: {  	s0 =	sor.u32 s3, s0;
	s1 =	sshll.u32 s1, $0x11  }
0xc2: {  	s0 =	sor.u32 s1, s0  }
0xc3: {  	s0 =	sadd.s32 $0x8F2B, s0  }
0xc4: {  	[sflag:s0] =	ssyncadd.remote.s32 $0x1  }
0xc5: {  	_ =	sfence.sel $0xFFFF  }
0xc6: {  	[dreg:$0x0] =	wrdreg $0xFFFFFFFF;
	(pc) =	sbr.abs _section_cstart, $3  }
0xc7: {  	[dreg:$0x1] =	wrdreg $0xFFFFFFFF  }
0xc8: {  	_ =	task.clear_ibuf [dreg:s7], $0x2FFFF;
	_ =	strace $0x9FFFFFFF  }
0xc9: {  	(tm) =	ssettm $0x7FFFFFFF  }
tec
execute0_lowered:
.L_overlay_start_1:
0x0: {  	(tag) =	ssettag $0x1  }
0x1: {  	s0 =	rddreg [dreg:$0x0]  }
0x2: {  	s1 =	rddreg [dreg:$0x1]  }
0x3: {  	s2 =	rddreg [dreg:$0x2];
	s13 =	stileid.u32;
	s3 =	simm.s32 $0x0  }
0x4: {  	s4 =	srdreg.scid;
	s22 =	simm.s32 $0x14080;
	s23 =	simm.s32 $0x14100  }
0x5: {  	s25 =	simm.s32 $0x14480;
	s28 =	simm.s32 $0x14E00;
	s29 =	simm.s32 $0x14B00  }
0x6: {  	s30 =	simm.s32 $0x14E80;
	s31 =	simm.s32 $0x14B80;
	s5 =	smul.u32 $0x2800, s13  }
0x7: {  	[smem:$0x7FF] =	sst s3;
	s6 =	sand.u32 $0x1, s4;
	s11 =	sadd.s32 $0x34A00, s0  }
0x8: {  	s7 =	smul.u32 $0x14, s13;
	_ =	strace $0x80000047;
	[dreg:$0x1c] =	wrdreg s11  }
0x9: {  	s4 =	sadd.s32 $0xCA00, s0;
	s9 =	sadd.s32 $0x2A00, s0;
	[dreg:$0x8] =	wrdreg s22  }
0xa: {  	s16 =	sshll.u32 s13, $0x1;
	s17 =	smul.u32 $0x50000, s13;
	[dreg:$0x9] =	wrdreg s23  }
0xb: {  	s24 =	sshll.u32 s13, $0x6;
	s8 =	smul.u32 $0xA, s6;
	[dreg:$0xa] =	wrdreg s25  }
0xc: {  	s13 =	simm.s32 $0x14280;
	s10 =	smul.u32 $0x28000, s6;
	[dreg:$0x1d] =	wrdreg s24  }
0xd: {  	s26 =	ssub.s32 $0x2, s6;
	[dreg:$0xf] =	wrdreg s13;
	s22 =	simm.s32 $0x14900  }
0xe: {  	s23 =	simm.s32 $0x14C80;
	s25 =	simm.s32 $0x14D00;
	[dreg:$0x17] =	wrdreg s22  }
0xf: {  	s12 =	sshrl.u32 s26, $0x1;
	s21 =	sshrl.u32 s17, $0x2;
	[dreg:$0x18] =	wrdreg s23  }
0x10: {  	s17 =	simm.s32 $0x14680;
	s22 =	simm.s32 $0x19000;
	[dreg:$0x1a] =	wrdreg s25  }
0x11: {  	s23 =	simm.s32 $0x2;
	s25 =	simm.s32 $0x14D80;
	s5 =	sadd.s32 s5, s10  }
0x12: {  	s10 =	sor.u32 s6, s16;
	s6 =	sor.u32 $0x1C03, s24;
	[dreg:$0x12] =	wrdreg s17  }
0x13: {  	s14 =	ssub.s32 s26, s12;
	s26 =	simm.s32 $0x14180;
	[dreg:$0x1e] =	wrdreg s6  }
0x14: {  	s7 =	sadd.s32 s8, s7;
	s16 =	simm.s32 $0x14300;
	[dreg:$0xb] =	wrdreg s26  }
0x15: {  	s17 =	simm.s32 $0x15000;
	s24 =	simm.s32 $0x14980;
	[dreg:$0x11] =	wrdreg s16  }
0x16: {  	s7 =	sshll.u32 s7, $0x7;
	s6 =	simm.s32 $0x14500;
	[dreg:$0x19] =	wrdreg s24  }
0x17: {  	s0 =	sadd.s32 s5, s0;
	s14 =	smax.u32 s14, $0x1;
	[dreg:$0xc] =	wrdreg s6  }
0x18: {  	s10 =	smul.u32 $0x500, s10;
	s26 =	simm.s32 $0x14A00;
	[smem:$0x7FD] =	sst s14  }
0x19: {  	s15 =	sadd.s32 $0x100, s7;
	s0 =	sadd.s32 $0x37200, s0;
	[dreg:$0x1b] =	wrdreg s26  }
0x1a: {  	s16 =	simm.s32 $0x80;
	s12 =	sadd.s32 s15, s1;
	[smem:$0x7FC] =	sst s0  }
0x1b: {  	s18 =	sadd.s32 s7, s1;
	s8 =	sadd.s32 s15, s9;
	[dreg:$0x4] =	wrdreg s12  }
0x1c: {  	s7 =	sadd.s32 s7, s9;
	s19 =	sadd.s32 $0x80, s18;
	[dreg:$0x5] =	wrdreg s8  }
0x1d: {  	s24 =	simm.s32 $0x4;
	s20 =	sadd.s32 $0x80, s7;
	[dreg:$0x6] =	wrdreg s19  }
0x1e: {  	s5 =	simm.s32 $0x0;
	s1 =	sadd.s32 s1, s10;
	[dreg:$0x7] =	wrdreg s20  }
0x1f: {  	s14 =	simm.s32 $0x5;
	s11 =	sadd.s32 s9, s10;
	[dreg:$0x1f] =	wrdreg s1  }
0x20: {  	s26 =	simm.s32 $0x14A80;
	s15 =	simm.s32 $0x14600;
	[smem:$0x7FB] =	sst s11  }
0x21: {  	s7 =	sadd.s32 s21, s2;
	s18 =	simm.s32 $0x14380;
	[dreg:$0x10] =	wrdreg s15  }
0x22: {  	s21 =	simm.s32 $0x14880;
	s0 =	simm.s32 $0x14F00;
	[dreg:$0x13] =	wrdreg s18  }
0x23: {  	s8 =	simm.s32 $0x14200;
	s12 =	simm.s32 $0x14580;
	[dreg:$0x16] =	wrdreg s21  }
0x24: {  	s15 =	simm.s32 $0x14400;
	s19 =	simm.s32 $0x14700;
	[dreg:$0xd] =	wrdreg s8  }
0x25: {  	s20 =	simm.s32 $0x14780;
	s21 =	simm.s32 $0x1;
	[dreg:$0xe] =	wrdreg s12  }
0x26: {  	s1 =	simm.s32 $0x14F80;
	s12 =	sshrl.u32 s7, $0x3;
	[dreg:$0x14] =	wrdreg s19  }
0x27: {  	[dreg:$0x15] =	wrdreg s20;
	s19 =	simm.s32 $0x14800;
	s20 =	simm.s32 $0x14C00  }
.LBB2_1:
0x28: {  	s6 =	rddreg [dreg:$0x1c]  }
0x29: {  	s7 =	rddreg [dreg:$0x1e]  }
0x2a: {  	[spmem:s12], [sflag:s7] =	dma.local [hbm:s6], $0x2800  }
0x2b: {  	s18 =	simm.s32 $0x14000;
	s6 =	rddreg [dreg:$0x1f]  }
0x2c: {  	[tilespmem:s18], [sflag:$0x5] =	stream.linear.gather [hbm4b:s6+s3], $0x400, $0x38;
	[tilespmem:$0x1D000] =	vst v63  }
0x2d: {  	_ =	swait.ge [sflag:s14], $0x400  }
0x2e: {  	s8 =	sld [smem:$0x7FB]  }
0x2f: {  	[sflag:s14] =	ssyncset.done $0x0  }
0x30: {  	[sflag:s14] =	ssyncadd.s32 $0xFFFFFC00  }
0x31: {  	[tilespmem:s15], [sflag:$0x5] =	stream.linear.gather [hbm4b:s8+s3], $0x400, $0x38;
	[tilespmem:$0x1D000] =	vst v63  }
0x32: {  	_ =	swait.ge [sflag:s14], $0x400  }
0x33: {  	[sflag:s14] =	ssyncset.done $0x0  }
0x34: {  	s9 =	simm.s32 $0x3;
	[sflag:s14] =	ssyncadd.s32 $0xFFFFFC00  }
0x35: {  	[tilespmem:s17], [sflag:$0x1] =	stream.indirect.gather [hbm4b:s4+s16], $0x80, s18, s16, $0xb8;
	[tilespmem:$0x1D000] =	vst v63  }
0x36: {  	_ =	swait.ge [sflag:s9], $0x2800  }
0x37: {  	[sflag:s9] =	ssyncset.done $0x0  }
0x38: {  	[sflag:s9] =	ssyncadd.s32 $0xFFFFD800  }
0x39: {  	[bflag:$0x0] =	sbarrier.arrive $0xFFFF  }
0x3a: {  	s10 =	rddreg [dreg:$0x6]  }
0x3b: {  	s8 =	rddreg [dreg:$0x7];
	s7 =	sadd.s32 $0x0, s10  }
0x3c: {  	[tilespmem:s19], [sflag:$0x4] =	stream.linear.gather [hbm4b:s7+s3], $0x400, $0x38;
	[tilespmem:$0x1D000] =	vst v63  }
0x3d: {  	s11 =	sadd.s32 $0x0, s8  }
0x3e: {  	[tilespmem:s20], [sflag:$0x4] =	stream.linear.gather [hbm4b:s11+s3], $0x400, $0x38;
	[tilespmem:$0x1D000] =	vst v63  }
0x3f: {  	_ =	swait.ge [sflag:s21], $0x4000  }
0x40: {  	[sflag:s21] =	ssyncset.done $0x0  }
0x41: {  	s13 =	rddreg [dreg:$0x8];
	[sflag:s21] =	ssyncadd.s32 $0xFFFFC000  }
0x42: {  	[tilespmem:s22], [sflag:$0x2] =	stream.indirect.gather [hbm4b:s4+s16], $0x80, s13, s16, $0xb8;
	[tilespmem:$0x1D000] =	vst v63  }
0x43: {  	_ = 	snop  }
0x44: {  	[spmem:s2] =	stream.indirect.scatter.add.f32 [tilespmem:s17], [sflag:$0x5], $0x80, s15, s16, $0xb8;
	[tilespmem:$0x1D000] =	vst v63  }
0x45: {  	_ =	swait.ge [sflag:s14], $0x4000  }
0x46: {  	[sflag:s14] =	ssyncset.done $0x0  }
0x47: {  	[sflag:s14] =	ssyncadd.s32 $0xFFFFC000  }
0x48: {  	_ =	swait.ge [sflag:s23], $0x4000  }
0x49: {  	[sflag:s23] =	ssyncset.done $0x0  }
0x4a: {  	s18 =	rddreg [dreg:$0x9];
	[sflag:s23] =	ssyncadd.s32 $0xFFFFC000  }
0x4b: {  	[tilespmem:s17], [sflag:$0x1] =	stream.indirect.gather [hbm4b:s4+s16], $0x80, s18, s16, $0xb8;
	[tilespmem:$0x1D000] =	vst v63  }
0x4c: {  	s6 =	rddreg [dreg:$0xa]  }
0x4d: {  	[spmem:s2] =	stream.indirect.scatter.add.f32 [tilespmem:s22], [sflag:$0x5], $0x80, s6, s16, $0xb8;
	[tilespmem:$0x1D000] =	vst v63  }
0x4e: {  	_ =	swait.ge [sflag:s14], $0x4000  }
0x4f: {  	[sflag:s14] =	ssyncset.done $0x0  }
0x50: {  	[sflag:s14] =	ssyncadd.s32 $0xFFFFC000  }
0x51: {  	_ =	swait.ge [sflag:s21], $0x4000  }
0x52: {  	[sflag:s21] =	ssyncset.done $0x0  }
0x53: {  	s9 =	rddreg [dreg:$0xb];
	[sflag:s21] =	ssyncadd.s32 $0xFFFFC000  }
0x54: {  	[tilespmem:s22], [sflag:$0x2] =	stream.indirect.gather [hbm4b:s4+s16], $0x80, s9, s16, $0xb8;
	[tilespmem:$0x1D000] =	vst v63  }
0x55: {  	s10 =	rddreg [dreg:$0xc]  }
0x56: {  	[spmem:s2] =	stream.indirect.scatter.add.f32 [tilespmem:s17], [sflag:$0x5], $0x80, s10, s16, $0xb8;
	[tilespmem:$0x1D000] =	vst v63  }
0x57: {  	_ =	swait.ge [sflag:s14], $0x4000  }
0x58: {  	[sflag:s14] =	ssyncset.done $0x0  }
0x59: {  	[sflag:s14] =	ssyncadd.s32 $0xFFFFC000  }
0x5a: {  	_ =	swait.ge [sflag:s23], $0x4000  }
0x5b: {  	[sflag:s23] =	ssyncset.done $0x0  }
0x5c: {  	s11 =	rddreg [dreg:$0xd];
	[sflag:s23] =	ssyncadd.s32 $0xFFFFC000  }
0x5d: {  	[tilespmem:s17], [sflag:$0x1] =	stream.indirect.gather [hbm4b:s4+s16], $0x80, s11, s16, $0xb8;
	[tilespmem:$0x1D000] =	vst v63  }
0x5e: {  	s13 =	rddreg [dreg:$0xe]  }
0x5f: {  	[spmem:s2] =	stream.indirect.scatter.add.f32 [tilespmem:s22], [sflag:$0x5], $0x80, s13, s16, $0xb8;
	[tilespmem:$0x1D000] =	vst v63  }
0x60: {  	_ =	swait.ge [sflag:s14], $0x4000  }
0x61: {  	[sflag:s14] =	ssyncset.done $0x0  }
0x62: {  	[sflag:s14] =	ssyncadd.s32 $0xFFFFC000  }
0x63: {  	_ =	swait.ge [sflag:s21], $0x4000  }
0x64: {  	[sflag:s21] =	ssyncset.done $0x0  }
0x65: {  	s18 =	rddreg [dreg:$0xf];
	[sflag:s21] =	ssyncadd.s32 $0xFFFFC000  }
0x66: {  	[tilespmem:s22], [sflag:$0x2] =	stream.indirect.gather [hbm4b:s4+s16], $0x80, s18, s16, $0xb8;
	[tilespmem:$0x1D000] =	vst v63  }
0x67: {  	s6 =	rddreg [dreg:$0x10]  }
0x68: {  	[spmem:s2] =	stream.indirect.scatter.add.f32 [tilespmem:s17], [sflag:$0x5], $0x80, s6, s16, $0xb8;
	[tilespmem:$0x1D000] =	vst v63  }
0x69: {  	_ =	swait.ge [sflag:s14], $0x4000  }
0x6a: {  	[sflag:s14] =	ssyncset.done $0x0  }
0x6b: {  	[sflag:s14] =	ssyncadd.s32 $0xFFFFC000  }
0x6c: {  	_ =	swait.ge [sflag:s23], $0x4000  }
0x6d: {  	[sflag:s23] =	ssyncset.done $0x0  }
0x6e: {  	s9 =	rddreg [dreg:$0x11];
	[sflag:s23] =	ssyncadd.s32 $0xFFFFC000  }
0x6f: {  	[tilespmem:s17], [sflag:$0x1] =	stream.indirect.gather [hbm4b:s4+s16], $0x80, s9, s16, $0xb8;
	[tilespmem:$0x1D000] =	vst v63  }
0x70: {  	s10 =	rddreg [dreg:$0x12]  }
0x71: {  	[spmem:s2] =	stream.indirect.scatter.add.f32 [tilespmem:s22], [sflag:$0x5], $0x80, s10, s16, $0xb8;
	[tilespmem:$0x1D000] =	vst v63  }
0x72: {  	_ =	swait.ge [sflag:s14], $0x4000  }
0x73: {  	[sflag:s14] =	ssyncset.done $0x0  }
0x74: {  	[sflag:s14] =	ssyncadd.s32 $0xFFFFC000  }
0x75: {  	_ =	swait.ge [sflag:s21], $0x4000  }
0x76: {  	[sflag:s21] =	ssyncset.done $0x0  }
0x77: {  	s11 =	rddreg [dreg:$0x13];
	[sflag:s21] =	ssyncadd.s32 $0xFFFFC000  }
0x78: {  	[tilespmem:s22], [sflag:$0x2] =	stream.indirect.gather [hbm4b:s4+s16], $0x80, s11, s16, $0xb8;
	[tilespmem:$0x1D000] =	vst v63  }
0x79: {  	s13 =	rddreg [dreg:$0x14]  }
0x7a: {  	[spmem:s2] =	stream.indirect.scatter.add.f32 [tilespmem:s17], [sflag:$0x5], $0x80, s13, s16, $0xb8;
	[tilespmem:$0x1D000] =	vst v63  }
0x7b: {  	_ =	swait.ge [sflag:s14], $0x4000  }
0x7c: {  	[sflag:s14] =	ssyncset.done $0x0  }
0x7d: {  	[sflag:s14] =	ssyncadd.s32 $0xFFFFC000  }
0x7e: {  	_ =	swait.ge [sflag:s23], $0x4000  }
0x7f: {  	[sflag:s23] =	ssyncset.done $0x0  }
0x80: {  	[sflag:s23] =	ssyncadd.s32 $0xFFFFC000  }
0x81: {  	_ =	swait.ge [sflag:s24], $0x400  }
0x82: {  	[sflag:s24] =	ssyncset.done $0x0  }
0x83: {  	[sflag:s24] =	ssyncadd.s32 $0xFFFFFC00  }
0x84: {  	_ =	swait.ge [sflag:s24], $0x400  }
0x85: {  	[sflag:s24] =	ssyncset.done $0x0  }
0x86: {  	[sflag:s24] =	ssyncadd.s32 $0xFFFFFC00  }
0x87: {  	[tilespmem:s17], [sflag:$0x1] =	stream.indirect.gather [hbm4b:s4+s16], $0x80, s19, s16, $0xb8;
	[tilespmem:$0x1D000] =	vst v63  }
0x88: {  	s18 =	rddreg [dreg:$0x15]  }
0x89: {  	[spmem:s2] =	stream.indirect.scatter.add.f32 [tilespmem:s22], [sflag:$0x5], $0x80, s18, s16, $0xb8;
	[tilespmem:$0x1D000] =	vst v63  }
0x8a: {  	_ =	swait.ge [sflag:s14], $0x4000  }
0x8b: {  	p0 =	por $0x0, $0x0;
	s7 =	rddreg [dreg:$0x4]  }
0x8c: {  	s13 =	simm.s32 @!p0 $0x0;
	[sflag:s14] =	ssyncset.done $0x0;
	s8 =	rddreg [dreg:$0x5]  }
0x8d: {  	[sflag:s14] =	ssyncadd.s32 $0xFFFFC000;
	s9 =	sadd.s32 @!p0 $0x0, s7;
	s7 =	simm.s32 @!p0 $0x14000  }
0x8e: {  	[tilespmem:s7], [sflag:$0x3] =	stream.linear.gather @!p0 [hbm4b:s9+s13], $0x400, $0x38;
	[tilespmem:$0x1D000] =	vst v63  }
0x8f: {  	s8 =	sadd.s32 @!p0 $0x0, s8;
	s9 =	simm.s32 @!p0 $0x14400  }
0x90: {  	[tilespmem:s9], [sflag:$0x3] =	stream.linear.gather @!p0 [hbm4b:s8+s13], $0x400, $0x38;
	[tilespmem:$0x1D000] =	vst v63  }
0x91: {  	_ =	swait.ge [sflag:s21], $0x4000  }
0x92: {  	[sflag:s21] =	ssyncset.done $0x0  }
0x93: {  	s6 =	rddreg [dreg:$0x16];
	[sflag:s21] =	ssyncadd.s32 $0xFFFFC000  }
0x94: {  	[tilespmem:s22], [sflag:$0x2] =	stream.indirect.gather [hbm4b:s4+s16], $0x80, s6, s16, $0xb8;
	[tilespmem:$0x1D000] =	vst v63  }
0x95: {  	_ = 	snop  }
0x96: {  	[spmem:s2] =	stream.indirect.scatter.add.f32 [tilespmem:s17], [sflag:$0x5], $0x80, s20, s16, $0xb8;
	[tilespmem:$0x1D000] =	vst v63  }
0x97: {  	_ =	swait.ge [sflag:s14], $0x4000  }
0x98: {  	[sflag:s14] =	ssyncset.done $0x0  }
0x99: {  	[sflag:s14] =	ssyncadd.s32 $0xFFFFC000  }
0x9a: {  	_ =	swait.ge [sflag:s23], $0x4000  }
0x9b: {  	[sflag:s23] =	ssyncset.done $0x0  }
0x9c: {  	s9 =	rddreg [dreg:$0x17];
	[sflag:s23] =	ssyncadd.s32 $0xFFFFC000  }
0x9d: {  	[tilespmem:s17], [sflag:$0x1] =	stream.indirect.gather [hbm4b:s4+s16], $0x80, s9, s16, $0xb8;
	[tilespmem:$0x1D000] =	vst v63  }
0x9e: {  	s10 =	rddreg [dreg:$0x18]  }
0x9f: {  	[spmem:s2] =	stream.indirect.scatter.add.f32 [tilespmem:s22], [sflag:$0x5], $0x80, s10, s16, $0xb8;
	[tilespmem:$0x1D000] =	vst v63  }
0xa0: {  	_ =	swait.ge [sflag:s14], $0x4000  }
0xa1: {  	[sflag:s14] =	ssyncset.done $0x0  }
0xa2: {  	[sflag:s14] =	ssyncadd.s32 $0xFFFFC000  }
0xa3: {  	_ =	swait.ge [sflag:s21], $0x4000  }
0xa4: {  	[sflag:s21] =	ssyncset.done $0x0  }
0xa5: {  	s11 =	rddreg [dreg:$0x19];
	[sflag:s21] =	ssyncadd.s32 $0xFFFFC000  }
0xa6: {  	[tilespmem:s22], [sflag:$0x2] =	stream.indirect.gather [hbm4b:s4+s16], $0x80, s11, s16, $0xb8;
	[tilespmem:$0x1D000] =	vst v63  }
0xa7: {  	s13 =	rddreg [dreg:$0x1a]  }
0xa8: {  	[spmem:s2] =	stream.indirect.scatter.add.f32 [tilespmem:s17], [sflag:$0x5], $0x80, s13, s16, $0xb8;
	[tilespmem:$0x1D000] =	vst v63  }
0xa9: {  	_ =	swait.ge [sflag:s14], $0x4000  }
0xaa: {  	[sflag:s14] =	ssyncset.done $0x0  }
0xab: {  	[sflag:s14] =	ssyncadd.s32 $0xFFFFC000  }
0xac: {  	_ =	swait.ge [sflag:s23], $0x4000  }
0xad: {  	[sflag:s23] =	ssyncset.done $0x0  }
0xae: {  	s18 =	rddreg [dreg:$0x1b];
	[sflag:s23] =	ssyncadd.s32 $0xFFFFC000  }
0xaf: {  	[tilespmem:s17], [sflag:$0x1] =	stream.indirect.gather [hbm4b:s4+s16], $0x80, s18, s16, $0xb8;
	[tilespmem:$0x1D000] =	vst v63  }
0xb0: {  	_ = 	snop  }
0xb1: {  	[spmem:s2] =	stream.indirect.scatter.add.f32 [tilespmem:s22], [sflag:$0x5], $0x80, s25, s16, $0xb8;
	[tilespmem:$0x1D000] =	vst v63  }
0xb2: {  	_ =	swait.ge [sflag:s14], $0x4000  }
0xb3: {  	[sflag:s14] =	ssyncset.done $0x0  }
0xb4: {  	[sflag:s14] =	ssyncadd.s32 $0xFFFFC000  }
0xb5: {  	_ =	swait.ge [sflag:s21], $0x4000  }
0xb6: {  	[sflag:s21] =	ssyncset.done $0x0  }
0xb7: {  	[sflag:s21] =	ssyncadd.s32 $0xFFFFC000  }
0xb8: {  	[tilespmem:s22], [sflag:$0x2] =	stream.indirect.gather [hbm4b:s4+s16], $0x80, s26, s16, $0xb8;
	[tilespmem:$0x1D000] =	vst v63  }
0xb9: {  	_ = 	snop  }
0xba: {  	[spmem:s2] =	stream.indirect.scatter.add.f32 [tilespmem:s17], [sflag:$0x5], $0x80, s28, s16, $0xb8;
	[tilespmem:$0x1D000] =	vst v63  }
0xbb: {  	_ =	swait.ge [sflag:s14], $0x4000  }
0xbc: {  	[sflag:s14] =	ssyncset.done $0x0  }
0xbd: {  	[sflag:s14] =	ssyncadd.s32 $0xFFFFC000  }
0xbe: {  	_ =	swait.ge [sflag:s23], $0x4000  }
0xbf: {  	[sflag:s23] =	ssyncset.done $0x0  }
0xc0: {  	[sflag:s23] =	ssyncadd.s32 $0xFFFFC000  }
0xc1: {  	[tilespmem:s17], [sflag:$0x1] =	stream.indirect.gather [hbm4b:s4+s16], $0x80, s29, s16, $0xb8;
	[tilespmem:$0x1D000] =	vst v63  }
0xc2: {  	_ = 	snop  }
0xc3: {  	[spmem:s2] =	stream.indirect.scatter.add.f32 [tilespmem:s22], [sflag:$0x5], $0x80, s30, s16, $0xb8;
	[tilespmem:$0x1D000] =	vst v63  }
0xc4: {  	_ =	swait.ge [sflag:s14], $0x4000  }
0xc5: {  	[sflag:s14] =	ssyncset.done $0x0  }
0xc6: {  	[sflag:s14] =	ssyncadd.s32 $0xFFFFC000  }
0xc7: {  	_ =	swait.ge [sflag:s21], $0x4000  }
0xc8: {  	[sflag:s21] =	ssyncset.done $0x0  }
0xc9: {  	[sflag:s21] =	ssyncadd.s32 $0xFFFFC000  }
0xca: {  	[tilespmem:s22], [sflag:$0x2] =	stream.indirect.gather [hbm4b:s4+s16], $0x80, s31, s16, $0xb8;
	[tilespmem:$0x1D000] =	vst v63  }
0xcb: {  	_ = 	snop  }
0xcc: {  	[spmem:s2] =	stream.indirect.scatter.add.f32 [tilespmem:s17], [sflag:$0x5], $0x80, s0, s16, $0xb8;
	[tilespmem:$0x1D000] =	vst v63  }
0xcd: {  	_ =	swait.ge [sflag:s14], $0x4000  }
0xce: {  	[sflag:s14] =	ssyncset.done $0x0  }
0xcf: {  	[sflag:s14] =	ssyncadd.s32 $0xFFFFC000  }
0xd0: {  	_ =	swait.ge [sflag:s23], $0x4000  }
0xd1: {  	[sflag:s23] =	ssyncset.done $0x0  }
0xd2: {  	s8 =	simm.s32 @!p0 $0x3;
	[sflag:s23] =	ssyncadd.s32 $0xFFFFC000  }
0xd3: {  	_ =	swait.ge @!p0 [sflag:s8], $0x400  }
0xd4: {  	[sflag:s8] =	ssyncset.done @!p0 $0x0  }
0xd5: {  	[sflag:s8] =	ssyncadd.s32 @!p0 $0xFFFFFC00  }
0xd6: {  	_ =	swait.ge @!p0 [sflag:s8], $0x400  }
0xd7: {  	[sflag:s8] =	ssyncset.done @!p0 $0x0  }
0xd8: {  	s9 =	simm.s32 @!p0 $0x80;
	[sflag:s8] =	ssyncadd.s32 @!p0 $0xFFFFFC00;
	s8 =	simm.s32 @!p0 $0x15000  }
0xd9: {  	[tilespmem:s8], [sflag:$0x1] =	stream.indirect.gather @!p0 [hbm4b:s4+s9], $0x80, s7, s9, $0xb8;
	[tilespmem:$0x1D000] =	vst v63  }
0xda: {  	_ = 	snop  }
0xdb: {  	[spmem:s2] =	stream.indirect.scatter.add.f32 [tilespmem:s22], [sflag:$0x5], $0x80, s1, s16, $0xb8;
	[tilespmem:$0x1D000] =	vst v63  }
0xdc: {  	s7 =	simm.s32 $0x100;
	s8 =	simm.s32 $0x200;
	_ =	swait.ge [sflag:s14], $0x4000  }
.LBB2_2:
0xdd: {  	s9 =	rddreg [dreg:$0x6];
	[sflag:s14] =	ssyncset.done $0x0  }
0xde: {  	s10 =	rddreg [dreg:$0x7];
	[sflag:s14] =	ssyncadd.s32 $0xFFFFC000;
	s9 =	sadd.s32 s7, s9  }
0xdf: {  	[tilespmem:s19], [sflag:$0x4] =	stream.linear.gather [hbm4b:s9+s3], $0x400, $0x38;
	[tilespmem:$0x1D000] =	vst v63  }
0xe0: {  	s18 =	sadd.s32 s7, s10  }
0xe1: {  	[tilespmem:s20], [sflag:$0x4] =	stream.linear.gather [hbm4b:s18+s3], $0x400, $0x38;
	[tilespmem:$0x1D000] =	vst v63  }
0xe2: {  	_ =	swait.ge [sflag:s21], $0x4000  }
0xe3: {  	[sflag:s21] =	ssyncset.done $0x0  }
0xe4: {  	s6 =	rddreg [dreg:$0x8];
	[sflag:s21] =	ssyncadd.s32 $0xFFFFC000  }
0xe5: {  	[tilespmem:s22], [sflag:$0x2] =	stream.indirect.gather [hbm4b:s4+s16], $0x80, s6, s16, $0xb8;
	[tilespmem:$0x1D000] =	vst v63  }
0xe6: {  	_ = 	snop  }
0xe7: {  	[spmem:s2] =	stream.indirect.scatter.add.f32 [tilespmem:s17], [sflag:$0x5], $0x80, s15, s16, $0xb8;
	[tilespmem:$0x1D000] =	vst v63  }
0xe8: {  	_ =	swait.ge [sflag:s14], $0x4000  }
0xe9: {  	[sflag:s14] =	ssyncset.done $0x0  }
0xea: {  	[sflag:s14] =	ssyncadd.s32 $0xFFFFC000  }
0xeb: {  	_ =	swait.ge [sflag:s23], $0x4000  }
0xec: {  	[sflag:s23] =	ssyncset.done $0x0  }
0xed: {  	s10 =	rddreg [dreg:$0x9];
	[sflag:s23] =	ssyncadd.s32 $0xFFFFC000  }
0xee: {  	[tilespmem:s17], [sflag:$0x1] =	stream.indirect.gather [hbm4b:s4+s16], $0x80, s10, s16, $0xb8;
	[tilespmem:$0x1D000] =	vst v63  }
0xef: {  	s11 =	rddreg [dreg:$0xa]  }
0xf0: {  	[spmem:s2] =	stream.indirect.scatter.add.f32 [tilespmem:s22], [sflag:$0x5], $0x80, s11, s16, $0xb8;
	[tilespmem:$0x1D000] =	vst v63  }
0xf1: {  	_ =	swait.ge [sflag:s14], $0x4000  }
0xf2: {  	[sflag:s14] =	ssyncset.done $0x0  }
0xf3: {  	[sflag:s14] =	ssyncadd.s32 $0xFFFFC000  }
0xf4: {  	_ =	swait.ge [sflag:s21], $0x4000  }
0xf5: {  	[sflag:s21] =	ssyncset.done $0x0  }
0xf6: {  	s18 =	rddreg [dreg:$0xb];
	[sflag:s21] =	ssyncadd.s32 $0xFFFFC000  }
0xf7: {  	[tilespmem:s22], [sflag:$0x2] =	stream.indirect.gather [hbm4b:s4+s16], $0x80, s18, s16, $0xb8;
	[tilespmem:$0x1D000] =	vst v63  }
0xf8: {  	s6 =	rddreg [dreg:$0xc]  }
0xf9: {  	[spmem:s2] =	stream.indirect.scatter.add.f32 [tilespmem:s17], [sflag:$0x5], $0x80, s6, s16, $0xb8;
	[tilespmem:$0x1D000] =	vst v63  }
0xfa: {  	_ =	swait.ge [sflag:s14], $0x4000  }
0xfb: {  	[sflag:s14] =	ssyncset.done $0x0  }
0xfc: {  	[sflag:s14] =	ssyncadd.s32 $0xFFFFC000  }
0xfd: {  	_ =	swait.ge [sflag:s23], $0x4000  }
0xfe: {  	[sflag:s23] =	ssyncset.done $0x0  }
0xff: {  	s10 =	rddreg [dreg:$0xd];
	[sflag:s23] =	ssyncadd.s32 $0xFFFFC000  }
0x100: {  	[tilespmem:s17], [sflag:$0x1] =	stream.indirect.gather [hbm4b:s4+s16], $0x80, s10, s16, $0xb8;
	[tilespmem:$0x1D000] =	vst v63  }
0x101: {  	s11 =	rddreg [dreg:$0xe]  }
0x102: {  	[spmem:s2] =	stream.indirect.scatter.add.f32 [tilespmem:s22], [sflag:$0x5], $0x80, s11, s16, $0xb8;
	[tilespmem:$0x1D000] =	vst v63  }
0x103: {  	_ =	swait.ge [sflag:s14], $0x4000  }
0x104: {  	[sflag:s14] =	ssyncset.done $0x0  }
0x105: {  	[sflag:s14] =	ssyncadd.s32 $0xFFFFC000  }
0x106: {  	_ =	swait.ge [sflag:s21], $0x4000  }
0x107: {  	[sflag:s21] =	ssyncset.done $0x0  }
0x108: {  	s18 =	rddreg [dreg:$0xf];
	[sflag:s21] =	ssyncadd.s32 $0xFFFFC000  }
0x109: {  	[tilespmem:s22], [sflag:$0x2] =	stream.indirect.gather [hbm4b:s4+s16], $0x80, s18, s16, $0xb8;
	[tilespmem:$0x1D000] =	vst v63  }
0x10a: {  	s6 =	rddreg [dreg:$0x10]  }
0x10b: {  	[spmem:s2] =	stream.indirect.scatter.add.f32 [tilespmem:s17], [sflag:$0x5], $0x80, s6, s16, $0xb8;
	[tilespmem:$0x1D000] =	vst v63  }
0x10c: {  	_ =	swait.ge [sflag:s14], $0x4000  }
0x10d: {  	[sflag:s14] =	ssyncset.done $0x0  }
0x10e: {  	[sflag:s14] =	ssyncadd.s32 $0xFFFFC000  }
0x10f: {  	_ =	swait.ge [sflag:s23], $0x4000  }
0x110: {  	[sflag:s23] =	ssyncset.done $0x0  }
0x111: {  	s10 =	rddreg [dreg:$0x11];
	[sflag:s23] =	ssyncadd.s32 $0xFFFFC000  }
0x112: {  	[tilespmem:s17], [sflag:$0x1] =	stream.indirect.gather [hbm4b:s4+s16], $0x80, s10, s16, $0xb8;
	[tilespmem:$0x1D000] =	vst v63  }
0x113: {  	s11 =	rddreg [dreg:$0x12]  }
0x114: {  	[spmem:s2] =	stream.indirect.scatter.add.f32 [tilespmem:s22], [sflag:$0x5], $0x80, s11, s16, $0xb8;
	[tilespmem:$0x1D000] =	vst v63  }
0x115: {  	_ =	swait.ge [sflag:s14], $0x4000  }
0x116: {  	[sflag:s14] =	ssyncset.done $0x0  }
0x117: {  	[sflag:s14] =	ssyncadd.s32 $0xFFFFC000  }
0x118: {  	_ =	swait.ge [sflag:s21], $0x4000  }
0x119: {  	[sflag:s21] =	ssyncset.done $0x0  }
0x11a: {  	s18 =	rddreg [dreg:$0x13];
	[sflag:s21] =	ssyncadd.s32 $0xFFFFC000  }
0x11b: {  	[tilespmem:s22], [sflag:$0x2] =	stream.indirect.gather [hbm4b:s4+s16], $0x80, s18, s16, $0xb8;
	[tilespmem:$0x1D000] =	vst v63  }
0x11c: {  	s6 =	rddreg [dreg:$0x14]  }
0x11d: {  	[spmem:s2] =	stream.indirect.scatter.add.f32 [tilespmem:s17], [sflag:$0x5], $0x80, s6, s16, $0xb8;
	[tilespmem:$0x1D000] =	vst v63  }
0x11e: {  	_ =	swait.ge [sflag:s14], $0x4000  }
0x11f: {  	[sflag:s14] =	ssyncset.done $0x0  }
0x120: {  	[sflag:s14] =	ssyncadd.s32 $0xFFFFC000  }
0x121: {  	_ =	swait.ge [sflag:s23], $0x4000  }
0x122: {  	[sflag:s23] =	ssyncset.done $0x0  }
0x123: {  	[sflag:s23] =	ssyncadd.s32 $0xFFFFC000  }
0x124: {  	_ =	swait.ge [sflag:s24], $0x400  }
0x125: {  	[sflag:s24] =	ssyncset.done $0x0  }
0x126: {  	[sflag:s24] =	ssyncadd.s32 $0xFFFFFC00  }
0x127: {  	_ =	swait.ge [sflag:s24], $0x400  }
0x128: {  	[sflag:s24] =	ssyncset.done $0x0  }
0x129: {  	[sflag:s24] =	ssyncadd.s32 $0xFFFFFC00  }
0x12a: {  	[tilespmem:s17], [sflag:$0x1] =	stream.indirect.gather [hbm4b:s4+s16], $0x80, s19, s16, $0xb8;
	[tilespmem:$0x1D000] =	vst v63  }
0x12b: {  	s10 =	rddreg [dreg:$0x15]  }
0x12c: {  	[spmem:s2] =	stream.indirect.scatter.add.f32 [tilespmem:s22], [sflag:$0x5], $0x80, s10, s16, $0xb8;
	[tilespmem:$0x1D000] =	vst v63  }
0x12d: {  	_ =	swait.ge [sflag:s14], $0x4000  }
0x12e: {  	p1 =	seq.s32 s7, $0x400;
	s9 =	rddreg [dreg:$0x4]  }
0x12f: {  	s6 =	simm.s32 @!p1 $0x0;
	[sflag:s14] =	ssyncset.done $0x0;
	s10 =	rddreg [dreg:$0x5]  }
0x130: {  	[sflag:s14] =	ssyncadd.s32 $0xFFFFC000;
	s11 =	sadd.s32 @!p1 s7, s9;
	s9 =	simm.s32 @!p1 $0x14000  }
0x131: {  	[tilespmem:s9], [sflag:$0x3] =	stream.linear.gather @!p1 [hbm4b:s11+s6], $0x400, $0x38;
	[tilespmem:$0x1D000] =	vst v63  }
0x132: {  	s18 =	simm.s32 @!p1 $0x14400;
	s10 =	sadd.s32 @!p1 s7, s10  }
0x133: {  	[tilespmem:s18], [sflag:$0x3] =	stream.linear.gather @!p1 [hbm4b:s10+s6], $0x400, $0x38;
	[tilespmem:$0x1D000] =	vst v63  }
0x134: {  	_ =	swait.ge [sflag:s21], $0x4000  }
0x135: {  	[sflag:s21] =	ssyncset.done $0x0  }
0x136: {  	s11 =	rddreg [dreg:$0x16];
	[sflag:s21] =	ssyncadd.s32 $0xFFFFC000  }
0x137: {  	[tilespmem:s22], [sflag:$0x2] =	stream.indirect.gather [hbm4b:s4+s16], $0x80, s11, s16, $0xb8;
	[tilespmem:$0x1D000] =	vst v63  }
0x138: {  	_ = 	snop  }
0x139: {  	[spmem:s2] =	stream.indirect.scatter.add.f32 [tilespmem:s17], [sflag:$0x5], $0x80, s20, s16, $0xb8;
	[tilespmem:$0x1D000] =	vst v63  }
0x13a: {  	_ =	swait.ge [sflag:s14], $0x4000  }
0x13b: {  	[sflag:s14] =	ssyncset.done $0x0  }
0x13c: {  	[sflag:s14] =	ssyncadd.s32 $0xFFFFC000  }
0x13d: {  	_ =	swait.ge [sflag:s23], $0x4000  }
0x13e: {  	s13 =	smov.u32 s8;
	[sflag:s23] =	ssyncset.done $0x0  }
0x13f: {  	s7 =	smov.u32 s13;
	s13 =	rddreg [dreg:$0x17];
	[sflag:s23] =	ssyncadd.s32 $0xFFFFC000  }
0x140: {  	[tilespmem:s17], [sflag:$0x1] =	stream.indirect.gather [hbm4b:s4+s16], $0x80, s13, s16, $0xb8;
	[tilespmem:$0x1D000] =	vst v63  }
0x141: {  	s18 =	rddreg [dreg:$0x18]  }
0x142: {  	[spmem:s2] =	stream.indirect.scatter.add.f32 [tilespmem:s22], [sflag:$0x5], $0x80, s18, s16, $0xb8;
	[tilespmem:$0x1D000] =	vst v63  }
0x143: {  	_ =	swait.ge [sflag:s14], $0x4000  }
0x144: {  	[sflag:s14] =	ssyncset.done $0x0  }
0x145: {  	[sflag:s14] =	ssyncadd.s32 $0xFFFFC000  }
0x146: {  	_ =	swait.ge [sflag:s21], $0x4000  }
0x147: {  	[sflag:s21] =	ssyncset.done $0x0  }
0x148: {  	s11 =	rddreg [dreg:$0x19];
	[sflag:s21] =	ssyncadd.s32 $0xFFFFC000  }
0x149: {  	[tilespmem:s22], [sflag:$0x2] =	stream.indirect.gather [hbm4b:s4+s16], $0x80, s11, s16, $0xb8;
	[tilespmem:$0x1D000] =	vst v63  }
0x14a: {  	s13 =	rddreg [dreg:$0x1a]  }
0x14b: {  	[spmem:s2] =	stream.indirect.scatter.add.f32 [tilespmem:s17], [sflag:$0x5], $0x80, s13, s16, $0xb8;
	[tilespmem:$0x1D000] =	vst v63  }
0x14c: {  	_ =	swait.ge [sflag:s14], $0x4000  }
0x14d: {  	[sflag:s14] =	ssyncset.done $0x0  }
0x14e: {  	[sflag:s14] =	ssyncadd.s32 $0xFFFFC000  }
0x14f: {  	_ =	swait.ge [sflag:s23], $0x4000  }
0x150: {  	[sflag:s23] =	ssyncset.done $0x0  }
0x151: {  	s18 =	rddreg [dreg:$0x1b];
	[sflag:s23] =	ssyncadd.s32 $0xFFFFC000  }
0x152: {  	[tilespmem:s17], [sflag:$0x1] =	stream.indirect.gather [hbm4b:s4+s16], $0x80, s18, s16, $0xb8;
	[tilespmem:$0x1D000] =	vst v63  }
0x153: {  	_ = 	snop  }
0x154: {  	[spmem:s2] =	stream.indirect.scatter.add.f32 [tilespmem:s22], [sflag:$0x5], $0x80, s25, s16, $0xb8;
	[tilespmem:$0x1D000] =	vst v63  }
0x155: {  	_ =	swait.ge [sflag:s14], $0x4000  }
0x156: {  	[sflag:s14] =	ssyncset.done $0x0  }
0x157: {  	[sflag:s14] =	ssyncadd.s32 $0xFFFFC000  }
0x158: {  	_ =	swait.ge [sflag:s21], $0x4000  }
0x159: {  	[sflag:s21] =	ssyncset.done $0x0  }
0x15a: {  	[sflag:s21] =	ssyncadd.s32 $0xFFFFC000  }
0x15b: {  	[tilespmem:s22], [sflag:$0x2] =	stream.indirect.gather [hbm4b:s4+s16], $0x80, s26, s16, $0xb8;
	[tilespmem:$0x1D000] =	vst v63  }
0x15c: {  	_ = 	snop  }
0x15d: {  	[spmem:s2] =	stream.indirect.scatter.add.f32 [tilespmem:s17], [sflag:$0x5], $0x80, s28, s16, $0xb8;
	[tilespmem:$0x1D000] =	vst v63  }
0x15e: {  	_ =	swait.ge [sflag:s14], $0x4000  }
0x15f: {  	[sflag:s14] =	ssyncset.done $0x0  }
0x160: {  	[sflag:s14] =	ssyncadd.s32 $0xFFFFC000  }
0x161: {  	_ =	swait.ge [sflag:s23], $0x4000  }
0x162: {  	[sflag:s23] =	ssyncset.done $0x0  }
0x163: {  	[sflag:s23] =	ssyncadd.s32 $0xFFFFC000  }
0x164: {  	[tilespmem:s17], [sflag:$0x1] =	stream.indirect.gather [hbm4b:s4+s16], $0x80, s29, s16, $0xb8;
	[tilespmem:$0x1D000] =	vst v63  }
0x165: {  	_ = 	snop  }
0x166: {  	[spmem:s2] =	stream.indirect.scatter.add.f32 [tilespmem:s22], [sflag:$0x5], $0x80, s30, s16, $0xb8;
	[tilespmem:$0x1D000] =	vst v63  }
0x167: {  	_ =	swait.ge [sflag:s14], $0x4000  }
0x168: {  	[sflag:s14] =	ssyncset.done $0x0  }
0x169: {  	[sflag:s14] =	ssyncadd.s32 $0xFFFFC000  }
0x16a: {  	_ =	swait.ge [sflag:s21], $0x4000  }
0x16b: {  	[sflag:s21] =	ssyncset.done $0x0  }
0x16c: {  	[sflag:s21] =	ssyncadd.s32 $0xFFFFC000  }
0x16d: {  	[tilespmem:s22], [sflag:$0x2] =	stream.indirect.gather [hbm4b:s4+s16], $0x80, s31, s16, $0xb8;
	[tilespmem:$0x1D000] =	vst v63  }
0x16e: {  	_ = 	snop  }
0x16f: {  	[spmem:s2] =	stream.indirect.scatter.add.f32 [tilespmem:s17], [sflag:$0x5], $0x80, s0, s16, $0xb8;
	[tilespmem:$0x1D000] =	vst v63  }
0x170: {  	_ =	swait.ge [sflag:s14], $0x4000  }
0x171: {  	[sflag:s14] =	ssyncset.done $0x0  }
0x172: {  	[sflag:s14] =	ssyncadd.s32 $0xFFFFC000  }
0x173: {  	_ =	swait.ge [sflag:s23], $0x4000  }
0x174: {  	[sflag:s23] =	ssyncset.done $0x0  }
0x175: {  	s6 =	simm.s32 @!p1 $0x3;
	[sflag:s23] =	ssyncadd.s32 $0xFFFFC000  }
0x176: {  	_ =	swait.ge @!p1 [sflag:s6], $0x400  }
0x177: {  	[sflag:s6] =	ssyncset.done @!p1 $0x0  }
0x178: {  	[sflag:s6] =	ssyncadd.s32 @!p1 $0xFFFFFC00  }
0x179: {  	s8 =	sadd.s32 $0x100, s8;
	_ =	swait.ge @!p1 [sflag:s6], $0x400  }
0x17a: {  	p0 =	sne.s32 s8, $0x500;
	s10 =	simm.s32 @!p1 $0x80;
	[sflag:s6] =	ssyncset.done @!p1 $0x0  }
.Ltmp0:
0x17b: {  	s11 =	simm.s32 @!p1 $0x15000;
	[sflag:s6] =	ssyncadd.s32 @!p1 $0xFFFFFC00;
	(pc) =	sbr.rel @p0 .LBB2_2-.Ltmp0, $4  }
0x17c: {  	[tilespmem:s11], [sflag:$0x1] =	stream.indirect.gather @!p1 [hbm4b:s4+s10], $0x80, s9, s10, $0xb8;
	[tilespmem:$0x1D000] =	vst v63  }
0x17d: {  	_ = 	snop  }
0x17e: {  	[spmem:s2] =	stream.indirect.scatter.add.f32 [tilespmem:s22], [sflag:$0x5], $0x80, s1, s16, $0xb8;
	[tilespmem:$0x1D000] =	vst v63  }
0x17f: {  	_ =	swait.ge [sflag:s14], $0x4000  }
0x180: {  	s6 =	rddreg [dreg:$0x6];
	[sflag:s14] =	ssyncset.done $0x0  }
0x181: {  	s8 =	rddreg [dreg:$0x7];
	[sflag:s14] =	ssyncadd.s32 $0xFFFFC000;
	s6 =	sadd.s32 s7, s6  }
0x182: {  	[tilespmem:s19], [sflag:$0x4] =	stream.linear.gather [hbm4b:s6+s3], $0x400, $0x38;
	[tilespmem:$0x1D000] =	vst v63  }
0x183: {  	s8 =	sadd.s32 s7, s8  }
0x184: {  	[tilespmem:s20], [sflag:$0x4] =	stream.linear.gather [hbm4b:s8+s3], $0x400, $0x38;
	[tilespmem:$0x1D000] =	vst v63  }
0x185: {  	_ =	swait.ge [sflag:s21], $0x4000  }
0x186: {  	[sflag:s21] =	ssyncset.done $0x0  }
0x187: {  	s9 =	rddreg [dreg:$0x8];
	[sflag:s21] =	ssyncadd.s32 $0xFFFFC000  }
0x188: {  	[tilespmem:s22], [sflag:$0x2] =	stream.indirect.gather [hbm4b:s4+s16], $0x80, s9, s16, $0xb8;
	[tilespmem:$0x1D000] =	vst v63  }
0x189: {  	_ = 	snop  }
0x18a: {  	[spmem:s2] =	stream.indirect.scatter.add.f32 [tilespmem:s17], [sflag:$0x5], $0x80, s15, s16, $0xb8;
	[tilespmem:$0x1D000] =	vst v63  }
0x18b: {  	_ =	swait.ge [sflag:s14], $0x4000  }
0x18c: {  	[sflag:s14] =	ssyncset.done $0x0  }
0x18d: {  	[sflag:s14] =	ssyncadd.s32 $0xFFFFC000  }
0x18e: {  	_ =	swait.ge [sflag:s23], $0x4000  }
0x18f: {  	[sflag:s23] =	ssyncset.done $0x0  }
0x190: {  	s10 =	rddreg [dreg:$0x9];
	[sflag:s23] =	ssyncadd.s32 $0xFFFFC000  }
0x191: {  	[tilespmem:s17], [sflag:$0x1] =	stream.indirect.gather [hbm4b:s4+s16], $0x80, s10, s16, $0xb8;
	[tilespmem:$0x1D000] =	vst v63  }
0x192: {  	s11 =	rddreg [dreg:$0xa]  }
0x193: {  	[spmem:s2] =	stream.indirect.scatter.add.f32 [tilespmem:s22], [sflag:$0x5], $0x80, s11, s16, $0xb8;
	[tilespmem:$0x1D000] =	vst v63  }
0x194: {  	_ =	swait.ge [sflag:s14], $0x4000  }
0x195: {  	[sflag:s14] =	ssyncset.done $0x0  }
0x196: {  	[sflag:s14] =	ssyncadd.s32 $0xFFFFC000  }
0x197: {  	_ =	swait.ge [sflag:s21], $0x4000  }
0x198: {  	[sflag:s21] =	ssyncset.done $0x0  }
0x199: {  	s13 =	rddreg [dreg:$0xb];
	[sflag:s21] =	ssyncadd.s32 $0xFFFFC000  }
0x19a: {  	[tilespmem:s22], [sflag:$0x2] =	stream.indirect.gather [hbm4b:s4+s16], $0x80, s13, s16, $0xb8;
	[tilespmem:$0x1D000] =	vst v63  }
0x19b: {  	s18 =	rddreg [dreg:$0xc]  }
0x19c: {  	[spmem:s2] =	stream.indirect.scatter.add.f32 [tilespmem:s17], [sflag:$0x5], $0x80, s18, s16, $0xb8;
	[tilespmem:$0x1D000] =	vst v63  }
0x19d: {  	_ =	swait.ge [sflag:s14], $0x4000  }
0x19e: {  	[sflag:s14] =	ssyncset.done $0x0  }
0x19f: {  	[sflag:s14] =	ssyncadd.s32 $0xFFFFC000  }
0x1a0: {  	_ =	swait.ge [sflag:s23], $0x4000  }
0x1a1: {  	[sflag:s23] =	ssyncset.done $0x0  }
0x1a2: {  	s8 =	rddreg [dreg:$0xd];
	[sflag:s23] =	ssyncadd.s32 $0xFFFFC000  }
0x1a3: {  	[tilespmem:s17], [sflag:$0x1] =	stream.indirect.gather [hbm4b:s4+s16], $0x80, s8, s16, $0xb8;
	[tilespmem:$0x1D000] =	vst v63  }
0x1a4: {  	s9 =	rddreg [dreg:$0xe]  }
0x1a5: {  	[spmem:s2] =	stream.indirect.scatter.add.f32 [tilespmem:s22], [sflag:$0x5], $0x80, s9, s16, $0xb8;
	[tilespmem:$0x1D000] =	vst v63  }
0x1a6: {  	_ =	swait.ge [sflag:s14], $0x4000  }
0x1a7: {  	[sflag:s14] =	ssyncset.done $0x0  }
0x1a8: {  	[sflag:s14] =	ssyncadd.s32 $0xFFFFC000  }
0x1a9: {  	_ =	swait.ge [sflag:s21], $0x4000  }
0x1aa: {  	[sflag:s21] =	ssyncset.done $0x0  }
0x1ab: {  	s10 =	rddreg [dreg:$0xf];
	[sflag:s21] =	ssyncadd.s32 $0xFFFFC000  }
0x1ac: {  	[tilespmem:s22], [sflag:$0x2] =	stream.indirect.gather [hbm4b:s4+s16], $0x80, s10, s16, $0xb8;
	[tilespmem:$0x1D000] =	vst v63  }
0x1ad: {  	s11 =	rddreg [dreg:$0x10]  }
0x1ae: {  	[spmem:s2] =	stream.indirect.scatter.add.f32 [tilespmem:s17], [sflag:$0x5], $0x80, s11, s16, $0xb8;
	[tilespmem:$0x1D000] =	vst v63  }
0x1af: {  	_ =	swait.ge [sflag:s14], $0x4000  }
0x1b0: {  	[sflag:s14] =	ssyncset.done $0x0  }
0x1b1: {  	[sflag:s14] =	ssyncadd.s32 $0xFFFFC000  }
0x1b2: {  	_ =	swait.ge [sflag:s23], $0x4000  }
0x1b3: {  	[sflag:s23] =	ssyncset.done $0x0  }
0x1b4: {  	s13 =	rddreg [dreg:$0x11];
	[sflag:s23] =	ssyncadd.s32 $0xFFFFC000  }
0x1b5: {  	[tilespmem:s17], [sflag:$0x1] =	stream.indirect.gather [hbm4b:s4+s16], $0x80, s13, s16, $0xb8;
	[tilespmem:$0x1D000] =	vst v63  }
0x1b6: {  	s18 =	rddreg [dreg:$0x12]  }
0x1b7: {  	[spmem:s2] =	stream.indirect.scatter.add.f32 [tilespmem:s22], [sflag:$0x5], $0x80, s18, s16, $0xb8;
	[tilespmem:$0x1D000] =	vst v63  }
0x1b8: {  	_ =	swait.ge [sflag:s14], $0x4000  }
0x1b9: {  	[sflag:s14] =	ssyncset.done $0x0  }
0x1ba: {  	[sflag:s14] =	ssyncadd.s32 $0xFFFFC000  }
0x1bb: {  	_ =	swait.ge [sflag:s21], $0x4000  }
0x1bc: {  	[sflag:s21] =	ssyncset.done $0x0  }
0x1bd: {  	s8 =	rddreg [dreg:$0x13];
	[sflag:s21] =	ssyncadd.s32 $0xFFFFC000  }
0x1be: {  	[tilespmem:s22], [sflag:$0x2] =	stream.indirect.gather [hbm4b:s4+s16], $0x80, s8, s16, $0xb8;
	[tilespmem:$0x1D000] =	vst v63  }
0x1bf: {  	s9 =	rddreg [dreg:$0x14]  }
0x1c0: {  	[spmem:s2] =	stream.indirect.scatter.add.f32 [tilespmem:s17], [sflag:$0x5], $0x80, s9, s16, $0xb8;
	[tilespmem:$0x1D000] =	vst v63  }
0x1c1: {  	_ =	swait.ge [sflag:s14], $0x4000  }
0x1c2: {  	[sflag:s14] =	ssyncset.done $0x0  }
0x1c3: {  	[sflag:s14] =	ssyncadd.s32 $0xFFFFC000  }
0x1c4: {  	_ =	swait.ge [sflag:s23], $0x4000  }
0x1c5: {  	[sflag:s23] =	ssyncset.done $0x0  }
0x1c6: {  	[sflag:s23] =	ssyncadd.s32 $0xFFFFC000  }
0x1c7: {  	_ =	swait.ge [sflag:s24], $0x400  }
0x1c8: {  	[sflag:s24] =	ssyncset.done $0x0  }
0x1c9: {  	[sflag:s24] =	ssyncadd.s32 $0xFFFFFC00  }
0x1ca: {  	_ =	swait.ge [sflag:s24], $0x400  }
0x1cb: {  	[sflag:s24] =	ssyncset.done $0x0  }
0x1cc: {  	[sflag:s24] =	ssyncadd.s32 $0xFFFFFC00  }
0x1cd: {  	[tilespmem:s17], [sflag:$0x1] =	stream.indirect.gather [hbm4b:s4+s16], $0x80, s19, s16, $0xb8;
	[tilespmem:$0x1D000] =	vst v63  }
0x1ce: {  	p0 =	seq.s32 s7, $0x400;
	s10 =	rddreg [dreg:$0x15]  }
0x1cf: {  	[spmem:s2] =	stream.indirect.scatter.add.f32 [tilespmem:s22], [sflag:$0x5], $0x80, s10, s16, $0xb8;
	[tilespmem:$0x1D000] =	vst v63  }
0x1d0: {  	s8 =	simm.s32 @!p0 $0x14000;
	_ =	swait.ge [sflag:s14], $0x4000  }
0x1d1: {  	s10 =	simm.s32 @!p0 $0x0;
	s6 =	rddreg [dreg:$0x4];
	[sflag:s14] =	ssyncset.done $0x0  }
0x1d2: {  	s9 =	rddreg [dreg:$0x5];
	[sflag:s14] =	ssyncadd.s32 $0xFFFFC000;
	s6 =	sadd.s32 @!p0 s7, s6  }
0x1d3: {  	[tilespmem:s8], [sflag:$0x3] =	stream.linear.gather @!p0 [hbm4b:s6+s10], $0x400, $0x38;
	[tilespmem:$0x1D000] =	vst v63  }
0x1d4: {  	s6 =	sadd.s32 @!p0 s7, s9;
	s7 =	simm.s32 @!p0 $0x14400  }
0x1d5: {  	[tilespmem:s7], [sflag:$0x3] =	stream.linear.gather @!p0 [hbm4b:s6+s10], $0x400, $0x38;
	[tilespmem:$0x1D000] =	vst v63  }
0x1d6: {  	_ =	swait.ge [sflag:s21], $0x4000  }
0x1d7: {  	[sflag:s21] =	ssyncset.done $0x0  }
0x1d8: {  	s11 =	rddreg [dreg:$0x16];
	[sflag:s21] =	ssyncadd.s32 $0xFFFFC000  }
0x1d9: {  	[tilespmem:s22], [sflag:$0x2] =	stream.indirect.gather [hbm4b:s4+s16], $0x80, s11, s16, $0xb8;
	[tilespmem:$0x1D000] =	vst v63  }
0x1da: {  	_ = 	snop  }
0x1db: {  	[spmem:s2] =	stream.indirect.scatter.add.f32 [tilespmem:s17], [sflag:$0x5], $0x80, s20, s16, $0xb8;
	[tilespmem:$0x1D000] =	vst v63  }
0x1dc: {  	_ =	swait.ge [sflag:s14], $0x4000  }
0x1dd: {  	[sflag:s14] =	ssyncset.done $0x0  }
0x1de: {  	[sflag:s14] =	ssyncadd.s32 $0xFFFFC000  }
0x1df: {  	_ =	swait.ge [sflag:s23], $0x4000  }
0x1e0: {  	[sflag:s23] =	ssyncset.done $0x0  }
0x1e1: {  	s13 =	rddreg [dreg:$0x17];
	[sflag:s23] =	ssyncadd.s32 $0xFFFFC000  }
0x1e2: {  	[tilespmem:s17], [sflag:$0x1] =	stream.indirect.gather [hbm4b:s4+s16], $0x80, s13, s16, $0xb8;
	[tilespmem:$0x1D000] =	vst v63  }
0x1e3: {  	s18 =	rddreg [dreg:$0x18]  }
0x1e4: {  	[spmem:s2] =	stream.indirect.scatter.add.f32 [tilespmem:s22], [sflag:$0x5], $0x80, s18, s16, $0xb8;
	[tilespmem:$0x1D000] =	vst v63  }
0x1e5: {  	_ =	swait.ge [sflag:s14], $0x4000  }
0x1e6: {  	[sflag:s14] =	ssyncset.done $0x0  }
0x1e7: {  	[sflag:s14] =	ssyncadd.s32 $0xFFFFC000  }
0x1e8: {  	_ =	swait.ge [sflag:s21], $0x4000  }
0x1e9: {  	[sflag:s21] =	ssyncset.done $0x0  }
0x1ea: {  	s7 =	rddreg [dreg:$0x19];
	[sflag:s21] =	ssyncadd.s32 $0xFFFFC000  }
0x1eb: {  	[tilespmem:s22], [sflag:$0x2] =	stream.indirect.gather [hbm4b:s4+s16], $0x80, s7, s16, $0xb8;
	[tilespmem:$0x1D000] =	vst v63  }
0x1ec: {  	s9 =	rddreg [dreg:$0x1a]  }
0x1ed: {  	[spmem:s2] =	stream.indirect.scatter.add.f32 [tilespmem:s17], [sflag:$0x5], $0x80, s9, s16, $0xb8;
	[tilespmem:$0x1D000] =	vst v63  }
0x1ee: {  	_ =	swait.ge [sflag:s14], $0x4000  }
0x1ef: {  	[sflag:s14] =	ssyncset.done $0x0  }
0x1f0: {  	[sflag:s14] =	ssyncadd.s32 $0xFFFFC000  }
0x1f1: {  	_ =	swait.ge [sflag:s23], $0x4000  }
0x1f2: {  	[sflag:s23] =	ssyncset.done $0x0  }
0x1f3: {  	s10 =	rddreg [dreg:$0x1b];
	[sflag:s23] =	ssyncadd.s32 $0xFFFFC000  }
0x1f4: {  	[tilespmem:s17], [sflag:$0x1] =	stream.indirect.gather [hbm4b:s4+s16], $0x80, s10, s16, $0xb8;
	[tilespmem:$0x1D000] =	vst v63  }
0x1f5: {  	_ = 	snop  }
0x1f6: {  	[spmem:s2] =	stream.indirect.scatter.add.f32 [tilespmem:s22], [sflag:$0x5], $0x80, s25, s16, $0xb8;
	[tilespmem:$0x1D000] =	vst v63  }
0x1f7: {  	_ =	swait.ge [sflag:s14], $0x4000  }
0x1f8: {  	[sflag:s14] =	ssyncset.done $0x0  }
0x1f9: {  	[sflag:s14] =	ssyncadd.s32 $0xFFFFC000  }
0x1fa: {  	_ =	swait.ge [sflag:s21], $0x4000  }
0x1fb: {  	[sflag:s21] =	ssyncset.done $0x0  }
0x1fc: {  	[sflag:s21] =	ssyncadd.s32 $0xFFFFC000  }
0x1fd: {  	[tilespmem:s22], [sflag:$0x2] =	stream.indirect.gather [hbm4b:s4+s16], $0x80, s26, s16, $0xb8;
	[tilespmem:$0x1D000] =	vst v63  }
0x1fe: {  	_ = 	snop  }
0x1ff: {  	[spmem:s2] =	stream.indirect.scatter.add.f32 [tilespmem:s17], [sflag:$0x5], $0x80, s28, s16, $0xb8;
	[tilespmem:$0x1D000] =	vst v63  }
0x200: {  	_ =	swait.ge [sflag:s14], $0x4000  }
0x201: {  	[sflag:s14] =	ssyncset.done $0x0  }
0x202: {  	[sflag:s14] =	ssyncadd.s32 $0xFFFFC000  }
0x203: {  	_ =	swait.ge [sflag:s23], $0x4000  }
0x204: {  	[sflag:s23] =	ssyncset.done $0x0  }
0x205: {  	[sflag:s23] =	ssyncadd.s32 $0xFFFFC000  }
0x206: {  	[tilespmem:s17], [sflag:$0x1] =	stream.indirect.gather [hbm4b:s4+s16], $0x80, s29, s16, $0xb8;
	[tilespmem:$0x1D000] =	vst v63  }
0x207: {  	_ = 	snop  }
0x208: {  	[spmem:s2] =	stream.indirect.scatter.add.f32 [tilespmem:s22], [sflag:$0x5], $0x80, s30, s16, $0xb8;
	[tilespmem:$0x1D000] =	vst v63  }
0x209: {  	_ =	swait.ge [sflag:s14], $0x4000  }
0x20a: {  	[sflag:s14] =	ssyncset.done $0x0  }
0x20b: {  	[sflag:s14] =	ssyncadd.s32 $0xFFFFC000  }
0x20c: {  	_ =	swait.ge [sflag:s21], $0x4000  }
0x20d: {  	[sflag:s21] =	ssyncset.done $0x0  }
0x20e: {  	[sflag:s21] =	ssyncadd.s32 $0xFFFFC000  }
0x20f: {  	[tilespmem:s22], [sflag:$0x2] =	stream.indirect.gather [hbm4b:s4+s16], $0x80, s31, s16, $0xb8;
	[tilespmem:$0x1D000] =	vst v63  }
0x210: {  	_ = 	snop  }
0x211: {  	[spmem:s2] =	stream.indirect.scatter.add.f32 [tilespmem:s17], [sflag:$0x5], $0x80, s0, s16, $0xb8;
	[tilespmem:$0x1D000] =	vst v63  }
0x212: {  	_ =	swait.ge [sflag:s14], $0x4000  }
0x213: {  	[sflag:s14] =	ssyncset.done $0x0  }
0x214: {  	[sflag:s14] =	ssyncadd.s32 $0xFFFFC000  }
0x215: {  	_ =	swait.ge [sflag:s23], $0x4000  }
0x216: {  	[sflag:s23] =	ssyncset.done $0x0  }
0x217: {  	s6 =	simm.s32 @!p0 $0x3;
	[sflag:s23] =	ssyncadd.s32 $0xFFFFC000  }
0x218: {  	_ =	swait.ge @!p0 [sflag:s6], $0x400  }
0x219: {  	[sflag:s6] =	ssyncset.done @!p0 $0x0  }
0x21a: {  	[sflag:s6] =	ssyncadd.s32 @!p0 $0xFFFFFC00  }
0x21b: {  	_ =	swait.ge @!p0 [sflag:s6], $0x400  }
0x21c: {  	[sflag:s6] =	ssyncset.done @!p0 $0x0  }
0x21d: {  	s7 =	simm.s32 @!p0 $0x80;
	[sflag:s6] =	ssyncadd.s32 @!p0 $0xFFFFFC00;
	s6 =	simm.s32 @!p0 $0x15000  }
0x21e: {  	[tilespmem:s6], [sflag:$0x1] =	stream.indirect.gather @!p0 [hbm4b:s4+s7], $0x80, s8, s7, $0xb8;
	[tilespmem:$0x1D000] =	vst v63  }
0x21f: {  	_ = 	snop  }
0x220: {  	[spmem:s2] =	stream.indirect.scatter.add.f32 [tilespmem:s22], [sflag:$0x5], $0x80, s1, s16, $0xb8;
	[tilespmem:$0x1D000] =	vst v63  }
0x221: {  	_ =	swait.ge [sflag:s14], $0x4000  }
0x222: {  	[sflag:s14] =	ssyncset.done $0x0  }
0x223: {  	[sflag:s14] =	ssyncadd.s32 $0xFFFFC000  }
0x224: {  	[bflag:$0x0] =	sbarrier.arrive $0xFFFF  }
0x225: {  	s13 =	sld [smem:$0x7FC]  }
0x226: {  	s11 =	rddreg [dreg:$0x1d]  }
0x227: {  	s6 =	sor.u32 $0x1C05, s11  }
0x228: {  	[hbm:s13], [sflag:s6] =	dma.local [spmem:s12], $0x2800  }
0x229: {  	_ =	swait.ge [sflag:s14], $0x2800  }
0x22a: {  	s18 =	sld [smem:$0x7FD];
	_ =	sdelay $0x1  }
0x22b: {  	s5 =	sadd.s32 $0x1, s5  }
0x22c: {  	p0 =	sne.s32 s5, s18  }
.Ltmp1:
0x22d: {  	_ = 	snop;
	(pc) =	sbr.rel @p0 .LBB2_1-.Ltmp1, $3  }
0x22e: {  	_ =	sdelay $0x1  }
0x22f: {  	[sflag:s14] =	ssyncset.done $0x0  }
0x230: {  	[sflag:s14] =	ssyncadd.s32 $0xFFFFD800  }
0x231: {  	_ =	sfence.sel $0x180000  }
0x232: {  	[bflag:$0x0] =	sbarrier.arrive $0xFFFF  }
0x233: {  	_ =	strace $0x90000047  }
0x234: {  	s0 =	stileid.u32;
	[bflag:$0x2] =	sbarrier.arrive $0xFFFF  }
0x235: {  	p0 =	sne.s32 s0, $0x0;
	s0 =	rddreg [dreg:$0x3]  }
0x236: {  	s0 =	sadd.s32 @!p0 $0x100000, s0  }
0x237: {  	[sflag:s0] =	ssyncadd.tile.s32 @!p0 $0x1;
	_ =	shalt  }
.Lfunc_end2:
_tile_overlayer_lowered:
.L_overlay_start_2:
0x238: {  	(tag) =	ssettag $0x2  }
0x239: {  	s0 =	rddreg [dreg:$0x0];
	s2 =	stileid.u32  }
0x23a: {  	s1 =	rddreg [dreg:$0x1];
	p0 =	sne.s32 s2, $0x0  }
0x23b: {  	s3 =	rddreg [dreg:$0x2];
	[bflag:$0x3] =	sbarrier.arrive $0xFFFF;
	s2 =	simm.s32 @!p0 $0x1C05  }
0x23c: {  	[timem:s3], [sflag:s2] =	dma.local @!p0 [hbm:s0], s1  }
0x23d: {  	s0 =	simm.s32 @!p0 $0x5  }
0x23e: {  	_ =	swait.ge @!p0 [sflag:s0], s1  }
0x23f: {  	s1 =	ssub.s32 @!p0 $0x0, s1;
	[sflag:s0] =	ssyncset.done @!p0 $0x0  }
0x240: {  	[sflag:s0] =	ssyncadd.s32 @!p0 s1  }
0x241: {  	[bflag:$0x3] =	sbarrier.arrive $0xFFFF  }
0x242: {  	_ =	shalt  }

</sc_bundles>
